<compile_context>
chip_gen: v7x
topology: tpu7x:2x2x1
jax: 0.10.2.dev20260603
libtpu: 0.0.44.dev20260713+nightly
codegen_flags: <defaults>
</compile_context>

<pallas_src>
import functools

import jax
import jax.numpy as jnp
from jax import lax
from jax.experimental import pallas as pl
from jax.experimental.pallas import tpu as pltpu
from jax.experimental.pallas import tpu_sc as plsc

_KT = 2048
_QT = 4096
_SUB = 8

_NC = 2
_NS = 16
_NW = _NC * _NS


def _argmax_body(xin_ref, rin_ref, maskk_ref, maskq_ref, ind_ref,
                 xk_s, bestv, besti):
    kt, qt = _KT, _QT
    b = pl.program_id(0)
    k = pl.program_id(1)
    q = pl.program_id(2)
    nk = pl.num_programs(1)
    hw = nk * kt
    qsl = pl.ds(q * qt, qt)

    @pl.when(q == 0)
    def _prep_bank():
        x = xin_ref[0, :, pl.ds(k * kt, kt)]
        nrm = jnp.sqrt(jnp.sum(x * x, axis=0, keepdims=True)) + 1e-8
        xk_s[...] = x / nrm

    r = rin_ref[0, :, qsl]
    sim = lax.dot_general(
        xk_s[...], r, (((0,), (0,)), ((), ())),
        preferred_element_type=jnp.float32,
    )

    mk = maskk_ref[pl.ds(k * kt, kt), :] > 0
    ninf = jnp.float32(-jnp.inf)

    rv = jnp.where(mk[0:_SUB], ninf, sim[0:_SUB])
    ri = lax.broadcasted_iota(jnp.int32, (_SUB, qt), 0) + k * kt
    for j in range(1, kt // _SUB):
        lo = j * _SUB
        v = jnp.where(mk[lo:lo + _SUB], ninf, sim[lo:lo + _SUB])
        i = lax.broadcasted_iota(jnp.int32, (_SUB, qt), 0) + (k * kt + lo)
        upd = v > rv
        rv = jnp.where(upd, v, rv)
        ri = jnp.where(upd, i, ri)

    tmax = jnp.max(rv, axis=0, keepdims=True)
    cand = jnp.where(rv == tmax, ri, jnp.int32(2**30))
    targ = jnp.min(cand, axis=0, keepdims=True)

    @pl.when(k == 0)
    def _init():
        bestv[:, qsl] = tmax
        besti[:, qsl] = targ

    @pl.when(k > 0)
    def _update():
        bv = bestv[:, qsl]
        bi = besti[:, qsl]
        upd = tmax > bv
        bestv[:, qsl] = jnp.where(upd, tmax, bv)
        besti[:, qsl] = jnp.where(upd, targ, bi)

    @pl.when(k == nk - 1)
    def _emit():
        mq = maskq_ref[:, qsl]
        qio = lax.broadcasted_iota(jnp.int32, (1, qt), 1) + q * qt
        ind_ref[0, :, qsl] = jnp.where(mq > 0, besti[:, qsl], qio) + b * hw


def _argmax_indices(xin, rin, maskk, maskq):
    B, C, HW = xin.shape
    nq, nk = HW // _QT, HW // _KT
    return pl.pallas_call(
        _argmax_body,
        grid=(B, nk, nq),
        in_specs=[
            pl.BlockSpec((1, C, HW), lambda b, k, q: (b, 0, 0)),
            pl.BlockSpec((1, C, HW), lambda b, k, q: (b, 0, 0)),
            pl.BlockSpec((HW, 1), lambda b, k, q: (0, 0)),
            pl.BlockSpec((1, HW), lambda b, k, q: (0, 0)),
        ],
        out_specs=pl.BlockSpec((1, 1, HW), lambda b, k, q: (b, 0, 0)),
        out_shape=jax.ShapeDtypeStruct((B, 1, HW), jnp.int32),
        scratch_shapes=[
            pltpu.VMEM((C, _KT), jnp.float32),
            pltpu.VMEM((1, HW), jnp.float32),
            pltpu.VMEM((1, HW), jnp.int32),
        ],
        compiler_params=pltpu.CompilerParams(
            dimension_semantics=("parallel", "arbitrary", "arbitrary"),
        ),
    )(xin, rin, maskk, maskq)


def _sc_gather(table, idx):
    nrows, C = table.shape
    rows_per_w = nrows // _NW
    chunk = min(rows_per_w, 256)

    mesh = plsc.VectorSubcoreMesh(core_axis_name="c", subcore_axis_name="s")

    @functools.partial(
        pl.kernel,
        mesh=mesh,
        out_type=jax.ShapeDtypeStruct((nrows, C), jnp.float32),
        scratch_types=[
            pltpu.VMEM((rows_per_w,), jnp.int32),
            pltpu.VMEM((chunk, C), jnp.float32),
            pltpu.SemaphoreType.DMA,
        ],
    )
    def gather_k(table_hbm, idx_hbm, out_hbm, idx_v, buf, sem):
        wid = lax.axis_index("s") * _NC + lax.axis_index("c")
        base = wid * rows_per_w
        pltpu.sync_copy(idx_hbm.at[pl.ds(base, rows_per_w)], idx_v)
        for c in range(rows_per_w // chunk):
            src = table_hbm.at[idx_v.at[pl.ds(c * chunk, chunk)]]
            pltpu.async_copy(src, buf, sem).wait()
            pltpu.sync_copy(buf, out_hbm.at[pl.ds(base + c * chunk, chunk)])

    return gather_k(table, idx)


def kernel(input, ref, mask):
    B, C, H, W = input.shape
    HW = H * W
    xin = input.reshape(B, C, HW)
    rin = ref.reshape(B, C, HW)
    mflat = mask.reshape(HW).astype(jnp.int32)
    maskk = mflat.reshape(HW, 1)
    maskq = mflat.reshape(1, HW)

    ind = _argmax_indices(xin, rin, maskk, maskq)
    table = xin.transpose(0, 2, 1).reshape(B * HW, C)
    rows = _sc_gather(table, ind.reshape(B * HW))
    return rows.reshape(B, HW, C).transpose(0, 2, 1).reshape(B, C, H, W)

# --- scband reference (transcript-rebuilt; emitter-appended) ---
"""Pipeline reference for scband-ipsr-model-60790967107773 (READ-ONLY COPY).

The authoritative reference and input builder live on the scoring server;
editing this copy changes nothing except your own understanding.
"""

import jax, jax.numpy as jnp
import numpy as np


def setup_inputs(seed: int = 0) -> dict:
    key = jax.random.key(seed)
    k1, k2, k3 = jax.random.split(key, 3)
    B, C, H, W = 4, 256, 64, 64
    x = jax.random.normal(k1, (B, C, H, W), dtype=jnp.float32)
    ref = jax.random.normal(k2, (B, C, H, W), dtype=jnp.float32)
    mask = jax.random.randint(k3, (H, W), 0, 2).astype(jnp.int32)
    return {"input": x, "ref": ref, "mask": mask}


def reference(input, ref, mask):
    # IPSR shift-attention core: for every masked (unknown) spatial position,
    # find the best-matching known 1x1 patch (shift_sz=1, stride=1) by
    # normalized cross-correlation against the guidance features (ref.relu4_3),
    # then paste (gather) the known feature column into the masked position.
    B, C, H, W = input.shape
    HW = H * W
    m = mask.reshape(HW).astype(jnp.float32)  # 1 = masked / unknown

    def per_sample(x, r):
        xf = x.reshape(C, HW)      # input features (patch bank)
        rf = r.reshape(C, HW)      # guidance features (queries)
        norms = jnp.sqrt(jnp.sum(xf * xf, axis=0)) + 1e-8
        xk = xf / norms[None, :]   # L2-normalized known patches (conv_enc weights)
        sim = xk.T @ rf            # [keys=HW, queries=HW] cross-correlation
        neg = jnp.finfo(jnp.float32).min
        sim = jnp.where(m[:, None] > 0.5, neg, sim)  # only known keys eligible
        ind = jnp.argmax(sim, axis=0)                # MaxCoord.update_output
        swapped = jnp.take(xf, ind, axis=1)          # conv_new_dec paste (gather)
        out = jnp.where(m[None, :] > 0.5, swapped, xf)
        return out.reshape(C, H, W)

    return jax.vmap(per_sample)(input, ref)

if __name__ == "__main__":
    import jax
    _d = setup_inputs()
    print(jax.jit(kernel)(*tuple(_d.values())))

</pallas_src>

<mosaic_0001>
#map = affine_map<(d0, d1) -> (0, 0)>
#map1 = affine_map<(d0, d1) -> (0)>
module attributes {stable_mosaic.version = 14 : i64} {
  func.func @gather_k(%arg0: i32, %arg1: i32, %arg2: memref<16384x256xf32, #tpu.memory_space<hbm>>, %arg3: memref<16384xi32, #tpu.memory_space<hbm>>, %arg4: memref<16384x256xf32, #tpu.memory_space<hbm>>, %arg5: memref<512xi32, #tpu.memory_space<vmem>>, %arg6: memref<256x256xf32, #tpu.memory_space<vmem>>, %arg7: memref<!tpu.dma_semaphore, #tpu.memory_space<semaphore_mem>>) attributes {dimension_semantics = [#tpu.dimension_semantics<core_parallel>, #tpu.dimension_semantics<subcore_parallel>], iteration_bounds = array<i64: 2, 16>, scalar_prefetch = 0 : i64, scratch_operands = 3 : i64, tpu.core_type = #tpu.core_type<sc_vector_subcore>, window_params = [{transform_indices = #map}, {transform_indices = #map1}, {transform_indices = #map}]} {
    %mul3A = arith.constant 2 : i32
    %mul3A_0 = arith.muli %arg1, %mul3A : i32
    %add3A = arith.addi %mul3A_0, %arg0 : i32
    %mul3A_1 = arith.constant 512 : i32
    %mul3A_2 = arith.muli %add3A, %mul3A_1 : i32
    "tpu.region"() ({
      %run_scoped3A = tpu.sem_alloc : memref<!tpu.dma_semaphore, #tpu.memory_space<semaphore_mem>>
      %dma_start3A_25 = tpu.memref_slice %arg3[%mul3A_2] : memref<16384xi32, #tpu.memory_space<hbm>> -> memref<512xi32, #tpu.memory_space<hbm>>
      %dma_start3A_26 = tpu.memref_slice %arg3[%mul3A_2] : memref<16384xi32, #tpu.memory_space<hbm>> -> memref<512xi32, #tpu.memory_space<hbm>>
      tpu.enqueue_dma source(%dma_start3A_26 : memref<512xi32, #tpu.memory_space<hbm>>) target(%arg5 : memref<512xi32, #tpu.memory_space<vmem>>) target_semaphore(%run_scoped3A : memref<!tpu.dma_semaphore, #tpu.memory_space<semaphore_mem>>)
      %dma_wait3A_27 = tpu.memref_slice %arg3[%mul3A_2] : memref<16384xi32, #tpu.memory_space<hbm>> -> memref<512xi32, #tpu.memory_space<hbm>>
      %dma_wait3A_28 = tpu.memref_slice %arg3[%mul3A_2] : memref<16384xi32, #tpu.memory_space<hbm>> -> memref<512xi32, #tpu.memory_space<hbm>>
      tpu.wait_dma2 semaphore(%run_scoped3A : memref<!tpu.dma_semaphore, #tpu.memory_space<semaphore_mem>>) src(%dma_wait3A_28 : memref<512xi32, #tpu.memory_space<hbm>>) dst(%arg5 : memref<512xi32, #tpu.memory_space<vmem>>)
      tpu.yield
    }) : () -> ()
    %dma_start3A = arith.constant 0 : i32
    %dma_start3A_3 = tpu.memref_slice %arg5[%dma_start3A] : memref<512xi32, #tpu.memory_space<vmem>> -> memref<256xi32, #tpu.memory_space<vmem>>
    %dma_start3A_4 = arith.constant 0 : i32
    %dma_start3A_5 = arith.constant 0 : i32
    %dma_start3A_6 = tpu.memref_slice %arg2[%dma_start3A_4, %dma_start3A_5] : memref<16384x256xf32, #tpu.memory_space<hbm>> -> memref<16384x256xf32, #tpu.memory_space<hbm>>
    tpu.enqueue_indirect_dma source(%dma_start3A_6 : memref<16384x256xf32, #tpu.memory_space<hbm>>) target(%arg6 : memref<256x256xf32, #tpu.memory_space<vmem>>) offsets(%dma_start3A_3 : memref<256xi32, #tpu.memory_space<vmem>>) semaphore(%arg7 : memref<!tpu.dma_semaphore, #tpu.memory_space<semaphore_mem>>)
    %dma_wait3A = arith.constant 0 : i32
    %dma_wait3A_7 = tpu.memref_slice %arg5[%dma_wait3A] : memref<512xi32, #tpu.memory_space<vmem>> -> memref<256xi32, #tpu.memory_space<vmem>>
    %dma_wait3A_8 = arith.constant 0 : i32
    %dma_wait3A_9 = arith.constant 0 : i32
    %dma_wait3A_10 = tpu.memref_slice %arg2[%dma_wait3A_8, %dma_wait3A_9] : memref<16384x256xf32, #tpu.memory_space<hbm>> -> memref<16384x256xf32, #tpu.memory_space<hbm>>
    tpu.wait_indirect_dma semaphore(%arg7 : memref<!tpu.dma_semaphore, #tpu.memory_space<semaphore_mem>>) src(%dma_wait3A_10 : memref<16384x256xf32, #tpu.memory_space<hbm>>) dst(%arg6 : memref<256x256xf32, #tpu.memory_space<vmem>>)
    %add3A_11 = arith.constant 0 : i32
    %add3A_12 = arith.addi %mul3A_2, %add3A_11 : i32
    "tpu.region"() ({
      %run_scoped3A = tpu.sem_alloc : memref<!tpu.dma_semaphore, #tpu.memory_space<semaphore_mem>>
      %dma_start3A_25 = arith.constant 0 : i32
      %dma_start3A_26 = tpu.memref_slice %arg4[%add3A_12, %dma_start3A_25] : memref<16384x256xf32, #tpu.memory_space<hbm>> -> memref<256x256xf32, #tpu.memory_space<hbm>>
      %dma_start3A_27 = arith.constant 0 : i32
      %dma_start3A_28 = tpu.memref_slice %arg4[%add3A_12, %dma_start3A_27] : memref<16384x256xf32, #tpu.memory_space<hbm>> -> memref<256x256xf32, #tpu.memory_space<hbm>>
      tpu.enqueue_dma source(%arg6 : memref<256x256xf32, #tpu.memory_space<vmem>>) target(%dma_start3A_28 : memref<256x256xf32, #tpu.memory_space<hbm>>) target_semaphore(%run_scoped3A : memref<!tpu.dma_semaphore, #tpu.memory_space<semaphore_mem>>)
      %dma_wait3A_29 = arith.constant 0 : i32
      %dma_wait3A_30 = tpu.memref_slice %arg4[%add3A_12, %dma_wait3A_29] : memref<16384x256xf32, #tpu.memory_space<hbm>> -> memref<256x256xf32, #tpu.memory_space<hbm>>
      %dma_wait3A_31 = arith.constant 0 : i32
      %dma_wait3A_32 = tpu.memref_slice %arg4[%add3A_12, %dma_wait3A_31] : memref<16384x256xf32, #tpu.memory_space<hbm>> -> memref<256x256xf32, #tpu.memory_space<hbm>>
      tpu.wait_dma2 semaphore(%run_scoped3A : memref<!tpu.dma_semaphore, #tpu.memory_space<semaphore_mem>>) src(%arg6 : memref<256x256xf32, #tpu.memory_space<vmem>>) dst(%dma_wait3A_32 : memref<256x256xf32, #tpu.memory_space<hbm>>)
      tpu.yield
    }) : () -> ()
    %dma_start3A_13 = arith.constant 256 : i32
    %dma_start3A_14 = tpu.memref_slice %arg5[%dma_start3A_13] : memref<512xi32, #tpu.memory_space<vmem>> -> memref<256xi32, #tpu.memory_space<vmem>>
    %dma_start3A_15 = arith.constant 0 : i32
    %dma_start3A_16 = arith.constant 0 : i32
    %dma_start3A_17 = tpu.memref_slice %arg2[%dma_start3A_15, %dma_start3A_16] : memref<16384x256xf32, #tpu.memory_space<hbm>> -> memref<16384x256xf32, #tpu.memory_space<hbm>>
    tpu.enqueue_indirect_dma source(%dma_start3A_17 : memref<16384x256xf32, #tpu.memory_space<hbm>>) target(%arg6 : memref<256x256xf32, #tpu.memory_space<vmem>>) offsets(%dma_start3A_14 : memref<256xi32, #tpu.memory_space<vmem>>) semaphore(%arg7 : memref<!tpu.dma_semaphore, #tpu.memory_space<semaphore_mem>>)
    %dma_wait3A_18 = arith.constant 256 : i32
    %dma_wait3A_19 = tpu.memref_slice %arg5[%dma_wait3A_18] : memref<512xi32, #tpu.memory_space<vmem>> -> memref<256xi32, #tpu.memory_space<vmem>>
    %dma_wait3A_20 = arith.constant 0 : i32
    %dma_wait3A_21 = arith.constant 0 : i32
    %dma_wait3A_22 = tpu.memref_slice %arg2[%dma_wait3A_20, %dma_wait3A_21] : memref<16384x256xf32, #tpu.memory_space<hbm>> -> memref<16384x256xf32, #tpu.memory_space<hbm>>
    tpu.wait_indirect_dma semaphore(%arg7 : memref<!tpu.dma_semaphore, #tpu.memory_space<semaphore_mem>>) src(%dma_wait3A_22 : memref<16384x256xf32, #tpu.memory_space<hbm>>) dst(%arg6 : memref<256x256xf32, #tpu.memory_space<vmem>>)
    %add3A_23 = arith.constant 256 : i32
    %add3A_24 = arith.addi %mul3A_2, %add3A_23 : i32
    "tpu.region"() ({
      %run_scoped3A = tpu.sem_alloc : memref<!tpu.dma_semaphore, #tpu.memory_space<semaphore_mem>>
      %dma_start3A_25 = arith.constant 0 : i32
      %dma_start3A_26 = tpu.memref_slice %arg4[%add3A_24, %dma_start3A_25] : memref<16384x256xf32, #tpu.memory_space<hbm>> -> memref<256x256xf32, #tpu.memory_space<hbm>>
      %dma_start3A_27 = arith.constant 0 : i32
      %dma_start3A_28 = tpu.memref_slice %arg4[%add3A_24, %dma_start3A_27] : memref<16384x256xf32, #tpu.memory_space<hbm>> -> memref<256x256xf32, #tpu.memory_space<hbm>>
      tpu.enqueue_dma source(%arg6 : memref<256x256xf32, #tpu.memory_space<vmem>>) target(%dma_start3A_28 : memref<256x256xf32, #tpu.memory_space<hbm>>) target_semaphore(%run_scoped3A : memref<!tpu.dma_semaphore, #tpu.memory_space<semaphore_mem>>)
      %dma_wait3A_29 = arith.constant 0 : i32
      %dma_wait3A_30 = tpu.memref_slice %arg4[%add3A_24, %dma_wait3A_29] : memref<16384x256xf32, #tpu.memory_space<hbm>> -> memref<256x256xf32, #tpu.memory_space<hbm>>
      %dma_wait3A_31 = arith.constant 0 : i32
      %dma_wait3A_32 = tpu.memref_slice %arg4[%add3A_24, %dma_wait3A_31] : memref<16384x256xf32, #tpu.memory_space<hbm>> -> memref<256x256xf32, #tpu.memory_space<hbm>>
      tpu.wait_dma2 semaphore(%run_scoped3A : memref<!tpu.dma_semaphore, #tpu.memory_space<semaphore_mem>>) src(%arg6 : memref<256x256xf32, #tpu.memory_space<vmem>>) dst(%dma_wait3A_32 : memref<256x256xf32, #tpu.memory_space<hbm>>)
      tpu.yield
    }) : () -> ()
    return
  }
}

module attributes {stable_mosaic.version = 14 : i64} {
  func.func @_argmax_body(%arg0: i32, %arg1: i32, %arg2: i32, %arg3: memref<1x256x4096xf32, #tpu.memory_space<vmem>>, %arg4: memref<1x256x4096xf32, #tpu.memory_space<vmem>>, %arg5: memref<4096x1xi32, #tpu.memory_space<vmem>>, %arg6: memref<1x4096xi32, #tpu.memory_space<vmem>>, %arg7: memref<1x1x4096xi32, #tpu.memory_space<vmem>>, %arg8: memref<256x2048xf32, #tpu.memory_space<vmem>>, %arg9: memref<1x4096xf32, #tpu.memory_space<vmem>>, %arg10: memref<1x4096xi32, #tpu.memory_space<vmem>>) attributes {dimension_semantics = [#tpu.dimension_semantics<parallel>, #tpu.dimension_semantics<arbitrary>, #tpu.dimension_semantics<arbitrary>], iteration_bounds = array<i64: 4, 2, 1>, scalar_prefetch = 0 : i64, scratch_operands = 3 : i64, tpu.core_type = #tpu.core_type<tc>, window_params = [{transform_indices = @transform_0, window_bounds = array<i64: 1, 256, 4096>}, {transform_indices = @transform_1, window_bounds = array<i64: 1, 256, 4096>}, {pipeline_mode = #tpu.pipeline_mode<synchronous>, transform_indices = @transform_2, window_bounds = array<i64: 4096, 1>}, {pipeline_mode = #tpu.pipeline_mode<synchronous>, transform_indices = @transform_3, window_bounds = array<i64: 1, 4096>}, {transform_indices = @transform_4, window_bounds = array<i64: 1, 1, 4096>}]} {
    %mul3A = arith.constant 4096 : i32
    %mul3A_0 = arith.muli %arg2, %mul3A : i32
    %eq3A = arith.constant 0 : i32
    %eq3A_1 = arith.cmpi eq, %arg2, %eq3A : i32
    %convert_element_type3A = arith.extui %eq3A_1 : i1 to i32
    %cond3A = arith.constant 0 : i32
    %cond3A_2 = arith.cmpi ne, %convert_element_type3A, %cond3A : i32
    scf.if %cond3A_2 {
      %mul3A_4383 = arith.constant 2048 : i32
      %mul3A_4384 = arith.muli %arg1, %mul3A_4383 : i32
      %get3A_4385 = arith.constant 0 : index
      %get3A_4386 = arith.constant 0 : index
      %get3A_4387 = arith.index_cast %mul3A_4384 : i32 to index
      %get3A_4388 = vector.load %arg3[%get3A_4385, %get3A_4386, %get3A_4387] : memref<1x256x4096xf32, #tpu.memory_space<vmem>>, vector<1x256x2048xf32>
      %get3A_4389 = vector.shape_cast %get3A_4388 : vector<1x256x2048xf32> to vector<256x2048xf32>
      %mul3A_4390 = arith.mulf %get3A_4389, %get3A_4389 : vector<256x2048xf32>
      %reduce_sum3A = arith.constant dense<0.000000e+00> : vector<2048xf32>
      %reduce_sum3A_4391 = vector.multi_reduction <add>, %mul3A_4390, %reduce_sum3A [0] : vector<256x2048xf32> to vector<2048xf32>
      %broadcast_in_dim3A_4392 = vector.shape_cast %reduce_sum3A_4391 : vector<2048xf32> to vector<1x2048xf32>
      %sqrt3A = math.sqrt %broadcast_in_dim3A_4392 : vector<1x2048xf32>
      %add3A_4393 = arith.constant 9.99999993E-9 : f32
      %add3A_4394 = vector.broadcast %add3A_4393 : f32 to vector<1x2048xf32>
      %add3A_4395 = arith.addf %sqrt3A, %add3A_4394 : vector<1x2048xf32>
      %div3A = vector.broadcast %add3A_4395 : vector<1x2048xf32> to vector<256x2048xf32>
      %div3A_4396 = arith.divf %get3A_4389, %div3A : vector<256x2048xf32>
      %swap3A = arith.constant 0 : index
      %swap3A_4397 = arith.constant 0 : index
      %swap3A_4398 = vector.load %arg8[%swap3A, %swap3A_4397] : memref<256x2048xf32, #tpu.memory_space<vmem>>, vector<256x2048xf32>
      tpu.vector_store %arg8[%swap3A, %swap3A_4397], %div3A_4396 {strides = array<i32>} : memref<256x2048xf32, #tpu.memory_space<vmem>>, vector<256x2048xf32>,
    } else {
    }
    %get3A = arith.constant 0 : index
    %get3A_3 = arith.constant 0 : index
    %get3A_4 = arith.index_cast %mul3A_0 : i32 to index
    %get3A_5 = vector.load %arg4[%get3A, %get3A_3, %get3A_4] : memref<1x256x4096xf32, #tpu.memory_space<vmem>>, vector<1x256x4096xf32>
    %get3A_6 = vector.shape_cast %get3A_5 : vector<1x256x4096xf32> to vector<256x4096xf32>
    %get3A_7 = arith.constant 0 : index
    %get3A_8 = arith.constant 0 : index
    %get3A_9 = vector.load %arg8[%get3A_7, %get3A_8] : memref<256x2048xf32, #tpu.memory_space<vmem>>, vector<256x2048xf32>
    %dot_general3A = arith.constant dense<0.000000e+00> : vector<2048x4096xf32>
    %dot_general3A_10 = tpu.matmul %get3A_9, %get3A_6, %dot_general3A {dimension_numbers = #tpu.dot_dimension_numbers<[0], [0], [1], [1], [0, 1, 1, 1], [], []>, transpose_lhs_hint = false} : vector<256x2048xf32>, vector<256x4096xf32>, vector<2048x4096xf32> -> vector<2048x4096xf32>
    %mul3A_11 = arith.constant 2048 : i32
    %mul3A_12 = arith.muli %arg1, %mul3A_11 : i32
    %get3A_13 = arith.index_cast %mul3A_12 : i32 to index
    %get3A_14 = arith.constant 0 : index
    %get3A_15 = vector.load %arg5[%get3A_13, %get3A_14] : memref<4096x1xi32, #tpu.memory_space<vmem>>, vector<2048x1xi32>
    %gt3A = arith.constant 0 : i32
    %gt3A_16 = vector.broadcast %gt3A : i32 to vector<2048x1xi32>
    %gt3A_17 = arith.cmpi sgt, %get3A_15, %gt3A_16 : vector<2048x1xi32>
    %slice3A = vector.extract_strided_slice %gt3A_17 {offsets = [0, 0], sizes = [8, 1], strides = [1, 1]} : vector<2048x1xi1> to vector<8x1xi1>
    %slice3A_18 = vector.extract_strided_slice %dot_general3A_10 {offsets = [0, 0], sizes = [8, 4096], strides = [1, 1]} : vector<2048x4096xf32> to vector<8x4096xf32>
    %jit3A = arith.constant 0xFF800000 : f32
    %broadcast_in_dim3A = vector.shape_cast %slice3A : vector<8x1xi1> to vector<8x1xi1>
    %broadcast_in_dim3A_19 = vector.broadcast %broadcast_in_dim3A : vector<8x1xi1> to vector<8x4096xi1>
    %broadcast_in_dim3A_20 = vector.broadcast %jit3A : f32 to vector<8x4096xf32>
    %select_n3A = arith.select %broadcast_in_dim3A_19, %broadcast_in_dim3A_20, %slice3A_18 : vector<8x4096xi1>, vector<8x4096xf32>
    %iota3A = tpu.iota {dimensions = array<i32: 0>} : vector<8x4096xi32>
    %mul3A_21 = arith.constant 2048 : i32
    %mul3A_22 = arith.muli %arg1, %mul3A_21 : i32
    %add3A = vector.broadcast %mul3A_22 : i32 to vector<8x4096xi32>
    %add3A_23 = arith.addi %iota3A, %add3A : vector<8x4096xi32>
    %slice3A_24 = vector.extract_strided_slice %gt3A_17 {offsets = [8, 0], sizes = [8, 1], strides = [1, 1]} : vector<2048x1xi1> to vector<8x1xi1>
    %slice3A_25 = vector.extract_strided_slice %dot_general3A_10 {offsets = [8, 0], sizes = [8, 4096], strides = [1, 1]} : vector<2048x4096xf32> to vector<8x4096xf32>
    %jit3A_26 = arith.constant 0xFF800000 : f32
    %broadcast_in_dim3A_27 = vector.shape_cast %slice3A_24 : vector<8x1xi1> to vector<8x1xi1>
    %broadcast_in_dim3A_28 = vector.broadcast %broadcast_in_dim3A_27 : vector<8x1xi1> to vector<8x4096xi1>
    %broadcast_in_dim3A_29 = vector.broadcast %jit3A_26 : f32 to vector<8x4096xf32>
    %select_n3A_30 = arith.select %broadcast_in_dim3A_28, %broadcast_in_dim3A_29, %slice3A_25 : vector<8x4096xi1>, vector<8x4096xf32>
    %iota3A_31 = tpu.iota {dimensions = array<i32: 0>} : vector<8x4096xi32>
    %mul3A_32 = arith.constant 2048 : i32
    %mul3A_33 = arith.muli %arg1, %mul3A_32 : i32
    %add3A_34 = arith.constant 8 : i32
    %add3A_35 = arith.addi %mul3A_33, %add3A_34 : i32
    %add3A_36 = vector.broadcast %add3A_35 : i32 to vector<8x4096xi32>
    %add3A_37 = arith.addi %iota3A_31, %add3A_36 : vector<8x4096xi32>
    %gt3A_38 = arith.cmpf ogt, %select_n3A_30, %select_n3A : vector<8x4096xf32>
    %select_n3A_39 = arith.select %gt3A_38, %select_n3A_30, %select_n3A : vector<8x4096xi1>, vector<8x4096xf32>
    %select_n3A_40 = arith.select %gt3A_38, %add3A_37, %add3A_23 : vector<8x4096xi1>, vector<8x4096xi32>
    %slice3A_41 = vector.extract_strided_slice %gt3A_17 {offsets = [16, 0], sizes = [8, 1], strides = [1, 1]} : vector<2048x1xi1> to vector<8x1xi1>
    %slice3A_42 = vector.extract_strided_slice %dot_general3A_10 {offsets = [16, 0], sizes = [8, 4096], strides = [1, 1]} : vector<2048x4096xf32> to vector<8x4096xf32>
    %jit3A_43 = arith.constant 0xFF800000 : f32
    %broadcast_in_dim3A_44 = vector.shape_cast %slice3A_41 : vector<8x1xi1> to vector<8x1xi1>
    %broadcast_in_dim3A_45 = vector.broadcast %broadcast_in_dim3A_44 : vector<8x1xi1> to vector<8x4096xi1>
    %broadcast_in_dim3A_46 = vector.broadcast %jit3A_43 : f32 to vector<8x4096xf32>
    %select_n3A_47 = arith.select %broadcast_in_dim3A_45, %broadcast_in_dim3A_46, %slice3A_42 : vector<8x4096xi1>, vector<8x4096xf32>
    %iota3A_48 = tpu.iota {dimensions = array<i32: 0>} : vector<8x4096xi32>
    %mul3A_49 = arith.constant 2048 : i32
    %mul3A_50 = arith.muli %arg1, %mul3A_49 : i32
    %add3A_51 = arith.constant 16 : i32
    %add3A_52 = arith.addi %mul3A_50, %add3A_51 : i32
    %add3A_53 = vector.broadcast %add3A_52 : i32 to vector<8x4096xi32>
    %add3A_54 = arith.addi %iota3A_48, %add3A_53 : vector<8x4096xi32>
    %gt3A_55 = arith.cmpf ogt, %select_n3A_47, %select_n3A_39 : vector<8x4096xf32>
    %select_n3A_56 = arith.select %gt3A_55, %select_n3A_47, %select_n3A_39 : vector<8x4096xi1>, vector<8x4096xf32>
    %select_n3A_57 = arith.select %gt3A_55, %add3A_54, %select_n3A_40 : vector<8x4096xi1>, vector<8x4096xi32>
    %slice3A_58 = vector.extract_strided_slice %gt3A_17 {offsets = [24, 0], sizes = [8, 1], strides = [1, 1]} : vector<2048x1xi1> to vector<8x1xi1>
    %slice3A_59 = vector.extract_strided_slice %dot_general3A_10 {offsets = [24, 0], sizes = [8, 4096], strides = [1, 1]} : vector<2048x4096xf32> to vector<8x4096xf32>
    %jit3A_60 = arith.constant 0xFF800000 : f32
    %broadcast_in_dim3A_61 = vector.shape_cast %slice3A_58 : vector<8x1xi1> to vector<8x1xi1>
    %broadcast_in_dim3A_62 = vector.broadcast %broadcast_in_dim3A_61 : vector<8x1xi1> to vector<8x4096xi1>
    %broadcast_in_dim3A_63 = vector.broadcast %jit3A_60 : f32 to vector<8x4096xf32>
    %select_n3A_64 = arith.select %broadcast_in_dim3A_62, %broadcast_in_dim3A_63, %slice3A_59 : vector<8x4096xi1>, vector<8x4096xf32>
    %iota3A_65 = tpu.iota {dimensions = array<i32: 0>} : vector<8x4096xi32>
    %mul3A_66 = arith.constant 2048 : i32
    %mul3A_67 = arith.muli %arg1, %mul3A_66 : i32
    %add3A_68 = arith.constant 24 : i32
    %add3A_69 = arith.addi %mul3A_67, %add3A_68 : i32
    %add3A_70 = vector.broadcast %add3A_69 : i32 to vector<8x4096xi32>
    %add3A_71 = arith.addi %iota3A_65, %add3A_70 : vector<8x4096xi32>
    %gt3A_72 = arith.cmpf ogt, %select_n3A_64, %select_n3A_56 : vector<8x4096xf32>
    %select_n3A_73 = arith.select %gt3A_72, %select_n3A_64, %select_n3A_56 : vector<8x4096xi1>, vector<8x4096xf32>
    %select_n3A_74 = arith.select %gt3A_72, %add3A_71, %select_n3A_57 : vector<8x4096xi1>, vector<8x4096xi32>
    %slice3A_75 = vector.extract_strided_slice %gt3A_17 {offsets = [32, 0], sizes = [8, 1], strides = [1, 1]} : vector<2048x1xi1> to vector<8x1xi1>
    %slice3A_76 = vector.extract_strided_slice %dot_general3A_10 {offsets = [32, 0], sizes = [8, 4096], strides = [1, 1]} : vector<2048x4096xf32> to vector<8x4096xf32>
    %jit3A_77 = arith.constant 0xFF800000 : f32
    %broadcast_in_dim3A_78 = vector.shape_cast %slice3A_75 : vector<8x1xi1> to vector<8x1xi1>
    %broadcast_in_dim3A_79 = vector.broadcast %broadcast_in_dim3A_78 : vector<8x1xi1> to vector<8x4096xi1>
    %broadcast_in_dim3A_80 = vector.broadcast %jit3A_77 : f32 to vector<8x4096xf32>
    %select_n3A_81 = arith.select %broadcast_in_dim3A_79, %broadcast_in_dim3A_80, %slice3A_76 : vector<8x4096xi1>, vector<8x4096xf32>
    %iota3A_82 = tpu.iota {dimensions = array<i32: 0>} : vector<8x4096xi32>
    %mul3A_83 = arith.constant 2048 : i32
    %mul3A_84 = arith.muli %arg1, %mul3A_83 : i32
    %add3A_85 = arith.constant 32 : i32
    %add3A_86 = arith.addi %mul3A_84, %add3A_85 : i32
    %add3A_87 = vector.broadcast %add3A_86 : i32 to vector<8x4096xi32>
    %add3A_88 = arith.addi %iota3A_82, %add3A_87 : vector<8x4096xi32>
    %gt3A_89 = arith.cmpf ogt, %select_n3A_81, %select_n3A_73 : vector<8x4096xf32>
    %select_n3A_90 = arith.select %gt3A_89, %select_n3A_81, %select_n3A_73 : vector<8x4096xi1>, vector<8x4096xf32>
    %select_n3A_91 = arith.select %gt3A_89, %add3A_88, %select_n3A_74 : vector<8x4096xi1>, vector<8x4096xi32>
    %slice3A_92 = vector.extract_strided_slice %gt3A_17 {offsets = [40, 0], sizes = [8, 1], strides = [1, 1]} : vector<2048x1xi1> to vector<8x1xi1>
    %slice3A_93 = vector.extract_strided_slice %dot_general3A_10 {offsets = [40, 0], sizes = [8, 4096], strides = [1, 1]} : vector<2048x4096xf32> to vector<8x4096xf32>
    %jit3A_94 = arith.constant 0xFF800000 : f32
    %broadcast_in_dim3A_95 = vector.shape_cast %slice3A_92 : vector<8x1xi1> to vector<8x1xi1>
    %broadcast_in_dim3A_96 = vector.broadcast %broadcast_in_dim3A_95 : vector<8x1xi1> to vector<8x4096xi1>
    %broadcast_in_dim3A_97 = vector.broadcast %jit3A_94 : f32 to vector<8x4096xf32>
    %select_n3A_98 = arith.select %broadcast_in_dim3A_96, %broadcast_in_dim3A_97, %slice3A_93 : vector<8x4096xi1>, vector<8x4096xf32>
    %iota3A_99 = tpu.iota {dimensions = array<i32: 0>} : vector<8x4096xi32>
    %mul3A_100 = arith.constant 2048 : i32
    %mul3A_101 = arith.muli %arg1, %mul3A_100 : i32
    %add3A_102 = arith.constant 40 : i32
    %add3A_103 = arith.addi %mul3A_101, %add3A_102 : i32
    %add3A_104 = vector.broadcast %add3A_103 : i32 to vector<8x4096xi32>
    %add3A_105 = arith.addi %iota3A_99, %add3A_104 : vector<8x4096xi32>
    %gt3A_106 = arith.cmpf ogt, %select_n3A_98, %select_n3A_90 : vector<8x4096xf32>
    %select_n3A_107 = arith.select %gt3A_106, %select_n3A_98, %select_n3A_90 : vector<8x4096xi1>, vector<8x4096xf32>
    %select_n3A_108 = arith.select %gt3A_106, %add3A_105, %select_n3A_91 : vector<8x4096xi1>, vector<8x4096xi32>
    %slice3A_109 = vector.extract_strided_slice %gt3A_17 {offsets = [48, 0], sizes = [8, 1], strides = [1, 1]} : vector<2048x1xi1> to vector<8x1xi1>
    %slice3A_110 = vector.extract_strided_slice %dot_general3A_10 {offsets = [48, 0], sizes = [8, 4096], strides = [1, 1]} : vector<2048x4096xf32> to vector<8x4096xf32>
    %jit3A_111 = arith.constant 0xFF800000 : f32
    %broadcast_in_dim3A_112 = vector.shape_cast %slice3A_109 : vector<8x1xi1> to vector<8x1xi1>
    %broadcast_in_dim3A_113 = vector.broadcast %broadcast_in_dim3A_112 : vector<8x1xi1> to vector<8x4096xi1>
    %broadcast_in_dim3A_114 = vector.broadcast %jit3A_111 : f32 to vector<8x4096xf32>
    %select_n3A_115 = arith.select %broadcast_in_dim3A_113, %broadcast_in_dim3A_114, %slice3A_110 : vector<8x4096xi1>, vector<8x4096xf32>
    %iota3A_116 = tpu.iota {dimensions = array<i32: 0>} : vector<8x4096xi32>
    %mul3A_117 = arith.constant 2048 : i32
    %mul3A_118 = arith.muli %arg1, %mul3A_117 : i32
    %add3A_119 = arith.constant 48 : i32
    %add3A_120 = arith.addi %mul3A_118, %add3A_119 : i32
    %add3A_121 = vector.broadcast %add3A_120 : i32 to vector<8x4096xi32>
    %add3A_122 = arith.addi %iota3A_116, %add3A_121 : vector<8x4096xi32>
    %gt3A_123 = arith.cmpf ogt, %select_n3A_115, %select_n3A_107 : vector<8x4096xf32>
    %select_n3A_124 = arith.select %gt3A_123, %select_n3A_115, %select_n3A_107 : vector<8x4096xi1>, vector<8x4096xf32>
    %select_n3A_125 = arith.select %gt3A_123, %add3A_122, %select_n3A_108 : vector<8x4096xi1>, vector<8x4096xi32>
    %slice3A_126 = vector.extract_strided_slice %gt3A_17 {offsets = [56, 0], sizes = [8, 1], strides = [1, 1]} : vector<2048x1xi1> to vector<8x1xi1>
    %slice3A_127 = vector.extract_strided_slice %dot_general3A_10 {offsets = [56, 0], sizes = [8, 4096], strides = [1, 1]} : vector<2048x4096xf32> to vector<8x4096xf32>
    %jit3A_128 = arith.constant 0xFF800000 : f32
    %broadcast_in_dim3A_129 = vector.shape_cast %slice3A_126 : vector<8x1xi1> to vector<8x1xi1>
    %broadcast_in_dim3A_130 = vector.broadcast %broadcast_in_dim3A_129 : vector<8x1xi1> to vector<8x4096xi1>
    %broadcast_in_dim3A_131 = vector.broadcast %jit3A_128 : f32 to vector<8x4096xf32>
    %select_n3A_132 = arith.select %broadcast_in_dim3A_130, %broadcast_in_dim3A_131, %slice3A_127 : vector<8x4096xi1>, vector<8x4096xf32>
    %iota3A_133 = tpu.iota {dimensions = array<i32: 0>} : vector<8x4096xi32>
    %mul3A_134 = arith.constant 2048 : i32
    %mul3A_135 = arith.muli %arg1, %mul3A_134 : i32
    %add3A_136 = arith.constant 56 : i32
    %add3A_137 = arith.addi %mul3A_135, %add3A_136 : i32
    %add3A_138 = vector.broadcast %add3A_137 : i32 to vector<8x4096xi32>
    %add3A_139 = arith.addi %iota3A_133, %add3A_138 : vector<8x4096xi32>
    %gt3A_140 = arith.cmpf ogt, %select_n3A_132, %select_n3A_124 : vector<8x4096xf32>
    %select_n3A_141 = arith.select %gt3A_140, %select_n3A_132, %select_n3A_124 : vector<8x4096xi1>, vector<8x4096xf32>
    %select_n3A_142 = arith.select %gt3A_140, %add3A_139, %select_n3A_125 : vector<8x4096xi1>, vector<8x4096xi32>
    %slice3A_143 = vector.extract_strided_slice %gt3A_17 {offsets = [64, 0], sizes = [8, 1], strides = [1, 1]} : vector<2048x1xi1> to vector<8x1xi1>
    %slice3A_144 = vector.extract_strided_slice %dot_general3A_10 {offsets = [64, 0], sizes = [8, 4096], strides = [1, 1]} : vector<2048x4096xf32> to vector<8x4096xf32>
    %jit3A_145 = arith.constant 0xFF800000 : f32
    %broadcast_in_dim3A_146 = vector.shape_cast %slice3A_143 : vector<8x1xi1> to vector<8x1xi1>
    %broadcast_in_dim3A_147 = vector.broadcast %broadcast_in_dim3A_146 : vector<8x1xi1> to vector<8x4096xi1>
    %broadcast_in_dim3A_148 = vector.broadcast %jit3A_145 : f32 to vector<8x4096xf32>
    %select_n3A_149 = arith.select %broadcast_in_dim3A_147, %broadcast_in_dim3A_148, %slice3A_144 : vector<8x4096xi1>, vector<8x4096xf32>
    %iota3A_150 = tpu.iota {dimensions = array<i32: 0>} : vector<8x4096xi32>
    %mul3A_151 = arith.constant 2048 : i32
    %mul3A_152 = arith.muli %arg1, %mul3A_151 : i32
    %add3A_153 = arith.constant 64 : i32
    %add3A_154 = arith.addi %mul3A_152, %add3A_153 : i32
    %add3A_155 = vector.broadcast %add3A_154 : i32 to vector<8x4096xi32>
    %add3A_156 = arith.addi %iota3A_150, %add3A_155 : vector<8x4096xi32>
    %gt3A_157 = arith.cmpf ogt, %select_n3A_149, %select_n3A_141 : vector<8x4096xf32>
    %select_n3A_158 = arith.select %gt3A_157, %select_n3A_149, %select_n3A_141 : vector<8x4096xi1>, vector<8x4096xf32>
    %select_n3A_159 = arith.select %gt3A_157, %add3A_156, %select_n3A_142 : vector<8x4096xi1>, vector<8x4096xi32>
    %slice3A_160 = vector.extract_strided_slice %gt3A_17 {offsets = [72, 0], sizes = [8, 1], strides = [1, 1]} : vector<2048x1xi1> to vector<8x1xi1>
    %slice3A_161 = vector.extract_strided_slice %dot_general3A_10 {offsets = [72, 0], sizes = [8, 4096], strides = [1, 1]} : vector<2048x4096xf32> to vector<8x4096xf32>
    %jit3A_162 = arith.constant 0xFF800000 : f32
    %broadcast_in_dim3A_163 = vector.shape_cast %slice3A_160 : vector<8x1xi1> to vector<8x1xi1>
    %broadcast_in_dim3A_164 = vector.broadcast %broadcast_in_dim3A_163 : vector<8x1xi1> to vector<8x4096xi1>
    %broadcast_in_dim3A_165 = vector.broadcast %jit3A_162 : f32 to vector<8x4096xf32>
    %select_n3A_166 = arith.select %broadcast_in_dim3A_164, %broadcast_in_dim3A_165, %slice3A_161 : vector<8x4096xi1>, vector<8x4096xf32>
    %iota3A_167 = tpu.iota {dimensions = array<i32: 0>} : vector<8x4096xi32>
    %mul3A_168 = arith.constant 2048 : i32
    %mul3A_169 = arith.muli %arg1, %mul3A_168 : i32
    %add3A_170 = arith.constant 72 : i32
    %add3A_171 = arith.addi %mul3A_169, %add3A_170 : i32
    %add3A_172 = vector.broadcast %add3A_171 : i32 to vector<8x4096xi32>
    %add3A_173 = arith.addi %iota3A_167, %add3A_172 : vector<8x4096xi32>
    %gt3A_174 = arith.cmpf ogt, %select_n3A_166, %select_n3A_158 : vector<8x4096xf32>
    %select_n3A_175 = arith.select %gt3A_174, %select_n3A_166, %select_n3A_158 : vector<8x4096xi1>, vector<8x4096xf32>
    %select_n3A_176 = arith.select %gt3A_174, %add3A_173, %select_n3A_159 : vector<8x4096xi1>, vector<8x4096xi32>
    %slice3A_177 = vector.extract_strided_slice %gt3A_17 {offsets = [80, 0], sizes = [8, 1], strides = [1, 1]} : vector<2048x1xi1> to vector<8x1xi1>
    %slice3A_178 = vector.extract_strided_slice %dot_general3A_10 {offsets = [80, 0], sizes = [8, 4096], strides = [1, 1]} : vector<2048x4096xf32> to vector<8x4096xf32>
    %jit3A_179 = arith.constant 0xFF800000 : f32
    %broadcast_in_dim3A_180 = vector.shape_cast %slice3A_177 : vector<8x1xi1> to vector<8x1xi1>
    %broadcast_in_dim3A_181 = vector.broadcast %broadcast_in_dim3A_180 : vector<8x1xi1> to vector<8x4096xi1>
    %broadcast_in_dim3A_182 = vector.broadcast %jit3A_179 : f32 to vector<8x4096xf32>
    %select_n3A_183 = arith.select %broadcast_in_dim3A_181, %broadcast_in_dim3A_182, %slice3A_178 : vector<8x4096xi1>, vector<8x4096xf32>
    %iota3A_184 = tpu.iota {dimensions = array<i32: 0>} : vector<8x4096xi32>
    %mul3A_185 = arith.constant 2048 : i32
    %mul3A_186 = arith.muli %arg1, %mul3A_185 : i32
    %add3A_187 = arith.constant 80 : i32
    %add3A_188 = arith.addi %mul3A_186, %add3A_187 : i32
    %add3A_189 = vector.broadcast %add3A_188 : i32 to vector<8x4096xi32>
    %add3A_190 = arith.addi %iota3A_184, %add3A_189 : vector<8x4096xi32>
    %gt3A_191 = arith.cmpf ogt, %select_n3A_183, %select_n3A_175 : vector<8x4096xf32>
    %select_n3A_192 = arith.select %gt3A_191, %select_n3A_183, %select_n3A_175 : vector<8x4096xi1>, vector<8x4096xf32>
    %select_n3A_193 = arith.select %gt3A_191, %add3A_190, %select_n3A_176 : vector<8x4096xi1>, vector<8x4096xi32>
    %slice3A_194 = vector.extract_strided_slice %gt3A_17 {offsets = [88, 0], sizes = [8, 1], strides = [1, 1]} : vector<2048x1xi1> to vector<8x1xi1>
    %slice3A_195 = vector.extract_strided_slice %dot_general3A_10 {offsets = [88, 0], sizes = [8, 4096], strides = [1, 1]} : vector<2048x4096xf32> to vector<8x4096xf32>
    %jit3A_196 = arith.constant 0xFF800000 : f32
    %broadcast_in_dim3A_197 = vector.shape_cast %slice3A_194 : vector<8x1xi1> to vector<8x1xi1>
    %broadcast_in_dim3A_198 = vector.broadcast %broadcast_in_dim3A_197 : vector<8x1xi1> to vector<8x4096xi1>
    %broadcast_in_dim3A_199 = vector.broadcast %jit3A_196 : f32 to vector<8x4096xf32>
    %select_n3A_200 = arith.select %broadcast_in_dim3A_198, %broadcast_in_dim3A_199, %slice3A_195 : vector<8x4096xi1>, vector<8x4096xf32>
    %iota3A_201 = tpu.iota {dimensions = array<i32: 0>} : vector<8x4096xi32>
    %mul3A_202 = arith.constant 2048 : i32
    %mul3A_203 = arith.muli %arg1, %mul3A_202 : i32
    %add3A_204 = arith.constant 88 : i32
    %add3A_205 = arith.addi %mul3A_203, %add3A_204 : i32
    %add3A_206 = vector.broadcast %add3A_205 : i32 to vector<8x4096xi32>
    %add3A_207 = arith.addi %iota3A_201, %add3A_206 : vector<8x4096xi32>
    %gt3A_208 = arith.cmpf ogt, %select_n3A_200, %select_n3A_192 : vector<8x4096xf32>
    %select_n3A_209 = arith.select %gt3A_208, %select_n3A_200, %select_n3A_192 : vector<8x4096xi1>, vector<8x4096xf32>
    %select_n3A_210 = arith.select %gt3A_208, %add3A_207, %select_n3A_193 : vector<8x4096xi1>, vector<8x4096xi32>
    %slice3A_211 = vector.extract_strided_slice %gt3A_17 {offsets = [96, 0], sizes = [8, 1], strides = [1, 1]} : vector<2048x1xi1> to vector<8x1xi1>
    %slice3A_212 = vector.extract_strided_slice %dot_general3A_10 {offsets = [96, 0], sizes = [8, 4096], strides = [1, 1]} : vector<2048x4096xf32> to vector<8x4096xf32>
    %jit3A_213 = arith.constant 0xFF800000 : f32
    %broadcast_in_dim3A_214 = vector.shape_cast %slice3A_211 : vector<8x1xi1> to vector<8x1xi1>
    %broadcast_in_dim3A_215 = vector.broadcast %broadcast_in_dim3A_214 : vector<8x1xi1> to vector<8x4096xi1>
    %broadcast_in_dim3A_216 = vector.broadcast %jit3A_213 : f32 to vector<8x4096xf32>
    %select_n3A_217 = arith.select %broadcast_in_dim3A_215, %broadcast_in_dim3A_216, %slice3A_212 : vector<8x4096xi1>, vector<8x4096xf32>
    %iota3A_218 = tpu.iota {dimensions = array<i32: 0>} : vector<8x4096xi32>
    %mul3A_219 = arith.constant 2048 : i32
    %mul3A_220 = arith.muli %arg1, %mul3A_219 : i32
    %add3A_221 = arith.constant 96 : i32
    %add3A_222 = arith.addi %mul3A_220, %add3A_221 : i32
    %add3A_223 = vector.broadcast %add3A_222 : i32 to vector<8x4096xi32>
    %add3A_224 = arith.addi %iota3A_218, %add3A_223 : vector<8x4096xi32>
    %gt3A_225 = arith.cmpf ogt, %select_n3A_217, %select_n3A_209 : vector<8x4096xf32>
    %select_n3A_226 = arith.select %gt3A_225, %select_n3A_217, %select_n3A_209 : vector<8x4096xi1>, vector<8x4096xf32>
    %select_n3A_227 = arith.select %gt3A_225, %add3A_224, %select_n3A_210 : vector<8x4096xi1>, vector<8x4096xi32>
    %slice3A_228 = vector.extract_strided_slice %gt3A_17 {offsets = [104, 0], sizes = [8, 1], strides = [1, 1]} : vector<2048x1xi1> to vector<8x1xi1>
    %slice3A_229 = vector.extract_strided_slice %dot_general3A_10 {offsets = [104, 0], sizes = [8, 4096], strides = [1, 1]} : vector<2048x4096xf32> to vector<8x4096xf32>
    %jit3A_230 = arith.constant 0xFF800000 : f32
    %broadcast_in_dim3A_231 = vector.shape_cast %slice3A_228 : vector<8x1xi1> to vector<8x1xi1>
    %broadcast_in_dim3A_232 = vector.broadcast %broadcast_in_dim3A_231 : vector<8x1xi1> to vector<8x4096xi1>
    %broadcast_in_dim3A_233 = vector.broadcast %jit3A_230 : f32 to vector<8x4096xf32>
    %select_n3A_234 = arith.select %broadcast_in_dim3A_232, %broadcast_in_dim3A_233, %slice3A_229 : vector<8x4096xi1>, vector<8x4096xf32>
    %iota3A_235 = tpu.iota {dimensions = array<i32: 0>} : vector<8x4096xi32>
    %mul3A_236 = arith.constant 2048 : i32
    %mul3A_237 = arith.muli %arg1, %mul3A_236 : i32
    %add3A_238 = arith.constant 104 : i32
    %add3A_239 = arith.addi %mul3A_237, %add3A_238 : i32
    %add3A_240 = vector.broadcast %add3A_239 : i32 to vector<8x4096xi32>
    %add3A_241 = arith.addi %iota3A_235, %add3A_240 : vector<8x4096xi32>
    %gt3A_242 = arith.cmpf ogt, %select_n3A_234, %select_n3A_226 : vector<8x4096xf32>
    %select_n3A_243 = arith.select %gt3A_242, %select_n3A_234, %select_n3A_226 : vector<8x4096xi1>, vector<8x4096xf32>
    %select_n3A_244 = arith.select %gt3A_242, %add3A_241, %select_n3A_227 : vector<8x4096xi1>, vector<8x4096xi32>
    %slice3A_245 = vector.extract_strided_slice %gt3A_17 {offsets = [112, 0], sizes = [8, 1], strides = [1, 1]} : vector<2048x1xi1> to vector<8x1xi1>
    %slice3A_246 = vector.extract_strided_slice %dot_general3A_10 {offsets = [112, 0], sizes = [8, 4096], strides = [1, 1]} : vector<2048x4096xf32> to vector<8x4096xf32>
    %jit3A_247 = arith.constant 0xFF800000 : f32
    %broadcast_in_dim3A_248 = vector.shape_cast %slice3A_245 : vector<8x1xi1> to vector<8x1xi1>
    %broadcast_in_dim3A_249 = vector.broadcast %broadcast_in_dim3A_248 : vector<8x1xi1> to vector<8x4096xi1>
    %broadcast_in_dim3A_250 = vector.broadcast %jit3A_247 : f32 to vector<8x4096xf32>
    %select_n3A_251 = arith.select %broadcast_in_dim3A_249, %broadcast_in_dim3A_250, %slice3A_246 : vector<8x4096xi1>, vector<8x4096xf32>
    %iota3A_252 = tpu.iota {dimensions = array<i32: 0>} : vector<8x4096xi32>
    %mul3A_253 = arith.constant 2048 : i32
    %mul3A_254 = arith.muli %arg1, %mul3A_253 : i32
    %add3A_255 = arith.constant 112 : i32
    %add3A_256 = arith.addi %mul3A_254, %add3A_255 : i32
    %add3A_257 = vector.broadcast %add3A_256 : i32 to vector<8x4096xi32>
    %add3A_258 = arith.addi %iota3A_252, %add3A_257 : vector<8x4096xi32>
    %gt3A_259 = arith.cmpf ogt, %select_n3A_251, %select_n3A_243 : vector<8x4096xf32>
    %select_n3A_260 = arith.select %gt3A_259, %select_n3A_251, %select_n3A_243 : vector<8x4096xi1>, vector<8x4096xf32>
    %select_n3A_261 = arith.select %gt3A_259, %add3A_258, %select_n3A_244 : vector<8x4096xi1>, vector<8x4096xi32>
    %slice3A_262 = vector.extract_strided_slice %gt3A_17 {offsets = [120, 0], sizes = [8, 1], strides = [1, 1]} : vector<2048x1xi1> to vector<8x1xi1>
    %slice3A_263 = vector.extract_strided_slice %dot_general3A_10 {offsets = [120, 0], sizes = [8, 4096], strides = [1, 1]} : vector<2048x4096xf32> to vector<8x4096xf32>
    %jit3A_264 = arith.constant 0xFF800000 : f32
    %broadcast_in_dim3A_265 = vector.shape_cast %slice3A_262 : vector<8x1xi1> to vector<8x1xi1>
    %broadcast_in_dim3A_266 = vector.broadcast %broadcast_in_dim3A_265 : vector<8x1xi1> to vector<8x4096xi1>
    %broadcast_in_dim3A_267 = vector.broadcast %jit3A_264 : f32 to vector<8x4096xf32>
    %select_n3A_268 = arith.select %broadcast_in_dim3A_266, %broadcast_in_dim3A_267, %slice3A_263 : vector<8x4096xi1>, vector<8x4096xf32>
    %iota3A_269 = tpu.iota {dimensions = array<i32: 0>} : vector<8x4096xi32>
    %mul3A_270 = arith.constant 2048 : i32
    %mul3A_271 = arith.muli %arg1, %mul3A_270 : i32
    %add3A_272 = arith.constant 120 : i32
    %add3A_273 = arith.addi %mul3A_271, %add3A_272 : i32
    %add3A_274 = vector.broadcast %add3A_273 : i32 to vector<8x4096xi32>
    %add3A_275 = arith.addi %iota3A_269, %add3A_274 : vector<8x4096xi32>
    %gt3A_276 = arith.cmpf ogt, %select_n3A_268, %select_n3A_260 : vector<8x4096xf32>
    %select_n3A_277 = arith.select %gt3A_276, %select_n3A_268, %select_n3A_260 : vector<8x4096xi1>, vector<8x4096xf32>
    %select_n3A_278 = arith.select %gt3A_276, %add3A_275, %select_n3A_261 : vector<8x4096xi1>, vector<8x4096xi32>
    %slice3A_279 = vector.extract_strided_slice %gt3A_17 {offsets = [128, 0], sizes = [8, 1], strides = [1, 1]} : vector<2048x1xi1> to vector<8x1xi1>
    %slice3A_280 = vector.extract_strided_slice %dot_general3A_10 {offsets = [128, 0], sizes = [8, 4096], strides = [1, 1]} : vector<2048x4096xf32> to vector<8x4096xf32>
    %jit3A_281 = arith.constant 0xFF800000 : f32
    %broadcast_in_dim3A_282 = vector.shape_cast %slice3A_279 : vector<8x1xi1> to vector<8x1xi1>
    %broadcast_in_dim3A_283 = vector.broadcast %broadcast_in_dim3A_282 : vector<8x1xi1> to vector<8x4096xi1>
    %broadcast_in_dim3A_284 = vector.broadcast %jit3A_281 : f32 to vector<8x4096xf32>
    %select_n3A_285 = arith.select %broadcast_in_dim3A_283, %broadcast_in_dim3A_284, %slice3A_280 : vector<8x4096xi1>, vector<8x4096xf32>
    %iota3A_286 = tpu.iota {dimensions = array<i32: 0>} : vector<8x4096xi32>
    %mul3A_287 = arith.constant 2048 : i32
    %mul3A_288 = arith.muli %arg1, %mul3A_287 : i32
    %add3A_289 = arith.constant 128 : i32
    %add3A_290 = arith.addi %mul3A_288, %add3A_289 : i32
    %add3A_291 = vector.broadcast %add3A_290 : i32 to vector<8x4096xi32>
    %add3A_292 = arith.addi %iota3A_286, %add3A_291 : vector<8x4096xi32>
    %gt3A_293 = arith.cmpf ogt, %select_n3A_285, %select_n3A_277 : vector<8x4096xf32>
    %select_n3A_294 = arith.select %gt3A_293, %select_n3A_285, %select_n3A_277 : vector<8x4096xi1>, vector<8x4096xf32>
    %select_n3A_295 = arith.select %gt3A_293, %add3A_292, %select_n3A_278 : vector<8x4096xi1>, vector<8x4096xi32>
    %slice3A_296 = vector.extract_strided_slice %gt3A_17 {offsets = [136, 0], sizes = [8, 1], strides = [1, 1]} : vector<2048x1xi1> to vector<8x1xi1>
    %slice3A_297 = vector.extract_strided_slice %dot_general3A_10 {offsets = [136, 0], sizes = [8, 4096], strides = [1, 1]} : vector<2048x4096xf32> to vector<8x4096xf32>
    %jit3A_298 = arith.constant 0xFF800000 : f32
    %broadcast_in_dim3A_299 = vector.shape_cast %slice3A_296 : vector<8x1xi1> to vector<8x1xi1>
    %broadcast_in_dim3A_300 = vector.broadcast %broadcast_in_dim3A_299 : vector<8x1xi1> to vector<8x4096xi1>
    %broadcast_in_dim3A_301 = vector.broadcast %jit3A_298 : f32 to vector<8x4096xf32>
    %select_n3A_302 = arith.select %broadcast_in_dim3A_300, %broadcast_in_dim3A_301, %slice3A_297 : vector<8x4096xi1>, vector<8x4096xf32>
    %iota3A_303 = tpu.iota {dimensions = array<i32: 0>} : vector<8x4096xi32>
    %mul3A_304 = arith.constant 2048 : i32
    %mul3A_305 = arith.muli %arg1, %mul3A_304 : i32
    %add3A_306 = arith.constant 136 : i32
    %add3A_307 = arith.addi %mul3A_305, %add3A_306 : i32
    %add3A_308 = vector.broadcast %add3A_307 : i32 to vector<8x4096xi32>
    %add3A_309 = arith.addi %iota3A_303, %add3A_308 : vector<8x4096xi32>
    %gt3A_310 = arith.cmpf ogt, %select_n3A_302, %select_n3A_294 : vector<8x4096xf32>
    %select_n3A_311 = arith.select %gt3A_310, %select_n3A_302, %select_n3A_294 : vector<8x4096xi1>, vector<8x4096xf32>
    %select_n3A_312 = arith.select %gt3A_310, %add3A_309, %select_n3A_295 : vector<8x4096xi1>, vector<8x4096xi32>
    %slice3A_313 = vector.extract_strided_slice %gt3A_17 {offsets = [144, 0], sizes = [8, 1], strides = [1, 1]} : vector<2048x1xi1> to vector<8x1xi1>
    %slice3A_314 = vector.extract_strided_slice %dot_general3A_10 {offsets = [144, 0], sizes = [8, 4096], strides = [1, 1]} : vector<2048x4096xf32> to vector<8x4096xf32>
    %jit3A_315 = arith.constant 0xFF800000 : f32
    %broadcast_in_dim3A_316 = vector.shape_cast %slice3A_313 : vector<8x1xi1> to vector<8x1xi1>
    %broadcast_in_dim3A_317 = vector.broadcast %broadcast_in_dim3A_316 : vector<8x1xi1> to vector<8x4096xi1>
    %broadcast_in_dim3A_318 = vector.broadcast %jit3A_315 : f32 to vector<8x4096xf32>
    %select_n3A_319 = arith.select %broadcast_in_dim3A_317, %broadcast_in_dim3A_318, %slice3A_314 : vector<8x4096xi1>, vector<8x4096xf32>
    %iota3A_320 = tpu.iota {dimensions = array<i32: 0>} : vector<8x4096xi32>
    %mul3A_321 = arith.constant 2048 : i32
    %mul3A_322 = arith.muli %arg1, %mul3A_321 : i32
    %add3A_323 = arith.constant 144 : i32
    %add3A_324 = arith.addi %mul3A_322, %add3A_323 : i32
    %add3A_325 = vector.broadcast %add3A_324 : i32 to vector<8x4096xi32>
    %add3A_326 = arith.addi %iota3A_320, %add3A_325 : vector<8x4096xi32>
    %gt3A_327 = arith.cmpf ogt, %select_n3A_319, %select_n3A_311 : vector<8x4096xf32>
    %select_n3A_328 = arith.select %gt3A_327, %select_n3A_319, %select_n3A_311 : vector<8x4096xi1>, vector<8x4096xf32>
    %select_n3A_329 = arith.select %gt3A_327, %add3A_326, %select_n3A_312 : vector<8x4096xi1>, vector<8x4096xi32>
    %slice3A_330 = vector.extract_strided_slice %gt3A_17 {offsets = [152, 0], sizes = [8, 1], strides = [1, 1]} : vector<2048x1xi1> to vector<8x1xi1>
    %slice3A_331 = vector.extract_strided_slice %dot_general3A_10 {offsets = [152, 0], sizes = [8, 4096], strides = [1, 1]} : vector<2048x4096xf32> to vector<8x4096xf32>
    %jit3A_332 = arith.constant 0xFF800000 : f32
    %broadcast_in_dim3A_333 = vector.shape_cast %slice3A_330 : vector<8x1xi1> to vector<8x1xi1>
    %broadcast_in_dim3A_334 = vector.broadcast %broadcast_in_dim3A_333 : vector<8x1xi1> to vector<8x4096xi1>
    %broadcast_in_dim3A_335 = vector.broadcast %jit3A_332 : f32 to vector<8x4096xf32>
    %select_n3A_336 = arith.select %broadcast_in_dim3A_334, %broadcast_in_dim3A_335, %slice3A_331 : vector<8x4096xi1>, vector<8x4096xf32>
    %iota3A_337 = tpu.iota {dimensions = array<i32: 0>} : vector<8x4096xi32>
    %mul3A_338 = arith.constant 2048 : i32
    %mul3A_339 = arith.muli %arg1, %mul3A_338 : i32
    %add3A_340 = arith.constant 152 : i32
    %add3A_341 = arith.addi %mul3A_339, %add3A_340 : i32
    %add3A_342 = vector.broadcast %add3A_341 : i32 to vector<8x4096xi32>
    %add3A_343 = arith.addi %iota3A_337, %add3A_342 : vector<8x4096xi32>
    %gt3A_344 = arith.cmpf ogt, %select_n3A_336, %select_n3A_328 : vector<8x4096xf32>
    %select_n3A_345 = arith.select %gt3A_344, %select_n3A_336, %select_n3A_328 : vector<8x4096xi1>, vector<8x4096xf32>
    %select_n3A_346 = arith.select %gt3A_344, %add3A_343, %select_n3A_329 : vector<8x4096xi1>, vector<8x4096xi32>
    %slice3A_347 = vector.extract_strided_slice %gt3A_17 {offsets = [160, 0], sizes = [8, 1], strides = [1, 1]} : vector<2048x1xi1> to vector<8x1xi1>
    %slice3A_348 = vector.extract_strided_slice %dot_general3A_10 {offsets = [160, 0], sizes = [8, 4096], strides = [1, 1]} : vector<2048x4096xf32> to vector<8x4096xf32>
    %jit3A_349 = arith.constant 0xFF800000 : f32
    %broadcast_in_dim3A_350 = vector.shape_cast %slice3A_347 : vector<8x1xi1> to vector<8x1xi1>
    %broadcast_in_dim3A_351 = vector.broadcast %broadcast_in_dim3A_350 : vector<8x1xi1> to vector<8x4096xi1>
    %broadcast_in_dim3A_352 = vector.broadcast %jit3A_349 : f32 to vector<8x4096xf32>
    %select_n3A_353 = arith.select %broadcast_in_dim3A_351, %broadcast_in_dim3A_352, %slice3A_348 : vector<8x4096xi1>, vector<8x4096xf32>
    %iota3A_354 = tpu.iota {dimensions = array<i32: 0>} : vector<8x4096xi32>
    %mul3A_355 = arith.constant 2048 : i32
    %mul3A_356 = arith.muli %arg1, %mul3A_355 : i32
    %add3A_357 = arith.constant 160 : i32
    %add3A_358 = arith.addi %mul3A_356, %add3A_357 : i32
    %add3A_359 = vector.broadcast %add3A_358 : i32 to vector<8x4096xi32>
    %add3A_360 = arith.addi %iota3A_354, %add3A_359 : vector<8x4096xi32>
    %gt3A_361 = arith.cmpf ogt, %select_n3A_353, %select_n3A_345 : vector<8x4096xf32>
    %select_n3A_362 = arith.select %gt3A_361, %select_n3A_353, %select_n3A_345 : vector<8x4096xi1>, vector<8x4096xf32>
    %select_n3A_363 = arith.select %gt3A_361, %add3A_360, %select_n3A_346 : vector<8x4096xi1>, vector<8x4096xi32>
    %slice3A_364 = vector.extract_strided_slice %gt3A_17 {offsets = [168, 0], sizes = [8, 1], strides = [1, 1]} : vector<2048x1xi1> to vector<8x1xi1>
    %slice3A_365 = vector.extract_strided_slice %dot_general3A_10 {offsets = [168, 0], sizes = [8, 4096], strides = [1, 1]} : vector<2048x4096xf32> to vector<8x4096xf32>
    %jit3A_366 = arith.constant 0xFF800000 : f32
    %broadcast_in_dim3A_367 = vector.shape_cast %slice3A_364 : vector<8x1xi1> to vector<8x1xi1>
    %broadcast_in_dim3A_368 = vector.broadcast %broadcast_in_dim3A_367 : vector<8x1xi1> to vector<8x4096xi1>
    %broadcast_in_dim3A_369 = vector.broadcast %jit3A_366 : f32 to vector<8x4096xf32>
    %select_n3A_370 = arith.select %broadcast_in_dim3A_368, %broadcast_in_dim3A_369, %slice3A_365 : vector<8x4096xi1>, vector<8x4096xf32>
    %iota3A_371 = tpu.iota {dimensions = array<i32: 0>} : vector<8x4096xi32>
    %mul3A_372 = arith.constant 2048 : i32
    %mul3A_373 = arith.muli %arg1, %mul3A_372 : i32
    %add3A_374 = arith.constant 168 : i32
    %add3A_375 = arith.addi %mul3A_373, %add3A_374 : i32
    %add3A_376 = vector.broadcast %add3A_375 : i32 to vector<8x4096xi32>
    %add3A_377 = arith.addi %iota3A_371, %add3A_376 : vector<8x4096xi32>
    %gt3A_378 = arith.cmpf ogt, %select_n3A_370, %select_n3A_362 : vector<8x4096xf32>
    %select_n3A_379 = arith.select %gt3A_378, %select_n3A_370, %select_n3A_362 : vector<8x4096xi1>, vector<8x4096xf32>
    %select_n3A_380 = arith.select %gt3A_378, %add3A_377, %select_n3A_363 : vector<8x4096xi1>, vector<8x4096xi32>
    %slice3A_381 = vector.extract_strided_slice %gt3A_17 {offsets = [176, 0], sizes = [8, 1], strides = [1, 1]} : vector<2048x1xi1> to vector<8x1xi1>
    %slice3A_382 = vector.extract_strided_slice %dot_general3A_10 {offsets = [176, 0], sizes = [8, 4096], strides = [1, 1]} : vector<2048x4096xf32> to vector<8x4096xf32>
    %jit3A_383 = arith.constant 0xFF800000 : f32
    %broadcast_in_dim3A_384 = vector.shape_cast %slice3A_381 : vector<8x1xi1> to vector<8x1xi1>
    %broadcast_in_dim3A_385 = vector.broadcast %broadcast_in_dim3A_384 : vector<8x1xi1> to vector<8x4096xi1>
    %broadcast_in_dim3A_386 = vector.broadcast %jit3A_383 : f32 to vector<8x4096xf32>
    %select_n3A_387 = arith.select %broadcast_in_dim3A_385, %broadcast_in_dim3A_386, %slice3A_382 : vector<8x4096xi1>, vector<8x4096xf32>
    %iota3A_388 = tpu.iota {dimensions = array<i32: 0>} : vector<8x4096xi32>
    %mul3A_389 = arith.constant 2048 : i32
    %mul3A_390 = arith.muli %arg1, %mul3A_389 : i32
    %add3A_391 = arith.constant 176 : i32
    %add3A_392 = arith.addi %mul3A_390, %add3A_391 : i32
    %add3A_393 = vector.broadcast %add3A_392 : i32 to vector<8x4096xi32>
    %add3A_394 = arith.addi %iota3A_388, %add3A_393 : vector<8x4096xi32>
    %gt3A_395 = arith.cmpf ogt, %select_n3A_387, %select_n3A_379 : vector<8x4096xf32>
    %select_n3A_396 = arith.select %gt3A_395, %select_n3A_387, %select_n3A_379 : vector<8x4096xi1>, vector<8x4096xf32>
    %select_n3A_397 = arith.select %gt3A_395, %add3A_394, %select_n3A_380 : vector<8x4096xi1>, vector<8x4096xi32>
    %slice3A_398 = vector.extract_strided_slice %gt3A_17 {offsets = [184, 0], sizes = [8, 1], strides = [1, 1]} : vector<2048x1xi1> to vector<8x1xi1>
    %slice3A_399 = vector.extract_strided_slice %dot_general3A_10 {offsets = [184, 0], sizes = [8, 4096], strides = [1, 1]} : vector<2048x4096xf32> to vector<8x4096xf32>
    %jit3A_400 = arith.constant 0xFF800000 : f32
    %broadcast_in_dim3A_401 = vector.shape_cast %slice3A_398 : vector<8x1xi1> to vector<8x1xi1>
    %broadcast_in_dim3A_402 = vector.broadcast %broadcast_in_dim3A_401 : vector<8x1xi1> to vector<8x4096xi1>
    %broadcast_in_dim3A_403 = vector.broadcast %jit3A_400 : f32 to vector<8x4096xf32>
    %select_n3A_404 = arith.select %broadcast_in_dim3A_402, %broadcast_in_dim3A_403, %slice3A_399 : vector<8x4096xi1>, vector<8x4096xf32>
    %iota3A_405 = tpu.iota {dimensions = array<i32: 0>} : vector<8x4096xi32>
    %mul3A_406 = arith.constant 2048 : i32
    %mul3A_407 = arith.muli %arg1, %mul3A_406 : i32
    %add3A_408 = arith.constant 184 : i32
    %add3A_409 = arith.addi %mul3A_407, %add3A_408 : i32
    %add3A_410 = vector.broadcast %add3A_409 : i32 to vector<8x4096xi32>
    %add3A_411 = arith.addi %iota3A_405, %add3A_410 : vector<8x4096xi32>
    %gt3A_412 = arith.cmpf ogt, %select_n3A_404, %select_n3A_396 : vector<8x4096xf32>
    %select_n3A_413 = arith.select %gt3A_412, %select_n3A_404, %select_n3A_396 : vector<8x4096xi1>, vector<8x4096xf32>
    %select_n3A_414 = arith.select %gt3A_412, %add3A_411, %select_n3A_397 : vector<8x4096xi1>, vector<8x4096xi32>
    %slice3A_415 = vector.extract_strided_slice %gt3A_17 {offsets = [192, 0], sizes = [8, 1], strides = [1, 1]} : vector<2048x1xi1> to vector<8x1xi1>
    %slice3A_416 = vector.extract_strided_slice %dot_general3A_10 {offsets = [192, 0], sizes = [8, 4096], strides = [1, 1]} : vector<2048x4096xf32> to vector<8x4096xf32>
    %jit3A_417 = arith.constant 0xFF800000 : f32
    %broadcast_in_dim3A_418 = vector.shape_cast %slice3A_415 : vector<8x1xi1> to vector<8x1xi1>
    %broadcast_in_dim3A_419 = vector.broadcast %broadcast_in_dim3A_418 : vector<8x1xi1> to vector<8x4096xi1>
    %broadcast_in_dim3A_420 = vector.broadcast %jit3A_417 : f32 to vector<8x4096xf32>
    %select_n3A_421 = arith.select %broadcast_in_dim3A_419, %broadcast_in_dim3A_420, %slice3A_416 : vector<8x4096xi1>, vector<8x4096xf32>
    %iota3A_422 = tpu.iota {dimensions = array<i32: 0>} : vector<8x4096xi32>
    %mul3A_423 = arith.constant 2048 : i32
    %mul3A_424 = arith.muli %arg1, %mul3A_423 : i32
    %add3A_425 = arith.constant 192 : i32
    %add3A_426 = arith.addi %mul3A_424, %add3A_425 : i32
    %add3A_427 = vector.broadcast %add3A_426 : i32 to vector<8x4096xi32>
    %add3A_428 = arith.addi %iota3A_422, %add3A_427 : vector<8x4096xi32>
    %gt3A_429 = arith.cmpf ogt, %select_n3A_421, %select_n3A_413 : vector<8x4096xf32>
    %select_n3A_430 = arith.select %gt3A_429, %select_n3A_421, %select_n3A_413 : vector<8x4096xi1>, vector<8x4096xf32>
    %select_n3A_431 = arith.select %gt3A_429, %add3A_428, %select_n3A_414 : vector<8x4096xi1>, vector<8x4096xi32>
    %slice3A_432 = vector.extract_strided_slice %gt3A_17 {offsets = [200, 0], sizes = [8, 1], strides = [1, 1]} : vector<2048x1xi1> to vector<8x1xi1>
    %slice3A_433 = vector.extract_strided_slice %dot_general3A_10 {offsets = [200, 0], sizes = [8, 4096], strides = [1, 1]} : vector<2048x4096xf32> to vector<8x4096xf32>
    %jit3A_434 = arith.constant 0xFF800000 : f32
    %broadcast_in_dim3A_435 = vector.shape_cast %slice3A_432 : vector<8x1xi1> to vector<8x1xi1>
    %broadcast_in_dim3A_436 = vector.broadcast %broadcast_in_dim3A_435 : vector<8x1xi1> to vector<8x4096xi1>
    %broadcast_in_dim3A_437 = vector.broadcast %jit3A_434 : f32 to vector<8x4096xf32>
    %select_n3A_438 = arith.select %broadcast_in_dim3A_436, %broadcast_in_dim3A_437, %slice3A_433 : vector<8x4096xi1>, vector<8x4096xf32>
    %iota3A_439 = tpu.iota {dimensions = array<i32: 0>} : vector<8x4096xi32>
    %mul3A_440 = arith.constant 2048 : i32
    %mul3A_441 = arith.muli %arg1, %mul3A_440 : i32
    %add3A_442 = arith.constant 200 : i32
    %add3A_443 = arith.addi %mul3A_441, %add3A_442 : i32
    %add3A_444 = vector.broadcast %add3A_443 : i32 to vector<8x4096xi32>
    %add3A_445 = arith.addi %iota3A_439, %add3A_444 : vector<8x4096xi32>
    %gt3A_446 = arith.cmpf ogt, %select_n3A_438, %select_n3A_430 : vector<8x4096xf32>
    %select_n3A_447 = arith.select %gt3A_446, %select_n3A_438, %select_n3A_430 : vector<8x4096xi1>, vector<8x4096xf32>
    %select_n3A_448 = arith.select %gt3A_446, %add3A_445, %select_n3A_431 : vector<8x4096xi1>, vector<8x4096xi32>
    %slice3A_449 = vector.extract_strided_slice %gt3A_17 {offsets = [208, 0], sizes = [8, 1], strides = [1, 1]} : vector<2048x1xi1> to vector<8x1xi1>
    %slice3A_450 = vector.extract_strided_slice %dot_general3A_10 {offsets = [208, 0], sizes = [8, 4096], strides = [1, 1]} : vector<2048x4096xf32> to vector<8x4096xf32>
    %jit3A_451 = arith.constant 0xFF800000 : f32
    %broadcast_in_dim3A_452 = vector.shape_cast %slice3A_449 : vector<8x1xi1> to vector<8x1xi1>
    %broadcast_in_dim3A_453 = vector.broadcast %broadcast_in_dim3A_452 : vector<8x1xi1> to vector<8x4096xi1>
    %broadcast_in_dim3A_454 = vector.broadcast %jit3A_451 : f32 to vector<8x4096xf32>
    %select_n3A_455 = arith.select %broadcast_in_dim3A_453, %broadcast_in_dim3A_454, %slice3A_450 : vector<8x4096xi1>, vector<8x4096xf32>
    %iota3A_456 = tpu.iota {dimensions = array<i32: 0>} : vector<8x4096xi32>
    %mul3A_457 = arith.constant 2048 : i32
    %mul3A_458 = arith.muli %arg1, %mul3A_457 : i32
    %add3A_459 = arith.constant 208 : i32
    %add3A_460 = arith.addi %mul3A_458, %add3A_459 : i32
    %add3A_461 = vector.broadcast %add3A_460 : i32 to vector<8x4096xi32>
    %add3A_462 = arith.addi %iota3A_456, %add3A_461 : vector<8x4096xi32>
    %gt3A_463 = arith.cmpf ogt, %select_n3A_455, %select_n3A_447 : vector<8x4096xf32>
    %select_n3A_464 = arith.select %gt3A_463, %select_n3A_455, %select_n3A_447 : vector<8x4096xi1>, vector<8x4096xf32>
    %select_n3A_465 = arith.select %gt3A_463, %add3A_462, %select_n3A_448 : vector<8x4096xi1>, vector<8x4096xi32>
    %slice3A_466 = vector.extract_strided_slice %gt3A_17 {offsets = [216, 0], sizes = [8, 1], strides = [1, 1]} : vector<2048x1xi1> to vector<8x1xi1>
    %slice3A_467 = vector.extract_strided_slice %dot_general3A_10 {offsets = [216, 0], sizes = [8, 4096], strides = [1, 1]} : vector<2048x4096xf32> to vector<8x4096xf32>
    %jit3A_468 = arith.constant 0xFF800000 : f32
    %broadcast_in_dim3A_469 = vector.shape_cast %slice3A_466 : vector<8x1xi1> to vector<8x1xi1>
    %broadcast_in_dim3A_470 = vector.broadcast %broadcast_in_dim3A_469 : vector<8x1xi1> to vector<8x4096xi1>
    %broadcast_in_dim3A_471 = vector.broadcast %jit3A_468 : f32 to vector<8x4096xf32>
    %select_n3A_472 = arith.select %broadcast_in_dim3A_470, %broadcast_in_dim3A_471, %slice3A_467 : vector<8x4096xi1>, vector<8x4096xf32>
    %iota3A_473 = tpu.iota {dimensions = array<i32: 0>} : vector<8x4096xi32>
    %mul3A_474 = arith.constant 2048 : i32
    %mul3A_475 = arith.muli %arg1, %mul3A_474 : i32
    %add3A_476 = arith.constant 216 : i32
    %add3A_477 = arith.addi %mul3A_475, %add3A_476 : i32
    %add3A_478 = vector.broadcast %add3A_477 : i32 to vector<8x4096xi32>
    %add3A_479 = arith.addi %iota3A_473, %add3A_478 : vector<8x4096xi32>
    %gt3A_480 = arith.cmpf ogt, %select_n3A_472, %select_n3A_464 : vector<8x4096xf32>
    %select_n3A_481 = arith.select %gt3A_480, %select_n3A_472, %select_n3A_464 : vector<8x4096xi1>, vector<8x4096xf32>
    %select_n3A_482 = arith.select %gt3A_480, %add3A_479, %select_n3A_465 : vector<8x4096xi1>, vector<8x4096xi32>
    %slice3A_483 = vector.extract_strided_slice %gt3A_17 {offsets = [224, 0], sizes = [8, 1], strides = [1, 1]} : vector<2048x1xi1> to vector<8x1xi1>
    %slice3A_484 = vector.extract_strided_slice %dot_general3A_10 {offsets = [224, 0], sizes = [8, 4096], strides = [1, 1]} : vector<2048x4096xf32> to vector<8x4096xf32>
    %jit3A_485 = arith.constant 0xFF800000 : f32
    %broadcast_in_dim3A_486 = vector.shape_cast %slice3A_483 : vector<8x1xi1> to vector<8x1xi1>
    %broadcast_in_dim3A_487 = vector.broadcast %broadcast_in_dim3A_486 : vector<8x1xi1> to vector<8x4096xi1>
    %broadcast_in_dim3A_488 = vector.broadcast %jit3A_485 : f32 to vector<8x4096xf32>
    %select_n3A_489 = arith.select %broadcast_in_dim3A_487, %broadcast_in_dim3A_488, %slice3A_484 : vector<8x4096xi1>, vector<8x4096xf32>
    %iota3A_490 = tpu.iota {dimensions = array<i32: 0>} : vector<8x4096xi32>
    %mul3A_491 = arith.constant 2048 : i32
    %mul3A_492 = arith.muli %arg1, %mul3A_491 : i32
    %add3A_493 = arith.constant 224 : i32
    %add3A_494 = arith.addi %mul3A_492, %add3A_493 : i32
    %add3A_495 = vector.broadcast %add3A_494 : i32 to vector<8x4096xi32>
    %add3A_496 = arith.addi %iota3A_490, %add3A_495 : vector<8x4096xi32>
    %gt3A_497 = arith.cmpf ogt, %select_n3A_489, %select_n3A_481 : vector<8x4096xf32>
    %select_n3A_498 = arith.select %gt3A_497, %select_n3A_489, %select_n3A_481 : vector<8x4096xi1>, vector<8x4096xf32>
    %select_n3A_499 = arith.select %gt3A_497, %add3A_496, %select_n3A_482 : vector<8x4096xi1>, vector<8x4096xi32>
    %slice3A_500 = vector.extract_strided_slice %gt3A_17 {offsets = [232, 0], sizes = [8, 1], strides = [1, 1]} : vector<2048x1xi1> to vector<8x1xi1>
    %slice3A_501 = vector.extract_strided_slice %dot_general3A_10 {offsets = [232, 0], sizes = [8, 4096], strides = [1, 1]} : vector<2048x4096xf32> to vector<8x4096xf32>
    %jit3A_502 = arith.constant 0xFF800000 : f32
    %broadcast_in_dim3A_503 = vector.shape_cast %slice3A_500 : vector<8x1xi1> to vector<8x1xi1>
    %broadcast_in_dim3A_504 = vector.broadcast %broadcast_in_dim3A_503 : vector<8x1xi1> to vector<8x4096xi1>
    %broadcast_in_dim3A_505 = vector.broadcast %jit3A_502 : f32 to vector<8x4096xf32>
    %select_n3A_506 = arith.select %broadcast_in_dim3A_504, %broadcast_in_dim3A_505, %slice3A_501 : vector<8x4096xi1>, vector<8x4096xf32>
    %iota3A_507 = tpu.iota {dimensions = array<i32: 0>} : vector<8x4096xi32>
    %mul3A_508 = arith.constant 2048 : i32
    %mul3A_509 = arith.muli %arg1, %mul3A_508 : i32
    %add3A_510 = arith.constant 232 : i32
    %add3A_511 = arith.addi %mul3A_509, %add3A_510 : i32
    %add3A_512 = vector.broadcast %add3A_511 : i32 to vector<8x4096xi32>
    %add3A_513 = arith.addi %iota3A_507, %add3A_512 : vector<8x4096xi32>
    %gt3A_514 = arith.cmpf ogt, %select_n3A_506, %select_n3A_498 : vector<8x4096xf32>
    %select_n3A_515 = arith.select %gt3A_514, %select_n3A_506, %select_n3A_498 : vector<8x4096xi1>, vector<8x4096xf32>
    %select_n3A_516 = arith.select %gt3A_514, %add3A_513, %select_n3A_499 : vector<8x4096xi1>, vector<8x4096xi32>
    %slice3A_517 = vector.extract_strided_slice %gt3A_17 {offsets = [240, 0], sizes = [8, 1], strides = [1, 1]} : vector<2048x1xi1> to vector<8x1xi1>
    %slice3A_518 = vector.extract_strided_slice %dot_general3A_10 {offsets = [240, 0], sizes = [8, 4096], strides = [1, 1]} : vector<2048x4096xf32> to vector<8x4096xf32>
    %jit3A_519 = arith.constant 0xFF800000 : f32
    %broadcast_in_dim3A_520 = vector.shape_cast %slice3A_517 : vector<8x1xi1> to vector<8x1xi1>
    %broadcast_in_dim3A_521 = vector.broadcast %broadcast_in_dim3A_520 : vector<8x1xi1> to vector<8x4096xi1>
    %broadcast_in_dim3A_522 = vector.broadcast %jit3A_519 : f32 to vector<8x4096xf32>
    %select_n3A_523 = arith.select %broadcast_in_dim3A_521, %broadcast_in_dim3A_522, %slice3A_518 : vector<8x4096xi1>, vector<8x4096xf32>
    %iota3A_524 = tpu.iota {dimensions = array<i32: 0>} : vector<8x4096xi32>
    %mul3A_525 = arith.constant 2048 : i32
    %mul3A_526 = arith.muli %arg1, %mul3A_525 : i32
    %add3A_527 = arith.constant 240 : i32
    %add3A_528 = arith.addi %mul3A_526, %add3A_527 : i32
    %add3A_529 = vector.broadcast %add3A_528 : i32 to vector<8x4096xi32>
    %add3A_530 = arith.addi %iota3A_524, %add3A_529 : vector<8x4096xi32>
    %gt3A_531 = arith.cmpf ogt, %select_n3A_523, %select_n3A_515 : vector<8x4096xf32>
    %select_n3A_532 = arith.select %gt3A_531, %select_n3A_523, %select_n3A_515 : vector<8x4096xi1>, vector<8x4096xf32>
    %select_n3A_533 = arith.select %gt3A_531, %add3A_530, %select_n3A_516 : vector<8x4096xi1>, vector<8x4096xi32>
    %slice3A_534 = vector.extract_strided_slice %gt3A_17 {offsets = [248, 0], sizes = [8, 1], strides = [1, 1]} : vector<2048x1xi1> to vector<8x1xi1>
    %slice3A_535 = vector.extract_strided_slice %dot_general3A_10 {offsets = [248, 0], sizes = [8, 4096], strides = [1, 1]} : vector<2048x4096xf32> to vector<8x4096xf32>
    %jit3A_536 = arith.constant 0xFF800000 : f32
    %broadcast_in_dim3A_537 = vector.shape_cast %slice3A_534 : vector<8x1xi1> to vector<8x1xi1>
    %broadcast_in_dim3A_538 = vector.broadcast %broadcast_in_dim3A_537 : vector<8x1xi1> to vector<8x4096xi1>
    %broadcast_in_dim3A_539 = vector.broadcast %jit3A_536 : f32 to vector<8x4096xf32>
    %select_n3A_540 = arith.select %broadcast_in_dim3A_538, %broadcast_in_dim3A_539, %slice3A_535 : vector<8x4096xi1>, vector<8x4096xf32>
    %iota3A_541 = tpu.iota {dimensions = array<i32: 0>} : vector<8x4096xi32>
    %mul3A_542 = arith.constant 2048 : i32
    %mul3A_543 = arith.muli %arg1, %mul3A_542 : i32
    %add3A_544 = arith.constant 248 : i32
    %add3A_545 = arith.addi %mul3A_543, %add3A_544 : i32
    %add3A_546 = vector.broadcast %add3A_545 : i32 to vector<8x4096xi32>
    %add3A_547 = arith.addi %iota3A_541, %add3A_546 : vector<8x4096xi32>
    %gt3A_548 = arith.cmpf ogt, %select_n3A_540, %select_n3A_532 : vector<8x4096xf32>
    %select_n3A_549 = arith.select %gt3A_548, %select_n3A_540, %select_n3A_532 : vector<8x4096xi1>, vector<8x4096xf32>
    %select_n3A_550 = arith.select %gt3A_548, %add3A_547, %select_n3A_533 : vector<8x4096xi1>, vector<8x4096xi32>
    %slice3A_551 = vector.extract_strided_slice %gt3A_17 {offsets = [256, 0], sizes = [8, 1], strides = [1, 1]} : vector<2048x1xi1> to vector<8x1xi1>
    %slice3A_552 = vector.extract_strided_slice %dot_general3A_10 {offsets = [256, 0], sizes = [8, 4096], strides = [1, 1]} : vector<2048x4096xf32> to vector<8x4096xf32>
    %jit3A_553 = arith.constant 0xFF800000 : f32
    %broadcast_in_dim3A_554 = vector.shape_cast %slice3A_551 : vector<8x1xi1> to vector<8x1xi1>
    %broadcast_in_dim3A_555 = vector.broadcast %broadcast_in_dim3A_554 : vector<8x1xi1> to vector<8x4096xi1>
    %broadcast_in_dim3A_556 = vector.broadcast %jit3A_553 : f32 to vector<8x4096xf32>
    %select_n3A_557 = arith.select %broadcast_in_dim3A_555, %broadcast_in_dim3A_556, %slice3A_552 : vector<8x4096xi1>, vector<8x4096xf32>
    %iota3A_558 = tpu.iota {dimensions = array<i32: 0>} : vector<8x4096xi32>
    %mul3A_559 = arith.constant 2048 : i32
    %mul3A_560 = arith.muli %arg1, %mul3A_559 : i32
    %add3A_561 = arith.constant 256 : i32
    %add3A_562 = arith.addi %mul3A_560, %add3A_561 : i32
    %add3A_563 = vector.broadcast %add3A_562 : i32 to vector<8x4096xi32>
    %add3A_564 = arith.addi %iota3A_558, %add3A_563 : vector<8x4096xi32>
    %gt3A_565 = arith.cmpf ogt, %select_n3A_557, %select_n3A_549 : vector<8x4096xf32>
    %select_n3A_566 = arith.select %gt3A_565, %select_n3A_557, %select_n3A_549 : vector<8x4096xi1>, vector<8x4096xf32>
    %select_n3A_567 = arith.select %gt3A_565, %add3A_564, %select_n3A_550 : vector<8x4096xi1>, vector<8x4096xi32>
    %slice3A_568 = vector.extract_strided_slice %gt3A_17 {offsets = [264, 0], sizes = [8, 1], strides = [1, 1]} : vector<2048x1xi1> to vector<8x1xi1>
    %slice3A_569 = vector.extract_strided_slice %dot_general3A_10 {offsets = [264, 0], sizes = [8, 4096], strides = [1, 1]} : vector<2048x4096xf32> to vector<8x4096xf32>
    %jit3A_570 = arith.constant 0xFF800000 : f32
    %broadcast_in_dim3A_571 = vector.shape_cast %slice3A_568 : vector<8x1xi1> to vector<8x1xi1>
    %broadcast_in_dim3A_572 = vector.broadcast %broadcast_in_dim3A_571 : vector<8x1xi1> to vector<8x4096xi1>
    %broadcast_in_dim3A_573 = vector.broadcast %jit3A_570 : f32 to vector<8x4096xf32>
    %select_n3A_574 = arith.select %broadcast_in_dim3A_572, %broadcast_in_dim3A_573, %slice3A_569 : vector<8x4096xi1>, vector<8x4096xf32>
    %iota3A_575 = tpu.iota {dimensions = array<i32: 0>} : vector<8x4096xi32>
    %mul3A_576 = arith.constant 2048 : i32
    %mul3A_577 = arith.muli %arg1, %mul3A_576 : i32
    %add3A_578 = arith.constant 264 : i32
    %add3A_579 = arith.addi %mul3A_577, %add3A_578 : i32
    %add3A_580 = vector.broadcast %add3A_579 : i32 to vector<8x4096xi32>
    %add3A_581 = arith.addi %iota3A_575, %add3A_580 : vector<8x4096xi32>
    %gt3A_582 = arith.cmpf ogt, %select_n3A_574, %select_n3A_566 : vector<8x4096xf32>
    %select_n3A_583 = arith.select %gt3A_582, %select_n3A_574, %select_n3A_566 : vector<8x4096xi1>, vector<8x4096xf32>
    %select_n3A_584 = arith.select %gt3A_582, %add3A_581, %select_n3A_567 : vector<8x4096xi1>, vector<8x4096xi32>
    %slice3A_585 = vector.extract_strided_slice %gt3A_17 {offsets = [272, 0], sizes = [8, 1], strides = [1, 1]} : vector<2048x1xi1> to vector<8x1xi1>
    %slice3A_586 = vector.extract_strided_slice %dot_general3A_10 {offsets = [272, 0], sizes = [8, 4096], strides = [1, 1]} : vector<2048x4096xf32> to vector<8x4096xf32>
    %jit3A_587 = arith.constant 0xFF800000 : f32
    %broadcast_in_dim3A_588 = vector.shape_cast %slice3A_585 : vector<8x1xi1> to vector<8x1xi1>
    %broadcast_in_dim3A_589 = vector.broadcast %broadcast_in_dim3A_588 : vector<8x1xi1> to vector<8x4096xi1>
    %broadcast_in_dim3A_590 = vector.broadcast %jit3A_587 : f32 to vector<8x4096xf32>
    %select_n3A_591 = arith.select %broadcast_in_dim3A_589, %broadcast_in_dim3A_590, %slice3A_586 : vector<8x4096xi1>, vector<8x4096xf32>
    %iota3A_592 = tpu.iota {dimensions = array<i32: 0>} : vector<8x4096xi32>
    %mul3A_593 = arith.constant 2048 : i32
    %mul3A_594 = arith.muli %arg1, %mul3A_593 : i32
    %add3A_595 = arith.constant 272 : i32
    %add3A_596 = arith.addi %mul3A_594, %add3A_595 : i32
    %add3A_597 = vector.broadcast %add3A_596 : i32 to vector<8x4096xi32>
    %add3A_598 = arith.addi %iota3A_592, %add3A_597 : vector<8x4096xi32>
    %gt3A_599 = arith.cmpf ogt, %select_n3A_591, %select_n3A_583 : vector<8x4096xf32>
    %select_n3A_600 = arith.select %gt3A_599, %select_n3A_591, %select_n3A_583 : vector<8x4096xi1>, vector<8x4096xf32>
    %select_n3A_601 = arith.select %gt3A_599, %add3A_598, %select_n3A_584 : vector<8x4096xi1>, vector<8x4096xi32>
    %slice3A_602 = vector.extract_strided_slice %gt3A_17 {offsets = [280, 0], sizes = [8, 1], strides = [1, 1]} : vector<2048x1xi1> to vector<8x1xi1>
    %slice3A_603 = vector.extract_strided_slice %dot_general3A_10 {offsets = [280, 0], sizes = [8, 4096], strides = [1, 1]} : vector<2048x4096xf32> to vector<8x4096xf32>
    %jit3A_604 = arith.constant 0xFF800000 : f32
    %broadcast_in_dim3A_605 = vector.shape_cast %slice3A_602 : vector<8x1xi1> to vector<8x1xi1>
    %broadcast_in_dim3A_606 = vector.broadcast %broadcast_in_dim3A_605 : vector<8x1xi1> to vector<8x4096xi1>
    %broadcast_in_dim3A_607 = vector.broadcast %jit3A_604 : f32 to vector<8x4096xf32>
    %select_n3A_608 = arith.select %broadcast_in_dim3A_606, %broadcast_in_dim3A_607, %slice3A_603 : vector<8x4096xi1>, vector<8x4096xf32>
    %iota3A_609 = tpu.iota {dimensions = array<i32: 0>} : vector<8x4096xi32>
    %mul3A_610 = arith.constant 2048 : i32
    %mul3A_611 = arith.muli %arg1, %mul3A_610 : i32
    %add3A_612 = arith.constant 280 : i32
    %add3A_613 = arith.addi %mul3A_611, %add3A_612 : i32
    %add3A_614 = vector.broadcast %add3A_613 : i32 to vector<8x4096xi32>
    %add3A_615 = arith.addi %iota3A_609, %add3A_614 : vector<8x4096xi32>
    %gt3A_616 = arith.cmpf ogt, %select_n3A_608, %select_n3A_600 : vector<8x4096xf32>
    %select_n3A_617 = arith.select %gt3A_616, %select_n3A_608, %select_n3A_600 : vector<8x4096xi1>, vector<8x4096xf32>
    %select_n3A_618 = arith.select %gt3A_616, %add3A_615, %select_n3A_601 : vector<8x4096xi1>, vector<8x4096xi32>
    %slice3A_619 = vector.extract_strided_slice %gt3A_17 {offsets = [288, 0], sizes = [8, 1], strides = [1, 1]} : vector<2048x1xi1> to vector<8x1xi1>
    %slice3A_620 = vector.extract_strided_slice %dot_general3A_10 {offsets = [288, 0], sizes = [8, 4096], strides = [1, 1]} : vector<2048x4096xf32> to vector<8x4096xf32>
    %jit3A_621 = arith.constant 0xFF800000 : f32
    %broadcast_in_dim3A_622 = vector.shape_cast %slice3A_619 : vector<8x1xi1> to vector<8x1xi1>
    %broadcast_in_dim3A_623 = vector.broadcast %broadcast_in_dim3A_622 : vector<8x1xi1> to vector<8x4096xi1>
    %broadcast_in_dim3A_624 = vector.broadcast %jit3A_621 : f32 to vector<8x4096xf32>
    %select_n3A_625 = arith.select %broadcast_in_dim3A_623, %broadcast_in_dim3A_624, %slice3A_620 : vector<8x4096xi1>, vector<8x4096xf32>
    %iota3A_626 = tpu.iota {dimensions = array<i32: 0>} : vector<8x4096xi32>
    %mul3A_627 = arith.constant 2048 : i32
    %mul3A_628 = arith.muli %arg1, %mul3A_627 : i32
    %add3A_629 = arith.constant 288 : i32
    %add3A_630 = arith.addi %mul3A_628, %add3A_629 : i32
    %add3A_631 = vector.broadcast %add3A_630 : i32 to vector<8x4096xi32>
    %add3A_632 = arith.addi %iota3A_626, %add3A_631 : vector<8x4096xi32>
    %gt3A_633 = arith.cmpf ogt, %select_n3A_625, %select_n3A_617 : vector<8x4096xf32>
    %select_n3A_634 = arith.select %gt3A_633, %select_n3A_625, %select_n3A_617 : vector<8x4096xi1>, vector<8x4096xf32>
    %select_n3A_635 = arith.select %gt3A_633, %add3A_632, %select_n3A_618 : vector<8x4096xi1>, vector<8x4096xi32>
    %slice3A_636 = vector.extract_strided_slice %gt3A_17 {offsets = [296, 0], sizes = [8, 1], strides = [1, 1]} : vector<2048x1xi1> to vector<8x1xi1>
    %slice3A_637 = vector.extract_strided_slice %dot_general3A_10 {offsets = [296, 0], sizes = [8, 4096], strides = [1, 1]} : vector<2048x4096xf32> to vector<8x4096xf32>
    %jit3A_638 = arith.constant 0xFF800000 : f32
    %broadcast_in_dim3A_639 = vector.shape_cast %slice3A_636 : vector<8x1xi1> to vector<8x1xi1>
    %broadcast_in_dim3A_640 = vector.broadcast %broadcast_in_dim3A_639 : vector<8x1xi1> to vector<8x4096xi1>
    %broadcast_in_dim3A_641 = vector.broadcast %jit3A_638 : f32 to vector<8x4096xf32>
    %select_n3A_642 = arith.select %broadcast_in_dim3A_640, %broadcast_in_dim3A_641, %slice3A_637 : vector<8x4096xi1>, vector<8x4096xf32>
    %iota3A_643 = tpu.iota {dimensions = array<i32: 0>} : vector<8x4096xi32>
    %mul3A_644 = arith.constant 2048 : i32
    %mul3A_645 = arith.muli %arg1, %mul3A_644 : i32
    %add3A_646 = arith.constant 296 : i32
    %add3A_647 = arith.addi %mul3A_645, %add3A_646 : i32
    %add3A_648 = vector.broadcast %add3A_647 : i32 to vector<8x4096xi32>
    %add3A_649 = arith.addi %iota3A_643, %add3A_648 : vector<8x4096xi32>
    %gt3A_650 = arith.cmpf ogt, %select_n3A_642, %select_n3A_634 : vector<8x4096xf32>
    %select_n3A_651 = arith.select %gt3A_650, %select_n3A_642, %select_n3A_634 : vector<8x4096xi1>, vector<8x4096xf32>
    %select_n3A_652 = arith.select %gt3A_650, %add3A_649, %select_n3A_635 : vector<8x4096xi1>, vector<8x4096xi32>
    %slice3A_653 = vector.extract_strided_slice %gt3A_17 {offsets = [304, 0], sizes = [8, 1], strides = [1, 1]} : vector<2048x1xi1> to vector<8x1xi1>
    %slice3A_654 = vector.extract_strided_slice %dot_general3A_10 {offsets = [304, 0], sizes = [8, 4096], strides = [1, 1]} : vector<2048x4096xf32> to vector<8x4096xf32>
    %jit3A_655 = arith.constant 0xFF800000 : f32
    %broadcast_in_dim3A_656 = vector.shape_cast %slice3A_653 : vector<8x1xi1> to vector<8x1xi1>
    %broadcast_in_dim3A_657 = vector.broadcast %broadcast_in_dim3A_656 : vector<8x1xi1> to vector<8x4096xi1>
    %broadcast_in_dim3A_658 = vector.broadcast %jit3A_655 : f32 to vector<8x4096xf32>
    %select_n3A_659 = arith.select %broadcast_in_dim3A_657, %broadcast_in_dim3A_658, %slice3A_654 : vector<8x4096xi1>, vector<8x4096xf32>
    %iota3A_660 = tpu.iota {dimensions = array<i32: 0>} : vector<8x4096xi32>
    %mul3A_661 = arith.constant 2048 : i32
    %mul3A_662 = arith.muli %arg1, %mul3A_661 : i32
    %add3A_663 = arith.constant 304 : i32
    %add3A_664 = arith.addi %mul3A_662, %add3A_663 : i32
    %add3A_665 = vector.broadcast %add3A_664 : i32 to vector<8x4096xi32>
    %add3A_666 = arith.addi %iota3A_660, %add3A_665 : vector<8x4096xi32>
    %gt3A_667 = arith.cmpf ogt, %select_n3A_659, %select_n3A_651 : vector<8x4096xf32>
    %select_n3A_668 = arith.select %gt3A_667, %select_n3A_659, %select_n3A_651 : vector<8x4096xi1>, vector<8x4096xf32>
    %select_n3A_669 = arith.select %gt3A_667, %add3A_666, %select_n3A_652 : vector<8x4096xi1>, vector<8x4096xi32>
    %slice3A_670 = vector.extract_strided_slice %gt3A_17 {offsets = [312, 0], sizes = [8, 1], strides = [1, 1]} : vector<2048x1xi1> to vector<8x1xi1>
    %slice3A_671 = vector.extract_strided_slice %dot_general3A_10 {offsets = [312, 0], sizes = [8, 4096], strides = [1, 1]} : vector<2048x4096xf32> to vector<8x4096xf32>
    %jit3A_672 = arith.constant 0xFF800000 : f32
    %broadcast_in_dim3A_673 = vector.shape_cast %slice3A_670 : vector<8x1xi1> to vector<8x1xi1>
    %broadcast_in_dim3A_674 = vector.broadcast %broadcast_in_dim3A_673 : vector<8x1xi1> to vector<8x4096xi1>
    %broadcast_in_dim3A_675 = vector.broadcast %jit3A_672 : f32 to vector<8x4096xf32>
    %select_n3A_676 = arith.select %broadcast_in_dim3A_674, %broadcast_in_dim3A_675, %slice3A_671 : vector<8x4096xi1>, vector<8x4096xf32>
    %iota3A_677 = tpu.iota {dimensions = array<i32: 0>} : vector<8x4096xi32>
    %mul3A_678 = arith.constant 2048 : i32
    %mul3A_679 = arith.muli %arg1, %mul3A_678 : i32
    %add3A_680 = arith.constant 312 : i32
    %add3A_681 = arith.addi %mul3A_679, %add3A_680 : i32
    %add3A_682 = vector.broadcast %add3A_681 : i32 to vector<8x4096xi32>
    %add3A_683 = arith.addi %iota3A_677, %add3A_682 : vector<8x4096xi32>
    %gt3A_684 = arith.cmpf ogt, %select_n3A_676, %select_n3A_668 : vector<8x4096xf32>
    %select_n3A_685 = arith.select %gt3A_684, %select_n3A_676, %select_n3A_668 : vector<8x4096xi1>, vector<8x4096xf32>
    %select_n3A_686 = arith.select %gt3A_684, %add3A_683, %select_n3A_669 : vector<8x4096xi1>, vector<8x4096xi32>
    %slice3A_687 = vector.extract_strided_slice %gt3A_17 {offsets = [320, 0], sizes = [8, 1], strides = [1, 1]} : vector<2048x1xi1> to vector<8x1xi1>
    %slice3A_688 = vector.extract_strided_slice %dot_general3A_10 {offsets = [320, 0], sizes = [8, 4096], strides = [1, 1]} : vector<2048x4096xf32> to vector<8x4096xf32>
    %jit3A_689 = arith.constant 0xFF800000 : f32
    %broadcast_in_dim3A_690 = vector.shape_cast %slice3A_687 : vector<8x1xi1> to vector<8x1xi1>
    %broadcast_in_dim3A_691 = vector.broadcast %broadcast_in_dim3A_690 : vector<8x1xi1> to vector<8x4096xi1>
    %broadcast_in_dim3A_692 = vector.broadcast %jit3A_689 : f32 to vector<8x4096xf32>
    %select_n3A_693 = arith.select %broadcast_in_dim3A_691, %broadcast_in_dim3A_692, %slice3A_688 : vector<8x4096xi1>, vector<8x4096xf32>
    %iota3A_694 = tpu.iota {dimensions = array<i32: 0>} : vector<8x4096xi32>
    %mul3A_695 = arith.constant 2048 : i32
    %mul3A_696 = arith.muli %arg1, %mul3A_695 : i32
    %add3A_697 = arith.constant 320 : i32
    %add3A_698 = arith.addi %mul3A_696, %add3A_697 : i32
    %add3A_699 = vector.broadcast %add3A_698 : i32 to vector<8x4096xi32>
    %add3A_700 = arith.addi %iota3A_694, %add3A_699 : vector<8x4096xi32>
    %gt3A_701 = arith.cmpf ogt, %select_n3A_693, %select_n3A_685 : vector<8x4096xf32>
    %select_n3A_702 = arith.select %gt3A_701, %select_n3A_693, %select_n3A_685 : vector<8x4096xi1>, vector<8x4096xf32>
    %select_n3A_703 = arith.select %gt3A_701, %add3A_700, %select_n3A_686 : vector<8x4096xi1>, vector<8x4096xi32>
    %slice3A_704 = vector.extract_strided_slice %gt3A_17 {offsets = [328, 0], sizes = [8, 1], strides = [1, 1]} : vector<2048x1xi1> to vector<8x1xi1>
    %slice3A_705 = vector.extract_strided_slice %dot_general3A_10 {offsets = [328, 0], sizes = [8, 4096], strides = [1, 1]} : vector<2048x4096xf32> to vector<8x4096xf32>
    %jit3A_706 = arith.constant 0xFF800000 : f32
    %broadcast_in_dim3A_707 = vector.shape_cast %slice3A_704 : vector<8x1xi1> to vector<8x1xi1>
    %broadcast_in_dim3A_708 = vector.broadcast %broadcast_in_dim3A_707 : vector<8x1xi1> to vector<8x4096xi1>
    %broadcast_in_dim3A_709 = vector.broadcast %jit3A_706 : f32 to vector<8x4096xf32>
    %select_n3A_710 = arith.select %broadcast_in_dim3A_708, %broadcast_in_dim3A_709, %slice3A_705 : vector<8x4096xi1>, vector<8x4096xf32>
    %iota3A_711 = tpu.iota {dimensions = array<i32: 0>} : vector<8x4096xi32>
    %mul3A_712 = arith.constant 2048 : i32
    %mul3A_713 = arith.muli %arg1, %mul3A_712 : i32
    %add3A_714 = arith.constant 328 : i32
    %add3A_715 = arith.addi %mul3A_713, %add3A_714 : i32
    %add3A_716 = vector.broadcast %add3A_715 : i32 to vector<8x4096xi32>
    %add3A_717 = arith.addi %iota3A_711, %add3A_716 : vector<8x4096xi32>
    %gt3A_718 = arith.cmpf ogt, %select_n3A_710, %select_n3A_702 : vector<8x4096xf32>
    %select_n3A_719 = arith.select %gt3A_718, %select_n3A_710, %select_n3A_702 : vector<8x4096xi1>, vector<8x4096xf32>
    %select_n3A_720 = arith.select %gt3A_718, %add3A_717, %select_n3A_703 : vector<8x4096xi1>, vector<8x4096xi32>
    %slice3A_721 = vector.extract_strided_slice %gt3A_17 {offsets = [336, 0], sizes = [8, 1], strides = [1, 1]} : vector<2048x1xi1> to vector<8x1xi1>
    %slice3A_722 = vector.extract_strided_slice %dot_general3A_10 {offsets = [336, 0], sizes = [8, 4096], strides = [1, 1]} : vector<2048x4096xf32> to vector<8x4096xf32>
    %jit3A_723 = arith.constant 0xFF800000 : f32
    %broadcast_in_dim3A_724 = vector.shape_cast %slice3A_721 : vector<8x1xi1> to vector<8x1xi1>
    %broadcast_in_dim3A_725 = vector.broadcast %broadcast_in_dim3A_724 : vector<8x1xi1> to vector<8x4096xi1>
    %broadcast_in_dim3A_726 = vector.broadcast %jit3A_723 : f32 to vector<8x4096xf32>
    %select_n3A_727 = arith.select %broadcast_in_dim3A_725, %broadcast_in_dim3A_726, %slice3A_722 : vector<8x4096xi1>, vector<8x4096xf32>
    %iota3A_728 = tpu.iota {dimensions = array<i32: 0>} : vector<8x4096xi32>
    %mul3A_729 = arith.constant 2048 : i32
    %mul3A_730 = arith.muli %arg1, %mul3A_729 : i32
    %add3A_731 = arith.constant 336 : i32
    %add3A_732 = arith.addi %mul3A_730, %add3A_731 : i32
    %add3A_733 = vector.broadcast %add3A_732 : i32 to vector<8x4096xi32>
    %add3A_734 = arith.addi %iota3A_728, %add3A_733 : vector<8x4096xi32>
    %gt3A_735 = arith.cmpf ogt, %select_n3A_727, %select_n3A_719 : vector<8x4096xf32>
    %select_n3A_736 = arith.select %gt3A_735, %select_n3A_727, %select_n3A_719 : vector<8x4096xi1>, vector<8x4096xf32>
    %select_n3A_737 = arith.select %gt3A_735, %add3A_734, %select_n3A_720 : vector<8x4096xi1>, vector<8x4096xi32>
    %slice3A_738 = vector.extract_strided_slice %gt3A_17 {offsets = [344, 0], sizes = [8, 1], strides = [1, 1]} : vector<2048x1xi1> to vector<8x1xi1>
    %slice3A_739 = vector.extract_strided_slice %dot_general3A_10 {offsets = [344, 0], sizes = [8, 4096], strides = [1, 1]} : vector<2048x4096xf32> to vector<8x4096xf32>
    %jit3A_740 = arith.constant 0xFF800000 : f32
    %broadcast_in_dim3A_741 = vector.shape_cast %slice3A_738 : vector<8x1xi1> to vector<8x1xi1>
    %broadcast_in_dim3A_742 = vector.broadcast %broadcast_in_dim3A_741 : vector<8x1xi1> to vector<8x4096xi1>
    %broadcast_in_dim3A_743 = vector.broadcast %jit3A_740 : f32 to vector<8x4096xf32>
    %select_n3A_744 = arith.select %broadcast_in_dim3A_742, %broadcast_in_dim3A_743, %slice3A_739 : vector<8x4096xi1>, vector<8x4096xf32>
    %iota3A_745 = tpu.iota {dimensions = array<i32: 0>} : vector<8x4096xi32>
    %mul3A_746 = arith.constant 2048 : i32
    %mul3A_747 = arith.muli %arg1, %mul3A_746 : i32
    %add3A_748 = arith.constant 344 : i32
    %add3A_749 = arith.addi %mul3A_747, %add3A_748 : i32
    %add3A_750 = vector.broadcast %add3A_749 : i32 to vector<8x4096xi32>
    %add3A_751 = arith.addi %iota3A_745, %add3A_750 : vector<8x4096xi32>
    %gt3A_752 = arith.cmpf ogt, %select_n3A_744, %select_n3A_736 : vector<8x4096xf32>
    %select_n3A_753 = arith.select %gt3A_752, %select_n3A_744, %select_n3A_736 : vector<8x4096xi1>, vector<8x4096xf32>
    %select_n3A_754 = arith.select %gt3A_752, %add3A_751, %select_n3A_737 : vector<8x4096xi1>, vector<8x4096xi32>
    %slice3A_755 = vector.extract_strided_slice %gt3A_17 {offsets = [352, 0], sizes = [8, 1], strides = [1, 1]} : vector<2048x1xi1> to vector<8x1xi1>
    %slice3A_756 = vector.extract_strided_slice %dot_general3A_10 {offsets = [352, 0], sizes = [8, 4096], strides = [1, 1]} : vector<2048x4096xf32> to vector<8x4096xf32>
    %jit3A_757 = arith.constant 0xFF800000 : f32
    %broadcast_in_dim3A_758 = vector.shape_cast %slice3A_755 : vector<8x1xi1> to vector<8x1xi1>
    %broadcast_in_dim3A_759 = vector.broadcast %broadcast_in_dim3A_758 : vector<8x1xi1> to vector<8x4096xi1>
    %broadcast_in_dim3A_760 = vector.broadcast %jit3A_757 : f32 to vector<8x4096xf32>
    %select_n3A_761 = arith.select %broadcast_in_dim3A_759, %broadcast_in_dim3A_760, %slice3A_756 : vector<8x4096xi1>, vector<8x4096xf32>
    %iota3A_762 = tpu.iota {dimensions = array<i32: 0>} : vector<8x4096xi32>
    %mul3A_763 = arith.constant 2048 : i32
    %mul3A_764 = arith.muli %arg1, %mul3A_763 : i32
    %add3A_765 = arith.constant 352 : i32
    %add3A_766 = arith.addi %mul3A_764, %add3A_765 : i32
    %add3A_767 = vector.broadcast %add3A_766 : i32 to vector<8x4096xi32>
    %add3A_768 = arith.addi %iota3A_762, %add3A_767 : vector<8x4096xi32>
    %gt3A_769 = arith.cmpf ogt, %select_n3A_761, %select_n3A_753 : vector<8x4096xf32>
    %select_n3A_770 = arith.select %gt3A_769, %select_n3A_761, %select_n3A_753 : vector<8x4096xi1>, vector<8x4096xf32>
    %select_n3A_771 = arith.select %gt3A_769, %add3A_768, %select_n3A_754 : vector<8x4096xi1>, vector<8x4096xi32>
    %slice3A_772 = vector.extract_strided_slice %gt3A_17 {offsets = [360, 0], sizes = [8, 1], strides = [1, 1]} : vector<2048x1xi1> to vector<8x1xi1>
    %slice3A_773 = vector.extract_strided_slice %dot_general3A_10 {offsets = [360, 0], sizes = [8, 4096], strides = [1, 1]} : vector<2048x4096xf32> to vector<8x4096xf32>
    %jit3A_774 = arith.constant 0xFF800000 : f32
    %broadcast_in_dim3A_775 = vector.shape_cast %slice3A_772 : vector<8x1xi1> to vector<8x1xi1>
    %broadcast_in_dim3A_776 = vector.broadcast %broadcast_in_dim3A_775 : vector<8x1xi1> to vector<8x4096xi1>
    %broadcast_in_dim3A_777 = vector.broadcast %jit3A_774 : f32 to vector<8x4096xf32>
    %select_n3A_778 = arith.select %broadcast_in_dim3A_776, %broadcast_in_dim3A_777, %slice3A_773 : vector<8x4096xi1>, vector<8x4096xf32>
    %iota3A_779 = tpu.iota {dimensions = array<i32: 0>} : vector<8x4096xi32>
    %mul3A_780 = arith.constant 2048 : i32
    %mul3A_781 = arith.muli %arg1, %mul3A_780 : i32
    %add3A_782 = arith.constant 360 : i32
    %add3A_783 = arith.addi %mul3A_781, %add3A_782 : i32
    %add3A_784 = vector.broadcast %add3A_783 : i32 to vector<8x4096xi32>
    %add3A_785 = arith.addi %iota3A_779, %add3A_784 : vector<8x4096xi32>
    %gt3A_786 = arith.cmpf ogt, %select_n3A_778, %select_n3A_770 : vector<8x4096xf32>
    %select_n3A_787 = arith.select %gt3A_786, %select_n3A_778, %select_n3A_770 : vector<8x4096xi1>, vector<8x4096xf32>
    %select_n3A_788 = arith.select %gt3A_786, %add3A_785, %select_n3A_771 : vector<8x4096xi1>, vector<8x4096xi32>
    %slice3A_789 = vector.extract_strided_slice %gt3A_17 {offsets = [368, 0], sizes = [8, 1], strides = [1, 1]} : vector<2048x1xi1> to vector<8x1xi1>
    %slice3A_790 = vector.extract_strided_slice %dot_general3A_10 {offsets = [368, 0], sizes = [8, 4096], strides = [1, 1]} : vector<2048x4096xf32> to vector<8x4096xf32>
    %jit3A_791 = arith.constant 0xFF800000 : f32
    %broadcast_in_dim3A_792 = vector.shape_cast %slice3A_789 : vector<8x1xi1> to vector<8x1xi1>
    %broadcast_in_dim3A_793 = vector.broadcast %broadcast_in_dim3A_792 : vector<8x1xi1> to vector<8x4096xi1>
    %broadcast_in_dim3A_794 = vector.broadcast %jit3A_791 : f32 to vector<8x4096xf32>
    %select_n3A_795 = arith.select %broadcast_in_dim3A_793, %broadcast_in_dim3A_794, %slice3A_790 : vector<8x4096xi1>, vector<8x4096xf32>
    %iota3A_796 = tpu.iota {dimensions = array<i32: 0>} : vector<8x4096xi32>
    %mul3A_797 = arith.constant 2048 : i32
    %mul3A_798 = arith.muli %arg1, %mul3A_797 : i32
    %add3A_799 = arith.constant 368 : i32
    %add3A_800 = arith.addi %mul3A_798, %add3A_799 : i32
    %add3A_801 = vector.broadcast %add3A_800 : i32 to vector<8x4096xi32>
    %add3A_802 = arith.addi %iota3A_796, %add3A_801 : vector<8x4096xi32>
    %gt3A_803 = arith.cmpf ogt, %select_n3A_795, %select_n3A_787 : vector<8x4096xf32>
    %select_n3A_804 = arith.select %gt3A_803, %select_n3A_795, %select_n3A_787 : vector<8x4096xi1>, vector<8x4096xf32>
    %select_n3A_805 = arith.select %gt3A_803, %add3A_802, %select_n3A_788 : vector<8x4096xi1>, vector<8x4096xi32>
    %slice3A_806 = vector.extract_strided_slice %gt3A_17 {offsets = [376, 0], sizes = [8, 1], strides = [1, 1]} : vector<2048x1xi1> to vector<8x1xi1>
    %slice3A_807 = vector.extract_strided_slice %dot_general3A_10 {offsets = [376, 0], sizes = [8, 4096], strides = [1, 1]} : vector<2048x4096xf32> to vector<8x4096xf32>
    %jit3A_808 = arith.constant 0xFF800000 : f32
    %broadcast_in_dim3A_809 = vector.shape_cast %slice3A_806 : vector<8x1xi1> to vector<8x1xi1>
    %broadcast_in_dim3A_810 = vector.broadcast %broadcast_in_dim3A_809 : vector<8x1xi1> to vector<8x4096xi1>
    %broadcast_in_dim3A_811 = vector.broadcast %jit3A_808 : f32 to vector<8x4096xf32>
    %select_n3A_812 = arith.select %broadcast_in_dim3A_810, %broadcast_in_dim3A_811, %slice3A_807 : vector<8x4096xi1>, vector<8x4096xf32>
    %iota3A_813 = tpu.iota {dimensions = array<i32: 0>} : vector<8x4096xi32>
    %mul3A_814 = arith.constant 2048 : i32
    %mul3A_815 = arith.muli %arg1, %mul3A_814 : i32
    %add3A_816 = arith.constant 376 : i32
    %add3A_817 = arith.addi %mul3A_815, %add3A_816 : i32
    %add3A_818 = vector.broadcast %add3A_817 : i32 to vector<8x4096xi32>
    %add3A_819 = arith.addi %iota3A_813, %add3A_818 : vector<8x4096xi32>
    %gt3A_820 = arith.cmpf ogt, %select_n3A_812, %select_n3A_804 : vector<8x4096xf32>
    %select_n3A_821 = arith.select %gt3A_820, %select_n3A_812, %select_n3A_804 : vector<8x4096xi1>, vector<8x4096xf32>
    %select_n3A_822 = arith.select %gt3A_820, %add3A_819, %select_n3A_805 : vector<8x4096xi1>, vector<8x4096xi32>
    %slice3A_823 = vector.extract_strided_slice %gt3A_17 {offsets = [384, 0], sizes = [8, 1], strides = [1, 1]} : vector<2048x1xi1> to vector<8x1xi1>
    %slice3A_824 = vector.extract_strided_slice %dot_general3A_10 {offsets = [384, 0], sizes = [8, 4096], strides = [1, 1]} : vector<2048x4096xf32> to vector<8x4096xf32>
    %jit3A_825 = arith.constant 0xFF800000 : f32
    %broadcast_in_dim3A_826 = vector.shape_cast %slice3A_823 : vector<8x1xi1> to vector<8x1xi1>
    %broadcast_in_dim3A_827 = vector.broadcast %broadcast_in_dim3A_826 : vector<8x1xi1> to vector<8x4096xi1>
    %broadcast_in_dim3A_828 = vector.broadcast %jit3A_825 : f32 to vector<8x4096xf32>
    %select_n3A_829 = arith.select %broadcast_in_dim3A_827, %broadcast_in_dim3A_828, %slice3A_824 : vector<8x4096xi1>, vector<8x4096xf32>
    %iota3A_830 = tpu.iota {dimensions = array<i32: 0>} : vector<8x4096xi32>
    %mul3A_831 = arith.constant 2048 : i32
    %mul3A_832 = arith.muli %arg1, %mul3A_831 : i32
    %add3A_833 = arith.constant 384 : i32
    %add3A_834 = arith.addi %mul3A_832, %add3A_833 : i32
    %add3A_835 = vector.broadcast %add3A_834 : i32 to vector<8x4096xi32>
    %add3A_836 = arith.addi %iota3A_830, %add3A_835 : vector<8x4096xi32>
    %gt3A_837 = arith.cmpf ogt, %select_n3A_829, %select_n3A_821 : vector<8x4096xf32>
    %select_n3A_838 = arith.select %gt3A_837, %select_n3A_829, %select_n3A_821 : vector<8x4096xi1>, vector<8x4096xf32>
    %select_n3A_839 = arith.select %gt3A_837, %add3A_836, %select_n3A_822 : vector<8x4096xi1>, vector<8x4096xi32>
    %slice3A_840 = vector.extract_strided_slice %gt3A_17 {offsets = [392, 0], sizes = [8, 1], strides = [1, 1]} : vector<2048x1xi1> to vector<8x1xi1>
    %slice3A_841 = vector.extract_strided_slice %dot_general3A_10 {offsets = [392, 0], sizes = [8, 4096], strides = [1, 1]} : vector<2048x4096xf32> to vector<8x4096xf32>
    %jit3A_842 = arith.constant 0xFF800000 : f32
    %broadcast_in_dim3A_843 = vector.shape_cast %slice3A_840 : vector<8x1xi1> to vector<8x1xi1>
    %broadcast_in_dim3A_844 = vector.broadcast %broadcast_in_dim3A_843 : vector<8x1xi1> to vector<8x4096xi1>
    %broadcast_in_dim3A_845 = vector.broadcast %jit3A_842 : f32 to vector<8x4096xf32>
    %select_n3A_846 = arith.select %broadcast_in_dim3A_844, %broadcast_in_dim3A_845, %slice3A_841 : vector<8x4096xi1>, vector<8x4096xf32>
    %iota3A_847 = tpu.iota {dimensions = array<i32: 0>} : vector<8x4096xi32>
    %mul3A_848 = arith.constant 2048 : i32
    %mul3A_849 = arith.muli %arg1, %mul3A_848 : i32
    %add3A_850 = arith.constant 392 : i32
    %add3A_851 = arith.addi %mul3A_849, %add3A_850 : i32
    %add3A_852 = vector.broadcast %add3A_851 : i32 to vector<8x4096xi32>
    %add3A_853 = arith.addi %iota3A_847, %add3A_852 : vector<8x4096xi32>
    %gt3A_854 = arith.cmpf ogt, %select_n3A_846, %select_n3A_838 : vector<8x4096xf32>
    %select_n3A_855 = arith.select %gt3A_854, %select_n3A_846, %select_n3A_838 : vector<8x4096xi1>, vector<8x4096xf32>
    %select_n3A_856 = arith.select %gt3A_854, %add3A_853, %select_n3A_839 : vector<8x4096xi1>, vector<8x4096xi32>
    %slice3A_857 = vector.extract_strided_slice %gt3A_17 {offsets = [400, 0], sizes = [8, 1], strides = [1, 1]} : vector<2048x1xi1> to vector<8x1xi1>
    %slice3A_858 = vector.extract_strided_slice %dot_general3A_10 {offsets = [400, 0], sizes = [8, 4096], strides = [1, 1]} : vector<2048x4096xf32> to vector<8x4096xf32>
    %jit3A_859 = arith.constant 0xFF800000 : f32
    %broadcast_in_dim3A_860 = vector.shape_cast %slice3A_857 : vector<8x1xi1> to vector<8x1xi1>
    %broadcast_in_dim3A_861 = vector.broadcast %broadcast_in_dim3A_860 : vector<8x1xi1> to vector<8x4096xi1>
    %broadcast_in_dim3A_862 = vector.broadcast %jit3A_859 : f32 to vector<8x4096xf32>
    %select_n3A_863 = arith.select %broadcast_in_dim3A_861, %broadcast_in_dim3A_862, %slice3A_858 : vector<8x4096xi1>, vector<8x4096xf32>
    %iota3A_864 = tpu.iota {dimensions = array<i32: 0>} : vector<8x4096xi32>
    %mul3A_865 = arith.constant 2048 : i32
    %mul3A_866 = arith.muli %arg1, %mul3A_865 : i32
    %add3A_867 = arith.constant 400 : i32
    %add3A_868 = arith.addi %mul3A_866, %add3A_867 : i32
    %add3A_869 = vector.broadcast %add3A_868 : i32 to vector<8x4096xi32>
    %add3A_870 = arith.addi %iota3A_864, %add3A_869 : vector<8x4096xi32>
    %gt3A_871 = arith.cmpf ogt, %select_n3A_863, %select_n3A_855 : vector<8x4096xf32>
    %select_n3A_872 = arith.select %gt3A_871, %select_n3A_863, %select_n3A_855 : vector<8x4096xi1>, vector<8x4096xf32>
    %select_n3A_873 = arith.select %gt3A_871, %add3A_870, %select_n3A_856 : vector<8x4096xi1>, vector<8x4096xi32>
    %slice3A_874 = vector.extract_strided_slice %gt3A_17 {offsets = [408, 0], sizes = [8, 1], strides = [1, 1]} : vector<2048x1xi1> to vector<8x1xi1>
    %slice3A_875 = vector.extract_strided_slice %dot_general3A_10 {offsets = [408, 0], sizes = [8, 4096], strides = [1, 1]} : vector<2048x4096xf32> to vector<8x4096xf32>
    %jit3A_876 = arith.constant 0xFF800000 : f32
    %broadcast_in_dim3A_877 = vector.shape_cast %slice3A_874 : vector<8x1xi1> to vector<8x1xi1>
    %broadcast_in_dim3A_878 = vector.broadcast %broadcast_in_dim3A_877 : vector<8x1xi1> to vector<8x4096xi1>
    %broadcast_in_dim3A_879 = vector.broadcast %jit3A_876 : f32 to vector<8x4096xf32>
    %select_n3A_880 = arith.select %broadcast_in_dim3A_878, %broadcast_in_dim3A_879, %slice3A_875 : vector<8x4096xi1>, vector<8x4096xf32>
    %iota3A_881 = tpu.iota {dimensions = array<i32: 0>} : vector<8x4096xi32>
    %mul3A_882 = arith.constant 2048 : i32
    %mul3A_883 = arith.muli %arg1, %mul3A_882 : i32
    %add3A_884 = arith.constant 408 : i32
    %add3A_885 = arith.addi %mul3A_883, %add3A_884 : i32
    %add3A_886 = vector.broadcast %add3A_885 : i32 to vector<8x4096xi32>
    %add3A_887 = arith.addi %iota3A_881, %add3A_886 : vector<8x4096xi32>
    %gt3A_888 = arith.cmpf ogt, %select_n3A_880, %select_n3A_872 : vector<8x4096xf32>
    %select_n3A_889 = arith.select %gt3A_888, %select_n3A_880, %select_n3A_872 : vector<8x4096xi1>, vector<8x4096xf32>
    %select_n3A_890 = arith.select %gt3A_888, %add3A_887, %select_n3A_873 : vector<8x4096xi1>, vector<8x4096xi32>
    %slice3A_891 = vector.extract_strided_slice %gt3A_17 {offsets = [416, 0], sizes = [8, 1], strides = [1, 1]} : vector<2048x1xi1> to vector<8x1xi1>
    %slice3A_892 = vector.extract_strided_slice %dot_general3A_10 {offsets = [416, 0], sizes = [8, 4096], strides = [1, 1]} : vector<2048x4096xf32> to vector<8x4096xf32>
    %jit3A_893 = arith.constant 0xFF800000 : f32
    %broadcast_in_dim3A_894 = vector.shape_cast %slice3A_891 : vector<8x1xi1> to vector<8x1xi1>
    %broadcast_in_dim3A_895 = vector.broadcast %broadcast_in_dim3A_894 : vector<8x1xi1> to vector<8x4096xi1>
    %broadcast_in_dim3A_896 = vector.broadcast %jit3A_893 : f32 to vector<8x4096xf32>
    %select_n3A_897 = arith.select %broadcast_in_dim3A_895, %broadcast_in_dim3A_896, %slice3A_892 : vector<8x4096xi1>, vector<8x4096xf32>
    %iota3A_898 = tpu.iota {dimensions = array<i32: 0>} : vector<8x4096xi32>
    %mul3A_899 = arith.constant 2048 : i32
    %mul3A_900 = arith.muli %arg1, %mul3A_899 : i32
    %add3A_901 = arith.constant 416 : i32
    %add3A_902 = arith.addi %mul3A_900, %add3A_901 : i32
    %add3A_903 = vector.broadcast %add3A_902 : i32 to vector<8x4096xi32>
    %add3A_904 = arith.addi %iota3A_898, %add3A_903 : vector<8x4096xi32>
    %gt3A_905 = arith.cmpf ogt, %select_n3A_897, %select_n3A_889 : vector<8x4096xf32>
    %select_n3A_906 = arith.select %gt3A_905, %select_n3A_897, %select_n3A_889 : vector<8x4096xi1>, vector<8x4096xf32>
    %select_n3A_907 = arith.select %gt3A_905, %add3A_904, %select_n3A_890 : vector<8x4096xi1>, vector<8x4096xi32>
    %slice3A_908 = vector.extract_strided_slice %gt3A_17 {offsets = [424, 0], sizes = [8, 1], strides = [1, 1]} : vector<2048x1xi1> to vector<8x1xi1>
    %slice3A_909 = vector.extract_strided_slice %dot_general3A_10 {offsets = [424, 0], sizes = [8, 4096], strides = [1, 1]} : vector<2048x4096xf32> to vector<8x4096xf32>
    %jit3A_910 = arith.constant 0xFF800000 : f32
    %broadcast_in_dim3A_911 = vector.shape_cast %slice3A_908 : vector<8x1xi1> to vector<8x1xi1>
    %broadcast_in_dim3A_912 = vector.broadcast %broadcast_in_dim3A_911 : vector<8x1xi1> to vector<8x4096xi1>
    %broadcast_in_dim3A_913 = vector.broadcast %jit3A_910 : f32 to vector<8x4096xf32>
    %select_n3A_914 = arith.select %broadcast_in_dim3A_912, %broadcast_in_dim3A_913, %slice3A_909 : vector<8x4096xi1>, vector<8x4096xf32>
    %iota3A_915 = tpu.iota {dimensions = array<i32: 0>} : vector<8x4096xi32>
    %mul3A_916 = arith.constant 2048 : i32
    %mul3A_917 = arith.muli %arg1, %mul3A_916 : i32
    %add3A_918 = arith.constant 424 : i32
    %add3A_919 = arith.addi %mul3A_917, %add3A_918 : i32
    %add3A_920 = vector.broadcast %add3A_919 : i32 to vector<8x4096xi32>
    %add3A_921 = arith.addi %iota3A_915, %add3A_920 : vector<8x4096xi32>
    %gt3A_922 = arith.cmpf ogt, %select_n3A_914, %select_n3A_906 : vector<8x4096xf32>
    %select_n3A_923 = arith.select %gt3A_922, %select_n3A_914, %select_n3A_906 : vector<8x4096xi1>, vector<8x4096xf32>
    %select_n3A_924 = arith.select %gt3A_922, %add3A_921, %select_n3A_907 : vector<8x4096xi1>, vector<8x4096xi32>
    %slice3A_925 = vector.extract_strided_slice %gt3A_17 {offsets = [432, 0], sizes = [8, 1], strides = [1, 1]} : vector<2048x1xi1> to vector<8x1xi1>
    %slice3A_926 = vector.extract_strided_slice %dot_general3A_10 {offsets = [432, 0], sizes = [8, 4096], strides = [1, 1]} : vector<2048x4096xf32> to vector<8x4096xf32>
    %jit3A_927 = arith.constant 0xFF800000 : f32
    %broadcast_in_dim3A_928 = vector.shape_cast %slice3A_925 : vector<8x1xi1> to vector<8x1xi1>
    %broadcast_in_dim3A_929 = vector.broadcast %broadcast_in_dim3A_928 : vector<8x1xi1> to vector<8x4096xi1>
    %broadcast_in_dim3A_930 = vector.broadcast %jit3A_927 : f32 to vector<8x4096xf32>
    %select_n3A_931 = arith.select %broadcast_in_dim3A_929, %broadcast_in_dim3A_930, %slice3A_926 : vector<8x4096xi1>, vector<8x4096xf32>
    %iota3A_932 = tpu.iota {dimensions = array<i32: 0>} : vector<8x4096xi32>
    %mul3A_933 = arith.constant 2048 : i32
    %mul3A_934 = arith.muli %arg1, %mul3A_933 : i32
    %add3A_935 = arith.constant 432 : i32
    %add3A_936 = arith.addi %mul3A_934, %add3A_935 : i32
    %add3A_937 = vector.broadcast %add3A_936 : i32 to vector<8x4096xi32>
    %add3A_938 = arith.addi %iota3A_932, %add3A_937 : vector<8x4096xi32>
    %gt3A_939 = arith.cmpf ogt, %select_n3A_931, %select_n3A_923 : vector<8x4096xf32>
    %select_n3A_940 = arith.select %gt3A_939, %select_n3A_931, %select_n3A_923 : vector<8x4096xi1>, vector<8x4096xf32>
    %select_n3A_941 = arith.select %gt3A_939, %add3A_938, %select_n3A_924 : vector<8x4096xi1>, vector<8x4096xi32>
    %slice3A_942 = vector.extract_strided_slice %gt3A_17 {offsets = [440, 0], sizes = [8, 1], strides = [1, 1]} : vector<2048x1xi1> to vector<8x1xi1>
    %slice3A_943 = vector.extract_strided_slice %dot_general3A_10 {offsets = [440, 0], sizes = [8, 4096], strides = [1, 1]} : vector<2048x4096xf32> to vector<8x4096xf32>
    %jit3A_944 = arith.constant 0xFF800000 : f32
    %broadcast_in_dim3A_945 = vector.shape_cast %slice3A_942 : vector<8x1xi1> to vector<8x1xi1>
    %broadcast_in_dim3A_946 = vector.broadcast %broadcast_in_dim3A_945 : vector<8x1xi1> to vector<8x4096xi1>
    %broadcast_in_dim3A_947 = vector.broadcast %jit3A_944 : f32 to vector<8x4096xf32>
    %select_n3A_948 = arith.select %broadcast_in_dim3A_946, %broadcast_in_dim3A_947, %slice3A_943 : vector<8x4096xi1>, vector<8x4096xf32>
    %iota3A_949 = tpu.iota {dimensions = array<i32: 0>} : vector<8x4096xi32>
    %mul3A_950 = arith.constant 2048 : i32
    %mul3A_951 = arith.muli %arg1, %mul3A_950 : i32
    %add3A_952 = arith.constant 440 : i32
    %add3A_953 = arith.addi %mul3A_951, %add3A_952 : i32
    %add3A_954 = vector.broadcast %add3A_953 : i32 to vector<8x4096xi32>
    %add3A_955 = arith.addi %iota3A_949, %add3A_954 : vector<8x4096xi32>
    %gt3A_956 = arith.cmpf ogt, %select_n3A_948, %select_n3A_940 : vector<8x4096xf32>
    %select_n3A_957 = arith.select %gt3A_956, %select_n3A_948, %select_n3A_940 : vector<8x4096xi1>, vector<8x4096xf32>
    %select_n3A_958 = arith.select %gt3A_956, %add3A_955, %select_n3A_941 : vector<8x4096xi1>, vector<8x4096xi32>
    %slice3A_959 = vector.extract_strided_slice %gt3A_17 {offsets = [448, 0], sizes = [8, 1], strides = [1, 1]} : vector<2048x1xi1> to vector<8x1xi1>
    %slice3A_960 = vector.extract_strided_slice %dot_general3A_10 {offsets = [448, 0], sizes = [8, 4096], strides = [1, 1]} : vector<2048x4096xf32> to vector<8x4096xf32>
    %jit3A_961 = arith.constant 0xFF800000 : f32
    %broadcast_in_dim3A_962 = vector.shape_cast %slice3A_959 : vector<8x1xi1> to vector<8x1xi1>
    %broadcast_in_dim3A_963 = vector.broadcast %broadcast_in_dim3A_962 : vector<8x1xi1> to vector<8x4096xi1>
    %broadcast_in_dim3A_964 = vector.broadcast %jit3A_961 : f32 to vector<8x4096xf32>
    %select_n3A_965 = arith.select %broadcast_in_dim3A_963, %broadcast_in_dim3A_964, %slice3A_960 : vector<8x4096xi1>, vector<8x4096xf32>
    %iota3A_966 = tpu.iota {dimensions = array<i32: 0>} : vector<8x4096xi32>
    %mul3A_967 = arith.constant 2048 : i32
    %mul3A_968 = arith.muli %arg1, %mul3A_967 : i32
    %add3A_969 = arith.constant 448 : i32
    %add3A_970 = arith.addi %mul3A_968, %add3A_969 : i32
    %add3A_971 = vector.broadcast %add3A_970 : i32 to vector<8x4096xi32>
    %add3A_972 = arith.addi %iota3A_966, %add3A_971 : vector<8x4096xi32>
    %gt3A_973 = arith.cmpf ogt, %select_n3A_965, %select_n3A_957 : vector<8x4096xf32>
    %select_n3A_974 = arith.select %gt3A_973, %select_n3A_965, %select_n3A_957 : vector<8x4096xi1>, vector<8x4096xf32>
    %select_n3A_975 = arith.select %gt3A_973, %add3A_972, %select_n3A_958 : vector<8x4096xi1>, vector<8x4096xi32>
    %slice3A_976 = vector.extract_strided_slice %gt3A_17 {offsets = [456, 0], sizes = [8, 1], strides = [1, 1]} : vector<2048x1xi1> to vector<8x1xi1>
    %slice3A_977 = vector.extract_strided_slice %dot_general3A_10 {offsets = [456, 0], sizes = [8, 4096], strides = [1, 1]} : vector<2048x4096xf32> to vector<8x4096xf32>
    %jit3A_978 = arith.constant 0xFF800000 : f32
    %broadcast_in_dim3A_979 = vector.shape_cast %slice3A_976 : vector<8x1xi1> to vector<8x1xi1>
    %broadcast_in_dim3A_980 = vector.broadcast %broadcast_in_dim3A_979 : vector<8x1xi1> to vector<8x4096xi1>
    %broadcast_in_dim3A_981 = vector.broadcast %jit3A_978 : f32 to vector<8x4096xf32>
    %select_n3A_982 = arith.select %broadcast_in_dim3A_980, %broadcast_in_dim3A_981, %slice3A_977 : vector<8x4096xi1>, vector<8x4096xf32>
    %iota3A_983 = tpu.iota {dimensions = array<i32: 0>} : vector<8x4096xi32>
    %mul3A_984 = arith.constant 2048 : i32
    %mul3A_985 = arith.muli %arg1, %mul3A_984 : i32
    %add3A_986 = arith.constant 456 : i32
    %add3A_987 = arith.addi %mul3A_985, %add3A_986 : i32
    %add3A_988 = vector.broadcast %add3A_987 : i32 to vector<8x4096xi32>
    %add3A_989 = arith.addi %iota3A_983, %add3A_988 : vector<8x4096xi32>
    %gt3A_990 = arith.cmpf ogt, %select_n3A_982, %select_n3A_974 : vector<8x4096xf32>
    %select_n3A_991 = arith.select %gt3A_990, %select_n3A_982, %select_n3A_974 : vector<8x4096xi1>, vector<8x4096xf32>
    %select_n3A_992 = arith.select %gt3A_990, %add3A_989, %select_n3A_975 : vector<8x4096xi1>, vector<8x4096xi32>
    %slice3A_993 = vector.extract_strided_slice %gt3A_17 {offsets = [464, 0], sizes = [8, 1], strides = [1, 1]} : vector<2048x1xi1> to vector<8x1xi1>
    %slice3A_994 = vector.extract_strided_slice %dot_general3A_10 {offsets = [464, 0], sizes = [8, 4096], strides = [1, 1]} : vector<2048x4096xf32> to vector<8x4096xf32>
    %jit3A_995 = arith.constant 0xFF800000 : f32
    %broadcast_in_dim3A_996 = vector.shape_cast %slice3A_993 : vector<8x1xi1> to vector<8x1xi1>
    %broadcast_in_dim3A_997 = vector.broadcast %broadcast_in_dim3A_996 : vector<8x1xi1> to vector<8x4096xi1>
    %broadcast_in_dim3A_998 = vector.broadcast %jit3A_995 : f32 to vector<8x4096xf32>
    %select_n3A_999 = arith.select %broadcast_in_dim3A_997, %broadcast_in_dim3A_998, %slice3A_994 : vector<8x4096xi1>, vector<8x4096xf32>
    %iota3A_1000 = tpu.iota {dimensions = array<i32: 0>} : vector<8x4096xi32>
    %mul3A_1001 = arith.constant 2048 : i32
    %mul3A_1002 = arith.muli %arg1, %mul3A_1001 : i32
    %add3A_1003 = arith.constant 464 : i32
    %add3A_1004 = arith.addi %mul3A_1002, %add3A_1003 : i32
    %add3A_1005 = vector.broadcast %add3A_1004 : i32 to vector<8x4096xi32>
    %add3A_1006 = arith.addi %iota3A_1000, %add3A_1005 : vector<8x4096xi32>
    %gt3A_1007 = arith.cmpf ogt, %select_n3A_999, %select_n3A_991 : vector<8x4096xf32>
    %select_n3A_1008 = arith.select %gt3A_1007, %select_n3A_999, %select_n3A_991 : vector<8x4096xi1>, vector<8x4096xf32>
    %select_n3A_1009 = arith.select %gt3A_1007, %add3A_1006, %select_n3A_992 : vector<8x4096xi1>, vector<8x4096xi32>
    %slice3A_1010 = vector.extract_strided_slice %gt3A_17 {offsets = [472, 0], sizes = [8, 1], strides = [1, 1]} : vector<2048x1xi1> to vector<8x1xi1>
    %slice3A_1011 = vector.extract_strided_slice %dot_general3A_10 {offsets = [472, 0], sizes = [8, 4096], strides = [1, 1]} : vector<2048x4096xf32> to vector<8x4096xf32>
    %jit3A_1012 = arith.constant 0xFF800000 : f32
    %broadcast_in_dim3A_1013 = vector.shape_cast %slice3A_1010 : vector<8x1xi1> to vector<8x1xi1>
    %broadcast_in_dim3A_1014 = vector.broadcast %broadcast_in_dim3A_1013 : vector<8x1xi1> to vector<8x4096xi1>
    %broadcast_in_dim3A_1015 = vector.broadcast %jit3A_1012 : f32 to vector<8x4096xf32>
    %select_n3A_1016 = arith.select %broadcast_in_dim3A_1014, %broadcast_in_dim3A_1015, %slice3A_1011 : vector<8x4096xi1>, vector<8x4096xf32>
    %iota3A_1017 = tpu.iota {dimensions = array<i32: 0>} : vector<8x4096xi32>
    %mul3A_1018 = arith.constant 2048 : i32
    %mul3A_1019 = arith.muli %arg1, %mul3A_1018 : i32
    %add3A_1020 = arith.constant 472 : i32
    %add3A_1021 = arith.addi %mul3A_1019, %add3A_1020 : i32
    %add3A_1022 = vector.broadcast %add3A_1021 : i32 to vector<8x4096xi32>
    %add3A_1023 = arith.addi %iota3A_1017, %add3A_1022 : vector<8x4096xi32>
    %gt3A_1024 = arith.cmpf ogt, %select_n3A_1016, %select_n3A_1008 : vector<8x4096xf32>
    %select_n3A_1025 = arith.select %gt3A_1024, %select_n3A_1016, %select_n3A_1008 : vector<8x4096xi1>, vector<8x4096xf32>
    %select_n3A_1026 = arith.select %gt3A_1024, %add3A_1023, %select_n3A_1009 : vector<8x4096xi1>, vector<8x4096xi32>
    %slice3A_1027 = vector.extract_strided_slice %gt3A_17 {offsets = [480, 0], sizes = [8, 1], strides = [1, 1]} : vector<2048x1xi1> to vector<8x1xi1>
    %slice3A_1028 = vector.extract_strided_slice %dot_general3A_10 {offsets = [480, 0], sizes = [8, 4096], strides = [1, 1]} : vector<2048x4096xf32> to vector<8x4096xf32>
    %jit3A_1029 = arith.constant 0xFF800000 : f32
    %broadcast_in_dim3A_1030 = vector.shape_cast %slice3A_1027 : vector<8x1xi1> to vector<8x1xi1>
    %broadcast_in_dim3A_1031 = vector.broadcast %broadcast_in_dim3A_1030 : vector<8x1xi1> to vector<8x4096xi1>
    %broadcast_in_dim3A_1032 = vector.broadcast %jit3A_1029 : f32 to vector<8x4096xf32>
    %select_n3A_1033 = arith.select %broadcast_in_dim3A_1031, %broadcast_in_dim3A_1032, %slice3A_1028 : vector<8x4096xi1>, vector<8x4096xf32>
    %iota3A_1034 = tpu.iota {dimensions = array<i32: 0>} : vector<8x4096xi32>
    %mul3A_1035 = arith.constant 2048 : i32
    %mul3A_1036 = arith.muli %arg1, %mul3A_1035 : i32
    %add3A_1037 = arith.constant 480 : i32
    %add3A_1038 = arith.addi %mul3A_1036, %add3A_1037 : i32
    %add3A_1039 = vector.broadcast %add3A_1038 : i32 to vector<8x4096xi32>
    %add3A_1040 = arith.addi %iota3A_1034, %add3A_1039 : vector<8x4096xi32>
    %gt3A_1041 = arith.cmpf ogt, %select_n3A_1033, %select_n3A_1025 : vector<8x4096xf32>
    %select_n3A_1042 = arith.select %gt3A_1041, %select_n3A_1033, %select_n3A_1025 : vector<8x4096xi1>, vector<8x4096xf32>
    %select_n3A_1043 = arith.select %gt3A_1041, %add3A_1040, %select_n3A_1026 : vector<8x4096xi1>, vector<8x4096xi32>
    %slice3A_1044 = vector.extract_strided_slice %gt3A_17 {offsets = [488, 0], sizes = [8, 1], strides = [1, 1]} : vector<2048x1xi1> to vector<8x1xi1>
    %slice3A_1045 = vector.extract_strided_slice %dot_general3A_10 {offsets = [488, 0], sizes = [8, 4096], strides = [1, 1]} : vector<2048x4096xf32> to vector<8x4096xf32>
    %jit3A_1046 = arith.constant 0xFF800000 : f32
    %broadcast_in_dim3A_1047 = vector.shape_cast %slice3A_1044 : vector<8x1xi1> to vector<8x1xi1>
    %broadcast_in_dim3A_1048 = vector.broadcast %broadcast_in_dim3A_1047 : vector<8x1xi1> to vector<8x4096xi1>
    %broadcast_in_dim3A_1049 = vector.broadcast %jit3A_1046 : f32 to vector<8x4096xf32>
    %select_n3A_1050 = arith.select %broadcast_in_dim3A_1048, %broadcast_in_dim3A_1049, %slice3A_1045 : vector<8x4096xi1>, vector<8x4096xf32>
    %iota3A_1051 = tpu.iota {dimensions = array<i32: 0>} : vector<8x4096xi32>
    %mul3A_1052 = arith.constant 2048 : i32
    %mul3A_1053 = arith.muli %arg1, %mul3A_1052 : i32
    %add3A_1054 = arith.constant 488 : i32
    %add3A_1055 = arith.addi %mul3A_1053, %add3A_1054 : i32
    %add3A_1056 = vector.broadcast %add3A_1055 : i32 to vector<8x4096xi32>
    %add3A_1057 = arith.addi %iota3A_1051, %add3A_1056 : vector<8x4096xi32>
    %gt3A_1058 = arith.cmpf ogt, %select_n3A_1050, %select_n3A_1042 : vector<8x4096xf32>
    %select_n3A_1059 = arith.select %gt3A_1058, %select_n3A_1050, %select_n3A_1042 : vector<8x4096xi1>, vector<8x4096xf32>
    %select_n3A_1060 = arith.select %gt3A_1058, %add3A_1057, %select_n3A_1043 : vector<8x4096xi1>, vector<8x4096xi32>
    %slice3A_1061 = vector.extract_strided_slice %gt3A_17 {offsets = [496, 0], sizes = [8, 1], strides = [1, 1]} : vector<2048x1xi1> to vector<8x1xi1>
    %slice3A_1062 = vector.extract_strided_slice %dot_general3A_10 {offsets = [496, 0], sizes = [8, 4096], strides = [1, 1]} : vector<2048x4096xf32> to vector<8x4096xf32>
    %jit3A_1063 = arith.constant 0xFF800000 : f32
    %broadcast_in_dim3A_1064 = vector.shape_cast %slice3A_1061 : vector<8x1xi1> to vector<8x1xi1>
    %broadcast_in_dim3A_1065 = vector.broadcast %broadcast_in_dim3A_1064 : vector<8x1xi1> to vector<8x4096xi1>
    %broadcast_in_dim3A_1066 = vector.broadcast %jit3A_1063 : f32 to vector<8x4096xf32>
    %select_n3A_1067 = arith.select %broadcast_in_dim3A_1065, %broadcast_in_dim3A_1066, %slice3A_1062 : vector<8x4096xi1>, vector<8x4096xf32>
    %iota3A_1068 = tpu.iota {dimensions = array<i32: 0>} : vector<8x4096xi32>
    %mul3A_1069 = arith.constant 2048 : i32
    %mul3A_1070 = arith.muli %arg1, %mul3A_1069 : i32
    %add3A_1071 = arith.constant 496 : i32
    %add3A_1072 = arith.addi %mul3A_1070, %add3A_1071 : i32
    %add3A_1073 = vector.broadcast %add3A_1072 : i32 to vector<8x4096xi32>
    %add3A_1074 = arith.addi %iota3A_1068, %add3A_1073 : vector<8x4096xi32>
    %gt3A_1075 = arith.cmpf ogt, %select_n3A_1067, %select_n3A_1059 : vector<8x4096xf32>
    %select_n3A_1076 = arith.select %gt3A_1075, %select_n3A_1067, %select_n3A_1059 : vector<8x4096xi1>, vector<8x4096xf32>
    %select_n3A_1077 = arith.select %gt3A_1075, %add3A_1074, %select_n3A_1060 : vector<8x4096xi1>, vector<8x4096xi32>
    %slice3A_1078 = vector.extract_strided_slice %gt3A_17 {offsets = [504, 0], sizes = [8, 1], strides = [1, 1]} : vector<2048x1xi1> to vector<8x1xi1>
    %slice3A_1079 = vector.extract_strided_slice %dot_general3A_10 {offsets = [504, 0], sizes = [8, 4096], strides = [1, 1]} : vector<2048x4096xf32> to vector<8x4096xf32>
    %jit3A_1080 = arith.constant 0xFF800000 : f32
    %broadcast_in_dim3A_1081 = vector.shape_cast %slice3A_1078 : vector<8x1xi1> to vector<8x1xi1>
    %broadcast_in_dim3A_1082 = vector.broadcast %broadcast_in_dim3A_1081 : vector<8x1xi1> to vector<8x4096xi1>
    %broadcast_in_dim3A_1083 = vector.broadcast %jit3A_1080 : f32 to vector<8x4096xf32>
    %select_n3A_1084 = arith.select %broadcast_in_dim3A_1082, %broadcast_in_dim3A_1083, %slice3A_1079 : vector<8x4096xi1>, vector<8x4096xf32>
    %iota3A_1085 = tpu.iota {dimensions = array<i32: 0>} : vector<8x4096xi32>
    %mul3A_1086 = arith.constant 2048 : i32
    %mul3A_1087 = arith.muli %arg1, %mul3A_1086 : i32
    %add3A_1088 = arith.constant 504 : i32
    %add3A_1089 = arith.addi %mul3A_1087, %add3A_1088 : i32
    %add3A_1090 = vector.broadcast %add3A_1089 : i32 to vector<8x4096xi32>
    %add3A_1091 = arith.addi %iota3A_1085, %add3A_1090 : vector<8x4096xi32>
    %gt3A_1092 = arith.cmpf ogt, %select_n3A_1084, %select_n3A_1076 : vector<8x4096xf32>
    %select_n3A_1093 = arith.select %gt3A_1092, %select_n3A_1084, %select_n3A_1076 : vector<8x4096xi1>, vector<8x4096xf32>
    %select_n3A_1094 = arith.select %gt3A_1092, %add3A_1091, %select_n3A_1077 : vector<8x4096xi1>, vector<8x4096xi32>
    %slice3A_1095 = vector.extract_strided_slice %gt3A_17 {offsets = [512, 0], sizes = [8, 1], strides = [1, 1]} : vector<2048x1xi1> to vector<8x1xi1>
    %slice3A_1096 = vector.extract_strided_slice %dot_general3A_10 {offsets = [512, 0], sizes = [8, 4096], strides = [1, 1]} : vector<2048x4096xf32> to vector<8x4096xf32>
    %jit3A_1097 = arith.constant 0xFF800000 : f32
    %broadcast_in_dim3A_1098 = vector.shape_cast %slice3A_1095 : vector<8x1xi1> to vector<8x1xi1>
    %broadcast_in_dim3A_1099 = vector.broadcast %broadcast_in_dim3A_1098 : vector<8x1xi1> to vector<8x4096xi1>
    %broadcast_in_dim3A_1100 = vector.broadcast %jit3A_1097 : f32 to vector<8x4096xf32>
    %select_n3A_1101 = arith.select %broadcast_in_dim3A_1099, %broadcast_in_dim3A_1100, %slice3A_1096 : vector<8x4096xi1>, vector<8x4096xf32>
    %iota3A_1102 = tpu.iota {dimensions = array<i32: 0>} : vector<8x4096xi32>
    %mul3A_1103 = arith.constant 2048 : i32
    %mul3A_1104 = arith.muli %arg1, %mul3A_1103 : i32
    %add3A_1105 = arith.constant 512 : i32
    %add3A_1106 = arith.addi %mul3A_1104, %add3A_1105 : i32
    %add3A_1107 = vector.broadcast %add3A_1106 : i32 to vector<8x4096xi32>
    %add3A_1108 = arith.addi %iota3A_1102, %add3A_1107 : vector<8x4096xi32>
    %gt3A_1109 = arith.cmpf ogt, %select_n3A_1101, %select_n3A_1093 : vector<8x4096xf32>
    %select_n3A_1110 = arith.select %gt3A_1109, %select_n3A_1101, %select_n3A_1093 : vector<8x4096xi1>, vector<8x4096xf32>
    %select_n3A_1111 = arith.select %gt3A_1109, %add3A_1108, %select_n3A_1094 : vector<8x4096xi1>, vector<8x4096xi32>
    %slice3A_1112 = vector.extract_strided_slice %gt3A_17 {offsets = [520, 0], sizes = [8, 1], strides = [1, 1]} : vector<2048x1xi1> to vector<8x1xi1>
    %slice3A_1113 = vector.extract_strided_slice %dot_general3A_10 {offsets = [520, 0], sizes = [8, 4096], strides = [1, 1]} : vector<2048x4096xf32> to vector<8x4096xf32>
    %jit3A_1114 = arith.constant 0xFF800000 : f32
    %broadcast_in_dim3A_1115 = vector.shape_cast %slice3A_1112 : vector<8x1xi1> to vector<8x1xi1>
    %broadcast_in_dim3A_1116 = vector.broadcast %broadcast_in_dim3A_1115 : vector<8x1xi1> to vector<8x4096xi1>
    %broadcast_in_dim3A_1117 = vector.broadcast %jit3A_1114 : f32 to vector<8x4096xf32>
    %select_n3A_1118 = arith.select %broadcast_in_dim3A_1116, %broadcast_in_dim3A_1117, %slice3A_1113 : vector<8x4096xi1>, vector<8x4096xf32>
    %iota3A_1119 = tpu.iota {dimensions = array<i32: 0>} : vector<8x4096xi32>
    %mul3A_1120 = arith.constant 2048 : i32
    %mul3A_1121 = arith.muli %arg1, %mul3A_1120 : i32
    %add3A_1122 = arith.constant 520 : i32
    %add3A_1123 = arith.addi %mul3A_1121, %add3A_1122 : i32
    %add3A_1124 = vector.broadcast %add3A_1123 : i32 to vector<8x4096xi32>
    %add3A_1125 = arith.addi %iota3A_1119, %add3A_1124 : vector<8x4096xi32>
    %gt3A_1126 = arith.cmpf ogt, %select_n3A_1118, %select_n3A_1110 : vector<8x4096xf32>
    %select_n3A_1127 = arith.select %gt3A_1126, %select_n3A_1118, %select_n3A_1110 : vector<8x4096xi1>, vector<8x4096xf32>
    %select_n3A_1128 = arith.select %gt3A_1126, %add3A_1125, %select_n3A_1111 : vector<8x4096xi1>, vector<8x4096xi32>
    %slice3A_1129 = vector.extract_strided_slice %gt3A_17 {offsets = [528, 0], sizes = [8, 1], strides = [1, 1]} : vector<2048x1xi1> to vector<8x1xi1>
    %slice3A_1130 = vector.extract_strided_slice %dot_general3A_10 {offsets = [528, 0], sizes = [8, 4096], strides = [1, 1]} : vector<2048x4096xf32> to vector<8x4096xf32>
    %jit3A_1131 = arith.constant 0xFF800000 : f32
    %broadcast_in_dim3A_1132 = vector.shape_cast %slice3A_1129 : vector<8x1xi1> to vector<8x1xi1>
    %broadcast_in_dim3A_1133 = vector.broadcast %broadcast_in_dim3A_1132 : vector<8x1xi1> to vector<8x4096xi1>
    %broadcast_in_dim3A_1134 = vector.broadcast %jit3A_1131 : f32 to vector<8x4096xf32>
    %select_n3A_1135 = arith.select %broadcast_in_dim3A_1133, %broadcast_in_dim3A_1134, %slice3A_1130 : vector<8x4096xi1>, vector<8x4096xf32>
    %iota3A_1136 = tpu.iota {dimensions = array<i32: 0>} : vector<8x4096xi32>
    %mul3A_1137 = arith.constant 2048 : i32
    %mul3A_1138 = arith.muli %arg1, %mul3A_1137 : i32
    %add3A_1139 = arith.constant 528 : i32
    %add3A_1140 = arith.addi %mul3A_1138, %add3A_1139 : i32
    %add3A_1141 = vector.broadcast %add3A_1140 : i32 to vector<8x4096xi32>
    %add3A_1142 = arith.addi %iota3A_1136, %add3A_1141 : vector<8x4096xi32>
    %gt3A_1143 = arith.cmpf ogt, %select_n3A_1135, %select_n3A_1127 : vector<8x4096xf32>
    %select_n3A_1144 = arith.select %gt3A_1143, %select_n3A_1135, %select_n3A_1127 : vector<8x4096xi1>, vector<8x4096xf32>
    %select_n3A_1145 = arith.select %gt3A_1143, %add3A_1142, %select_n3A_1128 : vector<8x4096xi1>, vector<8x4096xi32>
    %slice3A_1146 = vector.extract_strided_slice %gt3A_17 {offsets = [536, 0], sizes = [8, 1], strides = [1, 1]} : vector<2048x1xi1> to vector<8x1xi1>
    %slice3A_1147 = vector.extract_strided_slice %dot_general3A_10 {offsets = [536, 0], sizes = [8, 4096], strides = [1, 1]} : vector<2048x4096xf32> to vector<8x4096xf32>
    %jit3A_1148 = arith.constant 0xFF800000 : f32
    %broadcast_in_dim3A_1149 = vector.shape_cast %slice3A_1146 : vector<8x1xi1> to vector<8x1xi1>
    %broadcast_in_dim3A_1150 = vector.broadcast %broadcast_in_dim3A_1149 : vector<8x1xi1> to vector<8x4096xi1>
    %broadcast_in_dim3A_1151 = vector.broadcast %jit3A_1148 : f32 to vector<8x4096xf32>
    %select_n3A_1152 = arith.select %broadcast_in_dim3A_1150, %broadcast_in_dim3A_1151, %slice3A_1147 : vector<8x4096xi1>, vector<8x4096xf32>
    %iota3A_1153 = tpu.iota {dimensions = array<i32: 0>} : vector<8x4096xi32>
    %mul3A_1154 = arith.constant 2048 : i32
    %mul3A_1155 = arith.muli %arg1, %mul3A_1154 : i32
    %add3A_1156 = arith.constant 536 : i32
    %add3A_1157 = arith.addi %mul3A_1155, %add3A_1156 : i32
    %add3A_1158 = vector.broadcast %add3A_1157 : i32 to vector<8x4096xi32>
    %add3A_1159 = arith.addi %iota3A_1153, %add3A_1158 : vector<8x4096xi32>
    %gt3A_1160 = arith.cmpf ogt, %select_n3A_1152, %select_n3A_1144 : vector<8x4096xf32>
    %select_n3A_1161 = arith.select %gt3A_1160, %select_n3A_1152, %select_n3A_1144 : vector<8x4096xi1>, vector<8x4096xf32>
    %select_n3A_1162 = arith.select %gt3A_1160, %add3A_1159, %select_n3A_1145 : vector<8x4096xi1>, vector<8x4096xi32>
    %slice3A_1163 = vector.extract_strided_slice %gt3A_17 {offsets = [544, 0], sizes = [8, 1], strides = [1, 1]} : vector<2048x1xi1> to vector<8x1xi1>
    %slice3A_1164 = vector.extract_strided_slice %dot_general3A_10 {offsets = [544, 0], sizes = [8, 4096], strides = [1, 1]} : vector<2048x4096xf32> to vector<8x4096xf32>
    %jit3A_1165 = arith.constant 0xFF800000 : f32
    %broadcast_in_dim3A_1166 = vector.shape_cast %slice3A_1163 : vector<8x1xi1> to vector<8x1xi1>
    %broadcast_in_dim3A_1167 = vector.broadcast %broadcast_in_dim3A_1166 : vector<8x1xi1> to vector<8x4096xi1>
    %broadcast_in_dim3A_1168 = vector.broadcast %jit3A_1165 : f32 to vector<8x4096xf32>
    %select_n3A_1169 = arith.select %broadcast_in_dim3A_1167, %broadcast_in_dim3A_1168, %slice3A_1164 : vector<8x4096xi1>, vector<8x4096xf32>
    %iota3A_1170 = tpu.iota {dimensions = array<i32: 0>} : vector<8x4096xi32>
    %mul3A_1171 = arith.constant 2048 : i32
    %mul3A_1172 = arith.muli %arg1, %mul3A_1171 : i32
    %add3A_1173 = arith.constant 544 : i32
    %add3A_1174 = arith.addi %mul3A_1172, %add3A_1173 : i32
    %add3A_1175 = vector.broadcast %add3A_1174 : i32 to vector<8x4096xi32>
    %add3A_1176 = arith.addi %iota3A_1170, %add3A_1175 : vector<8x4096xi32>
    %gt3A_1177 = arith.cmpf ogt, %select_n3A_1169, %select_n3A_1161 : vector<8x4096xf32>
    %select_n3A_1178 = arith.select %gt3A_1177, %select_n3A_1169, %select_n3A_1161 : vector<8x4096xi1>, vector<8x4096xf32>
    %select_n3A_1179 = arith.select %gt3A_1177, %add3A_1176, %select_n3A_1162 : vector<8x4096xi1>, vector<8x4096xi32>
    %slice3A_1180 = vector.extract_strided_slice %gt3A_17 {offsets = [552, 0], sizes = [8, 1], strides = [1, 1]} : vector<2048x1xi1> to vector<8x1xi1>
    %slice3A_1181 = vector.extract_strided_slice %dot_general3A_10 {offsets = [552, 0], sizes = [8, 4096], strides = [1, 1]} : vector<2048x4096xf32> to vector<8x4096xf32>
    %jit3A_1182 = arith.constant 0xFF800000 : f32
    %broadcast_in_dim3A_1183 = vector.shape_cast %slice3A_1180 : vector<8x1xi1> to vector<8x1xi1>
    %broadcast_in_dim3A_1184 = vector.broadcast %broadcast_in_dim3A_1183 : vector<8x1xi1> to vector<8x4096xi1>
    %broadcast_in_dim3A_1185 = vector.broadcast %jit3A_1182 : f32 to vector<8x4096xf32>
    %select_n3A_1186 = arith.select %broadcast_in_dim3A_1184, %broadcast_in_dim3A_1185, %slice3A_1181 : vector<8x4096xi1>, vector<8x4096xf32>
    %iota3A_1187 = tpu.iota {dimensions = array<i32: 0>} : vector<8x4096xi32>
    %mul3A_1188 = arith.constant 2048 : i32
    %mul3A_1189 = arith.muli %arg1, %mul3A_1188 : i32
    %add3A_1190 = arith.constant 552 : i32
    %add3A_1191 = arith.addi %mul3A_1189, %add3A_1190 : i32
    %add3A_1192 = vector.broadcast %add3A_1191 : i32 to vector<8x4096xi32>
    %add3A_1193 = arith.addi %iota3A_1187, %add3A_1192 : vector<8x4096xi32>
    %gt3A_1194 = arith.cmpf ogt, %select_n3A_1186, %select_n3A_1178 : vector<8x4096xf32>
    %select_n3A_1195 = arith.select %gt3A_1194, %select_n3A_1186, %select_n3A_1178 : vector<8x4096xi1>, vector<8x4096xf32>
    %select_n3A_1196 = arith.select %gt3A_1194, %add3A_1193, %select_n3A_1179 : vector<8x4096xi1>, vector<8x4096xi32>
    %slice3A_1197 = vector.extract_strided_slice %gt3A_17 {offsets = [560, 0], sizes = [8, 1], strides = [1, 1]} : vector<2048x1xi1> to vector<8x1xi1>
    %slice3A_1198 = vector.extract_strided_slice %dot_general3A_10 {offsets = [560, 0], sizes = [8, 4096], strides = [1, 1]} : vector<2048x4096xf32> to vector<8x4096xf32>
    %jit3A_1199 = arith.constant 0xFF800000 : f32
    %broadcast_in_dim3A_1200 = vector.shape_cast %slice3A_1197 : vector<8x1xi1> to vector<8x1xi1>
    %broadcast_in_dim3A_1201 = vector.broadcast %broadcast_in_dim3A_1200 : vector<8x1xi1> to vector<8x4096xi1>
    %broadcast_in_dim3A_1202 = vector.broadcast %jit3A_1199 : f32 to vector<8x4096xf32>
    %select_n3A_1203 = arith.select %broadcast_in_dim3A_1201, %broadcast_in_dim3A_1202, %slice3A_1198 : vector<8x4096xi1>, vector<8x4096xf32>
    %iota3A_1204 = tpu.iota {dimensions = array<i32: 0>} : vector<8x4096xi32>
    %mul3A_1205 = arith.constant 2048 : i32
    %mul3A_1206 = arith.muli %arg1, %mul3A_1205 : i32
    %add3A_1207 = arith.constant 560 : i32
    %add3A_1208 = arith.addi %mul3A_1206, %add3A_1207 : i32
    %add3A_1209 = vector.broadcast %add3A_1208 : i32 to vector<8x4096xi32>
    %add3A_1210 = arith.addi %iota3A_1204, %add3A_1209 : vector<8x4096xi32>
    %gt3A_1211 = arith.cmpf ogt, %select_n3A_1203, %select_n3A_1195 : vector<8x4096xf32>
    %select_n3A_1212 = arith.select %gt3A_1211, %select_n3A_1203, %select_n3A_1195 : vector<8x4096xi1>, vector<8x4096xf32>
    %select_n3A_1213 = arith.select %gt3A_1211, %add3A_1210, %select_n3A_1196 : vector<8x4096xi1>, vector<8x4096xi32>
    %slice3A_1214 = vector.extract_strided_slice %gt3A_17 {offsets = [568, 0], sizes = [8, 1], strides = [1, 1]} : vector<2048x1xi1> to vector<8x1xi1>
    %slice3A_1215 = vector.extract_strided_slice %dot_general3A_10 {offsets = [568, 0], sizes = [8, 4096], strides = [1, 1]} : vector<2048x4096xf32> to vector<8x4096xf32>
    %jit3A_1216 = arith.constant 0xFF800000 : f32
    %broadcast_in_dim3A_1217 = vector.shape_cast %slice3A_1214 : vector<8x1xi1> to vector<8x1xi1>
    %broadcast_in_dim3A_1218 = vector.broadcast %broadcast_in_dim3A_1217 : vector<8x1xi1> to vector<8x4096xi1>
    %broadcast_in_dim3A_1219 = vector.broadcast %jit3A_1216 : f32 to vector<8x4096xf32>
    %select_n3A_1220 = arith.select %broadcast_in_dim3A_1218, %broadcast_in_dim3A_1219, %slice3A_1215 : vector<8x4096xi1>, vector<8x4096xf32>
    %iota3A_1221 = tpu.iota {dimensions = array<i32: 0>} : vector<8x4096xi32>
    %mul3A_1222 = arith.constant 2048 : i32
    %mul3A_1223 = arith.muli %arg1, %mul3A_1222 : i32
    %add3A_1224 = arith.constant 568 : i32
    %add3A_1225 = arith.addi %mul3A_1223, %add3A_1224 : i32
    %add3A_1226 = vector.broadcast %add3A_1225 : i32 to vector<8x4096xi32>
    %add3A_1227 = arith.addi %iota3A_1221, %add3A_1226 : vector<8x4096xi32>
    %gt3A_1228 = arith.cmpf ogt, %select_n3A_1220, %select_n3A_1212 : vector<8x4096xf32>
    %select_n3A_1229 = arith.select %gt3A_1228, %select_n3A_1220, %select_n3A_1212 : vector<8x4096xi1>, vector<8x4096xf32>
    %select_n3A_1230 = arith.select %gt3A_1228, %add3A_1227, %select_n3A_1213 : vector<8x4096xi1>, vector<8x4096xi32>
    %slice3A_1231 = vector.extract_strided_slice %gt3A_17 {offsets = [576, 0], sizes = [8, 1], strides = [1, 1]} : vector<2048x1xi1> to vector<8x1xi1>
    %slice3A_1232 = vector.extract_strided_slice %dot_general3A_10 {offsets = [576, 0], sizes = [8, 4096], strides = [1, 1]} : vector<2048x4096xf32> to vector<8x4096xf32>
    %jit3A_1233 = arith.constant 0xFF800000 : f32
    %broadcast_in_dim3A_1234 = vector.shape_cast %slice3A_1231 : vector<8x1xi1> to vector<8x1xi1>
    %broadcast_in_dim3A_1235 = vector.broadcast %broadcast_in_dim3A_1234 : vector<8x1xi1> to vector<8x4096xi1>
    %broadcast_in_dim3A_1236 = vector.broadcast %jit3A_1233 : f32 to vector<8x4096xf32>
    %select_n3A_1237 = arith.select %broadcast_in_dim3A_1235, %broadcast_in_dim3A_1236, %slice3A_1232 : vector<8x4096xi1>, vector<8x4096xf32>
    %iota3A_1238 = tpu.iota {dimensions = array<i32: 0>} : vector<8x4096xi32>
    %mul3A_1239 = arith.constant 2048 : i32
    %mul3A_1240 = arith.muli %arg1, %mul3A_1239 : i32
    %add3A_1241 = arith.constant 576 : i32
    %add3A_1242 = arith.addi %mul3A_1240, %add3A_1241 : i32
    %add3A_1243 = vector.broadcast %add3A_1242 : i32 to vector<8x4096xi32>
    %add3A_1244 = arith.addi %iota3A_1238, %add3A_1243 : vector<8x4096xi32>
    %gt3A_1245 = arith.cmpf ogt, %select_n3A_1237, %select_n3A_1229 : vector<8x4096xf32>
    %select_n3A_1246 = arith.select %gt3A_1245, %select_n3A_1237, %select_n3A_1229 : vector<8x4096xi1>, vector<8x4096xf32>
    %select_n3A_1247 = arith.select %gt3A_1245, %add3A_1244, %select_n3A_1230 : vector<8x4096xi1>, vector<8x4096xi32>
    %slice3A_1248 = vector.extract_strided_slice %gt3A_17 {offsets = [584, 0], sizes = [8, 1], strides = [1, 1]} : vector<2048x1xi1> to vector<8x1xi1>
    %slice3A_1249 = vector.extract_strided_slice %dot_general3A_10 {offsets = [584, 0], sizes = [8, 4096], strides = [1, 1]} : vector<2048x4096xf32> to vector<8x4096xf32>
    %jit3A_1250 = arith.constant 0xFF800000 : f32
    %broadcast_in_dim3A_1251 = vector.shape_cast %slice3A_1248 : vector<8x1xi1> to vector<8x1xi1>
    %broadcast_in_dim3A_1252 = vector.broadcast %broadcast_in_dim3A_1251 : vector<8x1xi1> to vector<8x4096xi1>
    %broadcast_in_dim3A_1253 = vector.broadcast %jit3A_1250 : f32 to vector<8x4096xf32>
    %select_n3A_1254 = arith.select %broadcast_in_dim3A_1252, %broadcast_in_dim3A_1253, %slice3A_1249 : vector<8x4096xi1>, vector<8x4096xf32>
    %iota3A_1255 = tpu.iota {dimensions = array<i32: 0>} : vector<8x4096xi32>
    %mul3A_1256 = arith.constant 2048 : i32
    %mul3A_1257 = arith.muli %arg1, %mul3A_1256 : i32
    %add3A_1258 = arith.constant 584 : i32
    %add3A_1259 = arith.addi %mul3A_1257, %add3A_1258 : i32
    %add3A_1260 = vector.broadcast %add3A_1259 : i32 to vector<8x4096xi32>
    %add3A_1261 = arith.addi %iota3A_1255, %add3A_1260 : vector<8x4096xi32>
    %gt3A_1262 = arith.cmpf ogt, %select_n3A_1254, %select_n3A_1246 : vector<8x4096xf32>
    %select_n3A_1263 = arith.select %gt3A_1262, %select_n3A_1254, %select_n3A_1246 : vector<8x4096xi1>, vector<8x4096xf32>
    %select_n3A_1264 = arith.select %gt3A_1262, %add3A_1261, %select_n3A_1247 : vector<8x4096xi1>, vector<8x4096xi32>
    %slice3A_1265 = vector.extract_strided_slice %gt3A_17 {offsets = [592, 0], sizes = [8, 1], strides = [1, 1]} : vector<2048x1xi1> to vector<8x1xi1>
    %slice3A_1266 = vector.extract_strided_slice %dot_general3A_10 {offsets = [592, 0], sizes = [8, 4096], strides = [1, 1]} : vector<2048x4096xf32> to vector<8x4096xf32>
    %jit3A_1267 = arith.constant 0xFF800000 : f32
    %broadcast_in_dim3A_1268 = vector.shape_cast %slice3A_1265 : vector<8x1xi1> to vector<8x1xi1>
    %broadcast_in_dim3A_1269 = vector.broadcast %broadcast_in_dim3A_1268 : vector<8x1xi1> to vector<8x4096xi1>
    %broadcast_in_dim3A_1270 = vector.broadcast %jit3A_1267 : f32 to vector<8x4096xf32>
    %select_n3A_1271 = arith.select %broadcast_in_dim3A_1269, %broadcast_in_dim3A_1270, %slice3A_1266 : vector<8x4096xi1>, vector<8x4096xf32>
    %iota3A_1272 = tpu.iota {dimensions = array<i32: 0>} : vector<8x4096xi32>
    %mul3A_1273 = arith.constant 2048 : i32
    %mul3A_1274 = arith.muli %arg1, %mul3A_1273 : i32
    %add3A_1275 = arith.constant 592 : i32
    %add3A_1276 = arith.addi %mul3A_1274, %add3A_1275 : i32
    %add3A_1277 = vector.broadcast %add3A_1276 : i32 to vector<8x4096xi32>
    %add3A_1278 = arith.addi %iota3A_1272, %add3A_1277 : vector<8x4096xi32>
    %gt3A_1279 = arith.cmpf ogt, %select_n3A_1271, %select_n3A_1263 : vector<8x4096xf32>
    %select_n3A_1280 = arith.select %gt3A_1279, %select_n3A_1271, %select_n3A_1263 : vector<8x4096xi1>, vector<8x4096xf32>
    %select_n3A_1281 = arith.select %gt3A_1279, %add3A_1278, %select_n3A_1264 : vector<8x4096xi1>, vector<8x4096xi32>
    %slice3A_1282 = vector.extract_strided_slice %gt3A_17 {offsets = [600, 0], sizes = [8, 1], strides = [1, 1]} : vector<2048x1xi1> to vector<8x1xi1>
    %slice3A_1283 = vector.extract_strided_slice %dot_general3A_10 {offsets = [600, 0], sizes = [8, 4096], strides = [1, 1]} : vector<2048x4096xf32> to vector<8x4096xf32>
    %jit3A_1284 = arith.constant 0xFF800000 : f32
    %broadcast_in_dim3A_1285 = vector.shape_cast %slice3A_1282 : vector<8x1xi1> to vector<8x1xi1>
    %broadcast_in_dim3A_1286 = vector.broadcast %broadcast_in_dim3A_1285 : vector<8x1xi1> to vector<8x4096xi1>
    %broadcast_in_dim3A_1287 = vector.broadcast %jit3A_1284 : f32 to vector<8x4096xf32>
    %select_n3A_1288 = arith.select %broadcast_in_dim3A_1286, %broadcast_in_dim3A_1287, %slice3A_1283 : vector<8x4096xi1>, vector<8x4096xf32>
    %iota3A_1289 = tpu.iota {dimensions = array<i32: 0>} : vector<8x4096xi32>
    %mul3A_1290 = arith.constant 2048 : i32
    %mul3A_1291 = arith.muli %arg1, %mul3A_1290 : i32
    %add3A_1292 = arith.constant 600 : i32
    %add3A_1293 = arith.addi %mul3A_1291, %add3A_1292 : i32
    %add3A_1294 = vector.broadcast %add3A_1293 : i32 to vector<8x4096xi32>
    %add3A_1295 = arith.addi %iota3A_1289, %add3A_1294 : vector<8x4096xi32>
    %gt3A_1296 = arith.cmpf ogt, %select_n3A_1288, %select_n3A_1280 : vector<8x4096xf32>
    %select_n3A_1297 = arith.select %gt3A_1296, %select_n3A_1288, %select_n3A_1280 : vector<8x4096xi1>, vector<8x4096xf32>
    %select_n3A_1298 = arith.select %gt3A_1296, %add3A_1295, %select_n3A_1281 : vector<8x4096xi1>, vector<8x4096xi32>
    %slice3A_1299 = vector.extract_strided_slice %gt3A_17 {offsets = [608, 0], sizes = [8, 1], strides = [1, 1]} : vector<2048x1xi1> to vector<8x1xi1>
    %slice3A_1300 = vector.extract_strided_slice %dot_general3A_10 {offsets = [608, 0], sizes = [8, 4096], strides = [1, 1]} : vector<2048x4096xf32> to vector<8x4096xf32>
    %jit3A_1301 = arith.constant 0xFF800000 : f32
    %broadcast_in_dim3A_1302 = vector.shape_cast %slice3A_1299 : vector<8x1xi1> to vector<8x1xi1>
    %broadcast_in_dim3A_1303 = vector.broadcast %broadcast_in_dim3A_1302 : vector<8x1xi1> to vector<8x4096xi1>
    %broadcast_in_dim3A_1304 = vector.broadcast %jit3A_1301 : f32 to vector<8x4096xf32>
    %select_n3A_1305 = arith.select %broadcast_in_dim3A_1303, %broadcast_in_dim3A_1304, %slice3A_1300 : vector<8x4096xi1>, vector<8x4096xf32>
    %iota3A_1306 = tpu.iota {dimensions = array<i32: 0>} : vector<8x4096xi32>
    %mul3A_1307 = arith.constant 2048 : i32
    %mul3A_1308 = arith.muli %arg1, %mul3A_1307 : i32
    %add3A_1309 = arith.constant 608 : i32
    %add3A_1310 = arith.addi %mul3A_1308, %add3A_1309 : i32
    %add3A_1311 = vector.broadcast %add3A_1310 : i32 to vector<8x4096xi32>
    %add3A_1312 = arith.addi %iota3A_1306, %add3A_1311 : vector<8x4096xi32>
    %gt3A_1313 = arith.cmpf ogt, %select_n3A_1305, %select_n3A_1297 : vector<8x4096xf32>
    %select_n3A_1314 = arith.select %gt3A_1313, %select_n3A_1305, %select_n3A_1297 : vector<8x4096xi1>, vector<8x4096xf32>
    %select_n3A_1315 = arith.select %gt3A_1313, %add3A_1312, %select_n3A_1298 : vector<8x4096xi1>, vector<8x4096xi32>
    %slice3A_1316 = vector.extract_strided_slice %gt3A_17 {offsets = [616, 0], sizes = [8, 1], strides = [1, 1]} : vector<2048x1xi1> to vector<8x1xi1>
    %slice3A_1317 = vector.extract_strided_slice %dot_general3A_10 {offsets = [616, 0], sizes = [8, 4096], strides = [1, 1]} : vector<2048x4096xf32> to vector<8x4096xf32>
    %jit3A_1318 = arith.constant 0xFF800000 : f32
    %broadcast_in_dim3A_1319 = vector.shape_cast %slice3A_1316 : vector<8x1xi1> to vector<8x1xi1>
    %broadcast_in_dim3A_1320 = vector.broadcast %broadcast_in_dim3A_1319 : vector<8x1xi1> to vector<8x4096xi1>
    %broadcast_in_dim3A_1321 = vector.broadcast %jit3A_1318 : f32 to vector<8x4096xf32>
    %select_n3A_1322 = arith.select %broadcast_in_dim3A_1320, %broadcast_in_dim3A_1321, %slice3A_1317 : vector<8x4096xi1>, vector<8x4096xf32>
    %iota3A_1323 = tpu.iota {dimensions = array<i32: 0>} : vector<8x4096xi32>
    %mul3A_1324 = arith.constant 2048 : i32
    %mul3A_1325 = arith.muli %arg1, %mul3A_1324 : i32
    %add3A_1326 = arith.constant 616 : i32
    %add3A_1327 = arith.addi %mul3A_1325, %add3A_1326 : i32
    %add3A_1328 = vector.broadcast %add3A_1327 : i32 to vector<8x4096xi32>
    %add3A_1329 = arith.addi %iota3A_1323, %add3A_1328 : vector<8x4096xi32>
    %gt3A_1330 = arith.cmpf ogt, %select_n3A_1322, %select_n3A_1314 : vector<8x4096xf32>
    %select_n3A_1331 = arith.select %gt3A_1330, %select_n3A_1322, %select_n3A_1314 : vector<8x4096xi1>, vector<8x4096xf32>
    %select_n3A_1332 = arith.select %gt3A_1330, %add3A_1329, %select_n3A_1315 : vector<8x4096xi1>, vector<8x4096xi32>
    %slice3A_1333 = vector.extract_strided_slice %gt3A_17 {offsets = [624, 0], sizes = [8, 1], strides = [1, 1]} : vector<2048x1xi1> to vector<8x1xi1>
    %slice3A_1334 = vector.extract_strided_slice %dot_general3A_10 {offsets = [624, 0], sizes = [8, 4096], strides = [1, 1]} : vector<2048x4096xf32> to vector<8x4096xf32>
    %jit3A_1335 = arith.constant 0xFF800000 : f32
    %broadcast_in_dim3A_1336 = vector.shape_cast %slice3A_1333 : vector<8x1xi1> to vector<8x1xi1>
    %broadcast_in_dim3A_1337 = vector.broadcast %broadcast_in_dim3A_1336 : vector<8x1xi1> to vector<8x4096xi1>
    %broadcast_in_dim3A_1338 = vector.broadcast %jit3A_1335 : f32 to vector<8x4096xf32>
    %select_n3A_1339 = arith.select %broadcast_in_dim3A_1337, %broadcast_in_dim3A_1338, %slice3A_1334 : vector<8x4096xi1>, vector<8x4096xf32>
    %iota3A_1340 = tpu.iota {dimensions = array<i32: 0>} : vector<8x4096xi32>
    %mul3A_1341 = arith.constant 2048 : i32
    %mul3A_1342 = arith.muli %arg1, %mul3A_1341 : i32
    %add3A_1343 = arith.constant 624 : i32
    %add3A_1344 = arith.addi %mul3A_1342, %add3A_1343 : i32
    %add3A_1345 = vector.broadcast %add3A_1344 : i32 to vector<8x4096xi32>
    %add3A_1346 = arith.addi %iota3A_1340, %add3A_1345 : vector<8x4096xi32>
    %gt3A_1347 = arith.cmpf ogt, %select_n3A_1339, %select_n3A_1331 : vector<8x4096xf32>
    %select_n3A_1348 = arith.select %gt3A_1347, %select_n3A_1339, %select_n3A_1331 : vector<8x4096xi1>, vector<8x4096xf32>
    %select_n3A_1349 = arith.select %gt3A_1347, %add3A_1346, %select_n3A_1332 : vector<8x4096xi1>, vector<8x4096xi32>
    %slice3A_1350 = vector.extract_strided_slice %gt3A_17 {offsets = [632, 0], sizes = [8, 1], strides = [1, 1]} : vector<2048x1xi1> to vector<8x1xi1>
    %slice3A_1351 = vector.extract_strided_slice %dot_general3A_10 {offsets = [632, 0], sizes = [8, 4096], strides = [1, 1]} : vector<2048x4096xf32> to vector<8x4096xf32>
    %jit3A_1352 = arith.constant 0xFF800000 : f32
    %broadcast_in_dim3A_1353 = vector.shape_cast %slice3A_1350 : vector<8x1xi1> to vector<8x1xi1>
    %broadcast_in_dim3A_1354 = vector.broadcast %broadcast_in_dim3A_1353 : vector<8x1xi1> to vector<8x4096xi1>
    %broadcast_in_dim3A_1355 = vector.broadcast %jit3A_1352 : f32 to vector<8x4096xf32>
    %select_n3A_1356 = arith.select %broadcast_in_dim3A_1354, %broadcast_in_dim3A_1355, %slice3A_1351 : vector<8x4096xi1>, vector<8x4096xf32>
    %iota3A_1357 = tpu.iota {dimensions = array<i32: 0>} : vector<8x4096xi32>
    %mul3A_1358 = arith.constant 2048 : i32
    %mul3A_1359 = arith.muli %arg1, %mul3A_1358 : i32
    %add3A_1360 = arith.constant 632 : i32
    %add3A_1361 = arith.addi %mul3A_1359, %add3A_1360 : i32
    %add3A_1362 = vector.broadcast %add3A_1361 : i32 to vector<8x4096xi32>
    %add3A_1363 = arith.addi %iota3A_1357, %add3A_1362 : vector<8x4096xi32>
    %gt3A_1364 = arith.cmpf ogt, %select_n3A_1356, %select_n3A_1348 : vector<8x4096xf32>
    %select_n3A_1365 = arith.select %gt3A_1364, %select_n3A_1356, %select_n3A_1348 : vector<8x4096xi1>, vector<8x4096xf32>
    %select_n3A_1366 = arith.select %gt3A_1364, %add3A_1363, %select_n3A_1349 : vector<8x4096xi1>, vector<8x4096xi32>
    %slice3A_1367 = vector.extract_strided_slice %gt3A_17 {offsets = [640, 0], sizes = [8, 1], strides = [1, 1]} : vector<2048x1xi1> to vector<8x1xi1>
    %slice3A_1368 = vector.extract_strided_slice %dot_general3A_10 {offsets = [640, 0], sizes = [8, 4096], strides = [1, 1]} : vector<2048x4096xf32> to vector<8x4096xf32>
    %jit3A_1369 = arith.constant 0xFF800000 : f32
    %broadcast_in_dim3A_1370 = vector.shape_cast %slice3A_1367 : vector<8x1xi1> to vector<8x1xi1>
    %broadcast_in_dim3A_1371 = vector.broadcast %broadcast_in_dim3A_1370 : vector<8x1xi1> to vector<8x4096xi1>
    %broadcast_in_dim3A_1372 = vector.broadcast %jit3A_1369 : f32 to vector<8x4096xf32>
    %select_n3A_1373 = arith.select %broadcast_in_dim3A_1371, %broadcast_in_dim3A_1372, %slice3A_1368 : vector<8x4096xi1>, vector<8x4096xf32>
    %iota3A_1374 = tpu.iota {dimensions = array<i32: 0>} : vector<8x4096xi32>
    %mul3A_1375 = arith.constant 2048 : i32
    %mul3A_1376 = arith.muli %arg1, %mul3A_1375 : i32
    %add3A_1377 = arith.constant 640 : i32
    %add3A_1378 = arith.addi %mul3A_1376, %add3A_1377 : i32
    %add3A_1379 = vector.broadcast %add3A_1378 : i32 to vector<8x4096xi32>
    %add3A_1380 = arith.addi %iota3A_1374, %add3A_1379 : vector<8x4096xi32>
    %gt3A_1381 = arith.cmpf ogt, %select_n3A_1373, %select_n3A_1365 : vector<8x4096xf32>
    %select_n3A_1382 = arith.select %gt3A_1381, %select_n3A_1373, %select_n3A_1365 : vector<8x4096xi1>, vector<8x4096xf32>
    %select_n3A_1383 = arith.select %gt3A_1381, %add3A_1380, %select_n3A_1366 : vector<8x4096xi1>, vector<8x4096xi32>
    %slice3A_1384 = vector.extract_strided_slice %gt3A_17 {offsets = [648, 0], sizes = [8, 1], strides = [1, 1]} : vector<2048x1xi1> to vector<8x1xi1>
    %slice3A_1385 = vector.extract_strided_slice %dot_general3A_10 {offsets = [648, 0], sizes = [8, 4096], strides = [1, 1]} : vector<2048x4096xf32> to vector<8x4096xf32>
    %jit3A_1386 = arith.constant 0xFF800000 : f32
    %broadcast_in_dim3A_1387 = vector.shape_cast %slice3A_1384 : vector<8x1xi1> to vector<8x1xi1>
    %broadcast_in_dim3A_1388 = vector.broadcast %broadcast_in_dim3A_1387 : vector<8x1xi1> to vector<8x4096xi1>
    %broadcast_in_dim3A_1389 = vector.broadcast %jit3A_1386 : f32 to vector<8x4096xf32>
    %select_n3A_1390 = arith.select %broadcast_in_dim3A_1388, %broadcast_in_dim3A_1389, %slice3A_1385 : vector<8x4096xi1>, vector<8x4096xf32>
    %iota3A_1391 = tpu.iota {dimensions = array<i32: 0>} : vector<8x4096xi32>
    %mul3A_1392 = arith.constant 2048 : i32
    %mul3A_1393 = arith.muli %arg1, %mul3A_1392 : i32
    %add3A_1394 = arith.constant 648 : i32
    %add3A_1395 = arith.addi %mul3A_1393, %add3A_1394 : i32
    %add3A_1396 = vector.broadcast %add3A_1395 : i32 to vector<8x4096xi32>
    %add3A_1397 = arith.addi %iota3A_1391, %add3A_1396 : vector<8x4096xi32>
    %gt3A_1398 = arith.cmpf ogt, %select_n3A_1390, %select_n3A_1382 : vector<8x4096xf32>
    %select_n3A_1399 = arith.select %gt3A_1398, %select_n3A_1390, %select_n3A_1382 : vector<8x4096xi1>, vector<8x4096xf32>
    %select_n3A_1400 = arith.select %gt3A_1398, %add3A_1397, %select_n3A_1383 : vector<8x4096xi1>, vector<8x4096xi32>
    %slice3A_1401 = vector.extract_strided_slice %gt3A_17 {offsets = [656, 0], sizes = [8, 1], strides = [1, 1]} : vector<2048x1xi1> to vector<8x1xi1>
    %slice3A_1402 = vector.extract_strided_slice %dot_general3A_10 {offsets = [656, 0], sizes = [8, 4096], strides = [1, 1]} : vector<2048x4096xf32> to vector<8x4096xf32>
    %jit3A_1403 = arith.constant 0xFF800000 : f32
    %broadcast_in_dim3A_1404 = vector.shape_cast %slice3A_1401 : vector<8x1xi1> to vector<8x1xi1>
    %broadcast_in_dim3A_1405 = vector.broadcast %broadcast_in_dim3A_1404 : vector<8x1xi1> to vector<8x4096xi1>
    %broadcast_in_dim3A_1406 = vector.broadcast %jit3A_1403 : f32 to vector<8x4096xf32>
    %select_n3A_1407 = arith.select %broadcast_in_dim3A_1405, %broadcast_in_dim3A_1406, %slice3A_1402 : vector<8x4096xi1>, vector<8x4096xf32>
    %iota3A_1408 = tpu.iota {dimensions = array<i32: 0>} : vector<8x4096xi32>
    %mul3A_1409 = arith.constant 2048 : i32
    %mul3A_1410 = arith.muli %arg1, %mul3A_1409 : i32
    %add3A_1411 = arith.constant 656 : i32
    %add3A_1412 = arith.addi %mul3A_1410, %add3A_1411 : i32
    %add3A_1413 = vector.broadcast %add3A_1412 : i32 to vector<8x4096xi32>
    %add3A_1414 = arith.addi %iota3A_1408, %add3A_1413 : vector<8x4096xi32>
    %gt3A_1415 = arith.cmpf ogt, %select_n3A_1407, %select_n3A_1399 : vector<8x4096xf32>
    %select_n3A_1416 = arith.select %gt3A_1415, %select_n3A_1407, %select_n3A_1399 : vector<8x4096xi1>, vector<8x4096xf32>
    %select_n3A_1417 = arith.select %gt3A_1415, %add3A_1414, %select_n3A_1400 : vector<8x4096xi1>, vector<8x4096xi32>
    %slice3A_1418 = vector.extract_strided_slice %gt3A_17 {offsets = [664, 0], sizes = [8, 1], strides = [1, 1]} : vector<2048x1xi1> to vector<8x1xi1>
    %slice3A_1419 = vector.extract_strided_slice %dot_general3A_10 {offsets = [664, 0], sizes = [8, 4096], strides = [1, 1]} : vector<2048x4096xf32> to vector<8x4096xf32>
    %jit3A_1420 = arith.constant 0xFF800000 : f32
    %broadcast_in_dim3A_1421 = vector.shape_cast %slice3A_1418 : vector<8x1xi1> to vector<8x1xi1>
    %broadcast_in_dim3A_1422 = vector.broadcast %broadcast_in_dim3A_1421 : vector<8x1xi1> to vector<8x4096xi1>
    %broadcast_in_dim3A_1423 = vector.broadcast %jit3A_1420 : f32 to vector<8x4096xf32>
    %select_n3A_1424 = arith.select %broadcast_in_dim3A_1422, %broadcast_in_dim3A_1423, %slice3A_1419 : vector<8x4096xi1>, vector<8x4096xf32>
    %iota3A_1425 = tpu.iota {dimensions = array<i32: 0>} : vector<8x4096xi32>
    %mul3A_1426 = arith.constant 2048 : i32
    %mul3A_1427 = arith.muli %arg1, %mul3A_1426 : i32
    %add3A_1428 = arith.constant 664 : i32
    %add3A_1429 = arith.addi %mul3A_1427, %add3A_1428 : i32
    %add3A_1430 = vector.broadcast %add3A_1429 : i32 to vector<8x4096xi32>
    %add3A_1431 = arith.addi %iota3A_1425, %add3A_1430 : vector<8x4096xi32>
    %gt3A_1432 = arith.cmpf ogt, %select_n3A_1424, %select_n3A_1416 : vector<8x4096xf32>
    %select_n3A_1433 = arith.select %gt3A_1432, %select_n3A_1424, %select_n3A_1416 : vector<8x4096xi1>, vector<8x4096xf32>
    %select_n3A_1434 = arith.select %gt3A_1432, %add3A_1431, %select_n3A_1417 : vector<8x4096xi1>, vector<8x4096xi32>
    %slice3A_1435 = vector.extract_strided_slice %gt3A_17 {offsets = [672, 0], sizes = [8, 1], strides = [1, 1]} : vector<2048x1xi1> to vector<8x1xi1>
    %slice3A_1436 = vector.extract_strided_slice %dot_general3A_10 {offsets = [672, 0], sizes = [8, 4096], strides = [1, 1]} : vector<2048x4096xf32> to vector<8x4096xf32>
    %jit3A_1437 = arith.constant 0xFF800000 : f32
    %broadcast_in_dim3A_1438 = vector.shape_cast %slice3A_1435 : vector<8x1xi1> to vector<8x1xi1>
    %broadcast_in_dim3A_1439 = vector.broadcast %broadcast_in_dim3A_1438 : vector<8x1xi1> to vector<8x4096xi1>
    %broadcast_in_dim3A_1440 = vector.broadcast %jit3A_1437 : f32 to vector<8x4096xf32>
    %select_n3A_1441 = arith.select %broadcast_in_dim3A_1439, %broadcast_in_dim3A_1440, %slice3A_1436 : vector<8x4096xi1>, vector<8x4096xf32>
    %iota3A_1442 = tpu.iota {dimensions = array<i32: 0>} : vector<8x4096xi32>
    %mul3A_1443 = arith.constant 2048 : i32
    %mul3A_1444 = arith.muli %arg1, %mul3A_1443 : i32
    %add3A_1445 = arith.constant 672 : i32
    %add3A_1446 = arith.addi %mul3A_1444, %add3A_1445 : i32
    %add3A_1447 = vector.broadcast %add3A_1446 : i32 to vector<8x4096xi32>
    %add3A_1448 = arith.addi %iota3A_1442, %add3A_1447 : vector<8x4096xi32>
    %gt3A_1449 = arith.cmpf ogt, %select_n3A_1441, %select_n3A_1433 : vector<8x4096xf32>
    %select_n3A_1450 = arith.select %gt3A_1449, %select_n3A_1441, %select_n3A_1433 : vector<8x4096xi1>, vector<8x4096xf32>
    %select_n3A_1451 = arith.select %gt3A_1449, %add3A_1448, %select_n3A_1434 : vector<8x4096xi1>, vector<8x4096xi32>
    %slice3A_1452 = vector.extract_strided_slice %gt3A_17 {offsets = [680, 0], sizes = [8, 1], strides = [1, 1]} : vector<2048x1xi1> to vector<8x1xi1>
    %slice3A_1453 = vector.extract_strided_slice %dot_general3A_10 {offsets = [680, 0], sizes = [8, 4096], strides = [1, 1]} : vector<2048x4096xf32> to vector<8x4096xf32>
    %jit3A_1454 = arith.constant 0xFF800000 : f32
    %broadcast_in_dim3A_1455 = vector.shape_cast %slice3A_1452 : vector<8x1xi1> to vector<8x1xi1>
    %broadcast_in_dim3A_1456 = vector.broadcast %broadcast_in_dim3A_1455 : vector<8x1xi1> to vector<8x4096xi1>
    %broadcast_in_dim3A_1457 = vector.broadcast %jit3A_1454 : f32 to vector<8x4096xf32>
    %select_n3A_1458 = arith.select %broadcast_in_dim3A_1456, %broadcast_in_dim3A_1457, %slice3A_1453 : vector<8x4096xi1>, vector<8x4096xf32>
    %iota3A_1459 = tpu.iota {dimensions = array<i32: 0>} : vector<8x4096xi32>
    %mul3A_1460 = arith.constant 2048 : i32
    %mul3A_1461 = arith.muli %arg1, %mul3A_1460 : i32
    %add3A_1462 = arith.constant 680 : i32
    %add3A_1463 = arith.addi %mul3A_1461, %add3A_1462 : i32
    %add3A_1464 = vector.broadcast %add3A_1463 : i32 to vector<8x4096xi32>
    %add3A_1465 = arith.addi %iota3A_1459, %add3A_1464 : vector<8x4096xi32>
    %gt3A_1466 = arith.cmpf ogt, %select_n3A_1458, %select_n3A_1450 : vector<8x4096xf32>
    %select_n3A_1467 = arith.select %gt3A_1466, %select_n3A_1458, %select_n3A_1450 : vector<8x4096xi1>, vector<8x4096xf32>
    %select_n3A_1468 = arith.select %gt3A_1466, %add3A_1465, %select_n3A_1451 : vector<8x4096xi1>, vector<8x4096xi32>
    %slice3A_1469 = vector.extract_strided_slice %gt3A_17 {offsets = [688, 0], sizes = [8, 1], strides = [1, 1]} : vector<2048x1xi1> to vector<8x1xi1>
    %slice3A_1470 = vector.extract_strided_slice %dot_general3A_10 {offsets = [688, 0], sizes = [8, 4096], strides = [1, 1]} : vector<2048x4096xf32> to vector<8x4096xf32>
    %jit3A_1471 = arith.constant 0xFF800000 : f32
    %broadcast_in_dim3A_1472 = vector.shape_cast %slice3A_1469 : vector<8x1xi1> to vector<8x1xi1>
    %broadcast_in_dim3A_1473 = vector.broadcast %broadcast_in_dim3A_1472 : vector<8x1xi1> to vector<8x4096xi1>
    %broadcast_in_dim3A_1474 = vector.broadcast %jit3A_1471 : f32 to vector<8x4096xf32>
    %select_n3A_1475 = arith.select %broadcast_in_dim3A_1473, %broadcast_in_dim3A_1474, %slice3A_1470 : vector<8x4096xi1>, vector<8x4096xf32>
    %iota3A_1476 = tpu.iota {dimensions = array<i32: 0>} : vector<8x4096xi32>
    %mul3A_1477 = arith.constant 2048 : i32
    %mul3A_1478 = arith.muli %arg1, %mul3A_1477 : i32
    %add3A_1479 = arith.constant 688 : i32
    %add3A_1480 = arith.addi %mul3A_1478, %add3A_1479 : i32
    %add3A_1481 = vector.broadcast %add3A_1480 : i32 to vector<8x4096xi32>
    %add3A_1482 = arith.addi %iota3A_1476, %add3A_1481 : vector<8x4096xi32>
    %gt3A_1483 = arith.cmpf ogt, %select_n3A_1475, %select_n3A_1467 : vector<8x4096xf32>
    %select_n3A_1484 = arith.select %gt3A_1483, %select_n3A_1475, %select_n3A_1467 : vector<8x4096xi1>, vector<8x4096xf32>
    %select_n3A_1485 = arith.select %gt3A_1483, %add3A_1482, %select_n3A_1468 : vector<8x4096xi1>, vector<8x4096xi32>
    %slice3A_1486 = vector.extract_strided_slice %gt3A_17 {offsets = [696, 0], sizes = [8, 1], strides = [1, 1]} : vector<2048x1xi1> to vector<8x1xi1>
    %slice3A_1487 = vector.extract_strided_slice %dot_general3A_10 {offsets = [696, 0], sizes = [8, 4096], strides = [1, 1]} : vector<2048x4096xf32> to vector<8x4096xf32>
    %jit3A_1488 = arith.constant 0xFF800000 : f32
    %broadcast_in_dim3A_1489 = vector.shape_cast %slice3A_1486 : vector<8x1xi1> to vector<8x1xi1>
    %broadcast_in_dim3A_1490 = vector.broadcast %broadcast_in_dim3A_1489 : vector<8x1xi1> to vector<8x4096xi1>
    %broadcast_in_dim3A_1491 = vector.broadcast %jit3A_1488 : f32 to vector<8x4096xf32>
    %select_n3A_1492 = arith.select %broadcast_in_dim3A_1490, %broadcast_in_dim3A_1491, %slice3A_1487 : vector<8x4096xi1>, vector<8x4096xf32>
    %iota3A_1493 = tpu.iota {dimensions = array<i32: 0>} : vector<8x4096xi32>
    %mul3A_1494 = arith.constant 2048 : i32
    %mul3A_1495 = arith.muli %arg1, %mul3A_1494 : i32
    %add3A_1496 = arith.constant 696 : i32
    %add3A_1497 = arith.addi %mul3A_1495, %add3A_1496 : i32
    %add3A_1498 = vector.broadcast %add3A_1497 : i32 to vector<8x4096xi32>
    %add3A_1499 = arith.addi %iota3A_1493, %add3A_1498 : vector<8x4096xi32>
    %gt3A_1500 = arith.cmpf ogt, %select_n3A_1492, %select_n3A_1484 : vector<8x4096xf32>
    %select_n3A_1501 = arith.select %gt3A_1500, %select_n3A_1492, %select_n3A_1484 : vector<8x4096xi1>, vector<8x4096xf32>
    %select_n3A_1502 = arith.select %gt3A_1500, %add3A_1499, %select_n3A_1485 : vector<8x4096xi1>, vector<8x4096xi32>
    %slice3A_1503 = vector.extract_strided_slice %gt3A_17 {offsets = [704, 0], sizes = [8, 1], strides = [1, 1]} : vector<2048x1xi1> to vector<8x1xi1>
    %slice3A_1504 = vector.extract_strided_slice %dot_general3A_10 {offsets = [704, 0], sizes = [8, 4096], strides = [1, 1]} : vector<2048x4096xf32> to vector<8x4096xf32>
    %jit3A_1505 = arith.constant 0xFF800000 : f32
    %broadcast_in_dim3A_1506 = vector.shape_cast %slice3A_1503 : vector<8x1xi1> to vector<8x1xi1>
    %broadcast_in_dim3A_1507 = vector.broadcast %broadcast_in_dim3A_1506 : vector<8x1xi1> to vector<8x4096xi1>
    %broadcast_in_dim3A_1508 = vector.broadcast %jit3A_1505 : f32 to vector<8x4096xf32>
    %select_n3A_1509 = arith.select %broadcast_in_dim3A_1507, %broadcast_in_dim3A_1508, %slice3A_1504 : vector<8x4096xi1>, vector<8x4096xf32>
    %iota3A_1510 = tpu.iota {dimensions = array<i32: 0>} : vector<8x4096xi32>
    %mul3A_1511 = arith.constant 2048 : i32
    %mul3A_1512 = arith.muli %arg1, %mul3A_1511 : i32
    %add3A_1513 = arith.constant 704 : i32
    %add3A_1514 = arith.addi %mul3A_1512, %add3A_1513 : i32
    %add3A_1515 = vector.broadcast %add3A_1514 : i32 to vector<8x4096xi32>
    %add3A_1516 = arith.addi %iota3A_1510, %add3A_1515 : vector<8x4096xi32>
    %gt3A_1517 = arith.cmpf ogt, %select_n3A_1509, %select_n3A_1501 : vector<8x4096xf32>
    %select_n3A_1518 = arith.select %gt3A_1517, %select_n3A_1509, %select_n3A_1501 : vector<8x4096xi1>, vector<8x4096xf32>
    %select_n3A_1519 = arith.select %gt3A_1517, %add3A_1516, %select_n3A_1502 : vector<8x4096xi1>, vector<8x4096xi32>
    %slice3A_1520 = vector.extract_strided_slice %gt3A_17 {offsets = [712, 0], sizes = [8, 1], strides = [1, 1]} : vector<2048x1xi1> to vector<8x1xi1>
    %slice3A_1521 = vector.extract_strided_slice %dot_general3A_10 {offsets = [712, 0], sizes = [8, 4096], strides = [1, 1]} : vector<2048x4096xf32> to vector<8x4096xf32>
    %jit3A_1522 = arith.constant 0xFF800000 : f32
    %broadcast_in_dim3A_1523 = vector.shape_cast %slice3A_1520 : vector<8x1xi1> to vector<8x1xi1>
    %broadcast_in_dim3A_1524 = vector.broadcast %broadcast_in_dim3A_1523 : vector<8x1xi1> to vector<8x4096xi1>
    %broadcast_in_dim3A_1525 = vector.broadcast %jit3A_1522 : f32 to vector<8x4096xf32>
    %select_n3A_1526 = arith.select %broadcast_in_dim3A_1524, %broadcast_in_dim3A_1525, %slice3A_1521 : vector<8x4096xi1>, vector<8x4096xf32>
    %iota3A_1527 = tpu.iota {dimensions = array<i32: 0>} : vector<8x4096xi32>
    %mul3A_1528 = arith.constant 2048 : i32
    %mul3A_1529 = arith.muli %arg1, %mul3A_1528 : i32
    %add3A_1530 = arith.constant 712 : i32
    %add3A_1531 = arith.addi %mul3A_1529, %add3A_1530 : i32
    %add3A_1532 = vector.broadcast %add3A_1531 : i32 to vector<8x4096xi32>
    %add3A_1533 = arith.addi %iota3A_1527, %add3A_1532 : vector<8x4096xi32>
    %gt3A_1534 = arith.cmpf ogt, %select_n3A_1526, %select_n3A_1518 : vector<8x4096xf32>
    %select_n3A_1535 = arith.select %gt3A_1534, %select_n3A_1526, %select_n3A_1518 : vector<8x4096xi1>, vector<8x4096xf32>
    %select_n3A_1536 = arith.select %gt3A_1534, %add3A_1533, %select_n3A_1519 : vector<8x4096xi1>, vector<8x4096xi32>
    %slice3A_1537 = vector.extract_strided_slice %gt3A_17 {offsets = [720, 0], sizes = [8, 1], strides = [1, 1]} : vector<2048x1xi1> to vector<8x1xi1>
    %slice3A_1538 = vector.extract_strided_slice %dot_general3A_10 {offsets = [720, 0], sizes = [8, 4096], strides = [1, 1]} : vector<2048x4096xf32> to vector<8x4096xf32>
    %jit3A_1539 = arith.constant 0xFF800000 : f32
    %broadcast_in_dim3A_1540 = vector.shape_cast %slice3A_1537 : vector<8x1xi1> to vector<8x1xi1>
    %broadcast_in_dim3A_1541 = vector.broadcast %broadcast_in_dim3A_1540 : vector<8x1xi1> to vector<8x4096xi1>
    %broadcast_in_dim3A_1542 = vector.broadcast %jit3A_1539 : f32 to vector<8x4096xf32>
    %select_n3A_1543 = arith.select %broadcast_in_dim3A_1541, %broadcast_in_dim3A_1542, %slice3A_1538 : vector<8x4096xi1>, vector<8x4096xf32>
    %iota3A_1544 = tpu.iota {dimensions = array<i32: 0>} : vector<8x4096xi32>
    %mul3A_1545 = arith.constant 2048 : i32
    %mul3A_1546 = arith.muli %arg1, %mul3A_1545 : i32
    %add3A_1547 = arith.constant 720 : i32
    %add3A_1548 = arith.addi %mul3A_1546, %add3A_1547 : i32
    %add3A_1549 = vector.broadcast %add3A_1548 : i32 to vector<8x4096xi32>
    %add3A_1550 = arith.addi %iota3A_1544, %add3A_1549 : vector<8x4096xi32>
    %gt3A_1551 = arith.cmpf ogt, %select_n3A_1543, %select_n3A_1535 : vector<8x4096xf32>
    %select_n3A_1552 = arith.select %gt3A_1551, %select_n3A_1543, %select_n3A_1535 : vector<8x4096xi1>, vector<8x4096xf32>
    %select_n3A_1553 = arith.select %gt3A_1551, %add3A_1550, %select_n3A_1536 : vector<8x4096xi1>, vector<8x4096xi32>
    %slice3A_1554 = vector.extract_strided_slice %gt3A_17 {offsets = [728, 0], sizes = [8, 1], strides = [1, 1]} : vector<2048x1xi1> to vector<8x1xi1>
    %slice3A_1555 = vector.extract_strided_slice %dot_general3A_10 {offsets = [728, 0], sizes = [8, 4096], strides = [1, 1]} : vector<2048x4096xf32> to vector<8x4096xf32>
    %jit3A_1556 = arith.constant 0xFF800000 : f32
    %broadcast_in_dim3A_1557 = vector.shape_cast %slice3A_1554 : vector<8x1xi1> to vector<8x1xi1>
    %broadcast_in_dim3A_1558 = vector.broadcast %broadcast_in_dim3A_1557 : vector<8x1xi1> to vector<8x4096xi1>
    %broadcast_in_dim3A_1559 = vector.broadcast %jit3A_1556 : f32 to vector<8x4096xf32>
    %select_n3A_1560 = arith.select %broadcast_in_dim3A_1558, %broadcast_in_dim3A_1559, %slice3A_1555 : vector<8x4096xi1>, vector<8x4096xf32>
    %iota3A_1561 = tpu.iota {dimensions = array<i32: 0>} : vector<8x4096xi32>
    %mul3A_1562 = arith.constant 2048 : i32
    %mul3A_1563 = arith.muli %arg1, %mul3A_1562 : i32
    %add3A_1564 = arith.constant 728 : i32
    %add3A_1565 = arith.addi %mul3A_1563, %add3A_1564 : i32
    %add3A_1566 = vector.broadcast %add3A_1565 : i32 to vector<8x4096xi32>
    %add3A_1567 = arith.addi %iota3A_1561, %add3A_1566 : vector<8x4096xi32>
    %gt3A_1568 = arith.cmpf ogt, %select_n3A_1560, %select_n3A_1552 : vector<8x4096xf32>
    %select_n3A_1569 = arith.select %gt3A_1568, %select_n3A_1560, %select_n3A_1552 : vector<8x4096xi1>, vector<8x4096xf32>
    %select_n3A_1570 = arith.select %gt3A_1568, %add3A_1567, %select_n3A_1553 : vector<8x4096xi1>, vector<8x4096xi32>
    %slice3A_1571 = vector.extract_strided_slice %gt3A_17 {offsets = [736, 0], sizes = [8, 1], strides = [1, 1]} : vector<2048x1xi1> to vector<8x1xi1>
    %slice3A_1572 = vector.extract_strided_slice %dot_general3A_10 {offsets = [736, 0], sizes = [8, 4096], strides = [1, 1]} : vector<2048x4096xf32> to vector<8x4096xf32>
    %jit3A_1573 = arith.constant 0xFF800000 : f32
    %broadcast_in_dim3A_1574 = vector.shape_cast %slice3A_1571 : vector<8x1xi1> to vector<8x1xi1>
    %broadcast_in_dim3A_1575 = vector.broadcast %broadcast_in_dim3A_1574 : vector<8x1xi1> to vector<8x4096xi1>
    %broadcast_in_dim3A_1576 = vector.broadcast %jit3A_1573 : f32 to vector<8x4096xf32>
    %select_n3A_1577 = arith.select %broadcast_in_dim3A_1575, %broadcast_in_dim3A_1576, %slice3A_1572 : vector<8x4096xi1>, vector<8x4096xf32>
    %iota3A_1578 = tpu.iota {dimensions = array<i32: 0>} : vector<8x4096xi32>
    %mul3A_1579 = arith.constant 2048 : i32
    %mul3A_1580 = arith.muli %arg1, %mul3A_1579 : i32
    %add3A_1581 = arith.constant 736 : i32
    %add3A_1582 = arith.addi %mul3A_1580, %add3A_1581 : i32
    %add3A_1583 = vector.broadcast %add3A_1582 : i32 to vector<8x4096xi32>
    %add3A_1584 = arith.addi %iota3A_1578, %add3A_1583 : vector<8x4096xi32>
    %gt3A_1585 = arith.cmpf ogt, %select_n3A_1577, %select_n3A_1569 : vector<8x4096xf32>
    %select_n3A_1586 = arith.select %gt3A_1585, %select_n3A_1577, %select_n3A_1569 : vector<8x4096xi1>, vector<8x4096xf32>
    %select_n3A_1587 = arith.select %gt3A_1585, %add3A_1584, %select_n3A_1570 : vector<8x4096xi1>, vector<8x4096xi32>
    %slice3A_1588 = vector.extract_strided_slice %gt3A_17 {offsets = [744, 0], sizes = [8, 1], strides = [1, 1]} : vector<2048x1xi1> to vector<8x1xi1>
    %slice3A_1589 = vector.extract_strided_slice %dot_general3A_10 {offsets = [744, 0], sizes = [8, 4096], strides = [1, 1]} : vector<2048x4096xf32> to vector<8x4096xf32>
    %jit3A_1590 = arith.constant 0xFF800000 : f32
    %broadcast_in_dim3A_1591 = vector.shape_cast %slice3A_1588 : vector<8x1xi1> to vector<8x1xi1>
    %broadcast_in_dim3A_1592 = vector.broadcast %broadcast_in_dim3A_1591 : vector<8x1xi1> to vector<8x4096xi1>
    %broadcast_in_dim3A_1593 = vector.broadcast %jit3A_1590 : f32 to vector<8x4096xf32>
    %select_n3A_1594 = arith.select %broadcast_in_dim3A_1592, %broadcast_in_dim3A_1593, %slice3A_1589 : vector<8x4096xi1>, vector<8x4096xf32>
    %iota3A_1595 = tpu.iota {dimensions = array<i32: 0>} : vector<8x4096xi32>
    %mul3A_1596 = arith.constant 2048 : i32
    %mul3A_1597 = arith.muli %arg1, %mul3A_1596 : i32
    %add3A_1598 = arith.constant 744 : i32
    %add3A_1599 = arith.addi %mul3A_1597, %add3A_1598 : i32
    %add3A_1600 = vector.broadcast %add3A_1599 : i32 to vector<8x4096xi32>
    %add3A_1601 = arith.addi %iota3A_1595, %add3A_1600 : vector<8x4096xi32>
    %gt3A_1602 = arith.cmpf ogt, %select_n3A_1594, %select_n3A_1586 : vector<8x4096xf32>
    %select_n3A_1603 = arith.select %gt3A_1602, %select_n3A_1594, %select_n3A_1586 : vector<8x4096xi1>, vector<8x4096xf32>
    %select_n3A_1604 = arith.select %gt3A_1602, %add3A_1601, %select_n3A_1587 : vector<8x4096xi1>, vector<8x4096xi32>
    %slice3A_1605 = vector.extract_strided_slice %gt3A_17 {offsets = [752, 0], sizes = [8, 1], strides = [1, 1]} : vector<2048x1xi1> to vector<8x1xi1>
    %slice3A_1606 = vector.extract_strided_slice %dot_general3A_10 {offsets = [752, 0], sizes = [8, 4096], strides = [1, 1]} : vector<2048x4096xf32> to vector<8x4096xf32>
    %jit3A_1607 = arith.constant 0xFF800000 : f32
    %broadcast_in_dim3A_1608 = vector.shape_cast %slice3A_1605 : vector<8x1xi1> to vector<8x1xi1>
    %broadcast_in_dim3A_1609 = vector.broadcast %broadcast_in_dim3A_1608 : vector<8x1xi1> to vector<8x4096xi1>
    %broadcast_in_dim3A_1610 = vector.broadcast %jit3A_1607 : f32 to vector<8x4096xf32>
    %select_n3A_1611 = arith.select %broadcast_in_dim3A_1609, %broadcast_in_dim3A_1610, %slice3A_1606 : vector<8x4096xi1>, vector<8x4096xf32>
    %iota3A_1612 = tpu.iota {dimensions = array<i32: 0>} : vector<8x4096xi32>
    %mul3A_1613 = arith.constant 2048 : i32
    %mul3A_1614 = arith.muli %arg1, %mul3A_1613 : i32
    %add3A_1615 = arith.constant 752 : i32
    %add3A_1616 = arith.addi %mul3A_1614, %add3A_1615 : i32
    %add3A_1617 = vector.broadcast %add3A_1616 : i32 to vector<8x4096xi32>
    %add3A_1618 = arith.addi %iota3A_1612, %add3A_1617 : vector<8x4096xi32>
    %gt3A_1619 = arith.cmpf ogt, %select_n3A_1611, %select_n3A_1603 : vector<8x4096xf32>
    %select_n3A_1620 = arith.select %gt3A_1619, %select_n3A_1611, %select_n3A_1603 : vector<8x4096xi1>, vector<8x4096xf32>
    %select_n3A_1621 = arith.select %gt3A_1619, %add3A_1618, %select_n3A_1604 : vector<8x4096xi1>, vector<8x4096xi32>
    %slice3A_1622 = vector.extract_strided_slice %gt3A_17 {offsets = [760, 0], sizes = [8, 1], strides = [1, 1]} : vector<2048x1xi1> to vector<8x1xi1>
    %slice3A_1623 = vector.extract_strided_slice %dot_general3A_10 {offsets = [760, 0], sizes = [8, 4096], strides = [1, 1]} : vector<2048x4096xf32> to vector<8x4096xf32>
    %jit3A_1624 = arith.constant 0xFF800000 : f32
    %broadcast_in_dim3A_1625 = vector.shape_cast %slice3A_1622 : vector<8x1xi1> to vector<8x1xi1>
    %broadcast_in_dim3A_1626 = vector.broadcast %broadcast_in_dim3A_1625 : vector<8x1xi1> to vector<8x4096xi1>
    %broadcast_in_dim3A_1627 = vector.broadcast %jit3A_1624 : f32 to vector<8x4096xf32>
    %select_n3A_1628 = arith.select %broadcast_in_dim3A_1626, %broadcast_in_dim3A_1627, %slice3A_1623 : vector<8x4096xi1>, vector<8x4096xf32>
    %iota3A_1629 = tpu.iota {dimensions = array<i32: 0>} : vector<8x4096xi32>
    %mul3A_1630 = arith.constant 2048 : i32
    %mul3A_1631 = arith.muli %arg1, %mul3A_1630 : i32
    %add3A_1632 = arith.constant 760 : i32
    %add3A_1633 = arith.addi %mul3A_1631, %add3A_1632 : i32
    %add3A_1634 = vector.broadcast %add3A_1633 : i32 to vector<8x4096xi32>
    %add3A_1635 = arith.addi %iota3A_1629, %add3A_1634 : vector<8x4096xi32>
    %gt3A_1636 = arith.cmpf ogt, %select_n3A_1628, %select_n3A_1620 : vector<8x4096xf32>
    %select_n3A_1637 = arith.select %gt3A_1636, %select_n3A_1628, %select_n3A_1620 : vector<8x4096xi1>, vector<8x4096xf32>
    %select_n3A_1638 = arith.select %gt3A_1636, %add3A_1635, %select_n3A_1621 : vector<8x4096xi1>, vector<8x4096xi32>
    %slice3A_1639 = vector.extract_strided_slice %gt3A_17 {offsets = [768, 0], sizes = [8, 1], strides = [1, 1]} : vector<2048x1xi1> to vector<8x1xi1>
    %slice3A_1640 = vector.extract_strided_slice %dot_general3A_10 {offsets = [768, 0], sizes = [8, 4096], strides = [1, 1]} : vector<2048x4096xf32> to vector<8x4096xf32>
    %jit3A_1641 = arith.constant 0xFF800000 : f32
    %broadcast_in_dim3A_1642 = vector.shape_cast %slice3A_1639 : vector<8x1xi1> to vector<8x1xi1>
    %broadcast_in_dim3A_1643 = vector.broadcast %broadcast_in_dim3A_1642 : vector<8x1xi1> to vector<8x4096xi1>
    %broadcast_in_dim3A_1644 = vector.broadcast %jit3A_1641 : f32 to vector<8x4096xf32>
    %select_n3A_1645 = arith.select %broadcast_in_dim3A_1643, %broadcast_in_dim3A_1644, %slice3A_1640 : vector<8x4096xi1>, vector<8x4096xf32>
    %iota3A_1646 = tpu.iota {dimensions = array<i32: 0>} : vector<8x4096xi32>
    %mul3A_1647 = arith.constant 2048 : i32
    %mul3A_1648 = arith.muli %arg1, %mul3A_1647 : i32
    %add3A_1649 = arith.constant 768 : i32
    %add3A_1650 = arith.addi %mul3A_1648, %add3A_1649 : i32
    %add3A_1651 = vector.broadcast %add3A_1650 : i32 to vector<8x4096xi32>
    %add3A_1652 = arith.addi %iota3A_1646, %add3A_1651 : vector<8x4096xi32>
    %gt3A_1653 = arith.cmpf ogt, %select_n3A_1645, %select_n3A_1637 : vector<8x4096xf32>
    %select_n3A_1654 = arith.select %gt3A_1653, %select_n3A_1645, %select_n3A_1637 : vector<8x4096xi1>, vector<8x4096xf32>
    %select_n3A_1655 = arith.select %gt3A_1653, %add3A_1652, %select_n3A_1638 : vector<8x4096xi1>, vector<8x4096xi32>
    %slice3A_1656 = vector.extract_strided_slice %gt3A_17 {offsets = [776, 0], sizes = [8, 1], strides = [1, 1]} : vector<2048x1xi1> to vector<8x1xi1>
    %slice3A_1657 = vector.extract_strided_slice %dot_general3A_10 {offsets = [776, 0], sizes = [8, 4096], strides = [1, 1]} : vector<2048x4096xf32> to vector<8x4096xf32>
    %jit3A_1658 = arith.constant 0xFF800000 : f32
    %broadcast_in_dim3A_1659 = vector.shape_cast %slice3A_1656 : vector<8x1xi1> to vector<8x1xi1>
    %broadcast_in_dim3A_1660 = vector.broadcast %broadcast_in_dim3A_1659 : vector<8x1xi1> to vector<8x4096xi1>
    %broadcast_in_dim3A_1661 = vector.broadcast %jit3A_1658 : f32 to vector<8x4096xf32>
    %select_n3A_1662 = arith.select %broadcast_in_dim3A_1660, %broadcast_in_dim3A_1661, %slice3A_1657 : vector<8x4096xi1>, vector<8x4096xf32>
    %iota3A_1663 = tpu.iota {dimensions = array<i32: 0>} : vector<8x4096xi32>
    %mul3A_1664 = arith.constant 2048 : i32
    %mul3A_1665 = arith.muli %arg1, %mul3A_1664 : i32
    %add3A_1666 = arith.constant 776 : i32
    %add3A_1667 = arith.addi %mul3A_1665, %add3A_1666 : i32
    %add3A_1668 = vector.broadcast %add3A_1667 : i32 to vector<8x4096xi32>
    %add3A_1669 = arith.addi %iota3A_1663, %add3A_1668 : vector<8x4096xi32>
    %gt3A_1670 = arith.cmpf ogt, %select_n3A_1662, %select_n3A_1654 : vector<8x4096xf32>
    %select_n3A_1671 = arith.select %gt3A_1670, %select_n3A_1662, %select_n3A_1654 : vector<8x4096xi1>, vector<8x4096xf32>
    %select_n3A_1672 = arith.select %gt3A_1670, %add3A_1669, %select_n3A_1655 : vector<8x4096xi1>, vector<8x4096xi32>
    %slice3A_1673 = vector.extract_strided_slice %gt3A_17 {offsets = [784, 0], sizes = [8, 1], strides = [1, 1]} : vector<2048x1xi1> to vector<8x1xi1>
    %slice3A_1674 = vector.extract_strided_slice %dot_general3A_10 {offsets = [784, 0], sizes = [8, 4096], strides = [1, 1]} : vector<2048x4096xf32> to vector<8x4096xf32>
    %jit3A_1675 = arith.constant 0xFF800000 : f32
    %broadcast_in_dim3A_1676 = vector.shape_cast %slice3A_1673 : vector<8x1xi1> to vector<8x1xi1>
    %broadcast_in_dim3A_1677 = vector.broadcast %broadcast_in_dim3A_1676 : vector<8x1xi1> to vector<8x4096xi1>
    %broadcast_in_dim3A_1678 = vector.broadcast %jit3A_1675 : f32 to vector<8x4096xf32>
    %select_n3A_1679 = arith.select %broadcast_in_dim3A_1677, %broadcast_in_dim3A_1678, %slice3A_1674 : vector<8x4096xi1>, vector<8x4096xf32>
    %iota3A_1680 = tpu.iota {dimensions = array<i32: 0>} : vector<8x4096xi32>
    %mul3A_1681 = arith.constant 2048 : i32
    %mul3A_1682 = arith.muli %arg1, %mul3A_1681 : i32
    %add3A_1683 = arith.constant 784 : i32
    %add3A_1684 = arith.addi %mul3A_1682, %add3A_1683 : i32
    %add3A_1685 = vector.broadcast %add3A_1684 : i32 to vector<8x4096xi32>
    %add3A_1686 = arith.addi %iota3A_1680, %add3A_1685 : vector<8x4096xi32>
    %gt3A_1687 = arith.cmpf ogt, %select_n3A_1679, %select_n3A_1671 : vector<8x4096xf32>
    %select_n3A_1688 = arith.select %gt3A_1687, %select_n3A_1679, %select_n3A_1671 : vector<8x4096xi1>, vector<8x4096xf32>
    %select_n3A_1689 = arith.select %gt3A_1687, %add3A_1686, %select_n3A_1672 : vector<8x4096xi1>, vector<8x4096xi32>
    %slice3A_1690 = vector.extract_strided_slice %gt3A_17 {offsets = [792, 0], sizes = [8, 1], strides = [1, 1]} : vector<2048x1xi1> to vector<8x1xi1>
    %slice3A_1691 = vector.extract_strided_slice %dot_general3A_10 {offsets = [792, 0], sizes = [8, 4096], strides = [1, 1]} : vector<2048x4096xf32> to vector<8x4096xf32>
    %jit3A_1692 = arith.constant 0xFF800000 : f32
    %broadcast_in_dim3A_1693 = vector.shape_cast %slice3A_1690 : vector<8x1xi1> to vector<8x1xi1>
    %broadcast_in_dim3A_1694 = vector.broadcast %broadcast_in_dim3A_1693 : vector<8x1xi1> to vector<8x4096xi1>
    %broadcast_in_dim3A_1695 = vector.broadcast %jit3A_1692 : f32 to vector<8x4096xf32>
    %select_n3A_1696 = arith.select %broadcast_in_dim3A_1694, %broadcast_in_dim3A_1695, %slice3A_1691 : vector<8x4096xi1>, vector<8x4096xf32>
    %iota3A_1697 = tpu.iota {dimensions = array<i32: 0>} : vector<8x4096xi32>
    %mul3A_1698 = arith.constant 2048 : i32
    %mul3A_1699 = arith.muli %arg1, %mul3A_1698 : i32
    %add3A_1700 = arith.constant 792 : i32
    %add3A_1701 = arith.addi %mul3A_1699, %add3A_1700 : i32
    %add3A_1702 = vector.broadcast %add3A_1701 : i32 to vector<8x4096xi32>
    %add3A_1703 = arith.addi %iota3A_1697, %add3A_1702 : vector<8x4096xi32>
    %gt3A_1704 = arith.cmpf ogt, %select_n3A_1696, %select_n3A_1688 : vector<8x4096xf32>
    %select_n3A_1705 = arith.select %gt3A_1704, %select_n3A_1696, %select_n3A_1688 : vector<8x4096xi1>, vector<8x4096xf32>
    %select_n3A_1706 = arith.select %gt3A_1704, %add3A_1703, %select_n3A_1689 : vector<8x4096xi1>, vector<8x4096xi32>
    %slice3A_1707 = vector.extract_strided_slice %gt3A_17 {offsets = [800, 0], sizes = [8, 1], strides = [1, 1]} : vector<2048x1xi1> to vector<8x1xi1>
    %slice3A_1708 = vector.extract_strided_slice %dot_general3A_10 {offsets = [800, 0], sizes = [8, 4096], strides = [1, 1]} : vector<2048x4096xf32> to vector<8x4096xf32>
    %jit3A_1709 = arith.constant 0xFF800000 : f32
    %broadcast_in_dim3A_1710 = vector.shape_cast %slice3A_1707 : vector<8x1xi1> to vector<8x1xi1>
    %broadcast_in_dim3A_1711 = vector.broadcast %broadcast_in_dim3A_1710 : vector<8x1xi1> to vector<8x4096xi1>
    %broadcast_in_dim3A_1712 = vector.broadcast %jit3A_1709 : f32 to vector<8x4096xf32>
    %select_n3A_1713 = arith.select %broadcast_in_dim3A_1711, %broadcast_in_dim3A_1712, %slice3A_1708 : vector<8x4096xi1>, vector<8x4096xf32>
    %iota3A_1714 = tpu.iota {dimensions = array<i32: 0>} : vector<8x4096xi32>
    %mul3A_1715 = arith.constant 2048 : i32
    %mul3A_1716 = arith.muli %arg1, %mul3A_1715 : i32
    %add3A_1717 = arith.constant 800 : i32
    %add3A_1718 = arith.addi %mul3A_1716, %add3A_1717 : i32
    %add3A_1719 = vector.broadcast %add3A_1718 : i32 to vector<8x4096xi32>
    %add3A_1720 = arith.addi %iota3A_1714, %add3A_1719 : vector<8x4096xi32>
    %gt3A_1721 = arith.cmpf ogt, %select_n3A_1713, %select_n3A_1705 : vector<8x4096xf32>
    %select_n3A_1722 = arith.select %gt3A_1721, %select_n3A_1713, %select_n3A_1705 : vector<8x4096xi1>, vector<8x4096xf32>
    %select_n3A_1723 = arith.select %gt3A_1721, %add3A_1720, %select_n3A_1706 : vector<8x4096xi1>, vector<8x4096xi32>
    %slice3A_1724 = vector.extract_strided_slice %gt3A_17 {offsets = [808, 0], sizes = [8, 1], strides = [1, 1]} : vector<2048x1xi1> to vector<8x1xi1>
    %slice3A_1725 = vector.extract_strided_slice %dot_general3A_10 {offsets = [808, 0], sizes = [8, 4096], strides = [1, 1]} : vector<2048x4096xf32> to vector<8x4096xf32>
    %jit3A_1726 = arith.constant 0xFF800000 : f32
    %broadcast_in_dim3A_1727 = vector.shape_cast %slice3A_1724 : vector<8x1xi1> to vector<8x1xi1>
    %broadcast_in_dim3A_1728 = vector.broadcast %broadcast_in_dim3A_1727 : vector<8x1xi1> to vector<8x4096xi1>
    %broadcast_in_dim3A_1729 = vector.broadcast %jit3A_1726 : f32 to vector<8x4096xf32>
    %select_n3A_1730 = arith.select %broadcast_in_dim3A_1728, %broadcast_in_dim3A_1729, %slice3A_1725 : vector<8x4096xi1>, vector<8x4096xf32>
    %iota3A_1731 = tpu.iota {dimensions = array<i32: 0>} : vector<8x4096xi32>
    %mul3A_1732 = arith.constant 2048 : i32
    %mul3A_1733 = arith.muli %arg1, %mul3A_1732 : i32
    %add3A_1734 = arith.constant 808 : i32
    %add3A_1735 = arith.addi %mul3A_1733, %add3A_1734 : i32
    %add3A_1736 = vector.broadcast %add3A_1735 : i32 to vector<8x4096xi32>
    %add3A_1737 = arith.addi %iota3A_1731, %add3A_1736 : vector<8x4096xi32>
    %gt3A_1738 = arith.cmpf ogt, %select_n3A_1730, %select_n3A_1722 : vector<8x4096xf32>
    %select_n3A_1739 = arith.select %gt3A_1738, %select_n3A_1730, %select_n3A_1722 : vector<8x4096xi1>, vector<8x4096xf32>
    %select_n3A_1740 = arith.select %gt3A_1738, %add3A_1737, %select_n3A_1723 : vector<8x4096xi1>, vector<8x4096xi32>
    %slice3A_1741 = vector.extract_strided_slice %gt3A_17 {offsets = [816, 0], sizes = [8, 1], strides = [1, 1]} : vector<2048x1xi1> to vector<8x1xi1>
    %slice3A_1742 = vector.extract_strided_slice %dot_general3A_10 {offsets = [816, 0], sizes = [8, 4096], strides = [1, 1]} : vector<2048x4096xf32> to vector<8x4096xf32>
    %jit3A_1743 = arith.constant 0xFF800000 : f32
    %broadcast_in_dim3A_1744 = vector.shape_cast %slice3A_1741 : vector<8x1xi1> to vector<8x1xi1>
    %broadcast_in_dim3A_1745 = vector.broadcast %broadcast_in_dim3A_1744 : vector<8x1xi1> to vector<8x4096xi1>
    %broadcast_in_dim3A_1746 = vector.broadcast %jit3A_1743 : f32 to vector<8x4096xf32>
    %select_n3A_1747 = arith.select %broadcast_in_dim3A_1745, %broadcast_in_dim3A_1746, %slice3A_1742 : vector<8x4096xi1>, vector<8x4096xf32>
    %iota3A_1748 = tpu.iota {dimensions = array<i32: 0>} : vector<8x4096xi32>
    %mul3A_1749 = arith.constant 2048 : i32
    %mul3A_1750 = arith.muli %arg1, %mul3A_1749 : i32
    %add3A_1751 = arith.constant 816 : i32
    %add3A_1752 = arith.addi %mul3A_1750, %add3A_1751 : i32
    %add3A_1753 = vector.broadcast %add3A_1752 : i32 to vector<8x4096xi32>
    %add3A_1754 = arith.addi %iota3A_1748, %add3A_1753 : vector<8x4096xi32>
    %gt3A_1755 = arith.cmpf ogt, %select_n3A_1747, %select_n3A_1739 : vector<8x4096xf32>
    %select_n3A_1756 = arith.select %gt3A_1755, %select_n3A_1747, %select_n3A_1739 : vector<8x4096xi1>, vector<8x4096xf32>
    %select_n3A_1757 = arith.select %gt3A_1755, %add3A_1754, %select_n3A_1740 : vector<8x4096xi1>, vector<8x4096xi32>
    %slice3A_1758 = vector.extract_strided_slice %gt3A_17 {offsets = [824, 0], sizes = [8, 1], strides = [1, 1]} : vector<2048x1xi1> to vector<8x1xi1>
    %slice3A_1759 = vector.extract_strided_slice %dot_general3A_10 {offsets = [824, 0], sizes = [8, 4096], strides = [1, 1]} : vector<2048x4096xf32> to vector<8x4096xf32>
    %jit3A_1760 = arith.constant 0xFF800000 : f32
    %broadcast_in_dim3A_1761 = vector.shape_cast %slice3A_1758 : vector<8x1xi1> to vector<8x1xi1>
    %broadcast_in_dim3A_1762 = vector.broadcast %broadcast_in_dim3A_1761 : vector<8x1xi1> to vector<8x4096xi1>
    %broadcast_in_dim3A_1763 = vector.broadcast %jit3A_1760 : f32 to vector<8x4096xf32>
    %select_n3A_1764 = arith.select %broadcast_in_dim3A_1762, %broadcast_in_dim3A_1763, %slice3A_1759 : vector<8x4096xi1>, vector<8x4096xf32>
    %iota3A_1765 = tpu.iota {dimensions = array<i32: 0>} : vector<8x4096xi32>
    %mul3A_1766 = arith.constant 2048 : i32
    %mul3A_1767 = arith.muli %arg1, %mul3A_1766 : i32
    %add3A_1768 = arith.constant 824 : i32
    %add3A_1769 = arith.addi %mul3A_1767, %add3A_1768 : i32
    %add3A_1770 = vector.broadcast %add3A_1769 : i32 to vector<8x4096xi32>
    %add3A_1771 = arith.addi %iota3A_1765, %add3A_1770 : vector<8x4096xi32>
    %gt3A_1772 = arith.cmpf ogt, %select_n3A_1764, %select_n3A_1756 : vector<8x4096xf32>
    %select_n3A_1773 = arith.select %gt3A_1772, %select_n3A_1764, %select_n3A_1756 : vector<8x4096xi1>, vector<8x4096xf32>
    %select_n3A_1774 = arith.select %gt3A_1772, %add3A_1771, %select_n3A_1757 : vector<8x4096xi1>, vector<8x4096xi32>
    %slice3A_1775 = vector.extract_strided_slice %gt3A_17 {offsets = [832, 0], sizes = [8, 1], strides = [1, 1]} : vector<2048x1xi1> to vector<8x1xi1>
    %slice3A_1776 = vector.extract_strided_slice %dot_general3A_10 {offsets = [832, 0], sizes = [8, 4096], strides = [1, 1]} : vector<2048x4096xf32> to vector<8x4096xf32>
    %jit3A_1777 = arith.constant 0xFF800000 : f32
    %broadcast_in_dim3A_1778 = vector.shape_cast %slice3A_1775 : vector<8x1xi1> to vector<8x1xi1>
    %broadcast_in_dim3A_1779 = vector.broadcast %broadcast_in_dim3A_1778 : vector<8x1xi1> to vector<8x4096xi1>
    %broadcast_in_dim3A_1780 = vector.broadcast %jit3A_1777 : f32 to vector<8x4096xf32>
    %select_n3A_1781 = arith.select %broadcast_in_dim3A_1779, %broadcast_in_dim3A_1780, %slice3A_1776 : vector<8x4096xi1>, vector<8x4096xf32>
    %iota3A_1782 = tpu.iota {dimensions = array<i32: 0>} : vector<8x4096xi32>
    %mul3A_1783 = arith.constant 2048 : i32
    %mul3A_1784 = arith.muli %arg1, %mul3A_1783 : i32
    %add3A_1785 = arith.constant 832 : i32
    %add3A_1786 = arith.addi %mul3A_1784, %add3A_1785 : i32
    %add3A_1787 = vector.broadcast %add3A_1786 : i32 to vector<8x4096xi32>
    %add3A_1788 = arith.addi %iota3A_1782, %add3A_1787 : vector<8x4096xi32>
    %gt3A_1789 = arith.cmpf ogt, %select_n3A_1781, %select_n3A_1773 : vector<8x4096xf32>
    %select_n3A_1790 = arith.select %gt3A_1789, %select_n3A_1781, %select_n3A_1773 : vector<8x4096xi1>, vector<8x4096xf32>
    %select_n3A_1791 = arith.select %gt3A_1789, %add3A_1788, %select_n3A_1774 : vector<8x4096xi1>, vector<8x4096xi32>
    %slice3A_1792 = vector.extract_strided_slice %gt3A_17 {offsets = [840, 0], sizes = [8, 1], strides = [1, 1]} : vector<2048x1xi1> to vector<8x1xi1>
    %slice3A_1793 = vector.extract_strided_slice %dot_general3A_10 {offsets = [840, 0], sizes = [8, 4096], strides = [1, 1]} : vector<2048x4096xf32> to vector<8x4096xf32>
    %jit3A_1794 = arith.constant 0xFF800000 : f32
    %broadcast_in_dim3A_1795 = vector.shape_cast %slice3A_1792 : vector<8x1xi1> to vector<8x1xi1>
    %broadcast_in_dim3A_1796 = vector.broadcast %broadcast_in_dim3A_1795 : vector<8x1xi1> to vector<8x4096xi1>
    %broadcast_in_dim3A_1797 = vector.broadcast %jit3A_1794 : f32 to vector<8x4096xf32>
    %select_n3A_1798 = arith.select %broadcast_in_dim3A_1796, %broadcast_in_dim3A_1797, %slice3A_1793 : vector<8x4096xi1>, vector<8x4096xf32>
    %iota3A_1799 = tpu.iota {dimensions = array<i32: 0>} : vector<8x4096xi32>
    %mul3A_1800 = arith.constant 2048 : i32
    %mul3A_1801 = arith.muli %arg1, %mul3A_1800 : i32
    %add3A_1802 = arith.constant 840 : i32
    %add3A_1803 = arith.addi %mul3A_1801, %add3A_1802 : i32
    %add3A_1804 = vector.broadcast %add3A_1803 : i32 to vector<8x4096xi32>
    %add3A_1805 = arith.addi %iota3A_1799, %add3A_1804 : vector<8x4096xi32>
    %gt3A_1806 = arith.cmpf ogt, %select_n3A_1798, %select_n3A_1790 : vector<8x4096xf32>
    %select_n3A_1807 = arith.select %gt3A_1806, %select_n3A_1798, %select_n3A_1790 : vector<8x4096xi1>, vector<8x4096xf32>
    %select_n3A_1808 = arith.select %gt3A_1806, %add3A_1805, %select_n3A_1791 : vector<8x4096xi1>, vector<8x4096xi32>
    %slice3A_1809 = vector.extract_strided_slice %gt3A_17 {offsets = [848, 0], sizes = [8, 1], strides = [1, 1]} : vector<2048x1xi1> to vector<8x1xi1>
    %slice3A_1810 = vector.extract_strided_slice %dot_general3A_10 {offsets = [848, 0], sizes = [8, 4096], strides = [1, 1]} : vector<2048x4096xf32> to vector<8x4096xf32>
    %jit3A_1811 = arith.constant 0xFF800000 : f32
    %broadcast_in_dim3A_1812 = vector.shape_cast %slice3A_1809 : vector<8x1xi1> to vector<8x1xi1>
    %broadcast_in_dim3A_1813 = vector.broadcast %broadcast_in_dim3A_1812 : vector<8x1xi1> to vector<8x4096xi1>
    %broadcast_in_dim3A_1814 = vector.broadcast %jit3A_1811 : f32 to vector<8x4096xf32>
    %select_n3A_1815 = arith.select %broadcast_in_dim3A_1813, %broadcast_in_dim3A_1814, %slice3A_1810 : vector<8x4096xi1>, vector<8x4096xf32>
    %iota3A_1816 = tpu.iota {dimensions = array<i32: 0>} : vector<8x4096xi32>
    %mul3A_1817 = arith.constant 2048 : i32
    %mul3A_1818 = arith.muli %arg1, %mul3A_1817 : i32
    %add3A_1819 = arith.constant 848 : i32
    %add3A_1820 = arith.addi %mul3A_1818, %add3A_1819 : i32
    %add3A_1821 = vector.broadcast %add3A_1820 : i32 to vector<8x4096xi32>
    %add3A_1822 = arith.addi %iota3A_1816, %add3A_1821 : vector<8x4096xi32>
    %gt3A_1823 = arith.cmpf ogt, %select_n3A_1815, %select_n3A_1807 : vector<8x4096xf32>
    %select_n3A_1824 = arith.select %gt3A_1823, %select_n3A_1815, %select_n3A_1807 : vector<8x4096xi1>, vector<8x4096xf32>
    %select_n3A_1825 = arith.select %gt3A_1823, %add3A_1822, %select_n3A_1808 : vector<8x4096xi1>, vector<8x4096xi32>
    %slice3A_1826 = vector.extract_strided_slice %gt3A_17 {offsets = [856, 0], sizes = [8, 1], strides = [1, 1]} : vector<2048x1xi1> to vector<8x1xi1>
    %slice3A_1827 = vector.extract_strided_slice %dot_general3A_10 {offsets = [856, 0], sizes = [8, 4096], strides = [1, 1]} : vector<2048x4096xf32> to vector<8x4096xf32>
    %jit3A_1828 = arith.constant 0xFF800000 : f32
    %broadcast_in_dim3A_1829 = vector.shape_cast %slice3A_1826 : vector<8x1xi1> to vector<8x1xi1>
    %broadcast_in_dim3A_1830 = vector.broadcast %broadcast_in_dim3A_1829 : vector<8x1xi1> to vector<8x4096xi1>
    %broadcast_in_dim3A_1831 = vector.broadcast %jit3A_1828 : f32 to vector<8x4096xf32>
    %select_n3A_1832 = arith.select %broadcast_in_dim3A_1830, %broadcast_in_dim3A_1831, %slice3A_1827 : vector<8x4096xi1>, vector<8x4096xf32>
    %iota3A_1833 = tpu.iota {dimensions = array<i32: 0>} : vector<8x4096xi32>
    %mul3A_1834 = arith.constant 2048 : i32
    %mul3A_1835 = arith.muli %arg1, %mul3A_1834 : i32
    %add3A_1836 = arith.constant 856 : i32
    %add3A_1837 = arith.addi %mul3A_1835, %add3A_1836 : i32
    %add3A_1838 = vector.broadcast %add3A_1837 : i32 to vector<8x4096xi32>
    %add3A_1839 = arith.addi %iota3A_1833, %add3A_1838 : vector<8x4096xi32>
    %gt3A_1840 = arith.cmpf ogt, %select_n3A_1832, %select_n3A_1824 : vector<8x4096xf32>
    %select_n3A_1841 = arith.select %gt3A_1840, %select_n3A_1832, %select_n3A_1824 : vector<8x4096xi1>, vector<8x4096xf32>
    %select_n3A_1842 = arith.select %gt3A_1840, %add3A_1839, %select_n3A_1825 : vector<8x4096xi1>, vector<8x4096xi32>
    %slice3A_1843 = vector.extract_strided_slice %gt3A_17 {offsets = [864, 0], sizes = [8, 1], strides = [1, 1]} : vector<2048x1xi1> to vector<8x1xi1>
    %slice3A_1844 = vector.extract_strided_slice %dot_general3A_10 {offsets = [864, 0], sizes = [8, 4096], strides = [1, 1]} : vector<2048x4096xf32> to vector<8x4096xf32>
    %jit3A_1845 = arith.constant 0xFF800000 : f32
    %broadcast_in_dim3A_1846 = vector.shape_cast %slice3A_1843 : vector<8x1xi1> to vector<8x1xi1>
    %broadcast_in_dim3A_1847 = vector.broadcast %broadcast_in_dim3A_1846 : vector<8x1xi1> to vector<8x4096xi1>
    %broadcast_in_dim3A_1848 = vector.broadcast %jit3A_1845 : f32 to vector<8x4096xf32>
    %select_n3A_1849 = arith.select %broadcast_in_dim3A_1847, %broadcast_in_dim3A_1848, %slice3A_1844 : vector<8x4096xi1>, vector<8x4096xf32>
    %iota3A_1850 = tpu.iota {dimensions = array<i32: 0>} : vector<8x4096xi32>
    %mul3A_1851 = arith.constant 2048 : i32
    %mul3A_1852 = arith.muli %arg1, %mul3A_1851 : i32
    %add3A_1853 = arith.constant 864 : i32
    %add3A_1854 = arith.addi %mul3A_1852, %add3A_1853 : i32
    %add3A_1855 = vector.broadcast %add3A_1854 : i32 to vector<8x4096xi32>
    %add3A_1856 = arith.addi %iota3A_1850, %add3A_1855 : vector<8x4096xi32>
    %gt3A_1857 = arith.cmpf ogt, %select_n3A_1849, %select_n3A_1841 : vector<8x4096xf32>
    %select_n3A_1858 = arith.select %gt3A_1857, %select_n3A_1849, %select_n3A_1841 : vector<8x4096xi1>, vector<8x4096xf32>
    %select_n3A_1859 = arith.select %gt3A_1857, %add3A_1856, %select_n3A_1842 : vector<8x4096xi1>, vector<8x4096xi32>
    %slice3A_1860 = vector.extract_strided_slice %gt3A_17 {offsets = [872, 0], sizes = [8, 1], strides = [1, 1]} : vector<2048x1xi1> to vector<8x1xi1>
    %slice3A_1861 = vector.extract_strided_slice %dot_general3A_10 {offsets = [872, 0], sizes = [8, 4096], strides = [1, 1]} : vector<2048x4096xf32> to vector<8x4096xf32>
    %jit3A_1862 = arith.constant 0xFF800000 : f32
    %broadcast_in_dim3A_1863 = vector.shape_cast %slice3A_1860 : vector<8x1xi1> to vector<8x1xi1>
    %broadcast_in_dim3A_1864 = vector.broadcast %broadcast_in_dim3A_1863 : vector<8x1xi1> to vector<8x4096xi1>
    %broadcast_in_dim3A_1865 = vector.broadcast %jit3A_1862 : f32 to vector<8x4096xf32>
    %select_n3A_1866 = arith.select %broadcast_in_dim3A_1864, %broadcast_in_dim3A_1865, %slice3A_1861 : vector<8x4096xi1>, vector<8x4096xf32>
    %iota3A_1867 = tpu.iota {dimensions = array<i32: 0>} : vector<8x4096xi32>
    %mul3A_1868 = arith.constant 2048 : i32
    %mul3A_1869 = arith.muli %arg1, %mul3A_1868 : i32
    %add3A_1870 = arith.constant 872 : i32
    %add3A_1871 = arith.addi %mul3A_1869, %add3A_1870 : i32
    %add3A_1872 = vector.broadcast %add3A_1871 : i32 to vector<8x4096xi32>
    %add3A_1873 = arith.addi %iota3A_1867, %add3A_1872 : vector<8x4096xi32>
    %gt3A_1874 = arith.cmpf ogt, %select_n3A_1866, %select_n3A_1858 : vector<8x4096xf32>
    %select_n3A_1875 = arith.select %gt3A_1874, %select_n3A_1866, %select_n3A_1858 : vector<8x4096xi1>, vector<8x4096xf32>
    %select_n3A_1876 = arith.select %gt3A_1874, %add3A_1873, %select_n3A_1859 : vector<8x4096xi1>, vector<8x4096xi32>
    %slice3A_1877 = vector.extract_strided_slice %gt3A_17 {offsets = [880, 0], sizes = [8, 1], strides = [1, 1]} : vector<2048x1xi1> to vector<8x1xi1>
    %slice3A_1878 = vector.extract_strided_slice %dot_general3A_10 {offsets = [880, 0], sizes = [8, 4096], strides = [1, 1]} : vector<2048x4096xf32> to vector<8x4096xf32>
    %jit3A_1879 = arith.constant 0xFF800000 : f32
    %broadcast_in_dim3A_1880 = vector.shape_cast %slice3A_1877 : vector<8x1xi1> to vector<8x1xi1>
    %broadcast_in_dim3A_1881 = vector.broadcast %broadcast_in_dim3A_1880 : vector<8x1xi1> to vector<8x4096xi1>
    %broadcast_in_dim3A_1882 = vector.broadcast %jit3A_1879 : f32 to vector<8x4096xf32>
    %select_n3A_1883 = arith.select %broadcast_in_dim3A_1881, %broadcast_in_dim3A_1882, %slice3A_1878 : vector<8x4096xi1>, vector<8x4096xf32>
    %iota3A_1884 = tpu.iota {dimensions = array<i32: 0>} : vector<8x4096xi32>
    %mul3A_1885 = arith.constant 2048 : i32
    %mul3A_1886 = arith.muli %arg1, %mul3A_1885 : i32
    %add3A_1887 = arith.constant 880 : i32
    %add3A_1888 = arith.addi %mul3A_1886, %add3A_1887 : i32
    %add3A_1889 = vector.broadcast %add3A_1888 : i32 to vector<8x4096xi32>
    %add3A_1890 = arith.addi %iota3A_1884, %add3A_1889 : vector<8x4096xi32>
    %gt3A_1891 = arith.cmpf ogt, %select_n3A_1883, %select_n3A_1875 : vector<8x4096xf32>
    %select_n3A_1892 = arith.select %gt3A_1891, %select_n3A_1883, %select_n3A_1875 : vector<8x4096xi1>, vector<8x4096xf32>
    %select_n3A_1893 = arith.select %gt3A_1891, %add3A_1890, %select_n3A_1876 : vector<8x4096xi1>, vector<8x4096xi32>
    %slice3A_1894 = vector.extract_strided_slice %gt3A_17 {offsets = [888, 0], sizes = [8, 1], strides = [1, 1]} : vector<2048x1xi1> to vector<8x1xi1>
    %slice3A_1895 = vector.extract_strided_slice %dot_general3A_10 {offsets = [888, 0], sizes = [8, 4096], strides = [1, 1]} : vector<2048x4096xf32> to vector<8x4096xf32>
    %jit3A_1896 = arith.constant 0xFF800000 : f32
    %broadcast_in_dim3A_1897 = vector.shape_cast %slice3A_1894 : vector<8x1xi1> to vector<8x1xi1>
    %broadcast_in_dim3A_1898 = vector.broadcast %broadcast_in_dim3A_1897 : vector<8x1xi1> to vector<8x4096xi1>
    %broadcast_in_dim3A_1899 = vector.broadcast %jit3A_1896 : f32 to vector<8x4096xf32>
    %select_n3A_1900 = arith.select %broadcast_in_dim3A_1898, %broadcast_in_dim3A_1899, %slice3A_1895 : vector<8x4096xi1>, vector<8x4096xf32>
    %iota3A_1901 = tpu.iota {dimensions = array<i32: 0>} : vector<8x4096xi32>
    %mul3A_1902 = arith.constant 2048 : i32
    %mul3A_1903 = arith.muli %arg1, %mul3A_1902 : i32
    %add3A_1904 = arith.constant 888 : i32
    %add3A_1905 = arith.addi %mul3A_1903, %add3A_1904 : i32
    %add3A_1906 = vector.broadcast %add3A_1905 : i32 to vector<8x4096xi32>
    %add3A_1907 = arith.addi %iota3A_1901, %add3A_1906 : vector<8x4096xi32>
    %gt3A_1908 = arith.cmpf ogt, %select_n3A_1900, %select_n3A_1892 : vector<8x4096xf32>
    %select_n3A_1909 = arith.select %gt3A_1908, %select_n3A_1900, %select_n3A_1892 : vector<8x4096xi1>, vector<8x4096xf32>
    %select_n3A_1910 = arith.select %gt3A_1908, %add3A_1907, %select_n3A_1893 : vector<8x4096xi1>, vector<8x4096xi32>
    %slice3A_1911 = vector.extract_strided_slice %gt3A_17 {offsets = [896, 0], sizes = [8, 1], strides = [1, 1]} : vector<2048x1xi1> to vector<8x1xi1>
    %slice3A_1912 = vector.extract_strided_slice %dot_general3A_10 {offsets = [896, 0], sizes = [8, 4096], strides = [1, 1]} : vector<2048x4096xf32> to vector<8x4096xf32>
    %jit3A_1913 = arith.constant 0xFF800000 : f32
    %broadcast_in_dim3A_1914 = vector.shape_cast %slice3A_1911 : vector<8x1xi1> to vector<8x1xi1>
    %broadcast_in_dim3A_1915 = vector.broadcast %broadcast_in_dim3A_1914 : vector<8x1xi1> to vector<8x4096xi1>
    %broadcast_in_dim3A_1916 = vector.broadcast %jit3A_1913 : f32 to vector<8x4096xf32>
    %select_n3A_1917 = arith.select %broadcast_in_dim3A_1915, %broadcast_in_dim3A_1916, %slice3A_1912 : vector<8x4096xi1>, vector<8x4096xf32>
    %iota3A_1918 = tpu.iota {dimensions = array<i32: 0>} : vector<8x4096xi32>
    %mul3A_1919 = arith.constant 2048 : i32
    %mul3A_1920 = arith.muli %arg1, %mul3A_1919 : i32
    %add3A_1921 = arith.constant 896 : i32
    %add3A_1922 = arith.addi %mul3A_1920, %add3A_1921 : i32
    %add3A_1923 = vector.broadcast %add3A_1922 : i32 to vector<8x4096xi32>
    %add3A_1924 = arith.addi %iota3A_1918, %add3A_1923 : vector<8x4096xi32>
    %gt3A_1925 = arith.cmpf ogt, %select_n3A_1917, %select_n3A_1909 : vector<8x4096xf32>
    %select_n3A_1926 = arith.select %gt3A_1925, %select_n3A_1917, %select_n3A_1909 : vector<8x4096xi1>, vector<8x4096xf32>
    %select_n3A_1927 = arith.select %gt3A_1925, %add3A_1924, %select_n3A_1910 : vector<8x4096xi1>, vector<8x4096xi32>
    %slice3A_1928 = vector.extract_strided_slice %gt3A_17 {offsets = [904, 0], sizes = [8, 1], strides = [1, 1]} : vector<2048x1xi1> to vector<8x1xi1>
    %slice3A_1929 = vector.extract_strided_slice %dot_general3A_10 {offsets = [904, 0], sizes = [8, 4096], strides = [1, 1]} : vector<2048x4096xf32> to vector<8x4096xf32>
    %jit3A_1930 = arith.constant 0xFF800000 : f32
    %broadcast_in_dim3A_1931 = vector.shape_cast %slice3A_1928 : vector<8x1xi1> to vector<8x1xi1>
    %broadcast_in_dim3A_1932 = vector.broadcast %broadcast_in_dim3A_1931 : vector<8x1xi1> to vector<8x4096xi1>
    %broadcast_in_dim3A_1933 = vector.broadcast %jit3A_1930 : f32 to vector<8x4096xf32>
    %select_n3A_1934 = arith.select %broadcast_in_dim3A_1932, %broadcast_in_dim3A_1933, %slice3A_1929 : vector<8x4096xi1>, vector<8x4096xf32>
    %iota3A_1935 = tpu.iota {dimensions = array<i32: 0>} : vector<8x4096xi32>
    %mul3A_1936 = arith.constant 2048 : i32
    %mul3A_1937 = arith.muli %arg1, %mul3A_1936 : i32
    %add3A_1938 = arith.constant 904 : i32
    %add3A_1939 = arith.addi %mul3A_1937, %add3A_1938 : i32
    %add3A_1940 = vector.broadcast %add3A_1939 : i32 to vector<8x4096xi32>
    %add3A_1941 = arith.addi %iota3A_1935, %add3A_1940 : vector<8x4096xi32>
    %gt3A_1942 = arith.cmpf ogt, %select_n3A_1934, %select_n3A_1926 : vector<8x4096xf32>
    %select_n3A_1943 = arith.select %gt3A_1942, %select_n3A_1934, %select_n3A_1926 : vector<8x4096xi1>, vector<8x4096xf32>
    %select_n3A_1944 = arith.select %gt3A_1942, %add3A_1941, %select_n3A_1927 : vector<8x4096xi1>, vector<8x4096xi32>
    %slice3A_1945 = vector.extract_strided_slice %gt3A_17 {offsets = [912, 0], sizes = [8, 1], strides = [1, 1]} : vector<2048x1xi1> to vector<8x1xi1>
    %slice3A_1946 = vector.extract_strided_slice %dot_general3A_10 {offsets = [912, 0], sizes = [8, 4096], strides = [1, 1]} : vector<2048x4096xf32> to vector<8x4096xf32>
    %jit3A_1947 = arith.constant 0xFF800000 : f32
    %broadcast_in_dim3A_1948 = vector.shape_cast %slice3A_1945 : vector<8x1xi1> to vector<8x1xi1>
    %broadcast_in_dim3A_1949 = vector.broadcast %broadcast_in_dim3A_1948 : vector<8x1xi1> to vector<8x4096xi1>
    %broadcast_in_dim3A_1950 = vector.broadcast %jit3A_1947 : f32 to vector<8x4096xf32>
    %select_n3A_1951 = arith.select %broadcast_in_dim3A_1949, %broadcast_in_dim3A_1950, %slice3A_1946 : vector<8x4096xi1>, vector<8x4096xf32>
    %iota3A_1952 = tpu.iota {dimensions = array<i32: 0>} : vector<8x4096xi32>
    %mul3A_1953 = arith.constant 2048 : i32
    %mul3A_1954 = arith.muli %arg1, %mul3A_1953 : i32
    %add3A_1955 = arith.constant 912 : i32
    %add3A_1956 = arith.addi %mul3A_1954, %add3A_1955 : i32
    %add3A_1957 = vector.broadcast %add3A_1956 : i32 to vector<8x4096xi32>
    %add3A_1958 = arith.addi %iota3A_1952, %add3A_1957 : vector<8x4096xi32>
    %gt3A_1959 = arith.cmpf ogt, %select_n3A_1951, %select_n3A_1943 : vector<8x4096xf32>
    %select_n3A_1960 = arith.select %gt3A_1959, %select_n3A_1951, %select_n3A_1943 : vector<8x4096xi1>, vector<8x4096xf32>
    %select_n3A_1961 = arith.select %gt3A_1959, %add3A_1958, %select_n3A_1944 : vector<8x4096xi1>, vector<8x4096xi32>
    %slice3A_1962 = vector.extract_strided_slice %gt3A_17 {offsets = [920, 0], sizes = [8, 1], strides = [1, 1]} : vector<2048x1xi1> to vector<8x1xi1>
    %slice3A_1963 = vector.extract_strided_slice %dot_general3A_10 {offsets = [920, 0], sizes = [8, 4096], strides = [1, 1]} : vector<2048x4096xf32> to vector<8x4096xf32>
    %jit3A_1964 = arith.constant 0xFF800000 : f32
    %broadcast_in_dim3A_1965 = vector.shape_cast %slice3A_1962 : vector<8x1xi1> to vector<8x1xi1>
    %broadcast_in_dim3A_1966 = vector.broadcast %broadcast_in_dim3A_1965 : vector<8x1xi1> to vector<8x4096xi1>
    %broadcast_in_dim3A_1967 = vector.broadcast %jit3A_1964 : f32 to vector<8x4096xf32>
    %select_n3A_1968 = arith.select %broadcast_in_dim3A_1966, %broadcast_in_dim3A_1967, %slice3A_1963 : vector<8x4096xi1>, vector<8x4096xf32>
    %iota3A_1969 = tpu.iota {dimensions = array<i32: 0>} : vector<8x4096xi32>
    %mul3A_1970 = arith.constant 2048 : i32
    %mul3A_1971 = arith.muli %arg1, %mul3A_1970 : i32
    %add3A_1972 = arith.constant 920 : i32
    %add3A_1973 = arith.addi %mul3A_1971, %add3A_1972 : i32
    %add3A_1974 = vector.broadcast %add3A_1973 : i32 to vector<8x4096xi32>
    %add3A_1975 = arith.addi %iota3A_1969, %add3A_1974 : vector<8x4096xi32>
    %gt3A_1976 = arith.cmpf ogt, %select_n3A_1968, %select_n3A_1960 : vector<8x4096xf32>
    %select_n3A_1977 = arith.select %gt3A_1976, %select_n3A_1968, %select_n3A_1960 : vector<8x4096xi1>, vector<8x4096xf32>
    %select_n3A_1978 = arith.select %gt3A_1976, %add3A_1975, %select_n3A_1961 : vector<8x4096xi1>, vector<8x4096xi32>
    %slice3A_1979 = vector.extract_strided_slice %gt3A_17 {offsets = [928, 0], sizes = [8, 1], strides = [1, 1]} : vector<2048x1xi1> to vector<8x1xi1>
    %slice3A_1980 = vector.extract_strided_slice %dot_general3A_10 {offsets = [928, 0], sizes = [8, 4096], strides = [1, 1]} : vector<2048x4096xf32> to vector<8x4096xf32>
    %jit3A_1981 = arith.constant 0xFF800000 : f32
    %broadcast_in_dim3A_1982 = vector.shape_cast %slice3A_1979 : vector<8x1xi1> to vector<8x1xi1>
    %broadcast_in_dim3A_1983 = vector.broadcast %broadcast_in_dim3A_1982 : vector<8x1xi1> to vector<8x4096xi1>
    %broadcast_in_dim3A_1984 = vector.broadcast %jit3A_1981 : f32 to vector<8x4096xf32>
    %select_n3A_1985 = arith.select %broadcast_in_dim3A_1983, %broadcast_in_dim3A_1984, %slice3A_1980 : vector<8x4096xi1>, vector<8x4096xf32>
    %iota3A_1986 = tpu.iota {dimensions = array<i32: 0>} : vector<8x4096xi32>
    %mul3A_1987 = arith.constant 2048 : i32
    %mul3A_1988 = arith.muli %arg1, %mul3A_1987 : i32
    %add3A_1989 = arith.constant 928 : i32
    %add3A_1990 = arith.addi %mul3A_1988, %add3A_1989 : i32
    %add3A_1991 = vector.broadcast %add3A_1990 : i32 to vector<8x4096xi32>
    %add3A_1992 = arith.addi %iota3A_1986, %add3A_1991 : vector<8x4096xi32>
    %gt3A_1993 = arith.cmpf ogt, %select_n3A_1985, %select_n3A_1977 : vector<8x4096xf32>
    %select_n3A_1994 = arith.select %gt3A_1993, %select_n3A_1985, %select_n3A_1977 : vector<8x4096xi1>, vector<8x4096xf32>
    %select_n3A_1995 = arith.select %gt3A_1993, %add3A_1992, %select_n3A_1978 : vector<8x4096xi1>, vector<8x4096xi32>
    %slice3A_1996 = vector.extract_strided_slice %gt3A_17 {offsets = [936, 0], sizes = [8, 1], strides = [1, 1]} : vector<2048x1xi1> to vector<8x1xi1>
    %slice3A_1997 = vector.extract_strided_slice %dot_general3A_10 {offsets = [936, 0], sizes = [8, 4096], strides = [1, 1]} : vector<2048x4096xf32> to vector<8x4096xf32>
    %jit3A_1998 = arith.constant 0xFF800000 : f32
    %broadcast_in_dim3A_1999 = vector.shape_cast %slice3A_1996 : vector<8x1xi1> to vector<8x1xi1>
    %broadcast_in_dim3A_2000 = vector.broadcast %broadcast_in_dim3A_1999 : vector<8x1xi1> to vector<8x4096xi1>
    %broadcast_in_dim3A_2001 = vector.broadcast %jit3A_1998 : f32 to vector<8x4096xf32>
    %select_n3A_2002 = arith.select %broadcast_in_dim3A_2000, %broadcast_in_dim3A_2001, %slice3A_1997 : vector<8x4096xi1>, vector<8x4096xf32>
    %iota3A_2003 = tpu.iota {dimensions = array<i32: 0>} : vector<8x4096xi32>
    %mul3A_2004 = arith.constant 2048 : i32
    %mul3A_2005 = arith.muli %arg1, %mul3A_2004 : i32
    %add3A_2006 = arith.constant 936 : i32
    %add3A_2007 = arith.addi %mul3A_2005, %add3A_2006 : i32
    %add3A_2008 = vector.broadcast %add3A_2007 : i32 to vector<8x4096xi32>
    %add3A_2009 = arith.addi %iota3A_2003, %add3A_2008 : vector<8x4096xi32>
    %gt3A_2010 = arith.cmpf ogt, %select_n3A_2002, %select_n3A_1994 : vector<8x4096xf32>
    %select_n3A_2011 = arith.select %gt3A_2010, %select_n3A_2002, %select_n3A_1994 : vector<8x4096xi1>, vector<8x4096xf32>
    %select_n3A_2012 = arith.select %gt3A_2010, %add3A_2009, %select_n3A_1995 : vector<8x4096xi1>, vector<8x4096xi32>
    %slice3A_2013 = vector.extract_strided_slice %gt3A_17 {offsets = [944, 0], sizes = [8, 1], strides = [1, 1]} : vector<2048x1xi1> to vector<8x1xi1>
    %slice3A_2014 = vector.extract_strided_slice %dot_general3A_10 {offsets = [944, 0], sizes = [8, 4096], strides = [1, 1]} : vector<2048x4096xf32> to vector<8x4096xf32>
    %jit3A_2015 = arith.constant 0xFF800000 : f32
    %broadcast_in_dim3A_2016 = vector.shape_cast %slice3A_2013 : vector<8x1xi1> to vector<8x1xi1>
    %broadcast_in_dim3A_2017 = vector.broadcast %broadcast_in_dim3A_2016 : vector<8x1xi1> to vector<8x4096xi1>
    %broadcast_in_dim3A_2018 = vector.broadcast %jit3A_2015 : f32 to vector<8x4096xf32>
    %select_n3A_2019 = arith.select %broadcast_in_dim3A_2017, %broadcast_in_dim3A_2018, %slice3A_2014 : vector<8x4096xi1>, vector<8x4096xf32>
    %iota3A_2020 = tpu.iota {dimensions = array<i32: 0>} : vector<8x4096xi32>
    %mul3A_2021 = arith.constant 2048 : i32
    %mul3A_2022 = arith.muli %arg1, %mul3A_2021 : i32
    %add3A_2023 = arith.constant 944 : i32
    %add3A_2024 = arith.addi %mul3A_2022, %add3A_2023 : i32
    %add3A_2025 = vector.broadcast %add3A_2024 : i32 to vector<8x4096xi32>
    %add3A_2026 = arith.addi %iota3A_2020, %add3A_2025 : vector<8x4096xi32>
    %gt3A_2027 = arith.cmpf ogt, %select_n3A_2019, %select_n3A_2011 : vector<8x4096xf32>
    %select_n3A_2028 = arith.select %gt3A_2027, %select_n3A_2019, %select_n3A_2011 : vector<8x4096xi1>, vector<8x4096xf32>
    %select_n3A_2029 = arith.select %gt3A_2027, %add3A_2026, %select_n3A_2012 : vector<8x4096xi1>, vector<8x4096xi32>
    %slice3A_2030 = vector.extract_strided_slice %gt3A_17 {offsets = [952, 0], sizes = [8, 1], strides = [1, 1]} : vector<2048x1xi1> to vector<8x1xi1>
    %slice3A_2031 = vector.extract_strided_slice %dot_general3A_10 {offsets = [952, 0], sizes = [8, 4096], strides = [1, 1]} : vector<2048x4096xf32> to vector<8x4096xf32>
    %jit3A_2032 = arith.constant 0xFF800000 : f32
    %broadcast_in_dim3A_2033 = vector.shape_cast %slice3A_2030 : vector<8x1xi1> to vector<8x1xi1>
    %broadcast_in_dim3A_2034 = vector.broadcast %broadcast_in_dim3A_2033 : vector<8x1xi1> to vector<8x4096xi1>
    %broadcast_in_dim3A_2035 = vector.broadcast %jit3A_2032 : f32 to vector<8x4096xf32>
    %select_n3A_2036 = arith.select %broadcast_in_dim3A_2034, %broadcast_in_dim3A_2035, %slice3A_2031 : vector<8x4096xi1>, vector<8x4096xf32>
    %iota3A_2037 = tpu.iota {dimensions = array<i32: 0>} : vector<8x4096xi32>
    %mul3A_2038 = arith.constant 2048 : i32
    %mul3A_2039 = arith.muli %arg1, %mul3A_2038 : i32
    %add3A_2040 = arith.constant 952 : i32
    %add3A_2041 = arith.addi %mul3A_2039, %add3A_2040 : i32
    %add3A_2042 = vector.broadcast %add3A_2041 : i32 to vector<8x4096xi32>
    %add3A_2043 = arith.addi %iota3A_2037, %add3A_2042 : vector<8x4096xi32>
    %gt3A_2044 = arith.cmpf ogt, %select_n3A_2036, %select_n3A_2028 : vector<8x4096xf32>
    %select_n3A_2045 = arith.select %gt3A_2044, %select_n3A_2036, %select_n3A_2028 : vector<8x4096xi1>, vector<8x4096xf32>
    %select_n3A_2046 = arith.select %gt3A_2044, %add3A_2043, %select_n3A_2029 : vector<8x4096xi1>, vector<8x4096xi32>
    %slice3A_2047 = vector.extract_strided_slice %gt3A_17 {offsets = [960, 0], sizes = [8, 1], strides = [1, 1]} : vector<2048x1xi1> to vector<8x1xi1>
    %slice3A_2048 = vector.extract_strided_slice %dot_general3A_10 {offsets = [960, 0], sizes = [8, 4096], strides = [1, 1]} : vector<2048x4096xf32> to vector<8x4096xf32>
    %jit3A_2049 = arith.constant 0xFF800000 : f32
    %broadcast_in_dim3A_2050 = vector.shape_cast %slice3A_2047 : vector<8x1xi1> to vector<8x1xi1>
    %broadcast_in_dim3A_2051 = vector.broadcast %broadcast_in_dim3A_2050 : vector<8x1xi1> to vector<8x4096xi1>
    %broadcast_in_dim3A_2052 = vector.broadcast %jit3A_2049 : f32 to vector<8x4096xf32>
    %select_n3A_2053 = arith.select %broadcast_in_dim3A_2051, %broadcast_in_dim3A_2052, %slice3A_2048 : vector<8x4096xi1>, vector<8x4096xf32>
    %iota3A_2054 = tpu.iota {dimensions = array<i32: 0>} : vector<8x4096xi32>
    %mul3A_2055 = arith.constant 2048 : i32
    %mul3A_2056 = arith.muli %arg1, %mul3A_2055 : i32
    %add3A_2057 = arith.constant 960 : i32
    %add3A_2058 = arith.addi %mul3A_2056, %add3A_2057 : i32
    %add3A_2059 = vector.broadcast %add3A_2058 : i32 to vector<8x4096xi32>
    %add3A_2060 = arith.addi %iota3A_2054, %add3A_2059 : vector<8x4096xi32>
    %gt3A_2061 = arith.cmpf ogt, %select_n3A_2053, %select_n3A_2045 : vector<8x4096xf32>
    %select_n3A_2062 = arith.select %gt3A_2061, %select_n3A_2053, %select_n3A_2045 : vector<8x4096xi1>, vector<8x4096xf32>
    %select_n3A_2063 = arith.select %gt3A_2061, %add3A_2060, %select_n3A_2046 : vector<8x4096xi1>, vector<8x4096xi32>
    %slice3A_2064 = vector.extract_strided_slice %gt3A_17 {offsets = [968, 0], sizes = [8, 1], strides = [1, 1]} : vector<2048x1xi1> to vector<8x1xi1>
    %slice3A_2065 = vector.extract_strided_slice %dot_general3A_10 {offsets = [968, 0], sizes = [8, 4096], strides = [1, 1]} : vector<2048x4096xf32> to vector<8x4096xf32>
    %jit3A_2066 = arith.constant 0xFF800000 : f32
    %broadcast_in_dim3A_2067 = vector.shape_cast %slice3A_2064 : vector<8x1xi1> to vector<8x1xi1>
    %broadcast_in_dim3A_2068 = vector.broadcast %broadcast_in_dim3A_2067 : vector<8x1xi1> to vector<8x4096xi1>
    %broadcast_in_dim3A_2069 = vector.broadcast %jit3A_2066 : f32 to vector<8x4096xf32>
    %select_n3A_2070 = arith.select %broadcast_in_dim3A_2068, %broadcast_in_dim3A_2069, %slice3A_2065 : vector<8x4096xi1>, vector<8x4096xf32>
    %iota3A_2071 = tpu.iota {dimensions = array<i32: 0>} : vector<8x4096xi32>
    %mul3A_2072 = arith.constant 2048 : i32
    %mul3A_2073 = arith.muli %arg1, %mul3A_2072 : i32
    %add3A_2074 = arith.constant 968 : i32
    %add3A_2075 = arith.addi %mul3A_2073, %add3A_2074 : i32
    %add3A_2076 = vector.broadcast %add3A_2075 : i32 to vector<8x4096xi32>
    %add3A_2077 = arith.addi %iota3A_2071, %add3A_2076 : vector<8x4096xi32>
    %gt3A_2078 = arith.cmpf ogt, %select_n3A_2070, %select_n3A_2062 : vector<8x4096xf32>
    %select_n3A_2079 = arith.select %gt3A_2078, %select_n3A_2070, %select_n3A_2062 : vector<8x4096xi1>, vector<8x4096xf32>
    %select_n3A_2080 = arith.select %gt3A_2078, %add3A_2077, %select_n3A_2063 : vector<8x4096xi1>, vector<8x4096xi32>
    %slice3A_2081 = vector.extract_strided_slice %gt3A_17 {offsets = [976, 0], sizes = [8, 1], strides = [1, 1]} : vector<2048x1xi1> to vector<8x1xi1>
    %slice3A_2082 = vector.extract_strided_slice %dot_general3A_10 {offsets = [976, 0], sizes = [8, 4096], strides = [1, 1]} : vector<2048x4096xf32> to vector<8x4096xf32>
    %jit3A_2083 = arith.constant 0xFF800000 : f32
    %broadcast_in_dim3A_2084 = vector.shape_cast %slice3A_2081 : vector<8x1xi1> to vector<8x1xi1>
    %broadcast_in_dim3A_2085 = vector.broadcast %broadcast_in_dim3A_2084 : vector<8x1xi1> to vector<8x4096xi1>
    %broadcast_in_dim3A_2086 = vector.broadcast %jit3A_2083 : f32 to vector<8x4096xf32>
    %select_n3A_2087 = arith.select %broadcast_in_dim3A_2085, %broadcast_in_dim3A_2086, %slice3A_2082 : vector<8x4096xi1>, vector<8x4096xf32>
    %iota3A_2088 = tpu.iota {dimensions = array<i32: 0>} : vector<8x4096xi32>
    %mul3A_2089 = arith.constant 2048 : i32
    %mul3A_2090 = arith.muli %arg1, %mul3A_2089 : i32
    %add3A_2091 = arith.constant 976 : i32
    %add3A_2092 = arith.addi %mul3A_2090, %add3A_2091 : i32
    %add3A_2093 = vector.broadcast %add3A_2092 : i32 to vector<8x4096xi32>
    %add3A_2094 = arith.addi %iota3A_2088, %add3A_2093 : vector<8x4096xi32>
    %gt3A_2095 = arith.cmpf ogt, %select_n3A_2087, %select_n3A_2079 : vector<8x4096xf32>
    %select_n3A_2096 = arith.select %gt3A_2095, %select_n3A_2087, %select_n3A_2079 : vector<8x4096xi1>, vector<8x4096xf32>
    %select_n3A_2097 = arith.select %gt3A_2095, %add3A_2094, %select_n3A_2080 : vector<8x4096xi1>, vector<8x4096xi32>
    %slice3A_2098 = vector.extract_strided_slice %gt3A_17 {offsets = [984, 0], sizes = [8, 1], strides = [1, 1]} : vector<2048x1xi1> to vector<8x1xi1>
    %slice3A_2099 = vector.extract_strided_slice %dot_general3A_10 {offsets = [984, 0], sizes = [8, 4096], strides = [1, 1]} : vector<2048x4096xf32> to vector<8x4096xf32>
    %jit3A_2100 = arith.constant 0xFF800000 : f32
    %broadcast_in_dim3A_2101 = vector.shape_cast %slice3A_2098 : vector<8x1xi1> to vector<8x1xi1>
    %broadcast_in_dim3A_2102 = vector.broadcast %broadcast_in_dim3A_2101 : vector<8x1xi1> to vector<8x4096xi1>
    %broadcast_in_dim3A_2103 = vector.broadcast %jit3A_2100 : f32 to vector<8x4096xf32>
    %select_n3A_2104 = arith.select %broadcast_in_dim3A_2102, %broadcast_in_dim3A_2103, %slice3A_2099 : vector<8x4096xi1>, vector<8x4096xf32>
    %iota3A_2105 = tpu.iota {dimensions = array<i32: 0>} : vector<8x4096xi32>
    %mul3A_2106 = arith.constant 2048 : i32
    %mul3A_2107 = arith.muli %arg1, %mul3A_2106 : i32
    %add3A_2108 = arith.constant 984 : i32
    %add3A_2109 = arith.addi %mul3A_2107, %add3A_2108 : i32
    %add3A_2110 = vector.broadcast %add3A_2109 : i32 to vector<8x4096xi32>
    %add3A_2111 = arith.addi %iota3A_2105, %add3A_2110 : vector<8x4096xi32>
    %gt3A_2112 = arith.cmpf ogt, %select_n3A_2104, %select_n3A_2096 : vector<8x4096xf32>
    %select_n3A_2113 = arith.select %gt3A_2112, %select_n3A_2104, %select_n3A_2096 : vector<8x4096xi1>, vector<8x4096xf32>
    %select_n3A_2114 = arith.select %gt3A_2112, %add3A_2111, %select_n3A_2097 : vector<8x4096xi1>, vector<8x4096xi32>
    %slice3A_2115 = vector.extract_strided_slice %gt3A_17 {offsets = [992, 0], sizes = [8, 1], strides = [1, 1]} : vector<2048x1xi1> to vector<8x1xi1>
    %slice3A_2116 = vector.extract_strided_slice %dot_general3A_10 {offsets = [992, 0], sizes = [8, 4096], strides = [1, 1]} : vector<2048x4096xf32> to vector<8x4096xf32>
    %jit3A_2117 = arith.constant 0xFF800000 : f32
    %broadcast_in_dim3A_2118 = vector.shape_cast %slice3A_2115 : vector<8x1xi1> to vector<8x1xi1>
    %broadcast_in_dim3A_2119 = vector.broadcast %broadcast_in_dim3A_2118 : vector<8x1xi1> to vector<8x4096xi1>
    %broadcast_in_dim3A_2120 = vector.broadcast %jit3A_2117 : f32 to vector<8x4096xf32>
    %select_n3A_2121 = arith.select %broadcast_in_dim3A_2119, %broadcast_in_dim3A_2120, %slice3A_2116 : vector<8x4096xi1>, vector<8x4096xf32>
    %iota3A_2122 = tpu.iota {dimensions = array<i32: 0>} : vector<8x4096xi32>
    %mul3A_2123 = arith.constant 2048 : i32
    %mul3A_2124 = arith.muli %arg1, %mul3A_2123 : i32
    %add3A_2125 = arith.constant 992 : i32
    %add3A_2126 = arith.addi %mul3A_2124, %add3A_2125 : i32
    %add3A_2127 = vector.broadcast %add3A_2126 : i32 to vector<8x4096xi32>
    %add3A_2128 = arith.addi %iota3A_2122, %add3A_2127 : vector<8x4096xi32>
    %gt3A_2129 = arith.cmpf ogt, %select_n3A_2121, %select_n3A_2113 : vector<8x4096xf32>
    %select_n3A_2130 = arith.select %gt3A_2129, %select_n3A_2121, %select_n3A_2113 : vector<8x4096xi1>, vector<8x4096xf32>
    %select_n3A_2131 = arith.select %gt3A_2129, %add3A_2128, %select_n3A_2114 : vector<8x4096xi1>, vector<8x4096xi32>
    %slice3A_2132 = vector.extract_strided_slice %gt3A_17 {offsets = [1000, 0], sizes = [8, 1], strides = [1, 1]} : vector<2048x1xi1> to vector<8x1xi1>
    %slice3A_2133 = vector.extract_strided_slice %dot_general3A_10 {offsets = [1000, 0], sizes = [8, 4096], strides = [1, 1]} : vector<2048x4096xf32> to vector<8x4096xf32>
    %jit3A_2134 = arith.constant 0xFF800000 : f32
    %broadcast_in_dim3A_2135 = vector.shape_cast %slice3A_2132 : vector<8x1xi1> to vector<8x1xi1>
    %broadcast_in_dim3A_2136 = vector.broadcast %broadcast_in_dim3A_2135 : vector<8x1xi1> to vector<8x4096xi1>
    %broadcast_in_dim3A_2137 = vector.broadcast %jit3A_2134 : f32 to vector<8x4096xf32>
    %select_n3A_2138 = arith.select %broadcast_in_dim3A_2136, %broadcast_in_dim3A_2137, %slice3A_2133 : vector<8x4096xi1>, vector<8x4096xf32>
    %iota3A_2139 = tpu.iota {dimensions = array<i32: 0>} : vector<8x4096xi32>
    %mul3A_2140 = arith.constant 2048 : i32
    %mul3A_2141 = arith.muli %arg1, %mul3A_2140 : i32
    %add3A_2142 = arith.constant 1000 : i32
    %add3A_2143 = arith.addi %mul3A_2141, %add3A_2142 : i32
    %add3A_2144 = vector.broadcast %add3A_2143 : i32 to vector<8x4096xi32>
    %add3A_2145 = arith.addi %iota3A_2139, %add3A_2144 : vector<8x4096xi32>
    %gt3A_2146 = arith.cmpf ogt, %select_n3A_2138, %select_n3A_2130 : vector<8x4096xf32>
    %select_n3A_2147 = arith.select %gt3A_2146, %select_n3A_2138, %select_n3A_2130 : vector<8x4096xi1>, vector<8x4096xf32>
    %select_n3A_2148 = arith.select %gt3A_2146, %add3A_2145, %select_n3A_2131 : vector<8x4096xi1>, vector<8x4096xi32>
    %slice3A_2149 = vector.extract_strided_slice %gt3A_17 {offsets = [1008, 0], sizes = [8, 1], strides = [1, 1]} : vector<2048x1xi1> to vector<8x1xi1>
    %slice3A_2150 = vector.extract_strided_slice %dot_general3A_10 {offsets = [1008, 0], sizes = [8, 4096], strides = [1, 1]} : vector<2048x4096xf32> to vector<8x4096xf32>
    %jit3A_2151 = arith.constant 0xFF800000 : f32
    %broadcast_in_dim3A_2152 = vector.shape_cast %slice3A_2149 : vector<8x1xi1> to vector<8x1xi1>
    %broadcast_in_dim3A_2153 = vector.broadcast %broadcast_in_dim3A_2152 : vector<8x1xi1> to vector<8x4096xi1>
    %broadcast_in_dim3A_2154 = vector.broadcast %jit3A_2151 : f32 to vector<8x4096xf32>
    %select_n3A_2155 = arith.select %broadcast_in_dim3A_2153, %broadcast_in_dim3A_2154, %slice3A_2150 : vector<8x4096xi1>, vector<8x4096xf32>
    %iota3A_2156 = tpu.iota {dimensions = array<i32: 0>} : vector<8x4096xi32>
    %mul3A_2157 = arith.constant 2048 : i32
    %mul3A_2158 = arith.muli %arg1, %mul3A_2157 : i32
    %add3A_2159 = arith.constant 1008 : i32
    %add3A_2160 = arith.addi %mul3A_2158, %add3A_2159 : i32
    %add3A_2161 = vector.broadcast %add3A_2160 : i32 to vector<8x4096xi32>
    %add3A_2162 = arith.addi %iota3A_2156, %add3A_2161 : vector<8x4096xi32>
    %gt3A_2163 = arith.cmpf ogt, %select_n3A_2155, %select_n3A_2147 : vector<8x4096xf32>
    %select_n3A_2164 = arith.select %gt3A_2163, %select_n3A_2155, %select_n3A_2147 : vector<8x4096xi1>, vector<8x4096xf32>
    %select_n3A_2165 = arith.select %gt3A_2163, %add3A_2162, %select_n3A_2148 : vector<8x4096xi1>, vector<8x4096xi32>
    %slice3A_2166 = vector.extract_strided_slice %gt3A_17 {offsets = [1016, 0], sizes = [8, 1], strides = [1, 1]} : vector<2048x1xi1> to vector<8x1xi1>
    %slice3A_2167 = vector.extract_strided_slice %dot_general3A_10 {offsets = [1016, 0], sizes = [8, 4096], strides = [1, 1]} : vector<2048x4096xf32> to vector<8x4096xf32>
    %jit3A_2168 = arith.constant 0xFF800000 : f32
    %broadcast_in_dim3A_2169 = vector.shape_cast %slice3A_2166 : vector<8x1xi1> to vector<8x1xi1>
    %broadcast_in_dim3A_2170 = vector.broadcast %broadcast_in_dim3A_2169 : vector<8x1xi1> to vector<8x4096xi1>
    %broadcast_in_dim3A_2171 = vector.broadcast %jit3A_2168 : f32 to vector<8x4096xf32>
    %select_n3A_2172 = arith.select %broadcast_in_dim3A_2170, %broadcast_in_dim3A_2171, %slice3A_2167 : vector<8x4096xi1>, vector<8x4096xf32>
    %iota3A_2173 = tpu.iota {dimensions = array<i32: 0>} : vector<8x4096xi32>
    %mul3A_2174 = arith.constant 2048 : i32
    %mul3A_2175 = arith.muli %arg1, %mul3A_2174 : i32
    %add3A_2176 = arith.constant 1016 : i32
    %add3A_2177 = arith.addi %mul3A_2175, %add3A_2176 : i32
    %add3A_2178 = vector.broadcast %add3A_2177 : i32 to vector<8x4096xi32>
    %add3A_2179 = arith.addi %iota3A_2173, %add3A_2178 : vector<8x4096xi32>
    %gt3A_2180 = arith.cmpf ogt, %select_n3A_2172, %select_n3A_2164 : vector<8x4096xf32>
    %select_n3A_2181 = arith.select %gt3A_2180, %select_n3A_2172, %select_n3A_2164 : vector<8x4096xi1>, vector<8x4096xf32>
    %select_n3A_2182 = arith.select %gt3A_2180, %add3A_2179, %select_n3A_2165 : vector<8x4096xi1>, vector<8x4096xi32>
    %slice3A_2183 = vector.extract_strided_slice %gt3A_17 {offsets = [1024, 0], sizes = [8, 1], strides = [1, 1]} : vector<2048x1xi1> to vector<8x1xi1>
    %slice3A_2184 = vector.extract_strided_slice %dot_general3A_10 {offsets = [1024, 0], sizes = [8, 4096], strides = [1, 1]} : vector<2048x4096xf32> to vector<8x4096xf32>
    %jit3A_2185 = arith.constant 0xFF800000 : f32
    %broadcast_in_dim3A_2186 = vector.shape_cast %slice3A_2183 : vector<8x1xi1> to vector<8x1xi1>
    %broadcast_in_dim3A_2187 = vector.broadcast %broadcast_in_dim3A_2186 : vector<8x1xi1> to vector<8x4096xi1>
    %broadcast_in_dim3A_2188 = vector.broadcast %jit3A_2185 : f32 to vector<8x4096xf32>
    %select_n3A_2189 = arith.select %broadcast_in_dim3A_2187, %broadcast_in_dim3A_2188, %slice3A_2184 : vector<8x4096xi1>, vector<8x4096xf32>
    %iota3A_2190 = tpu.iota {dimensions = array<i32: 0>} : vector<8x4096xi32>
    %mul3A_2191 = arith.constant 2048 : i32
    %mul3A_2192 = arith.muli %arg1, %mul3A_2191 : i32
    %add3A_2193 = arith.constant 1024 : i32
    %add3A_2194 = arith.addi %mul3A_2192, %add3A_2193 : i32
    %add3A_2195 = vector.broadcast %add3A_2194 : i32 to vector<8x4096xi32>
    %add3A_2196 = arith.addi %iota3A_2190, %add3A_2195 : vector<8x4096xi32>
    %gt3A_2197 = arith.cmpf ogt, %select_n3A_2189, %select_n3A_2181 : vector<8x4096xf32>
    %select_n3A_2198 = arith.select %gt3A_2197, %select_n3A_2189, %select_n3A_2181 : vector<8x4096xi1>, vector<8x4096xf32>
    %select_n3A_2199 = arith.select %gt3A_2197, %add3A_2196, %select_n3A_2182 : vector<8x4096xi1>, vector<8x4096xi32>
    %slice3A_2200 = vector.extract_strided_slice %gt3A_17 {offsets = [1032, 0], sizes = [8, 1], strides = [1, 1]} : vector<2048x1xi1> to vector<8x1xi1>
    %slice3A_2201 = vector.extract_strided_slice %dot_general3A_10 {offsets = [1032, 0], sizes = [8, 4096], strides = [1, 1]} : vector<2048x4096xf32> to vector<8x4096xf32>
    %jit3A_2202 = arith.constant 0xFF800000 : f32
    %broadcast_in_dim3A_2203 = vector.shape_cast %slice3A_2200 : vector<8x1xi1> to vector<8x1xi1>
    %broadcast_in_dim3A_2204 = vector.broadcast %broadcast_in_dim3A_2203 : vector<8x1xi1> to vector<8x4096xi1>
    %broadcast_in_dim3A_2205 = vector.broadcast %jit3A_2202 : f32 to vector<8x4096xf32>
    %select_n3A_2206 = arith.select %broadcast_in_dim3A_2204, %broadcast_in_dim3A_2205, %slice3A_2201 : vector<8x4096xi1>, vector<8x4096xf32>
    %iota3A_2207 = tpu.iota {dimensions = array<i32: 0>} : vector<8x4096xi32>
    %mul3A_2208 = arith.constant 2048 : i32
    %mul3A_2209 = arith.muli %arg1, %mul3A_2208 : i32
    %add3A_2210 = arith.constant 1032 : i32
    %add3A_2211 = arith.addi %mul3A_2209, %add3A_2210 : i32
    %add3A_2212 = vector.broadcast %add3A_2211 : i32 to vector<8x4096xi32>
    %add3A_2213 = arith.addi %iota3A_2207, %add3A_2212 : vector<8x4096xi32>
    %gt3A_2214 = arith.cmpf ogt, %select_n3A_2206, %select_n3A_2198 : vector<8x4096xf32>
    %select_n3A_2215 = arith.select %gt3A_2214, %select_n3A_2206, %select_n3A_2198 : vector<8x4096xi1>, vector<8x4096xf32>
    %select_n3A_2216 = arith.select %gt3A_2214, %add3A_2213, %select_n3A_2199 : vector<8x4096xi1>, vector<8x4096xi32>
    %slice3A_2217 = vector.extract_strided_slice %gt3A_17 {offsets = [1040, 0], sizes = [8, 1], strides = [1, 1]} : vector<2048x1xi1> to vector<8x1xi1>
    %slice3A_2218 = vector.extract_strided_slice %dot_general3A_10 {offsets = [1040, 0], sizes = [8, 4096], strides = [1, 1]} : vector<2048x4096xf32> to vector<8x4096xf32>
    %jit3A_2219 = arith.constant 0xFF800000 : f32
    %broadcast_in_dim3A_2220 = vector.shape_cast %slice3A_2217 : vector<8x1xi1> to vector<8x1xi1>
    %broadcast_in_dim3A_2221 = vector.broadcast %broadcast_in_dim3A_2220 : vector<8x1xi1> to vector<8x4096xi1>
    %broadcast_in_dim3A_2222 = vector.broadcast %jit3A_2219 : f32 to vector<8x4096xf32>
    %select_n3A_2223 = arith.select %broadcast_in_dim3A_2221, %broadcast_in_dim3A_2222, %slice3A_2218 : vector<8x4096xi1>, vector<8x4096xf32>
    %iota3A_2224 = tpu.iota {dimensions = array<i32: 0>} : vector<8x4096xi32>
    %mul3A_2225 = arith.constant 2048 : i32
    %mul3A_2226 = arith.muli %arg1, %mul3A_2225 : i32
    %add3A_2227 = arith.constant 1040 : i32
    %add3A_2228 = arith.addi %mul3A_2226, %add3A_2227 : i32
    %add3A_2229 = vector.broadcast %add3A_2228 : i32 to vector<8x4096xi32>
    %add3A_2230 = arith.addi %iota3A_2224, %add3A_2229 : vector<8x4096xi32>
    %gt3A_2231 = arith.cmpf ogt, %select_n3A_2223, %select_n3A_2215 : vector<8x4096xf32>
    %select_n3A_2232 = arith.select %gt3A_2231, %select_n3A_2223, %select_n3A_2215 : vector<8x4096xi1>, vector<8x4096xf32>
    %select_n3A_2233 = arith.select %gt3A_2231, %add3A_2230, %select_n3A_2216 : vector<8x4096xi1>, vector<8x4096xi32>
    %slice3A_2234 = vector.extract_strided_slice %gt3A_17 {offsets = [1048, 0], sizes = [8, 1], strides = [1, 1]} : vector<2048x1xi1> to vector<8x1xi1>
    %slice3A_2235 = vector.extract_strided_slice %dot_general3A_10 {offsets = [1048, 0], sizes = [8, 4096], strides = [1, 1]} : vector<2048x4096xf32> to vector<8x4096xf32>
    %jit3A_2236 = arith.constant 0xFF800000 : f32
    %broadcast_in_dim3A_2237 = vector.shape_cast %slice3A_2234 : vector<8x1xi1> to vector<8x1xi1>
    %broadcast_in_dim3A_2238 = vector.broadcast %broadcast_in_dim3A_2237 : vector<8x1xi1> to vector<8x4096xi1>
    %broadcast_in_dim3A_2239 = vector.broadcast %jit3A_2236 : f32 to vector<8x4096xf32>
    %select_n3A_2240 = arith.select %broadcast_in_dim3A_2238, %broadcast_in_dim3A_2239, %slice3A_2235 : vector<8x4096xi1>, vector<8x4096xf32>
    %iota3A_2241 = tpu.iota {dimensions = array<i32: 0>} : vector<8x4096xi32>
    %mul3A_2242 = arith.constant 2048 : i32
    %mul3A_2243 = arith.muli %arg1, %mul3A_2242 : i32
    %add3A_2244 = arith.constant 1048 : i32
    %add3A_2245 = arith.addi %mul3A_2243, %add3A_2244 : i32
    %add3A_2246 = vector.broadcast %add3A_2245 : i32 to vector<8x4096xi32>
    %add3A_2247 = arith.addi %iota3A_2241, %add3A_2246 : vector<8x4096xi32>
    %gt3A_2248 = arith.cmpf ogt, %select_n3A_2240, %select_n3A_2232 : vector<8x4096xf32>
    %select_n3A_2249 = arith.select %gt3A_2248, %select_n3A_2240, %select_n3A_2232 : vector<8x4096xi1>, vector<8x4096xf32>
    %select_n3A_2250 = arith.select %gt3A_2248, %add3A_2247, %select_n3A_2233 : vector<8x4096xi1>, vector<8x4096xi32>
    %slice3A_2251 = vector.extract_strided_slice %gt3A_17 {offsets = [1056, 0], sizes = [8, 1], strides = [1, 1]} : vector<2048x1xi1> to vector<8x1xi1>
    %slice3A_2252 = vector.extract_strided_slice %dot_general3A_10 {offsets = [1056, 0], sizes = [8, 4096], strides = [1, 1]} : vector<2048x4096xf32> to vector<8x4096xf32>
    %jit3A_2253 = arith.constant 0xFF800000 : f32
    %broadcast_in_dim3A_2254 = vector.shape_cast %slice3A_2251 : vector<8x1xi1> to vector<8x1xi1>
    %broadcast_in_dim3A_2255 = vector.broadcast %broadcast_in_dim3A_2254 : vector<8x1xi1> to vector<8x4096xi1>
    %broadcast_in_dim3A_2256 = vector.broadcast %jit3A_2253 : f32 to vector<8x4096xf32>
    %select_n3A_2257 = arith.select %broadcast_in_dim3A_2255, %broadcast_in_dim3A_2256, %slice3A_2252 : vector<8x4096xi1>, vector<8x4096xf32>
    %iota3A_2258 = tpu.iota {dimensions = array<i32: 0>} : vector<8x4096xi32>
    %mul3A_2259 = arith.constant 2048 : i32
    %mul3A_2260 = arith.muli %arg1, %mul3A_2259 : i32
    %add3A_2261 = arith.constant 1056 : i32
    %add3A_2262 = arith.addi %mul3A_2260, %add3A_2261 : i32
    %add3A_2263 = vector.broadcast %add3A_2262 : i32 to vector<8x4096xi32>
    %add3A_2264 = arith.addi %iota3A_2258, %add3A_2263 : vector<8x4096xi32>
    %gt3A_2265 = arith.cmpf ogt, %select_n3A_2257, %select_n3A_2249 : vector<8x4096xf32>
    %select_n3A_2266 = arith.select %gt3A_2265, %select_n3A_2257, %select_n3A_2249 : vector<8x4096xi1>, vector<8x4096xf32>
    %select_n3A_2267 = arith.select %gt3A_2265, %add3A_2264, %select_n3A_2250 : vector<8x4096xi1>, vector<8x4096xi32>
    %slice3A_2268 = vector.extract_strided_slice %gt3A_17 {offsets = [1064, 0], sizes = [8, 1], strides = [1, 1]} : vector<2048x1xi1> to vector<8x1xi1>
    %slice3A_2269 = vector.extract_strided_slice %dot_general3A_10 {offsets = [1064, 0], sizes = [8, 4096], strides = [1, 1]} : vector<2048x4096xf32> to vector<8x4096xf32>
    %jit3A_2270 = arith.constant 0xFF800000 : f32
    %broadcast_in_dim3A_2271 = vector.shape_cast %slice3A_2268 : vector<8x1xi1> to vector<8x1xi1>
    %broadcast_in_dim3A_2272 = vector.broadcast %broadcast_in_dim3A_2271 : vector<8x1xi1> to vector<8x4096xi1>
    %broadcast_in_dim3A_2273 = vector.broadcast %jit3A_2270 : f32 to vector<8x4096xf32>
    %select_n3A_2274 = arith.select %broadcast_in_dim3A_2272, %broadcast_in_dim3A_2273, %slice3A_2269 : vector<8x4096xi1>, vector<8x4096xf32>
    %iota3A_2275 = tpu.iota {dimensions = array<i32: 0>} : vector<8x4096xi32>
    %mul3A_2276 = arith.constant 2048 : i32
    %mul3A_2277 = arith.muli %arg1, %mul3A_2276 : i32
    %add3A_2278 = arith.constant 1064 : i32
    %add3A_2279 = arith.addi %mul3A_2277, %add3A_2278 : i32
    %add3A_2280 = vector.broadcast %add3A_2279 : i32 to vector<8x4096xi32>
    %add3A_2281 = arith.addi %iota3A_2275, %add3A_2280 : vector<8x4096xi32>
    %gt3A_2282 = arith.cmpf ogt, %select_n3A_2274, %select_n3A_2266 : vector<8x4096xf32>
    %select_n3A_2283 = arith.select %gt3A_2282, %select_n3A_2274, %select_n3A_2266 : vector<8x4096xi1>, vector<8x4096xf32>
    %select_n3A_2284 = arith.select %gt3A_2282, %add3A_2281, %select_n3A_2267 : vector<8x4096xi1>, vector<8x4096xi32>
    %slice3A_2285 = vector.extract_strided_slice %gt3A_17 {offsets = [1072, 0], sizes = [8, 1], strides = [1, 1]} : vector<2048x1xi1> to vector<8x1xi1>
    %slice3A_2286 = vector.extract_strided_slice %dot_general3A_10 {offsets = [1072, 0], sizes = [8, 4096], strides = [1, 1]} : vector<2048x4096xf32> to vector<8x4096xf32>
    %jit3A_2287 = arith.constant 0xFF800000 : f32
    %broadcast_in_dim3A_2288 = vector.shape_cast %slice3A_2285 : vector<8x1xi1> to vector<8x1xi1>
    %broadcast_in_dim3A_2289 = vector.broadcast %broadcast_in_dim3A_2288 : vector<8x1xi1> to vector<8x4096xi1>
    %broadcast_in_dim3A_2290 = vector.broadcast %jit3A_2287 : f32 to vector<8x4096xf32>
    %select_n3A_2291 = arith.select %broadcast_in_dim3A_2289, %broadcast_in_dim3A_2290, %slice3A_2286 : vector<8x4096xi1>, vector<8x4096xf32>
    %iota3A_2292 = tpu.iota {dimensions = array<i32: 0>} : vector<8x4096xi32>
    %mul3A_2293 = arith.constant 2048 : i32
    %mul3A_2294 = arith.muli %arg1, %mul3A_2293 : i32
    %add3A_2295 = arith.constant 1072 : i32
    %add3A_2296 = arith.addi %mul3A_2294, %add3A_2295 : i32
    %add3A_2297 = vector.broadcast %add3A_2296 : i32 to vector<8x4096xi32>
    %add3A_2298 = arith.addi %iota3A_2292, %add3A_2297 : vector<8x4096xi32>
    %gt3A_2299 = arith.cmpf ogt, %select_n3A_2291, %select_n3A_2283 : vector<8x4096xf32>
    %select_n3A_2300 = arith.select %gt3A_2299, %select_n3A_2291, %select_n3A_2283 : vector<8x4096xi1>, vector<8x4096xf32>
    %select_n3A_2301 = arith.select %gt3A_2299, %add3A_2298, %select_n3A_2284 : vector<8x4096xi1>, vector<8x4096xi32>
    %slice3A_2302 = vector.extract_strided_slice %gt3A_17 {offsets = [1080, 0], sizes = [8, 1], strides = [1, 1]} : vector<2048x1xi1> to vector<8x1xi1>
    %slice3A_2303 = vector.extract_strided_slice %dot_general3A_10 {offsets = [1080, 0], sizes = [8, 4096], strides = [1, 1]} : vector<2048x4096xf32> to vector<8x4096xf32>
    %jit3A_2304 = arith.constant 0xFF800000 : f32
    %broadcast_in_dim3A_2305 = vector.shape_cast %slice3A_2302 : vector<8x1xi1> to vector<8x1xi1>
    %broadcast_in_dim3A_2306 = vector.broadcast %broadcast_in_dim3A_2305 : vector<8x1xi1> to vector<8x4096xi1>
    %broadcast_in_dim3A_2307 = vector.broadcast %jit3A_2304 : f32 to vector<8x4096xf32>
    %select_n3A_2308 = arith.select %broadcast_in_dim3A_2306, %broadcast_in_dim3A_2307, %slice3A_2303 : vector<8x4096xi1>, vector<8x4096xf32>
    %iota3A_2309 = tpu.iota {dimensions = array<i32: 0>} : vector<8x4096xi32>
    %mul3A_2310 = arith.constant 2048 : i32
    %mul3A_2311 = arith.muli %arg1, %mul3A_2310 : i32
    %add3A_2312 = arith.constant 1080 : i32
    %add3A_2313 = arith.addi %mul3A_2311, %add3A_2312 : i32
    %add3A_2314 = vector.broadcast %add3A_2313 : i32 to vector<8x4096xi32>
    %add3A_2315 = arith.addi %iota3A_2309, %add3A_2314 : vector<8x4096xi32>
    %gt3A_2316 = arith.cmpf ogt, %select_n3A_2308, %select_n3A_2300 : vector<8x4096xf32>
    %select_n3A_2317 = arith.select %gt3A_2316, %select_n3A_2308, %select_n3A_2300 : vector<8x4096xi1>, vector<8x4096xf32>
    %select_n3A_2318 = arith.select %gt3A_2316, %add3A_2315, %select_n3A_2301 : vector<8x4096xi1>, vector<8x4096xi32>
    %slice3A_2319 = vector.extract_strided_slice %gt3A_17 {offsets = [1088, 0], sizes = [8, 1], strides = [1, 1]} : vector<2048x1xi1> to vector<8x1xi1>
    %slice3A_2320 = vector.extract_strided_slice %dot_general3A_10 {offsets = [1088, 0], sizes = [8, 4096], strides = [1, 1]} : vector<2048x4096xf32> to vector<8x4096xf32>
    %jit3A_2321 = arith.constant 0xFF800000 : f32
    %broadcast_in_dim3A_2322 = vector.shape_cast %slice3A_2319 : vector<8x1xi1> to vector<8x1xi1>
    %broadcast_in_dim3A_2323 = vector.broadcast %broadcast_in_dim3A_2322 : vector<8x1xi1> to vector<8x4096xi1>
    %broadcast_in_dim3A_2324 = vector.broadcast %jit3A_2321 : f32 to vector<8x4096xf32>
    %select_n3A_2325 = arith.select %broadcast_in_dim3A_2323, %broadcast_in_dim3A_2324, %slice3A_2320 : vector<8x4096xi1>, vector<8x4096xf32>
    %iota3A_2326 = tpu.iota {dimensions = array<i32: 0>} : vector<8x4096xi32>
    %mul3A_2327 = arith.constant 2048 : i32
    %mul3A_2328 = arith.muli %arg1, %mul3A_2327 : i32
    %add3A_2329 = arith.constant 1088 : i32
    %add3A_2330 = arith.addi %mul3A_2328, %add3A_2329 : i32
    %add3A_2331 = vector.broadcast %add3A_2330 : i32 to vector<8x4096xi32>
    %add3A_2332 = arith.addi %iota3A_2326, %add3A_2331 : vector<8x4096xi32>
    %gt3A_2333 = arith.cmpf ogt, %select_n3A_2325, %select_n3A_2317 : vector<8x4096xf32>
    %select_n3A_2334 = arith.select %gt3A_2333, %select_n3A_2325, %select_n3A_2317 : vector<8x4096xi1>, vector<8x4096xf32>
    %select_n3A_2335 = arith.select %gt3A_2333, %add3A_2332, %select_n3A_2318 : vector<8x4096xi1>, vector<8x4096xi32>
    %slice3A_2336 = vector.extract_strided_slice %gt3A_17 {offsets = [1096, 0], sizes = [8, 1], strides = [1, 1]} : vector<2048x1xi1> to vector<8x1xi1>
    %slice3A_2337 = vector.extract_strided_slice %dot_general3A_10 {offsets = [1096, 0], sizes = [8, 4096], strides = [1, 1]} : vector<2048x4096xf32> to vector<8x4096xf32>
    %jit3A_2338 = arith.constant 0xFF800000 : f32
    %broadcast_in_dim3A_2339 = vector.shape_cast %slice3A_2336 : vector<8x1xi1> to vector<8x1xi1>
    %broadcast_in_dim3A_2340 = vector.broadcast %broadcast_in_dim3A_2339 : vector<8x1xi1> to vector<8x4096xi1>
    %broadcast_in_dim3A_2341 = vector.broadcast %jit3A_2338 : f32 to vector<8x4096xf32>
    %select_n3A_2342 = arith.select %broadcast_in_dim3A_2340, %broadcast_in_dim3A_2341, %slice3A_2337 : vector<8x4096xi1>, vector<8x4096xf32>
    %iota3A_2343 = tpu.iota {dimensions = array<i32: 0>} : vector<8x4096xi32>
    %mul3A_2344 = arith.constant 2048 : i32
    %mul3A_2345 = arith.muli %arg1, %mul3A_2344 : i32
    %add3A_2346 = arith.constant 1096 : i32
    %add3A_2347 = arith.addi %mul3A_2345, %add3A_2346 : i32
    %add3A_2348 = vector.broadcast %add3A_2347 : i32 to vector<8x4096xi32>
    %add3A_2349 = arith.addi %iota3A_2343, %add3A_2348 : vector<8x4096xi32>
    %gt3A_2350 = arith.cmpf ogt, %select_n3A_2342, %select_n3A_2334 : vector<8x4096xf32>
    %select_n3A_2351 = arith.select %gt3A_2350, %select_n3A_2342, %select_n3A_2334 : vector<8x4096xi1>, vector<8x4096xf32>
    %select_n3A_2352 = arith.select %gt3A_2350, %add3A_2349, %select_n3A_2335 : vector<8x4096xi1>, vector<8x4096xi32>
    %slice3A_2353 = vector.extract_strided_slice %gt3A_17 {offsets = [1104, 0], sizes = [8, 1], strides = [1, 1]} : vector<2048x1xi1> to vector<8x1xi1>
    %slice3A_2354 = vector.extract_strided_slice %dot_general3A_10 {offsets = [1104, 0], sizes = [8, 4096], strides = [1, 1]} : vector<2048x4096xf32> to vector<8x4096xf32>
    %jit3A_2355 = arith.constant 0xFF800000 : f32
    %broadcast_in_dim3A_2356 = vector.shape_cast %slice3A_2353 : vector<8x1xi1> to vector<8x1xi1>
    %broadcast_in_dim3A_2357 = vector.broadcast %broadcast_in_dim3A_2356 : vector<8x1xi1> to vector<8x4096xi1>
    %broadcast_in_dim3A_2358 = vector.broadcast %jit3A_2355 : f32 to vector<8x4096xf32>
    %select_n3A_2359 = arith.select %broadcast_in_dim3A_2357, %broadcast_in_dim3A_2358, %slice3A_2354 : vector<8x4096xi1>, vector<8x4096xf32>
    %iota3A_2360 = tpu.iota {dimensions = array<i32: 0>} : vector<8x4096xi32>
    %mul3A_2361 = arith.constant 2048 : i32
    %mul3A_2362 = arith.muli %arg1, %mul3A_2361 : i32
    %add3A_2363 = arith.constant 1104 : i32
    %add3A_2364 = arith.addi %mul3A_2362, %add3A_2363 : i32
    %add3A_2365 = vector.broadcast %add3A_2364 : i32 to vector<8x4096xi32>
    %add3A_2366 = arith.addi %iota3A_2360, %add3A_2365 : vector<8x4096xi32>
    %gt3A_2367 = arith.cmpf ogt, %select_n3A_2359, %select_n3A_2351 : vector<8x4096xf32>
    %select_n3A_2368 = arith.select %gt3A_2367, %select_n3A_2359, %select_n3A_2351 : vector<8x4096xi1>, vector<8x4096xf32>
    %select_n3A_2369 = arith.select %gt3A_2367, %add3A_2366, %select_n3A_2352 : vector<8x4096xi1>, vector<8x4096xi32>
    %slice3A_2370 = vector.extract_strided_slice %gt3A_17 {offsets = [1112, 0], sizes = [8, 1], strides = [1, 1]} : vector<2048x1xi1> to vector<8x1xi1>
    %slice3A_2371 = vector.extract_strided_slice %dot_general3A_10 {offsets = [1112, 0], sizes = [8, 4096], strides = [1, 1]} : vector<2048x4096xf32> to vector<8x4096xf32>
    %jit3A_2372 = arith.constant 0xFF800000 : f32
    %broadcast_in_dim3A_2373 = vector.shape_cast %slice3A_2370 : vector<8x1xi1> to vector<8x1xi1>
    %broadcast_in_dim3A_2374 = vector.broadcast %broadcast_in_dim3A_2373 : vector<8x1xi1> to vector<8x4096xi1>
    %broadcast_in_dim3A_2375 = vector.broadcast %jit3A_2372 : f32 to vector<8x4096xf32>
    %select_n3A_2376 = arith.select %broadcast_in_dim3A_2374, %broadcast_in_dim3A_2375, %slice3A_2371 : vector<8x4096xi1>, vector<8x4096xf32>
    %iota3A_2377 = tpu.iota {dimensions = array<i32: 0>} : vector<8x4096xi32>
    %mul3A_2378 = arith.constant 2048 : i32
    %mul3A_2379 = arith.muli %arg1, %mul3A_2378 : i32
    %add3A_2380 = arith.constant 1112 : i32
    %add3A_2381 = arith.addi %mul3A_2379, %add3A_2380 : i32
    %add3A_2382 = vector.broadcast %add3A_2381 : i32 to vector<8x4096xi32>
    %add3A_2383 = arith.addi %iota3A_2377, %add3A_2382 : vector<8x4096xi32>
    %gt3A_2384 = arith.cmpf ogt, %select_n3A_2376, %select_n3A_2368 : vector<8x4096xf32>
    %select_n3A_2385 = arith.select %gt3A_2384, %select_n3A_2376, %select_n3A_2368 : vector<8x4096xi1>, vector<8x4096xf32>
    %select_n3A_2386 = arith.select %gt3A_2384, %add3A_2383, %select_n3A_2369 : vector<8x4096xi1>, vector<8x4096xi32>
    %slice3A_2387 = vector.extract_strided_slice %gt3A_17 {offsets = [1120, 0], sizes = [8, 1], strides = [1, 1]} : vector<2048x1xi1> to vector<8x1xi1>
    %slice3A_2388 = vector.extract_strided_slice %dot_general3A_10 {offsets = [1120, 0], sizes = [8, 4096], strides = [1, 1]} : vector<2048x4096xf32> to vector<8x4096xf32>
    %jit3A_2389 = arith.constant 0xFF800000 : f32
    %broadcast_in_dim3A_2390 = vector.shape_cast %slice3A_2387 : vector<8x1xi1> to vector<8x1xi1>
    %broadcast_in_dim3A_2391 = vector.broadcast %broadcast_in_dim3A_2390 : vector<8x1xi1> to vector<8x4096xi1>
    %broadcast_in_dim3A_2392 = vector.broadcast %jit3A_2389 : f32 to vector<8x4096xf32>
    %select_n3A_2393 = arith.select %broadcast_in_dim3A_2391, %broadcast_in_dim3A_2392, %slice3A_2388 : vector<8x4096xi1>, vector<8x4096xf32>
    %iota3A_2394 = tpu.iota {dimensions = array<i32: 0>} : vector<8x4096xi32>
    %mul3A_2395 = arith.constant 2048 : i32
    %mul3A_2396 = arith.muli %arg1, %mul3A_2395 : i32
    %add3A_2397 = arith.constant 1120 : i32
    %add3A_2398 = arith.addi %mul3A_2396, %add3A_2397 : i32
    %add3A_2399 = vector.broadcast %add3A_2398 : i32 to vector<8x4096xi32>
    %add3A_2400 = arith.addi %iota3A_2394, %add3A_2399 : vector<8x4096xi32>
    %gt3A_2401 = arith.cmpf ogt, %select_n3A_2393, %select_n3A_2385 : vector<8x4096xf32>
    %select_n3A_2402 = arith.select %gt3A_2401, %select_n3A_2393, %select_n3A_2385 : vector<8x4096xi1>, vector<8x4096xf32>
    %select_n3A_2403 = arith.select %gt3A_2401, %add3A_2400, %select_n3A_2386 : vector<8x4096xi1>, vector<8x4096xi32>
    %slice3A_2404 = vector.extract_strided_slice %gt3A_17 {offsets = [1128, 0], sizes = [8, 1], strides = [1, 1]} : vector<2048x1xi1> to vector<8x1xi1>
    %slice3A_2405 = vector.extract_strided_slice %dot_general3A_10 {offsets = [1128, 0], sizes = [8, 4096], strides = [1, 1]} : vector<2048x4096xf32> to vector<8x4096xf32>
    %jit3A_2406 = arith.constant 0xFF800000 : f32
    %broadcast_in_dim3A_2407 = vector.shape_cast %slice3A_2404 : vector<8x1xi1> to vector<8x1xi1>
    %broadcast_in_dim3A_2408 = vector.broadcast %broadcast_in_dim3A_2407 : vector<8x1xi1> to vector<8x4096xi1>
    %broadcast_in_dim3A_2409 = vector.broadcast %jit3A_2406 : f32 to vector<8x4096xf32>
    %select_n3A_2410 = arith.select %broadcast_in_dim3A_2408, %broadcast_in_dim3A_2409, %slice3A_2405 : vector<8x4096xi1>, vector<8x4096xf32>
    %iota3A_2411 = tpu.iota {dimensions = array<i32: 0>} : vector<8x4096xi32>
    %mul3A_2412 = arith.constant 2048 : i32
    %mul3A_2413 = arith.muli %arg1, %mul3A_2412 : i32
    %add3A_2414 = arith.constant 1128 : i32
    %add3A_2415 = arith.addi %mul3A_2413, %add3A_2414 : i32
    %add3A_2416 = vector.broadcast %add3A_2415 : i32 to vector<8x4096xi32>
    %add3A_2417 = arith.addi %iota3A_2411, %add3A_2416 : vector<8x4096xi32>
    %gt3A_2418 = arith.cmpf ogt, %select_n3A_2410, %select_n3A_2402 : vector<8x4096xf32>
    %select_n3A_2419 = arith.select %gt3A_2418, %select_n3A_2410, %select_n3A_2402 : vector<8x4096xi1>, vector<8x4096xf32>
    %select_n3A_2420 = arith.select %gt3A_2418, %add3A_2417, %select_n3A_2403 : vector<8x4096xi1>, vector<8x4096xi32>
    %slice3A_2421 = vector.extract_strided_slice %gt3A_17 {offsets = [1136, 0], sizes = [8, 1], strides = [1, 1]} : vector<2048x1xi1> to vector<8x1xi1>
    %slice3A_2422 = vector.extract_strided_slice %dot_general3A_10 {offsets = [1136, 0], sizes = [8, 4096], strides = [1, 1]} : vector<2048x4096xf32> to vector<8x4096xf32>
    %jit3A_2423 = arith.constant 0xFF800000 : f32
    %broadcast_in_dim3A_2424 = vector.shape_cast %slice3A_2421 : vector<8x1xi1> to vector<8x1xi1>
    %broadcast_in_dim3A_2425 = vector.broadcast %broadcast_in_dim3A_2424 : vector<8x1xi1> to vector<8x4096xi1>
    %broadcast_in_dim3A_2426 = vector.broadcast %jit3A_2423 : f32 to vector<8x4096xf32>
    %select_n3A_2427 = arith.select %broadcast_in_dim3A_2425, %broadcast_in_dim3A_2426, %slice3A_2422 : vector<8x4096xi1>, vector<8x4096xf32>
    %iota3A_2428 = tpu.iota {dimensions = array<i32: 0>} : vector<8x4096xi32>
    %mul3A_2429 = arith.constant 2048 : i32
    %mul3A_2430 = arith.muli %arg1, %mul3A_2429 : i32
    %add3A_2431 = arith.constant 1136 : i32
    %add3A_2432 = arith.addi %mul3A_2430, %add3A_2431 : i32
    %add3A_2433 = vector.broadcast %add3A_2432 : i32 to vector<8x4096xi32>
    %add3A_2434 = arith.addi %iota3A_2428, %add3A_2433 : vector<8x4096xi32>
    %gt3A_2435 = arith.cmpf ogt, %select_n3A_2427, %select_n3A_2419 : vector<8x4096xf32>
    %select_n3A_2436 = arith.select %gt3A_2435, %select_n3A_2427, %select_n3A_2419 : vector<8x4096xi1>, vector<8x4096xf32>
    %select_n3A_2437 = arith.select %gt3A_2435, %add3A_2434, %select_n3A_2420 : vector<8x4096xi1>, vector<8x4096xi32>
    %slice3A_2438 = vector.extract_strided_slice %gt3A_17 {offsets = [1144, 0], sizes = [8, 1], strides = [1, 1]} : vector<2048x1xi1> to vector<8x1xi1>
    %slice3A_2439 = vector.extract_strided_slice %dot_general3A_10 {offsets = [1144, 0], sizes = [8, 4096], strides = [1, 1]} : vector<2048x4096xf32> to vector<8x4096xf32>
    %jit3A_2440 = arith.constant 0xFF800000 : f32
    %broadcast_in_dim3A_2441 = vector.shape_cast %slice3A_2438 : vector<8x1xi1> to vector<8x1xi1>
    %broadcast_in_dim3A_2442 = vector.broadcast %broadcast_in_dim3A_2441 : vector<8x1xi1> to vector<8x4096xi1>
    %broadcast_in_dim3A_2443 = vector.broadcast %jit3A_2440 : f32 to vector<8x4096xf32>
    %select_n3A_2444 = arith.select %broadcast_in_dim3A_2442, %broadcast_in_dim3A_2443, %slice3A_2439 : vector<8x4096xi1>, vector<8x4096xf32>
    %iota3A_2445 = tpu.iota {dimensions = array<i32: 0>} : vector<8x4096xi32>
    %mul3A_2446 = arith.constant 2048 : i32
    %mul3A_2447 = arith.muli %arg1, %mul3A_2446 : i32
    %add3A_2448 = arith.constant 1144 : i32
    %add3A_2449 = arith.addi %mul3A_2447, %add3A_2448 : i32
    %add3A_2450 = vector.broadcast %add3A_2449 : i32 to vector<8x4096xi32>
    %add3A_2451 = arith.addi %iota3A_2445, %add3A_2450 : vector<8x4096xi32>
    %gt3A_2452 = arith.cmpf ogt, %select_n3A_2444, %select_n3A_2436 : vector<8x4096xf32>
    %select_n3A_2453 = arith.select %gt3A_2452, %select_n3A_2444, %select_n3A_2436 : vector<8x4096xi1>, vector<8x4096xf32>
    %select_n3A_2454 = arith.select %gt3A_2452, %add3A_2451, %select_n3A_2437 : vector<8x4096xi1>, vector<8x4096xi32>
    %slice3A_2455 = vector.extract_strided_slice %gt3A_17 {offsets = [1152, 0], sizes = [8, 1], strides = [1, 1]} : vector<2048x1xi1> to vector<8x1xi1>
    %slice3A_2456 = vector.extract_strided_slice %dot_general3A_10 {offsets = [1152, 0], sizes = [8, 4096], strides = [1, 1]} : vector<2048x4096xf32> to vector<8x4096xf32>
    %jit3A_2457 = arith.constant 0xFF800000 : f32
    %broadcast_in_dim3A_2458 = vector.shape_cast %slice3A_2455 : vector<8x1xi1> to vector<8x1xi1>
    %broadcast_in_dim3A_2459 = vector.broadcast %broadcast_in_dim3A_2458 : vector<8x1xi1> to vector<8x4096xi1>
    %broadcast_in_dim3A_2460 = vector.broadcast %jit3A_2457 : f32 to vector<8x4096xf32>
    %select_n3A_2461 = arith.select %broadcast_in_dim3A_2459, %broadcast_in_dim3A_2460, %slice3A_2456 : vector<8x4096xi1>, vector<8x4096xf32>
    %iota3A_2462 = tpu.iota {dimensions = array<i32: 0>} : vector<8x4096xi32>
    %mul3A_2463 = arith.constant 2048 : i32
    %mul3A_2464 = arith.muli %arg1, %mul3A_2463 : i32
    %add3A_2465 = arith.constant 1152 : i32
    %add3A_2466 = arith.addi %mul3A_2464, %add3A_2465 : i32
    %add3A_2467 = vector.broadcast %add3A_2466 : i32 to vector<8x4096xi32>
    %add3A_2468 = arith.addi %iota3A_2462, %add3A_2467 : vector<8x4096xi32>
    %gt3A_2469 = arith.cmpf ogt, %select_n3A_2461, %select_n3A_2453 : vector<8x4096xf32>
    %select_n3A_2470 = arith.select %gt3A_2469, %select_n3A_2461, %select_n3A_2453 : vector<8x4096xi1>, vector<8x4096xf32>
    %select_n3A_2471 = arith.select %gt3A_2469, %add3A_2468, %select_n3A_2454 : vector<8x4096xi1>, vector<8x4096xi32>
    %slice3A_2472 = vector.extract_strided_slice %gt3A_17 {offsets = [1160, 0], sizes = [8, 1], strides = [1, 1]} : vector<2048x1xi1> to vector<8x1xi1>
    %slice3A_2473 = vector.extract_strided_slice %dot_general3A_10 {offsets = [1160, 0], sizes = [8, 4096], strides = [1, 1]} : vector<2048x4096xf32> to vector<8x4096xf32>
    %jit3A_2474 = arith.constant 0xFF800000 : f32
    %broadcast_in_dim3A_2475 = vector.shape_cast %slice3A_2472 : vector<8x1xi1> to vector<8x1xi1>
    %broadcast_in_dim3A_2476 = vector.broadcast %broadcast_in_dim3A_2475 : vector<8x1xi1> to vector<8x4096xi1>
    %broadcast_in_dim3A_2477 = vector.broadcast %jit3A_2474 : f32 to vector<8x4096xf32>
    %select_n3A_2478 = arith.select %broadcast_in_dim3A_2476, %broadcast_in_dim3A_2477, %slice3A_2473 : vector<8x4096xi1>, vector<8x4096xf32>
    %iota3A_2479 = tpu.iota {dimensions = array<i32: 0>} : vector<8x4096xi32>
    %mul3A_2480 = arith.constant 2048 : i32
    %mul3A_2481 = arith.muli %arg1, %mul3A_2480 : i32
    %add3A_2482 = arith.constant 1160 : i32
    %add3A_2483 = arith.addi %mul3A_2481, %add3A_2482 : i32
    %add3A_2484 = vector.broadcast %add3A_2483 : i32 to vector<8x4096xi32>
    %add3A_2485 = arith.addi %iota3A_2479, %add3A_2484 : vector<8x4096xi32>
    %gt3A_2486 = arith.cmpf ogt, %select_n3A_2478, %select_n3A_2470 : vector<8x4096xf32>
    %select_n3A_2487 = arith.select %gt3A_2486, %select_n3A_2478, %select_n3A_2470 : vector<8x4096xi1>, vector<8x4096xf32>
    %select_n3A_2488 = arith.select %gt3A_2486, %add3A_2485, %select_n3A_2471 : vector<8x4096xi1>, vector<8x4096xi32>
    %slice3A_2489 = vector.extract_strided_slice %gt3A_17 {offsets = [1168, 0], sizes = [8, 1], strides = [1, 1]} : vector<2048x1xi1> to vector<8x1xi1>
    %slice3A_2490 = vector.extract_strided_slice %dot_general3A_10 {offsets = [1168, 0], sizes = [8, 4096], strides = [1, 1]} : vector<2048x4096xf32> to vector<8x4096xf32>
    %jit3A_2491 = arith.constant 0xFF800000 : f32
    %broadcast_in_dim3A_2492 = vector.shape_cast %slice3A_2489 : vector<8x1xi1> to vector<8x1xi1>
    %broadcast_in_dim3A_2493 = vector.broadcast %broadcast_in_dim3A_2492 : vector<8x1xi1> to vector<8x4096xi1>
    %broadcast_in_dim3A_2494 = vector.broadcast %jit3A_2491 : f32 to vector<8x4096xf32>
    %select_n3A_2495 = arith.select %broadcast_in_dim3A_2493, %broadcast_in_dim3A_2494, %slice3A_2490 : vector<8x4096xi1>, vector<8x4096xf32>
    %iota3A_2496 = tpu.iota {dimensions = array<i32: 0>} : vector<8x4096xi32>
    %mul3A_2497 = arith.constant 2048 : i32
    %mul3A_2498 = arith.muli %arg1, %mul3A_2497 : i32
    %add3A_2499 = arith.constant 1168 : i32
    %add3A_2500 = arith.addi %mul3A_2498, %add3A_2499 : i32
    %add3A_2501 = vector.broadcast %add3A_2500 : i32 to vector<8x4096xi32>
    %add3A_2502 = arith.addi %iota3A_2496, %add3A_2501 : vector<8x4096xi32>
    %gt3A_2503 = arith.cmpf ogt, %select_n3A_2495, %select_n3A_2487 : vector<8x4096xf32>
    %select_n3A_2504 = arith.select %gt3A_2503, %select_n3A_2495, %select_n3A_2487 : vector<8x4096xi1>, vector<8x4096xf32>
    %select_n3A_2505 = arith.select %gt3A_2503, %add3A_2502, %select_n3A_2488 : vector<8x4096xi1>, vector<8x4096xi32>
    %slice3A_2506 = vector.extract_strided_slice %gt3A_17 {offsets = [1176, 0], sizes = [8, 1], strides = [1, 1]} : vector<2048x1xi1> to vector<8x1xi1>
    %slice3A_2507 = vector.extract_strided_slice %dot_general3A_10 {offsets = [1176, 0], sizes = [8, 4096], strides = [1, 1]} : vector<2048x4096xf32> to vector<8x4096xf32>
    %jit3A_2508 = arith.constant 0xFF800000 : f32
    %broadcast_in_dim3A_2509 = vector.shape_cast %slice3A_2506 : vector<8x1xi1> to vector<8x1xi1>
    %broadcast_in_dim3A_2510 = vector.broadcast %broadcast_in_dim3A_2509 : vector<8x1xi1> to vector<8x4096xi1>
    %broadcast_in_dim3A_2511 = vector.broadcast %jit3A_2508 : f32 to vector<8x4096xf32>
    %select_n3A_2512 = arith.select %broadcast_in_dim3A_2510, %broadcast_in_dim3A_2511, %slice3A_2507 : vector<8x4096xi1>, vector<8x4096xf32>
    %iota3A_2513 = tpu.iota {dimensions = array<i32: 0>} : vector<8x4096xi32>
    %mul3A_2514 = arith.constant 2048 : i32
    %mul3A_2515 = arith.muli %arg1, %mul3A_2514 : i32
    %add3A_2516 = arith.constant 1176 : i32
    %add3A_2517 = arith.addi %mul3A_2515, %add3A_2516 : i32
    %add3A_2518 = vector.broadcast %add3A_2517 : i32 to vector<8x4096xi32>
    %add3A_2519 = arith.addi %iota3A_2513, %add3A_2518 : vector<8x4096xi32>
    %gt3A_2520 = arith.cmpf ogt, %select_n3A_2512, %select_n3A_2504 : vector<8x4096xf32>
    %select_n3A_2521 = arith.select %gt3A_2520, %select_n3A_2512, %select_n3A_2504 : vector<8x4096xi1>, vector<8x4096xf32>
    %select_n3A_2522 = arith.select %gt3A_2520, %add3A_2519, %select_n3A_2505 : vector<8x4096xi1>, vector<8x4096xi32>
    %slice3A_2523 = vector.extract_strided_slice %gt3A_17 {offsets = [1184, 0], sizes = [8, 1], strides = [1, 1]} : vector<2048x1xi1> to vector<8x1xi1>
    %slice3A_2524 = vector.extract_strided_slice %dot_general3A_10 {offsets = [1184, 0], sizes = [8, 4096], strides = [1, 1]} : vector<2048x4096xf32> to vector<8x4096xf32>
    %jit3A_2525 = arith.constant 0xFF800000 : f32
    %broadcast_in_dim3A_2526 = vector.shape_cast %slice3A_2523 : vector<8x1xi1> to vector<8x1xi1>
    %broadcast_in_dim3A_2527 = vector.broadcast %broadcast_in_dim3A_2526 : vector<8x1xi1> to vector<8x4096xi1>
    %broadcast_in_dim3A_2528 = vector.broadcast %jit3A_2525 : f32 to vector<8x4096xf32>
    %select_n3A_2529 = arith.select %broadcast_in_dim3A_2527, %broadcast_in_dim3A_2528, %slice3A_2524 : vector<8x4096xi1>, vector<8x4096xf32>
    %iota3A_2530 = tpu.iota {dimensions = array<i32: 0>} : vector<8x4096xi32>
    %mul3A_2531 = arith.constant 2048 : i32
    %mul3A_2532 = arith.muli %arg1, %mul3A_2531 : i32
    %add3A_2533 = arith.constant 1184 : i32
    %add3A_2534 = arith.addi %mul3A_2532, %add3A_2533 : i32
    %add3A_2535 = vector.broadcast %add3A_2534 : i32 to vector<8x4096xi32>
    %add3A_2536 = arith.addi %iota3A_2530, %add3A_2535 : vector<8x4096xi32>
    %gt3A_2537 = arith.cmpf ogt, %select_n3A_2529, %select_n3A_2521 : vector<8x4096xf32>
    %select_n3A_2538 = arith.select %gt3A_2537, %select_n3A_2529, %select_n3A_2521 : vector<8x4096xi1>, vector<8x4096xf32>
    %select_n3A_2539 = arith.select %gt3A_2537, %add3A_2536, %select_n3A_2522 : vector<8x4096xi1>, vector<8x4096xi32>
    %slice3A_2540 = vector.extract_strided_slice %gt3A_17 {offsets = [1192, 0], sizes = [8, 1], strides = [1, 1]} : vector<2048x1xi1> to vector<8x1xi1>
    %slice3A_2541 = vector.extract_strided_slice %dot_general3A_10 {offsets = [1192, 0], sizes = [8, 4096], strides = [1, 1]} : vector<2048x4096xf32> to vector<8x4096xf32>
    %jit3A_2542 = arith.constant 0xFF800000 : f32
    %broadcast_in_dim3A_2543 = vector.shape_cast %slice3A_2540 : vector<8x1xi1> to vector<8x1xi1>
    %broadcast_in_dim3A_2544 = vector.broadcast %broadcast_in_dim3A_2543 : vector<8x1xi1> to vector<8x4096xi1>
    %broadcast_in_dim3A_2545 = vector.broadcast %jit3A_2542 : f32 to vector<8x4096xf32>
    %select_n3A_2546 = arith.select %broadcast_in_dim3A_2544, %broadcast_in_dim3A_2545, %slice3A_2541 : vector<8x4096xi1>, vector<8x4096xf32>
    %iota3A_2547 = tpu.iota {dimensions = array<i32: 0>} : vector<8x4096xi32>
    %mul3A_2548 = arith.constant 2048 : i32
    %mul3A_2549 = arith.muli %arg1, %mul3A_2548 : i32
    %add3A_2550 = arith.constant 1192 : i32
    %add3A_2551 = arith.addi %mul3A_2549, %add3A_2550 : i32
    %add3A_2552 = vector.broadcast %add3A_2551 : i32 to vector<8x4096xi32>
    %add3A_2553 = arith.addi %iota3A_2547, %add3A_2552 : vector<8x4096xi32>
    %gt3A_2554 = arith.cmpf ogt, %select_n3A_2546, %select_n3A_2538 : vector<8x4096xf32>
    %select_n3A_2555 = arith.select %gt3A_2554, %select_n3A_2546, %select_n3A_2538 : vector<8x4096xi1>, vector<8x4096xf32>
    %select_n3A_2556 = arith.select %gt3A_2554, %add3A_2553, %select_n3A_2539 : vector<8x4096xi1>, vector<8x4096xi32>
    %slice3A_2557 = vector.extract_strided_slice %gt3A_17 {offsets = [1200, 0], sizes = [8, 1], strides = [1, 1]} : vector<2048x1xi1> to vector<8x1xi1>
    %slice3A_2558 = vector.extract_strided_slice %dot_general3A_10 {offsets = [1200, 0], sizes = [8, 4096], strides = [1, 1]} : vector<2048x4096xf32> to vector<8x4096xf32>
    %jit3A_2559 = arith.constant 0xFF800000 : f32
    %broadcast_in_dim3A_2560 = vector.shape_cast %slice3A_2557 : vector<8x1xi1> to vector<8x1xi1>
    %broadcast_in_dim3A_2561 = vector.broadcast %broadcast_in_dim3A_2560 : vector<8x1xi1> to vector<8x4096xi1>
    %broadcast_in_dim3A_2562 = vector.broadcast %jit3A_2559 : f32 to vector<8x4096xf32>
    %select_n3A_2563 = arith.select %broadcast_in_dim3A_2561, %broadcast_in_dim3A_2562, %slice3A_2558 : vector<8x4096xi1>, vector<8x4096xf32>
    %iota3A_2564 = tpu.iota {dimensions = array<i32: 0>} : vector<8x4096xi32>
    %mul3A_2565 = arith.constant 2048 : i32
    %mul3A_2566 = arith.muli %arg1, %mul3A_2565 : i32
    %add3A_2567 = arith.constant 1200 : i32
    %add3A_2568 = arith.addi %mul3A_2566, %add3A_2567 : i32
    %add3A_2569 = vector.broadcast %add3A_2568 : i32 to vector<8x4096xi32>
    %add3A_2570 = arith.addi %iota3A_2564, %add3A_2569 : vector<8x4096xi32>
    %gt3A_2571 = arith.cmpf ogt, %select_n3A_2563, %select_n3A_2555 : vector<8x4096xf32>
    %select_n3A_2572 = arith.select %gt3A_2571, %select_n3A_2563, %select_n3A_2555 : vector<8x4096xi1>, vector<8x4096xf32>
    %select_n3A_2573 = arith.select %gt3A_2571, %add3A_2570, %select_n3A_2556 : vector<8x4096xi1>, vector<8x4096xi32>
    %slice3A_2574 = vector.extract_strided_slice %gt3A_17 {offsets = [1208, 0], sizes = [8, 1], strides = [1, 1]} : vector<2048x1xi1> to vector<8x1xi1>
    %slice3A_2575 = vector.extract_strided_slice %dot_general3A_10 {offsets = [1208, 0], sizes = [8, 4096], strides = [1, 1]} : vector<2048x4096xf32> to vector<8x4096xf32>
    %jit3A_2576 = arith.constant 0xFF800000 : f32
    %broadcast_in_dim3A_2577 = vector.shape_cast %slice3A_2574 : vector<8x1xi1> to vector<8x1xi1>
    %broadcast_in_dim3A_2578 = vector.broadcast %broadcast_in_dim3A_2577 : vector<8x1xi1> to vector<8x4096xi1>
    %broadcast_in_dim3A_2579 = vector.broadcast %jit3A_2576 : f32 to vector<8x4096xf32>
    %select_n3A_2580 = arith.select %broadcast_in_dim3A_2578, %broadcast_in_dim3A_2579, %slice3A_2575 : vector<8x4096xi1>, vector<8x4096xf32>
    %iota3A_2581 = tpu.iota {dimensions = array<i32: 0>} : vector<8x4096xi32>
    %mul3A_2582 = arith.constant 2048 : i32
    %mul3A_2583 = arith.muli %arg1, %mul3A_2582 : i32
    %add3A_2584 = arith.constant 1208 : i32
    %add3A_2585 = arith.addi %mul3A_2583, %add3A_2584 : i32
    %add3A_2586 = vector.broadcast %add3A_2585 : i32 to vector<8x4096xi32>
    %add3A_2587 = arith.addi %iota3A_2581, %add3A_2586 : vector<8x4096xi32>
    %gt3A_2588 = arith.cmpf ogt, %select_n3A_2580, %select_n3A_2572 : vector<8x4096xf32>
    %select_n3A_2589 = arith.select %gt3A_2588, %select_n3A_2580, %select_n3A_2572 : vector<8x4096xi1>, vector<8x4096xf32>
    %select_n3A_2590 = arith.select %gt3A_2588, %add3A_2587, %select_n3A_2573 : vector<8x4096xi1>, vector<8x4096xi32>
    %slice3A_2591 = vector.extract_strided_slice %gt3A_17 {offsets = [1216, 0], sizes = [8, 1], strides = [1, 1]} : vector<2048x1xi1> to vector<8x1xi1>
    %slice3A_2592 = vector.extract_strided_slice %dot_general3A_10 {offsets = [1216, 0], sizes = [8, 4096], strides = [1, 1]} : vector<2048x4096xf32> to vector<8x4096xf32>
    %jit3A_2593 = arith.constant 0xFF800000 : f32
    %broadcast_in_dim3A_2594 = vector.shape_cast %slice3A_2591 : vector<8x1xi1> to vector<8x1xi1>
    %broadcast_in_dim3A_2595 = vector.broadcast %broadcast_in_dim3A_2594 : vector<8x1xi1> to vector<8x4096xi1>
    %broadcast_in_dim3A_2596 = vector.broadcast %jit3A_2593 : f32 to vector<8x4096xf32>
    %select_n3A_2597 = arith.select %broadcast_in_dim3A_2595, %broadcast_in_dim3A_2596, %slice3A_2592 : vector<8x4096xi1>, vector<8x4096xf32>
    %iota3A_2598 = tpu.iota {dimensions = array<i32: 0>} : vector<8x4096xi32>
    %mul3A_2599 = arith.constant 2048 : i32
    %mul3A_2600 = arith.muli %arg1, %mul3A_2599 : i32
    %add3A_2601 = arith.constant 1216 : i32
    %add3A_2602 = arith.addi %mul3A_2600, %add3A_2601 : i32
    %add3A_2603 = vector.broadcast %add3A_2602 : i32 to vector<8x4096xi32>
    %add3A_2604 = arith.addi %iota3A_2598, %add3A_2603 : vector<8x4096xi32>
    %gt3A_2605 = arith.cmpf ogt, %select_n3A_2597, %select_n3A_2589 : vector<8x4096xf32>
    %select_n3A_2606 = arith.select %gt3A_2605, %select_n3A_2597, %select_n3A_2589 : vector<8x4096xi1>, vector<8x4096xf32>
    %select_n3A_2607 = arith.select %gt3A_2605, %add3A_2604, %select_n3A_2590 : vector<8x4096xi1>, vector<8x4096xi32>
    %slice3A_2608 = vector.extract_strided_slice %gt3A_17 {offsets = [1224, 0], sizes = [8, 1], strides = [1, 1]} : vector<2048x1xi1> to vector<8x1xi1>
    %slice3A_2609 = vector.extract_strided_slice %dot_general3A_10 {offsets = [1224, 0], sizes = [8, 4096], strides = [1, 1]} : vector<2048x4096xf32> to vector<8x4096xf32>
    %jit3A_2610 = arith.constant 0xFF800000 : f32
    %broadcast_in_dim3A_2611 = vector.shape_cast %slice3A_2608 : vector<8x1xi1> to vector<8x1xi1>
    %broadcast_in_dim3A_2612 = vector.broadcast %broadcast_in_dim3A_2611 : vector<8x1xi1> to vector<8x4096xi1>
    %broadcast_in_dim3A_2613 = vector.broadcast %jit3A_2610 : f32 to vector<8x4096xf32>
    %select_n3A_2614 = arith.select %broadcast_in_dim3A_2612, %broadcast_in_dim3A_2613, %slice3A_2609 : vector<8x4096xi1>, vector<8x4096xf32>
    %iota3A_2615 = tpu.iota {dimensions = array<i32: 0>} : vector<8x4096xi32>
    %mul3A_2616 = arith.constant 2048 : i32
    %mul3A_2617 = arith.muli %arg1, %mul3A_2616 : i32
    %add3A_2618 = arith.constant 1224 : i32
    %add3A_2619 = arith.addi %mul3A_2617, %add3A_2618 : i32
    %add3A_2620 = vector.broadcast %add3A_2619 : i32 to vector<8x4096xi32>
    %add3A_2621 = arith.addi %iota3A_2615, %add3A_2620 : vector<8x4096xi32>
    %gt3A_2622 = arith.cmpf ogt, %select_n3A_2614, %select_n3A_2606 : vector<8x4096xf32>
    %select_n3A_2623 = arith.select %gt3A_2622, %select_n3A_2614, %select_n3A_2606 : vector<8x4096xi1>, vector<8x4096xf32>
    %select_n3A_2624 = arith.select %gt3A_2622, %add3A_2621, %select_n3A_2607 : vector<8x4096xi1>, vector<8x4096xi32>
    %slice3A_2625 = vector.extract_strided_slice %gt3A_17 {offsets = [1232, 0], sizes = [8, 1], strides = [1, 1]} : vector<2048x1xi1> to vector<8x1xi1>
    %slice3A_2626 = vector.extract_strided_slice %dot_general3A_10 {offsets = [1232, 0], sizes = [8, 4096], strides = [1, 1]} : vector<2048x4096xf32> to vector<8x4096xf32>
    %jit3A_2627 = arith.constant 0xFF800000 : f32
    %broadcast_in_dim3A_2628 = vector.shape_cast %slice3A_2625 : vector<8x1xi1> to vector<8x1xi1>
    %broadcast_in_dim3A_2629 = vector.broadcast %broadcast_in_dim3A_2628 : vector<8x1xi1> to vector<8x4096xi1>
    %broadcast_in_dim3A_2630 = vector.broadcast %jit3A_2627 : f32 to vector<8x4096xf32>
    %select_n3A_2631 = arith.select %broadcast_in_dim3A_2629, %broadcast_in_dim3A_2630, %slice3A_2626 : vector<8x4096xi1>, vector<8x4096xf32>
    %iota3A_2632 = tpu.iota {dimensions = array<i32: 0>} : vector<8x4096xi32>
    %mul3A_2633 = arith.constant 2048 : i32
    %mul3A_2634 = arith.muli %arg1, %mul3A_2633 : i32
    %add3A_2635 = arith.constant 1232 : i32
    %add3A_2636 = arith.addi %mul3A_2634, %add3A_2635 : i32
    %add3A_2637 = vector.broadcast %add3A_2636 : i32 to vector<8x4096xi32>
    %add3A_2638 = arith.addi %iota3A_2632, %add3A_2637 : vector<8x4096xi32>
    %gt3A_2639 = arith.cmpf ogt, %select_n3A_2631, %select_n3A_2623 : vector<8x4096xf32>
    %select_n3A_2640 = arith.select %gt3A_2639, %select_n3A_2631, %select_n3A_2623 : vector<8x4096xi1>, vector<8x4096xf32>
    %select_n3A_2641 = arith.select %gt3A_2639, %add3A_2638, %select_n3A_2624 : vector<8x4096xi1>, vector<8x4096xi32>
    %slice3A_2642 = vector.extract_strided_slice %gt3A_17 {offsets = [1240, 0], sizes = [8, 1], strides = [1, 1]} : vector<2048x1xi1> to vector<8x1xi1>
    %slice3A_2643 = vector.extract_strided_slice %dot_general3A_10 {offsets = [1240, 0], sizes = [8, 4096], strides = [1, 1]} : vector<2048x4096xf32> to vector<8x4096xf32>
    %jit3A_2644 = arith.constant 0xFF800000 : f32
    %broadcast_in_dim3A_2645 = vector.shape_cast %slice3A_2642 : vector<8x1xi1> to vector<8x1xi1>
    %broadcast_in_dim3A_2646 = vector.broadcast %broadcast_in_dim3A_2645 : vector<8x1xi1> to vector<8x4096xi1>
    %broadcast_in_dim3A_2647 = vector.broadcast %jit3A_2644 : f32 to vector<8x4096xf32>
    %select_n3A_2648 = arith.select %broadcast_in_dim3A_2646, %broadcast_in_dim3A_2647, %slice3A_2643 : vector<8x4096xi1>, vector<8x4096xf32>
    %iota3A_2649 = tpu.iota {dimensions = array<i32: 0>} : vector<8x4096xi32>
    %mul3A_2650 = arith.constant 2048 : i32
    %mul3A_2651 = arith.muli %arg1, %mul3A_2650 : i32
    %add3A_2652 = arith.constant 1240 : i32
    %add3A_2653 = arith.addi %mul3A_2651, %add3A_2652 : i32
    %add3A_2654 = vector.broadcast %add3A_2653 : i32 to vector<8x4096xi32>
    %add3A_2655 = arith.addi %iota3A_2649, %add3A_2654 : vector<8x4096xi32>
    %gt3A_2656 = arith.cmpf ogt, %select_n3A_2648, %select_n3A_2640 : vector<8x4096xf32>
    %select_n3A_2657 = arith.select %gt3A_2656, %select_n3A_2648, %select_n3A_2640 : vector<8x4096xi1>, vector<8x4096xf32>
    %select_n3A_2658 = arith.select %gt3A_2656, %add3A_2655, %select_n3A_2641 : vector<8x4096xi1>, vector<8x4096xi32>
    %slice3A_2659 = vector.extract_strided_slice %gt3A_17 {offsets = [1248, 0], sizes = [8, 1], strides = [1, 1]} : vector<2048x1xi1> to vector<8x1xi1>
    %slice3A_2660 = vector.extract_strided_slice %dot_general3A_10 {offsets = [1248, 0], sizes = [8, 4096], strides = [1, 1]} : vector<2048x4096xf32> to vector<8x4096xf32>
    %jit3A_2661 = arith.constant 0xFF800000 : f32
    %broadcast_in_dim3A_2662 = vector.shape_cast %slice3A_2659 : vector<8x1xi1> to vector<8x1xi1>
    %broadcast_in_dim3A_2663 = vector.broadcast %broadcast_in_dim3A_2662 : vector<8x1xi1> to vector<8x4096xi1>
    %broadcast_in_dim3A_2664 = vector.broadcast %jit3A_2661 : f32 to vector<8x4096xf32>
    %select_n3A_2665 = arith.select %broadcast_in_dim3A_2663, %broadcast_in_dim3A_2664, %slice3A_2660 : vector<8x4096xi1>, vector<8x4096xf32>
    %iota3A_2666 = tpu.iota {dimensions = array<i32: 0>} : vector<8x4096xi32>
    %mul3A_2667 = arith.constant 2048 : i32
    %mul3A_2668 = arith.muli %arg1, %mul3A_2667 : i32
    %add3A_2669 = arith.constant 1248 : i32
    %add3A_2670 = arith.addi %mul3A_2668, %add3A_2669 : i32
    %add3A_2671 = vector.broadcast %add3A_2670 : i32 to vector<8x4096xi32>
    %add3A_2672 = arith.addi %iota3A_2666, %add3A_2671 : vector<8x4096xi32>
    %gt3A_2673 = arith.cmpf ogt, %select_n3A_2665, %select_n3A_2657 : vector<8x4096xf32>
    %select_n3A_2674 = arith.select %gt3A_2673, %select_n3A_2665, %select_n3A_2657 : vector<8x4096xi1>, vector<8x4096xf32>
    %select_n3A_2675 = arith.select %gt3A_2673, %add3A_2672, %select_n3A_2658 : vector<8x4096xi1>, vector<8x4096xi32>
    %slice3A_2676 = vector.extract_strided_slice %gt3A_17 {offsets = [1256, 0], sizes = [8, 1], strides = [1, 1]} : vector<2048x1xi1> to vector<8x1xi1>
    %slice3A_2677 = vector.extract_strided_slice %dot_general3A_10 {offsets = [1256, 0], sizes = [8, 4096], strides = [1, 1]} : vector<2048x4096xf32> to vector<8x4096xf32>
    %jit3A_2678 = arith.constant 0xFF800000 : f32
    %broadcast_in_dim3A_2679 = vector.shape_cast %slice3A_2676 : vector<8x1xi1> to vector<8x1xi1>
    %broadcast_in_dim3A_2680 = vector.broadcast %broadcast_in_dim3A_2679 : vector<8x1xi1> to vector<8x4096xi1>
    %broadcast_in_dim3A_2681 = vector.broadcast %jit3A_2678 : f32 to vector<8x4096xf32>
    %select_n3A_2682 = arith.select %broadcast_in_dim3A_2680, %broadcast_in_dim3A_2681, %slice3A_2677 : vector<8x4096xi1>, vector<8x4096xf32>
    %iota3A_2683 = tpu.iota {dimensions = array<i32: 0>} : vector<8x4096xi32>
    %mul3A_2684 = arith.constant 2048 : i32
    %mul3A_2685 = arith.muli %arg1, %mul3A_2684 : i32
    %add3A_2686 = arith.constant 1256 : i32
    %add3A_2687 = arith.addi %mul3A_2685, %add3A_2686 : i32
    %add3A_2688 = vector.broadcast %add3A_2687 : i32 to vector<8x4096xi32>
    %add3A_2689 = arith.addi %iota3A_2683, %add3A_2688 : vector<8x4096xi32>
    %gt3A_2690 = arith.cmpf ogt, %select_n3A_2682, %select_n3A_2674 : vector<8x4096xf32>
    %select_n3A_2691 = arith.select %gt3A_2690, %select_n3A_2682, %select_n3A_2674 : vector<8x4096xi1>, vector<8x4096xf32>
    %select_n3A_2692 = arith.select %gt3A_2690, %add3A_2689, %select_n3A_2675 : vector<8x4096xi1>, vector<8x4096xi32>
    %slice3A_2693 = vector.extract_strided_slice %gt3A_17 {offsets = [1264, 0], sizes = [8, 1], strides = [1, 1]} : vector<2048x1xi1> to vector<8x1xi1>
    %slice3A_2694 = vector.extract_strided_slice %dot_general3A_10 {offsets = [1264, 0], sizes = [8, 4096], strides = [1, 1]} : vector<2048x4096xf32> to vector<8x4096xf32>
    %jit3A_2695 = arith.constant 0xFF800000 : f32
    %broadcast_in_dim3A_2696 = vector.shape_cast %slice3A_2693 : vector<8x1xi1> to vector<8x1xi1>
    %broadcast_in_dim3A_2697 = vector.broadcast %broadcast_in_dim3A_2696 : vector<8x1xi1> to vector<8x4096xi1>
    %broadcast_in_dim3A_2698 = vector.broadcast %jit3A_2695 : f32 to vector<8x4096xf32>
    %select_n3A_2699 = arith.select %broadcast_in_dim3A_2697, %broadcast_in_dim3A_2698, %slice3A_2694 : vector<8x4096xi1>, vector<8x4096xf32>
    %iota3A_2700 = tpu.iota {dimensions = array<i32: 0>} : vector<8x4096xi32>
    %mul3A_2701 = arith.constant 2048 : i32
    %mul3A_2702 = arith.muli %arg1, %mul3A_2701 : i32
    %add3A_2703 = arith.constant 1264 : i32
    %add3A_2704 = arith.addi %mul3A_2702, %add3A_2703 : i32
    %add3A_2705 = vector.broadcast %add3A_2704 : i32 to vector<8x4096xi32>
    %add3A_2706 = arith.addi %iota3A_2700, %add3A_2705 : vector<8x4096xi32>
    %gt3A_2707 = arith.cmpf ogt, %select_n3A_2699, %select_n3A_2691 : vector<8x4096xf32>
    %select_n3A_2708 = arith.select %gt3A_2707, %select_n3A_2699, %select_n3A_2691 : vector<8x4096xi1>, vector<8x4096xf32>
    %select_n3A_2709 = arith.select %gt3A_2707, %add3A_2706, %select_n3A_2692 : vector<8x4096xi1>, vector<8x4096xi32>
    %slice3A_2710 = vector.extract_strided_slice %gt3A_17 {offsets = [1272, 0], sizes = [8, 1], strides = [1, 1]} : vector<2048x1xi1> to vector<8x1xi1>
    %slice3A_2711 = vector.extract_strided_slice %dot_general3A_10 {offsets = [1272, 0], sizes = [8, 4096], strides = [1, 1]} : vector<2048x4096xf32> to vector<8x4096xf32>
    %jit3A_2712 = arith.constant 0xFF800000 : f32
    %broadcast_in_dim3A_2713 = vector.shape_cast %slice3A_2710 : vector<8x1xi1> to vector<8x1xi1>
    %broadcast_in_dim3A_2714 = vector.broadcast %broadcast_in_dim3A_2713 : vector<8x1xi1> to vector<8x4096xi1>
    %broadcast_in_dim3A_2715 = vector.broadcast %jit3A_2712 : f32 to vector<8x4096xf32>
    %select_n3A_2716 = arith.select %broadcast_in_dim3A_2714, %broadcast_in_dim3A_2715, %slice3A_2711 : vector<8x4096xi1>, vector<8x4096xf32>
    %iota3A_2717 = tpu.iota {dimensions = array<i32: 0>} : vector<8x4096xi32>
    %mul3A_2718 = arith.constant 2048 : i32
    %mul3A_2719 = arith.muli %arg1, %mul3A_2718 : i32
    %add3A_2720 = arith.constant 1272 : i32
    %add3A_2721 = arith.addi %mul3A_2719, %add3A_2720 : i32
    %add3A_2722 = vector.broadcast %add3A_2721 : i32 to vector<8x4096xi32>
    %add3A_2723 = arith.addi %iota3A_2717, %add3A_2722 : vector<8x4096xi32>
    %gt3A_2724 = arith.cmpf ogt, %select_n3A_2716, %select_n3A_2708 : vector<8x4096xf32>
    %select_n3A_2725 = arith.select %gt3A_2724, %select_n3A_2716, %select_n3A_2708 : vector<8x4096xi1>, vector<8x4096xf32>
    %select_n3A_2726 = arith.select %gt3A_2724, %add3A_2723, %select_n3A_2709 : vector<8x4096xi1>, vector<8x4096xi32>
    %slice3A_2727 = vector.extract_strided_slice %gt3A_17 {offsets = [1280, 0], sizes = [8, 1], strides = [1, 1]} : vector<2048x1xi1> to vector<8x1xi1>
    %slice3A_2728 = vector.extract_strided_slice %dot_general3A_10 {offsets = [1280, 0], sizes = [8, 4096], strides = [1, 1]} : vector<2048x4096xf32> to vector<8x4096xf32>
    %jit3A_2729 = arith.constant 0xFF800000 : f32
    %broadcast_in_dim3A_2730 = vector.shape_cast %slice3A_2727 : vector<8x1xi1> to vector<8x1xi1>
    %broadcast_in_dim3A_2731 = vector.broadcast %broadcast_in_dim3A_2730 : vector<8x1xi1> to vector<8x4096xi1>
    %broadcast_in_dim3A_2732 = vector.broadcast %jit3A_2729 : f32 to vector<8x4096xf32>
    %select_n3A_2733 = arith.select %broadcast_in_dim3A_2731, %broadcast_in_dim3A_2732, %slice3A_2728 : vector<8x4096xi1>, vector<8x4096xf32>
    %iota3A_2734 = tpu.iota {dimensions = array<i32: 0>} : vector<8x4096xi32>
    %mul3A_2735 = arith.constant 2048 : i32
    %mul3A_2736 = arith.muli %arg1, %mul3A_2735 : i32
    %add3A_2737 = arith.constant 1280 : i32
    %add3A_2738 = arith.addi %mul3A_2736, %add3A_2737 : i32
    %add3A_2739 = vector.broadcast %add3A_2738 : i32 to vector<8x4096xi32>
    %add3A_2740 = arith.addi %iota3A_2734, %add3A_2739 : vector<8x4096xi32>
    %gt3A_2741 = arith.cmpf ogt, %select_n3A_2733, %select_n3A_2725 : vector<8x4096xf32>
    %select_n3A_2742 = arith.select %gt3A_2741, %select_n3A_2733, %select_n3A_2725 : vector<8x4096xi1>, vector<8x4096xf32>
    %select_n3A_2743 = arith.select %gt3A_2741, %add3A_2740, %select_n3A_2726 : vector<8x4096xi1>, vector<8x4096xi32>
    %slice3A_2744 = vector.extract_strided_slice %gt3A_17 {offsets = [1288, 0], sizes = [8, 1], strides = [1, 1]} : vector<2048x1xi1> to vector<8x1xi1>
    %slice3A_2745 = vector.extract_strided_slice %dot_general3A_10 {offsets = [1288, 0], sizes = [8, 4096], strides = [1, 1]} : vector<2048x4096xf32> to vector<8x4096xf32>
    %jit3A_2746 = arith.constant 0xFF800000 : f32
    %broadcast_in_dim3A_2747 = vector.shape_cast %slice3A_2744 : vector<8x1xi1> to vector<8x1xi1>
    %broadcast_in_dim3A_2748 = vector.broadcast %broadcast_in_dim3A_2747 : vector<8x1xi1> to vector<8x4096xi1>
    %broadcast_in_dim3A_2749 = vector.broadcast %jit3A_2746 : f32 to vector<8x4096xf32>
    %select_n3A_2750 = arith.select %broadcast_in_dim3A_2748, %broadcast_in_dim3A_2749, %slice3A_2745 : vector<8x4096xi1>, vector<8x4096xf32>
    %iota3A_2751 = tpu.iota {dimensions = array<i32: 0>} : vector<8x4096xi32>
    %mul3A_2752 = arith.constant 2048 : i32
    %mul3A_2753 = arith.muli %arg1, %mul3A_2752 : i32
    %add3A_2754 = arith.constant 1288 : i32
    %add3A_2755 = arith.addi %mul3A_2753, %add3A_2754 : i32
    %add3A_2756 = vector.broadcast %add3A_2755 : i32 to vector<8x4096xi32>
    %add3A_2757 = arith.addi %iota3A_2751, %add3A_2756 : vector<8x4096xi32>
    %gt3A_2758 = arith.cmpf ogt, %select_n3A_2750, %select_n3A_2742 : vector<8x4096xf32>
    %select_n3A_2759 = arith.select %gt3A_2758, %select_n3A_2750, %select_n3A_2742 : vector<8x4096xi1>, vector<8x4096xf32>
    %select_n3A_2760 = arith.select %gt3A_2758, %add3A_2757, %select_n3A_2743 : vector<8x4096xi1>, vector<8x4096xi32>
    %slice3A_2761 = vector.extract_strided_slice %gt3A_17 {offsets = [1296, 0], sizes = [8, 1], strides = [1, 1]} : vector<2048x1xi1> to vector<8x1xi1>
    %slice3A_2762 = vector.extract_strided_slice %dot_general3A_10 {offsets = [1296, 0], sizes = [8, 4096], strides = [1, 1]} : vector<2048x4096xf32> to vector<8x4096xf32>
    %jit3A_2763 = arith.constant 0xFF800000 : f32
    %broadcast_in_dim3A_2764 = vector.shape_cast %slice3A_2761 : vector<8x1xi1> to vector<8x1xi1>
    %broadcast_in_dim3A_2765 = vector.broadcast %broadcast_in_dim3A_2764 : vector<8x1xi1> to vector<8x4096xi1>
    %broadcast_in_dim3A_2766 = vector.broadcast %jit3A_2763 : f32 to vector<8x4096xf32>
    %select_n3A_2767 = arith.select %broadcast_in_dim3A_2765, %broadcast_in_dim3A_2766, %slice3A_2762 : vector<8x4096xi1>, vector<8x4096xf32>
    %iota3A_2768 = tpu.iota {dimensions = array<i32: 0>} : vector<8x4096xi32>
    %mul3A_2769 = arith.constant 2048 : i32
    %mul3A_2770 = arith.muli %arg1, %mul3A_2769 : i32
    %add3A_2771 = arith.constant 1296 : i32
    %add3A_2772 = arith.addi %mul3A_2770, %add3A_2771 : i32
    %add3A_2773 = vector.broadcast %add3A_2772 : i32 to vector<8x4096xi32>
    %add3A_2774 = arith.addi %iota3A_2768, %add3A_2773 : vector<8x4096xi32>
    %gt3A_2775 = arith.cmpf ogt, %select_n3A_2767, %select_n3A_2759 : vector<8x4096xf32>
    %select_n3A_2776 = arith.select %gt3A_2775, %select_n3A_2767, %select_n3A_2759 : vector<8x4096xi1>, vector<8x4096xf32>
    %select_n3A_2777 = arith.select %gt3A_2775, %add3A_2774, %select_n3A_2760 : vector<8x4096xi1>, vector<8x4096xi32>
    %slice3A_2778 = vector.extract_strided_slice %gt3A_17 {offsets = [1304, 0], sizes = [8, 1], strides = [1, 1]} : vector<2048x1xi1> to vector<8x1xi1>
    %slice3A_2779 = vector.extract_strided_slice %dot_general3A_10 {offsets = [1304, 0], sizes = [8, 4096], strides = [1, 1]} : vector<2048x4096xf32> to vector<8x4096xf32>
    %jit3A_2780 = arith.constant 0xFF800000 : f32
    %broadcast_in_dim3A_2781 = vector.shape_cast %slice3A_2778 : vector<8x1xi1> to vector<8x1xi1>
    %broadcast_in_dim3A_2782 = vector.broadcast %broadcast_in_dim3A_2781 : vector<8x1xi1> to vector<8x4096xi1>
    %broadcast_in_dim3A_2783 = vector.broadcast %jit3A_2780 : f32 to vector<8x4096xf32>
    %select_n3A_2784 = arith.select %broadcast_in_dim3A_2782, %broadcast_in_dim3A_2783, %slice3A_2779 : vector<8x4096xi1>, vector<8x4096xf32>
    %iota3A_2785 = tpu.iota {dimensions = array<i32: 0>} : vector<8x4096xi32>
    %mul3A_2786 = arith.constant 2048 : i32
    %mul3A_2787 = arith.muli %arg1, %mul3A_2786 : i32
    %add3A_2788 = arith.constant 1304 : i32
    %add3A_2789 = arith.addi %mul3A_2787, %add3A_2788 : i32
    %add3A_2790 = vector.broadcast %add3A_2789 : i32 to vector<8x4096xi32>
    %add3A_2791 = arith.addi %iota3A_2785, %add3A_2790 : vector<8x4096xi32>
    %gt3A_2792 = arith.cmpf ogt, %select_n3A_2784, %select_n3A_2776 : vector<8x4096xf32>
    %select_n3A_2793 = arith.select %gt3A_2792, %select_n3A_2784, %select_n3A_2776 : vector<8x4096xi1>, vector<8x4096xf32>
    %select_n3A_2794 = arith.select %gt3A_2792, %add3A_2791, %select_n3A_2777 : vector<8x4096xi1>, vector<8x4096xi32>
    %slice3A_2795 = vector.extract_strided_slice %gt3A_17 {offsets = [1312, 0], sizes = [8, 1], strides = [1, 1]} : vector<2048x1xi1> to vector<8x1xi1>
    %slice3A_2796 = vector.extract_strided_slice %dot_general3A_10 {offsets = [1312, 0], sizes = [8, 4096], strides = [1, 1]} : vector<2048x4096xf32> to vector<8x4096xf32>
    %jit3A_2797 = arith.constant 0xFF800000 : f32
    %broadcast_in_dim3A_2798 = vector.shape_cast %slice3A_2795 : vector<8x1xi1> to vector<8x1xi1>
    %broadcast_in_dim3A_2799 = vector.broadcast %broadcast_in_dim3A_2798 : vector<8x1xi1> to vector<8x4096xi1>
    %broadcast_in_dim3A_2800 = vector.broadcast %jit3A_2797 : f32 to vector<8x4096xf32>
    %select_n3A_2801 = arith.select %broadcast_in_dim3A_2799, %broadcast_in_dim3A_2800, %slice3A_2796 : vector<8x4096xi1>, vector<8x4096xf32>
    %iota3A_2802 = tpu.iota {dimensions = array<i32: 0>} : vector<8x4096xi32>
    %mul3A_2803 = arith.constant 2048 : i32
    %mul3A_2804 = arith.muli %arg1, %mul3A_2803 : i32
    %add3A_2805 = arith.constant 1312 : i32
    %add3A_2806 = arith.addi %mul3A_2804, %add3A_2805 : i32
    %add3A_2807 = vector.broadcast %add3A_2806 : i32 to vector<8x4096xi32>
    %add3A_2808 = arith.addi %iota3A_2802, %add3A_2807 : vector<8x4096xi32>
    %gt3A_2809 = arith.cmpf ogt, %select_n3A_2801, %select_n3A_2793 : vector<8x4096xf32>
    %select_n3A_2810 = arith.select %gt3A_2809, %select_n3A_2801, %select_n3A_2793 : vector<8x4096xi1>, vector<8x4096xf32>
    %select_n3A_2811 = arith.select %gt3A_2809, %add3A_2808, %select_n3A_2794 : vector<8x4096xi1>, vector<8x4096xi32>
    %slice3A_2812 = vector.extract_strided_slice %gt3A_17 {offsets = [1320, 0], sizes = [8, 1], strides = [1, 1]} : vector<2048x1xi1> to vector<8x1xi1>
    %slice3A_2813 = vector.extract_strided_slice %dot_general3A_10 {offsets = [1320, 0], sizes = [8, 4096], strides = [1, 1]} : vector<2048x4096xf32> to vector<8x4096xf32>
    %jit3A_2814 = arith.constant 0xFF800000 : f32
    %broadcast_in_dim3A_2815 = vector.shape_cast %slice3A_2812 : vector<8x1xi1> to vector<8x1xi1>
    %broadcast_in_dim3A_2816 = vector.broadcast %broadcast_in_dim3A_2815 : vector<8x1xi1> to vector<8x4096xi1>
    %broadcast_in_dim3A_2817 = vector.broadcast %jit3A_2814 : f32 to vector<8x4096xf32>
    %select_n3A_2818 = arith.select %broadcast_in_dim3A_2816, %broadcast_in_dim3A_2817, %slice3A_2813 : vector<8x4096xi1>, vector<8x4096xf32>
    %iota3A_2819 = tpu.iota {dimensions = array<i32: 0>} : vector<8x4096xi32>
    %mul3A_2820 = arith.constant 2048 : i32
    %mul3A_2821 = arith.muli %arg1, %mul3A_2820 : i32
    %add3A_2822 = arith.constant 1320 : i32
    %add3A_2823 = arith.addi %mul3A_2821, %add3A_2822 : i32
    %add3A_2824 = vector.broadcast %add3A_2823 : i32 to vector<8x4096xi32>
    %add3A_2825 = arith.addi %iota3A_2819, %add3A_2824 : vector<8x4096xi32>
    %gt3A_2826 = arith.cmpf ogt, %select_n3A_2818, %select_n3A_2810 : vector<8x4096xf32>
    %select_n3A_2827 = arith.select %gt3A_2826, %select_n3A_2818, %select_n3A_2810 : vector<8x4096xi1>, vector<8x4096xf32>
    %select_n3A_2828 = arith.select %gt3A_2826, %add3A_2825, %select_n3A_2811 : vector<8x4096xi1>, vector<8x4096xi32>
    %slice3A_2829 = vector.extract_strided_slice %gt3A_17 {offsets = [1328, 0], sizes = [8, 1], strides = [1, 1]} : vector<2048x1xi1> to vector<8x1xi1>
    %slice3A_2830 = vector.extract_strided_slice %dot_general3A_10 {offsets = [1328, 0], sizes = [8, 4096], strides = [1, 1]} : vector<2048x4096xf32> to vector<8x4096xf32>
    %jit3A_2831 = arith.constant 0xFF800000 : f32
    %broadcast_in_dim3A_2832 = vector.shape_cast %slice3A_2829 : vector<8x1xi1> to vector<8x1xi1>
    %broadcast_in_dim3A_2833 = vector.broadcast %broadcast_in_dim3A_2832 : vector<8x1xi1> to vector<8x4096xi1>
    %broadcast_in_dim3A_2834 = vector.broadcast %jit3A_2831 : f32 to vector<8x4096xf32>
    %select_n3A_2835 = arith.select %broadcast_in_dim3A_2833, %broadcast_in_dim3A_2834, %slice3A_2830 : vector<8x4096xi1>, vector<8x4096xf32>
    %iota3A_2836 = tpu.iota {dimensions = array<i32: 0>} : vector<8x4096xi32>
    %mul3A_2837 = arith.constant 2048 : i32
    %mul3A_2838 = arith.muli %arg1, %mul3A_2837 : i32
    %add3A_2839 = arith.constant 1328 : i32
    %add3A_2840 = arith.addi %mul3A_2838, %add3A_2839 : i32
    %add3A_2841 = vector.broadcast %add3A_2840 : i32 to vector<8x4096xi32>
    %add3A_2842 = arith.addi %iota3A_2836, %add3A_2841 : vector<8x4096xi32>
    %gt3A_2843 = arith.cmpf ogt, %select_n3A_2835, %select_n3A_2827 : vector<8x4096xf32>
    %select_n3A_2844 = arith.select %gt3A_2843, %select_n3A_2835, %select_n3A_2827 : vector<8x4096xi1>, vector<8x4096xf32>
    %select_n3A_2845 = arith.select %gt3A_2843, %add3A_2842, %select_n3A_2828 : vector<8x4096xi1>, vector<8x4096xi32>
    %slice3A_2846 = vector.extract_strided_slice %gt3A_17 {offsets = [1336, 0], sizes = [8, 1], strides = [1, 1]} : vector<2048x1xi1> to vector<8x1xi1>
    %slice3A_2847 = vector.extract_strided_slice %dot_general3A_10 {offsets = [1336, 0], sizes = [8, 4096], strides = [1, 1]} : vector<2048x4096xf32> to vector<8x4096xf32>
    %jit3A_2848 = arith.constant 0xFF800000 : f32
    %broadcast_in_dim3A_2849 = vector.shape_cast %slice3A_2846 : vector<8x1xi1> to vector<8x1xi1>
    %broadcast_in_dim3A_2850 = vector.broadcast %broadcast_in_dim3A_2849 : vector<8x1xi1> to vector<8x4096xi1>
    %broadcast_in_dim3A_2851 = vector.broadcast %jit3A_2848 : f32 to vector<8x4096xf32>
    %select_n3A_2852 = arith.select %broadcast_in_dim3A_2850, %broadcast_in_dim3A_2851, %slice3A_2847 : vector<8x4096xi1>, vector<8x4096xf32>
    %iota3A_2853 = tpu.iota {dimensions = array<i32: 0>} : vector<8x4096xi32>
    %mul3A_2854 = arith.constant 2048 : i32
    %mul3A_2855 = arith.muli %arg1, %mul3A_2854 : i32
    %add3A_2856 = arith.constant 1336 : i32
    %add3A_2857 = arith.addi %mul3A_2855, %add3A_2856 : i32
    %add3A_2858 = vector.broadcast %add3A_2857 : i32 to vector<8x4096xi32>
    %add3A_2859 = arith.addi %iota3A_2853, %add3A_2858 : vector<8x4096xi32>
    %gt3A_2860 = arith.cmpf ogt, %select_n3A_2852, %select_n3A_2844 : vector<8x4096xf32>
    %select_n3A_2861 = arith.select %gt3A_2860, %select_n3A_2852, %select_n3A_2844 : vector<8x4096xi1>, vector<8x4096xf32>
    %select_n3A_2862 = arith.select %gt3A_2860, %add3A_2859, %select_n3A_2845 : vector<8x4096xi1>, vector<8x4096xi32>
    %slice3A_2863 = vector.extract_strided_slice %gt3A_17 {offsets = [1344, 0], sizes = [8, 1], strides = [1, 1]} : vector<2048x1xi1> to vector<8x1xi1>
    %slice3A_2864 = vector.extract_strided_slice %dot_general3A_10 {offsets = [1344, 0], sizes = [8, 4096], strides = [1, 1]} : vector<2048x4096xf32> to vector<8x4096xf32>
    %jit3A_2865 = arith.constant 0xFF800000 : f32
    %broadcast_in_dim3A_2866 = vector.shape_cast %slice3A_2863 : vector<8x1xi1> to vector<8x1xi1>
    %broadcast_in_dim3A_2867 = vector.broadcast %broadcast_in_dim3A_2866 : vector<8x1xi1> to vector<8x4096xi1>
    %broadcast_in_dim3A_2868 = vector.broadcast %jit3A_2865 : f32 to vector<8x4096xf32>
    %select_n3A_2869 = arith.select %broadcast_in_dim3A_2867, %broadcast_in_dim3A_2868, %slice3A_2864 : vector<8x4096xi1>, vector<8x4096xf32>
    %iota3A_2870 = tpu.iota {dimensions = array<i32: 0>} : vector<8x4096xi32>
    %mul3A_2871 = arith.constant 2048 : i32
    %mul3A_2872 = arith.muli %arg1, %mul3A_2871 : i32
    %add3A_2873 = arith.constant 1344 : i32
    %add3A_2874 = arith.addi %mul3A_2872, %add3A_2873 : i32
    %add3A_2875 = vector.broadcast %add3A_2874 : i32 to vector<8x4096xi32>
    %add3A_2876 = arith.addi %iota3A_2870, %add3A_2875 : vector<8x4096xi32>
    %gt3A_2877 = arith.cmpf ogt, %select_n3A_2869, %select_n3A_2861 : vector<8x4096xf32>
    %select_n3A_2878 = arith.select %gt3A_2877, %select_n3A_2869, %select_n3A_2861 : vector<8x4096xi1>, vector<8x4096xf32>
    %select_n3A_2879 = arith.select %gt3A_2877, %add3A_2876, %select_n3A_2862 : vector<8x4096xi1>, vector<8x4096xi32>
    %slice3A_2880 = vector.extract_strided_slice %gt3A_17 {offsets = [1352, 0], sizes = [8, 1], strides = [1, 1]} : vector<2048x1xi1> to vector<8x1xi1>
    %slice3A_2881 = vector.extract_strided_slice %dot_general3A_10 {offsets = [1352, 0], sizes = [8, 4096], strides = [1, 1]} : vector<2048x4096xf32> to vector<8x4096xf32>
    %jit3A_2882 = arith.constant 0xFF800000 : f32
    %broadcast_in_dim3A_2883 = vector.shape_cast %slice3A_2880 : vector<8x1xi1> to vector<8x1xi1>
    %broadcast_in_dim3A_2884 = vector.broadcast %broadcast_in_dim3A_2883 : vector<8x1xi1> to vector<8x4096xi1>
    %broadcast_in_dim3A_2885 = vector.broadcast %jit3A_2882 : f32 to vector<8x4096xf32>
    %select_n3A_2886 = arith.select %broadcast_in_dim3A_2884, %broadcast_in_dim3A_2885, %slice3A_2881 : vector<8x4096xi1>, vector<8x4096xf32>
    %iota3A_2887 = tpu.iota {dimensions = array<i32: 0>} : vector<8x4096xi32>
    %mul3A_2888 = arith.constant 2048 : i32
    %mul3A_2889 = arith.muli %arg1, %mul3A_2888 : i32
    %add3A_2890 = arith.constant 1352 : i32
    %add3A_2891 = arith.addi %mul3A_2889, %add3A_2890 : i32
    %add3A_2892 = vector.broadcast %add3A_2891 : i32 to vector<8x4096xi32>
    %add3A_2893 = arith.addi %iota3A_2887, %add3A_2892 : vector<8x4096xi32>
    %gt3A_2894 = arith.cmpf ogt, %select_n3A_2886, %select_n3A_2878 : vector<8x4096xf32>
    %select_n3A_2895 = arith.select %gt3A_2894, %select_n3A_2886, %select_n3A_2878 : vector<8x4096xi1>, vector<8x4096xf32>
    %select_n3A_2896 = arith.select %gt3A_2894, %add3A_2893, %select_n3A_2879 : vector<8x4096xi1>, vector<8x4096xi32>
    %slice3A_2897 = vector.extract_strided_slice %gt3A_17 {offsets = [1360, 0], sizes = [8, 1], strides = [1, 1]} : vector<2048x1xi1> to vector<8x1xi1>
    %slice3A_2898 = vector.extract_strided_slice %dot_general3A_10 {offsets = [1360, 0], sizes = [8, 4096], strides = [1, 1]} : vector<2048x4096xf32> to vector<8x4096xf32>
    %jit3A_2899 = arith.constant 0xFF800000 : f32
    %broadcast_in_dim3A_2900 = vector.shape_cast %slice3A_2897 : vector<8x1xi1> to vector<8x1xi1>
    %broadcast_in_dim3A_2901 = vector.broadcast %broadcast_in_dim3A_2900 : vector<8x1xi1> to vector<8x4096xi1>
    %broadcast_in_dim3A_2902 = vector.broadcast %jit3A_2899 : f32 to vector<8x4096xf32>
    %select_n3A_2903 = arith.select %broadcast_in_dim3A_2901, %broadcast_in_dim3A_2902, %slice3A_2898 : vector<8x4096xi1>, vector<8x4096xf32>
    %iota3A_2904 = tpu.iota {dimensions = array<i32: 0>} : vector<8x4096xi32>
    %mul3A_2905 = arith.constant 2048 : i32
    %mul3A_2906 = arith.muli %arg1, %mul3A_2905 : i32
    %add3A_2907 = arith.constant 1360 : i32
    %add3A_2908 = arith.addi %mul3A_2906, %add3A_2907 : i32
    %add3A_2909 = vector.broadcast %add3A_2908 : i32 to vector<8x4096xi32>
    %add3A_2910 = arith.addi %iota3A_2904, %add3A_2909 : vector<8x4096xi32>
    %gt3A_2911 = arith.cmpf ogt, %select_n3A_2903, %select_n3A_2895 : vector<8x4096xf32>
    %select_n3A_2912 = arith.select %gt3A_2911, %select_n3A_2903, %select_n3A_2895 : vector<8x4096xi1>, vector<8x4096xf32>
    %select_n3A_2913 = arith.select %gt3A_2911, %add3A_2910, %select_n3A_2896 : vector<8x4096xi1>, vector<8x4096xi32>
    %slice3A_2914 = vector.extract_strided_slice %gt3A_17 {offsets = [1368, 0], sizes = [8, 1], strides = [1, 1]} : vector<2048x1xi1> to vector<8x1xi1>
    %slice3A_2915 = vector.extract_strided_slice %dot_general3A_10 {offsets = [1368, 0], sizes = [8, 4096], strides = [1, 1]} : vector<2048x4096xf32> to vector<8x4096xf32>
    %jit3A_2916 = arith.constant 0xFF800000 : f32
    %broadcast_in_dim3A_2917 = vector.shape_cast %slice3A_2914 : vector<8x1xi1> to vector<8x1xi1>
    %broadcast_in_dim3A_2918 = vector.broadcast %broadcast_in_dim3A_2917 : vector<8x1xi1> to vector<8x4096xi1>
    %broadcast_in_dim3A_2919 = vector.broadcast %jit3A_2916 : f32 to vector<8x4096xf32>
    %select_n3A_2920 = arith.select %broadcast_in_dim3A_2918, %broadcast_in_dim3A_2919, %slice3A_2915 : vector<8x4096xi1>, vector<8x4096xf32>
    %iota3A_2921 = tpu.iota {dimensions = array<i32: 0>} : vector<8x4096xi32>
    %mul3A_2922 = arith.constant 2048 : i32
    %mul3A_2923 = arith.muli %arg1, %mul3A_2922 : i32
    %add3A_2924 = arith.constant 1368 : i32
    %add3A_2925 = arith.addi %mul3A_2923, %add3A_2924 : i32
    %add3A_2926 = vector.broadcast %add3A_2925 : i32 to vector<8x4096xi32>
    %add3A_2927 = arith.addi %iota3A_2921, %add3A_2926 : vector<8x4096xi32>
    %gt3A_2928 = arith.cmpf ogt, %select_n3A_2920, %select_n3A_2912 : vector<8x4096xf32>
    %select_n3A_2929 = arith.select %gt3A_2928, %select_n3A_2920, %select_n3A_2912 : vector<8x4096xi1>, vector<8x4096xf32>
    %select_n3A_2930 = arith.select %gt3A_2928, %add3A_2927, %select_n3A_2913 : vector<8x4096xi1>, vector<8x4096xi32>
    %slice3A_2931 = vector.extract_strided_slice %gt3A_17 {offsets = [1376, 0], sizes = [8, 1], strides = [1, 1]} : vector<2048x1xi1> to vector<8x1xi1>
    %slice3A_2932 = vector.extract_strided_slice %dot_general3A_10 {offsets = [1376, 0], sizes = [8, 4096], strides = [1, 1]} : vector<2048x4096xf32> to vector<8x4096xf32>
    %jit3A_2933 = arith.constant 0xFF800000 : f32
    %broadcast_in_dim3A_2934 = vector.shape_cast %slice3A_2931 : vector<8x1xi1> to vector<8x1xi1>
    %broadcast_in_dim3A_2935 = vector.broadcast %broadcast_in_dim3A_2934 : vector<8x1xi1> to vector<8x4096xi1>
    %broadcast_in_dim3A_2936 = vector.broadcast %jit3A_2933 : f32 to vector<8x4096xf32>
    %select_n3A_2937 = arith.select %broadcast_in_dim3A_2935, %broadcast_in_dim3A_2936, %slice3A_2932 : vector<8x4096xi1>, vector<8x4096xf32>
    %iota3A_2938 = tpu.iota {dimensions = array<i32: 0>} : vector<8x4096xi32>
    %mul3A_2939 = arith.constant 2048 : i32
    %mul3A_2940 = arith.muli %arg1, %mul3A_2939 : i32
    %add3A_2941 = arith.constant 1376 : i32
    %add3A_2942 = arith.addi %mul3A_2940, %add3A_2941 : i32
    %add3A_2943 = vector.broadcast %add3A_2942 : i32 to vector<8x4096xi32>
    %add3A_2944 = arith.addi %iota3A_2938, %add3A_2943 : vector<8x4096xi32>
    %gt3A_2945 = arith.cmpf ogt, %select_n3A_2937, %select_n3A_2929 : vector<8x4096xf32>
    %select_n3A_2946 = arith.select %gt3A_2945, %select_n3A_2937, %select_n3A_2929 : vector<8x4096xi1>, vector<8x4096xf32>
    %select_n3A_2947 = arith.select %gt3A_2945, %add3A_2944, %select_n3A_2930 : vector<8x4096xi1>, vector<8x4096xi32>
    %slice3A_2948 = vector.extract_strided_slice %gt3A_17 {offsets = [1384, 0], sizes = [8, 1], strides = [1, 1]} : vector<2048x1xi1> to vector<8x1xi1>
    %slice3A_2949 = vector.extract_strided_slice %dot_general3A_10 {offsets = [1384, 0], sizes = [8, 4096], strides = [1, 1]} : vector<2048x4096xf32> to vector<8x4096xf32>
    %jit3A_2950 = arith.constant 0xFF800000 : f32
    %broadcast_in_dim3A_2951 = vector.shape_cast %slice3A_2948 : vector<8x1xi1> to vector<8x1xi1>
    %broadcast_in_dim3A_2952 = vector.broadcast %broadcast_in_dim3A_2951 : vector<8x1xi1> to vector<8x4096xi1>
    %broadcast_in_dim3A_2953 = vector.broadcast %jit3A_2950 : f32 to vector<8x4096xf32>
    %select_n3A_2954 = arith.select %broadcast_in_dim3A_2952, %broadcast_in_dim3A_2953, %slice3A_2949 : vector<8x4096xi1>, vector<8x4096xf32>
    %iota3A_2955 = tpu.iota {dimensions = array<i32: 0>} : vector<8x4096xi32>
    %mul3A_2956 = arith.constant 2048 : i32
    %mul3A_2957 = arith.muli %arg1, %mul3A_2956 : i32
    %add3A_2958 = arith.constant 1384 : i32
    %add3A_2959 = arith.addi %mul3A_2957, %add3A_2958 : i32
    %add3A_2960 = vector.broadcast %add3A_2959 : i32 to vector<8x4096xi32>
    %add3A_2961 = arith.addi %iota3A_2955, %add3A_2960 : vector<8x4096xi32>
    %gt3A_2962 = arith.cmpf ogt, %select_n3A_2954, %select_n3A_2946 : vector<8x4096xf32>
    %select_n3A_2963 = arith.select %gt3A_2962, %select_n3A_2954, %select_n3A_2946 : vector<8x4096xi1>, vector<8x4096xf32>
    %select_n3A_2964 = arith.select %gt3A_2962, %add3A_2961, %select_n3A_2947 : vector<8x4096xi1>, vector<8x4096xi32>
    %slice3A_2965 = vector.extract_strided_slice %gt3A_17 {offsets = [1392, 0], sizes = [8, 1], strides = [1, 1]} : vector<2048x1xi1> to vector<8x1xi1>
    %slice3A_2966 = vector.extract_strided_slice %dot_general3A_10 {offsets = [1392, 0], sizes = [8, 4096], strides = [1, 1]} : vector<2048x4096xf32> to vector<8x4096xf32>
    %jit3A_2967 = arith.constant 0xFF800000 : f32
    %broadcast_in_dim3A_2968 = vector.shape_cast %slice3A_2965 : vector<8x1xi1> to vector<8x1xi1>
    %broadcast_in_dim3A_2969 = vector.broadcast %broadcast_in_dim3A_2968 : vector<8x1xi1> to vector<8x4096xi1>
    %broadcast_in_dim3A_2970 = vector.broadcast %jit3A_2967 : f32 to vector<8x4096xf32>
    %select_n3A_2971 = arith.select %broadcast_in_dim3A_2969, %broadcast_in_dim3A_2970, %slice3A_2966 : vector<8x4096xi1>, vector<8x4096xf32>
    %iota3A_2972 = tpu.iota {dimensions = array<i32: 0>} : vector<8x4096xi32>
    %mul3A_2973 = arith.constant 2048 : i32
    %mul3A_2974 = arith.muli %arg1, %mul3A_2973 : i32
    %add3A_2975 = arith.constant 1392 : i32
    %add3A_2976 = arith.addi %mul3A_2974, %add3A_2975 : i32
    %add3A_2977 = vector.broadcast %add3A_2976 : i32 to vector<8x4096xi32>
    %add3A_2978 = arith.addi %iota3A_2972, %add3A_2977 : vector<8x4096xi32>
    %gt3A_2979 = arith.cmpf ogt, %select_n3A_2971, %select_n3A_2963 : vector<8x4096xf32>
    %select_n3A_2980 = arith.select %gt3A_2979, %select_n3A_2971, %select_n3A_2963 : vector<8x4096xi1>, vector<8x4096xf32>
    %select_n3A_2981 = arith.select %gt3A_2979, %add3A_2978, %select_n3A_2964 : vector<8x4096xi1>, vector<8x4096xi32>
    %slice3A_2982 = vector.extract_strided_slice %gt3A_17 {offsets = [1400, 0], sizes = [8, 1], strides = [1, 1]} : vector<2048x1xi1> to vector<8x1xi1>
    %slice3A_2983 = vector.extract_strided_slice %dot_general3A_10 {offsets = [1400, 0], sizes = [8, 4096], strides = [1, 1]} : vector<2048x4096xf32> to vector<8x4096xf32>
    %jit3A_2984 = arith.constant 0xFF800000 : f32
    %broadcast_in_dim3A_2985 = vector.shape_cast %slice3A_2982 : vector<8x1xi1> to vector<8x1xi1>
    %broadcast_in_dim3A_2986 = vector.broadcast %broadcast_in_dim3A_2985 : vector<8x1xi1> to vector<8x4096xi1>
    %broadcast_in_dim3A_2987 = vector.broadcast %jit3A_2984 : f32 to vector<8x4096xf32>
    %select_n3A_2988 = arith.select %broadcast_in_dim3A_2986, %broadcast_in_dim3A_2987, %slice3A_2983 : vector<8x4096xi1>, vector<8x4096xf32>
    %iota3A_2989 = tpu.iota {dimensions = array<i32: 0>} : vector<8x4096xi32>
    %mul3A_2990 = arith.constant 2048 : i32
    %mul3A_2991 = arith.muli %arg1, %mul3A_2990 : i32
    %add3A_2992 = arith.constant 1400 : i32
    %add3A_2993 = arith.addi %mul3A_2991, %add3A_2992 : i32
    %add3A_2994 = vector.broadcast %add3A_2993 : i32 to vector<8x4096xi32>
    %add3A_2995 = arith.addi %iota3A_2989, %add3A_2994 : vector<8x4096xi32>
    %gt3A_2996 = arith.cmpf ogt, %select_n3A_2988, %select_n3A_2980 : vector<8x4096xf32>
    %select_n3A_2997 = arith.select %gt3A_2996, %select_n3A_2988, %select_n3A_2980 : vector<8x4096xi1>, vector<8x4096xf32>
    %select_n3A_2998 = arith.select %gt3A_2996, %add3A_2995, %select_n3A_2981 : vector<8x4096xi1>, vector<8x4096xi32>
    %slice3A_2999 = vector.extract_strided_slice %gt3A_17 {offsets = [1408, 0], sizes = [8, 1], strides = [1, 1]} : vector<2048x1xi1> to vector<8x1xi1>
    %slice3A_3000 = vector.extract_strided_slice %dot_general3A_10 {offsets = [1408, 0], sizes = [8, 4096], strides = [1, 1]} : vector<2048x4096xf32> to vector<8x4096xf32>
    %jit3A_3001 = arith.constant 0xFF800000 : f32
    %broadcast_in_dim3A_3002 = vector.shape_cast %slice3A_2999 : vector<8x1xi1> to vector<8x1xi1>
    %broadcast_in_dim3A_3003 = vector.broadcast %broadcast_in_dim3A_3002 : vector<8x1xi1> to vector<8x4096xi1>
    %broadcast_in_dim3A_3004 = vector.broadcast %jit3A_3001 : f32 to vector<8x4096xf32>
    %select_n3A_3005 = arith.select %broadcast_in_dim3A_3003, %broadcast_in_dim3A_3004, %slice3A_3000 : vector<8x4096xi1>, vector<8x4096xf32>
    %iota3A_3006 = tpu.iota {dimensions = array<i32: 0>} : vector<8x4096xi32>
    %mul3A_3007 = arith.constant 2048 : i32
    %mul3A_3008 = arith.muli %arg1, %mul3A_3007 : i32
    %add3A_3009 = arith.constant 1408 : i32
    %add3A_3010 = arith.addi %mul3A_3008, %add3A_3009 : i32
    %add3A_3011 = vector.broadcast %add3A_3010 : i32 to vector<8x4096xi32>
    %add3A_3012 = arith.addi %iota3A_3006, %add3A_3011 : vector<8x4096xi32>
    %gt3A_3013 = arith.cmpf ogt, %select_n3A_3005, %select_n3A_2997 : vector<8x4096xf32>
    %select_n3A_3014 = arith.select %gt3A_3013, %select_n3A_3005, %select_n3A_2997 : vector<8x4096xi1>, vector<8x4096xf32>
    %select_n3A_3015 = arith.select %gt3A_3013, %add3A_3012, %select_n3A_2998 : vector<8x4096xi1>, vector<8x4096xi32>
    %slice3A_3016 = vector.extract_strided_slice %gt3A_17 {offsets = [1416, 0], sizes = [8, 1], strides = [1, 1]} : vector<2048x1xi1> to vector<8x1xi1>
    %slice3A_3017 = vector.extract_strided_slice %dot_general3A_10 {offsets = [1416, 0], sizes = [8, 4096], strides = [1, 1]} : vector<2048x4096xf32> to vector<8x4096xf32>
    %jit3A_3018 = arith.constant 0xFF800000 : f32
    %broadcast_in_dim3A_3019 = vector.shape_cast %slice3A_3016 : vector<8x1xi1> to vector<8x1xi1>
    %broadcast_in_dim3A_3020 = vector.broadcast %broadcast_in_dim3A_3019 : vector<8x1xi1> to vector<8x4096xi1>
    %broadcast_in_dim3A_3021 = vector.broadcast %jit3A_3018 : f32 to vector<8x4096xf32>
    %select_n3A_3022 = arith.select %broadcast_in_dim3A_3020, %broadcast_in_dim3A_3021, %slice3A_3017 : vector<8x4096xi1>, vector<8x4096xf32>
    %iota3A_3023 = tpu.iota {dimensions = array<i32: 0>} : vector<8x4096xi32>
    %mul3A_3024 = arith.constant 2048 : i32
    %mul3A_3025 = arith.muli %arg1, %mul3A_3024 : i32
    %add3A_3026 = arith.constant 1416 : i32
    %add3A_3027 = arith.addi %mul3A_3025, %add3A_3026 : i32
    %add3A_3028 = vector.broadcast %add3A_3027 : i32 to vector<8x4096xi32>
    %add3A_3029 = arith.addi %iota3A_3023, %add3A_3028 : vector<8x4096xi32>
    %gt3A_3030 = arith.cmpf ogt, %select_n3A_3022, %select_n3A_3014 : vector<8x4096xf32>
    %select_n3A_3031 = arith.select %gt3A_3030, %select_n3A_3022, %select_n3A_3014 : vector<8x4096xi1>, vector<8x4096xf32>
    %select_n3A_3032 = arith.select %gt3A_3030, %add3A_3029, %select_n3A_3015 : vector<8x4096xi1>, vector<8x4096xi32>
    %slice3A_3033 = vector.extract_strided_slice %gt3A_17 {offsets = [1424, 0], sizes = [8, 1], strides = [1, 1]} : vector<2048x1xi1> to vector<8x1xi1>
    %slice3A_3034 = vector.extract_strided_slice %dot_general3A_10 {offsets = [1424, 0], sizes = [8, 4096], strides = [1, 1]} : vector<2048x4096xf32> to vector<8x4096xf32>
    %jit3A_3035 = arith.constant 0xFF800000 : f32
    %broadcast_in_dim3A_3036 = vector.shape_cast %slice3A_3033 : vector<8x1xi1> to vector<8x1xi1>
    %broadcast_in_dim3A_3037 = vector.broadcast %broadcast_in_dim3A_3036 : vector<8x1xi1> to vector<8x4096xi1>
    %broadcast_in_dim3A_3038 = vector.broadcast %jit3A_3035 : f32 to vector<8x4096xf32>
    %select_n3A_3039 = arith.select %broadcast_in_dim3A_3037, %broadcast_in_dim3A_3038, %slice3A_3034 : vector<8x4096xi1>, vector<8x4096xf32>
    %iota3A_3040 = tpu.iota {dimensions = array<i32: 0>} : vector<8x4096xi32>
    %mul3A_3041 = arith.constant 2048 : i32
    %mul3A_3042 = arith.muli %arg1, %mul3A_3041 : i32
    %add3A_3043 = arith.constant 1424 : i32
    %add3A_3044 = arith.addi %mul3A_3042, %add3A_3043 : i32
    %add3A_3045 = vector.broadcast %add3A_3044 : i32 to vector<8x4096xi32>
    %add3A_3046 = arith.addi %iota3A_3040, %add3A_3045 : vector<8x4096xi32>
    %gt3A_3047 = arith.cmpf ogt, %select_n3A_3039, %select_n3A_3031 : vector<8x4096xf32>
    %select_n3A_3048 = arith.select %gt3A_3047, %select_n3A_3039, %select_n3A_3031 : vector<8x4096xi1>, vector<8x4096xf32>
    %select_n3A_3049 = arith.select %gt3A_3047, %add3A_3046, %select_n3A_3032 : vector<8x4096xi1>, vector<8x4096xi32>
    %slice3A_3050 = vector.extract_strided_slice %gt3A_17 {offsets = [1432, 0], sizes = [8, 1], strides = [1, 1]} : vector<2048x1xi1> to vector<8x1xi1>
    %slice3A_3051 = vector.extract_strided_slice %dot_general3A_10 {offsets = [1432, 0], sizes = [8, 4096], strides = [1, 1]} : vector<2048x4096xf32> to vector<8x4096xf32>
    %jit3A_3052 = arith.constant 0xFF800000 : f32
    %broadcast_in_dim3A_3053 = vector.shape_cast %slice3A_3050 : vector<8x1xi1> to vector<8x1xi1>
    %broadcast_in_dim3A_3054 = vector.broadcast %broadcast_in_dim3A_3053 : vector<8x1xi1> to vector<8x4096xi1>
    %broadcast_in_dim3A_3055 = vector.broadcast %jit3A_3052 : f32 to vector<8x4096xf32>
    %select_n3A_3056 = arith.select %broadcast_in_dim3A_3054, %broadcast_in_dim3A_3055, %slice3A_3051 : vector<8x4096xi1>, vector<8x4096xf32>
    %iota3A_3057 = tpu.iota {dimensions = array<i32: 0>} : vector<8x4096xi32>
    %mul3A_3058 = arith.constant 2048 : i32
    %mul3A_3059 = arith.muli %arg1, %mul3A_3058 : i32
    %add3A_3060 = arith.constant 1432 : i32
    %add3A_3061 = arith.addi %mul3A_3059, %add3A_3060 : i32
    %add3A_3062 = vector.broadcast %add3A_3061 : i32 to vector<8x4096xi32>
    %add3A_3063 = arith.addi %iota3A_3057, %add3A_3062 : vector<8x4096xi32>
    %gt3A_3064 = arith.cmpf ogt, %select_n3A_3056, %select_n3A_3048 : vector<8x4096xf32>
    %select_n3A_3065 = arith.select %gt3A_3064, %select_n3A_3056, %select_n3A_3048 : vector<8x4096xi1>, vector<8x4096xf32>
    %select_n3A_3066 = arith.select %gt3A_3064, %add3A_3063, %select_n3A_3049 : vector<8x4096xi1>, vector<8x4096xi32>
    %slice3A_3067 = vector.extract_strided_slice %gt3A_17 {offsets = [1440, 0], sizes = [8, 1], strides = [1, 1]} : vector<2048x1xi1> to vector<8x1xi1>
    %slice3A_3068 = vector.extract_strided_slice %dot_general3A_10 {offsets = [1440, 0], sizes = [8, 4096], strides = [1, 1]} : vector<2048x4096xf32> to vector<8x4096xf32>
    %jit3A_3069 = arith.constant 0xFF800000 : f32
    %broadcast_in_dim3A_3070 = vector.shape_cast %slice3A_3067 : vector<8x1xi1> to vector<8x1xi1>
    %broadcast_in_dim3A_3071 = vector.broadcast %broadcast_in_dim3A_3070 : vector<8x1xi1> to vector<8x4096xi1>
    %broadcast_in_dim3A_3072 = vector.broadcast %jit3A_3069 : f32 to vector<8x4096xf32>
    %select_n3A_3073 = arith.select %broadcast_in_dim3A_3071, %broadcast_in_dim3A_3072, %slice3A_3068 : vector<8x4096xi1>, vector<8x4096xf32>
    %iota3A_3074 = tpu.iota {dimensions = array<i32: 0>} : vector<8x4096xi32>
    %mul3A_3075 = arith.constant 2048 : i32
    %mul3A_3076 = arith.muli %arg1, %mul3A_3075 : i32
    %add3A_3077 = arith.constant 1440 : i32
    %add3A_3078 = arith.addi %mul3A_3076, %add3A_3077 : i32
    %add3A_3079 = vector.broadcast %add3A_3078 : i32 to vector<8x4096xi32>
    %add3A_3080 = arith.addi %iota3A_3074, %add3A_3079 : vector<8x4096xi32>
    %gt3A_3081 = arith.cmpf ogt, %select_n3A_3073, %select_n3A_3065 : vector<8x4096xf32>
    %select_n3A_3082 = arith.select %gt3A_3081, %select_n3A_3073, %select_n3A_3065 : vector<8x4096xi1>, vector<8x4096xf32>
    %select_n3A_3083 = arith.select %gt3A_3081, %add3A_3080, %select_n3A_3066 : vector<8x4096xi1>, vector<8x4096xi32>
    %slice3A_3084 = vector.extract_strided_slice %gt3A_17 {offsets = [1448, 0], sizes = [8, 1], strides = [1, 1]} : vector<2048x1xi1> to vector<8x1xi1>
    %slice3A_3085 = vector.extract_strided_slice %dot_general3A_10 {offsets = [1448, 0], sizes = [8, 4096], strides = [1, 1]} : vector<2048x4096xf32> to vector<8x4096xf32>
    %jit3A_3086 = arith.constant 0xFF800000 : f32
    %broadcast_in_dim3A_3087 = vector.shape_cast %slice3A_3084 : vector<8x1xi1> to vector<8x1xi1>
    %broadcast_in_dim3A_3088 = vector.broadcast %broadcast_in_dim3A_3087 : vector<8x1xi1> to vector<8x4096xi1>
    %broadcast_in_dim3A_3089 = vector.broadcast %jit3A_3086 : f32 to vector<8x4096xf32>
    %select_n3A_3090 = arith.select %broadcast_in_dim3A_3088, %broadcast_in_dim3A_3089, %slice3A_3085 : vector<8x4096xi1>, vector<8x4096xf32>
    %iota3A_3091 = tpu.iota {dimensions = array<i32: 0>} : vector<8x4096xi32>
    %mul3A_3092 = arith.constant 2048 : i32
    %mul3A_3093 = arith.muli %arg1, %mul3A_3092 : i32
    %add3A_3094 = arith.constant 1448 : i32
    %add3A_3095 = arith.addi %mul3A_3093, %add3A_3094 : i32
    %add3A_3096 = vector.broadcast %add3A_3095 : i32 to vector<8x4096xi32>
    %add3A_3097 = arith.addi %iota3A_3091, %add3A_3096 : vector<8x4096xi32>
    %gt3A_3098 = arith.cmpf ogt, %select_n3A_3090, %select_n3A_3082 : vector<8x4096xf32>
    %select_n3A_3099 = arith.select %gt3A_3098, %select_n3A_3090, %select_n3A_3082 : vector<8x4096xi1>, vector<8x4096xf32>
    %select_n3A_3100 = arith.select %gt3A_3098, %add3A_3097, %select_n3A_3083 : vector<8x4096xi1>, vector<8x4096xi32>
    %slice3A_3101 = vector.extract_strided_slice %gt3A_17 {offsets = [1456, 0], sizes = [8, 1], strides = [1, 1]} : vector<2048x1xi1> to vector<8x1xi1>
    %slice3A_3102 = vector.extract_strided_slice %dot_general3A_10 {offsets = [1456, 0], sizes = [8, 4096], strides = [1, 1]} : vector<2048x4096xf32> to vector<8x4096xf32>
    %jit3A_3103 = arith.constant 0xFF800000 : f32
    %broadcast_in_dim3A_3104 = vector.shape_cast %slice3A_3101 : vector<8x1xi1> to vector<8x1xi1>
    %broadcast_in_dim3A_3105 = vector.broadcast %broadcast_in_dim3A_3104 : vector<8x1xi1> to vector<8x4096xi1>
    %broadcast_in_dim3A_3106 = vector.broadcast %jit3A_3103 : f32 to vector<8x4096xf32>
    %select_n3A_3107 = arith.select %broadcast_in_dim3A_3105, %broadcast_in_dim3A_3106, %slice3A_3102 : vector<8x4096xi1>, vector<8x4096xf32>
    %iota3A_3108 = tpu.iota {dimensions = array<i32: 0>} : vector<8x4096xi32>
    %mul3A_3109 = arith.constant 2048 : i32
    %mul3A_3110 = arith.muli %arg1, %mul3A_3109 : i32
    %add3A_3111 = arith.constant 1456 : i32
    %add3A_3112 = arith.addi %mul3A_3110, %add3A_3111 : i32
    %add3A_3113 = vector.broadcast %add3A_3112 : i32 to vector<8x4096xi32>
    %add3A_3114 = arith.addi %iota3A_3108, %add3A_3113 : vector<8x4096xi32>
    %gt3A_3115 = arith.cmpf ogt, %select_n3A_3107, %select_n3A_3099 : vector<8x4096xf32>
    %select_n3A_3116 = arith.select %gt3A_3115, %select_n3A_3107, %select_n3A_3099 : vector<8x4096xi1>, vector<8x4096xf32>
    %select_n3A_3117 = arith.select %gt3A_3115, %add3A_3114, %select_n3A_3100 : vector<8x4096xi1>, vector<8x4096xi32>
    %slice3A_3118 = vector.extract_strided_slice %gt3A_17 {offsets = [1464, 0], sizes = [8, 1], strides = [1, 1]} : vector<2048x1xi1> to vector<8x1xi1>
    %slice3A_3119 = vector.extract_strided_slice %dot_general3A_10 {offsets = [1464, 0], sizes = [8, 4096], strides = [1, 1]} : vector<2048x4096xf32> to vector<8x4096xf32>
    %jit3A_3120 = arith.constant 0xFF800000 : f32
    %broadcast_in_dim3A_3121 = vector.shape_cast %slice3A_3118 : vector<8x1xi1> to vector<8x1xi1>
    %broadcast_in_dim3A_3122 = vector.broadcast %broadcast_in_dim3A_3121 : vector<8x1xi1> to vector<8x4096xi1>
    %broadcast_in_dim3A_3123 = vector.broadcast %jit3A_3120 : f32 to vector<8x4096xf32>
    %select_n3A_3124 = arith.select %broadcast_in_dim3A_3122, %broadcast_in_dim3A_3123, %slice3A_3119 : vector<8x4096xi1>, vector<8x4096xf32>
    %iota3A_3125 = tpu.iota {dimensions = array<i32: 0>} : vector<8x4096xi32>
    %mul3A_3126 = arith.constant 2048 : i32
    %mul3A_3127 = arith.muli %arg1, %mul3A_3126 : i32
    %add3A_3128 = arith.constant 1464 : i32
    %add3A_3129 = arith.addi %mul3A_3127, %add3A_3128 : i32
    %add3A_3130 = vector.broadcast %add3A_3129 : i32 to vector<8x4096xi32>
    %add3A_3131 = arith.addi %iota3A_3125, %add3A_3130 : vector<8x4096xi32>
    %gt3A_3132 = arith.cmpf ogt, %select_n3A_3124, %select_n3A_3116 : vector<8x4096xf32>
    %select_n3A_3133 = arith.select %gt3A_3132, %select_n3A_3124, %select_n3A_3116 : vector<8x4096xi1>, vector<8x4096xf32>
    %select_n3A_3134 = arith.select %gt3A_3132, %add3A_3131, %select_n3A_3117 : vector<8x4096xi1>, vector<8x4096xi32>
    %slice3A_3135 = vector.extract_strided_slice %gt3A_17 {offsets = [1472, 0], sizes = [8, 1], strides = [1, 1]} : vector<2048x1xi1> to vector<8x1xi1>
    %slice3A_3136 = vector.extract_strided_slice %dot_general3A_10 {offsets = [1472, 0], sizes = [8, 4096], strides = [1, 1]} : vector<2048x4096xf32> to vector<8x4096xf32>
    %jit3A_3137 = arith.constant 0xFF800000 : f32
    %broadcast_in_dim3A_3138 = vector.shape_cast %slice3A_3135 : vector<8x1xi1> to vector<8x1xi1>
    %broadcast_in_dim3A_3139 = vector.broadcast %broadcast_in_dim3A_3138 : vector<8x1xi1> to vector<8x4096xi1>
    %broadcast_in_dim3A_3140 = vector.broadcast %jit3A_3137 : f32 to vector<8x4096xf32>
    %select_n3A_3141 = arith.select %broadcast_in_dim3A_3139, %broadcast_in_dim3A_3140, %slice3A_3136 : vector<8x4096xi1>, vector<8x4096xf32>
    %iota3A_3142 = tpu.iota {dimensions = array<i32: 0>} : vector<8x4096xi32>
    %mul3A_3143 = arith.constant 2048 : i32
    %mul3A_3144 = arith.muli %arg1, %mul3A_3143 : i32
    %add3A_3145 = arith.constant 1472 : i32
    %add3A_3146 = arith.addi %mul3A_3144, %add3A_3145 : i32
    %add3A_3147 = vector.broadcast %add3A_3146 : i32 to vector<8x4096xi32>
    %add3A_3148 = arith.addi %iota3A_3142, %add3A_3147 : vector<8x4096xi32>
    %gt3A_3149 = arith.cmpf ogt, %select_n3A_3141, %select_n3A_3133 : vector<8x4096xf32>
    %select_n3A_3150 = arith.select %gt3A_3149, %select_n3A_3141, %select_n3A_3133 : vector<8x4096xi1>, vector<8x4096xf32>
    %select_n3A_3151 = arith.select %gt3A_3149, %add3A_3148, %select_n3A_3134 : vector<8x4096xi1>, vector<8x4096xi32>
    %slice3A_3152 = vector.extract_strided_slice %gt3A_17 {offsets = [1480, 0], sizes = [8, 1], strides = [1, 1]} : vector<2048x1xi1> to vector<8x1xi1>
    %slice3A_3153 = vector.extract_strided_slice %dot_general3A_10 {offsets = [1480, 0], sizes = [8, 4096], strides = [1, 1]} : vector<2048x4096xf32> to vector<8x4096xf32>
    %jit3A_3154 = arith.constant 0xFF800000 : f32
    %broadcast_in_dim3A_3155 = vector.shape_cast %slice3A_3152 : vector<8x1xi1> to vector<8x1xi1>
    %broadcast_in_dim3A_3156 = vector.broadcast %broadcast_in_dim3A_3155 : vector<8x1xi1> to vector<8x4096xi1>
    %broadcast_in_dim3A_3157 = vector.broadcast %jit3A_3154 : f32 to vector<8x4096xf32>
    %select_n3A_3158 = arith.select %broadcast_in_dim3A_3156, %broadcast_in_dim3A_3157, %slice3A_3153 : vector<8x4096xi1>, vector<8x4096xf32>
    %iota3A_3159 = tpu.iota {dimensions = array<i32: 0>} : vector<8x4096xi32>
    %mul3A_3160 = arith.constant 2048 : i32
    %mul3A_3161 = arith.muli %arg1, %mul3A_3160 : i32
    %add3A_3162 = arith.constant 1480 : i32
    %add3A_3163 = arith.addi %mul3A_3161, %add3A_3162 : i32
    %add3A_3164 = vector.broadcast %add3A_3163 : i32 to vector<8x4096xi32>
    %add3A_3165 = arith.addi %iota3A_3159, %add3A_3164 : vector<8x4096xi32>
    %gt3A_3166 = arith.cmpf ogt, %select_n3A_3158, %select_n3A_3150 : vector<8x4096xf32>
    %select_n3A_3167 = arith.select %gt3A_3166, %select_n3A_3158, %select_n3A_3150 : vector<8x4096xi1>, vector<8x4096xf32>
    %select_n3A_3168 = arith.select %gt3A_3166, %add3A_3165, %select_n3A_3151 : vector<8x4096xi1>, vector<8x4096xi32>
    %slice3A_3169 = vector.extract_strided_slice %gt3A_17 {offsets = [1488, 0], sizes = [8, 1], strides = [1, 1]} : vector<2048x1xi1> to vector<8x1xi1>
    %slice3A_3170 = vector.extract_strided_slice %dot_general3A_10 {offsets = [1488, 0], sizes = [8, 4096], strides = [1, 1]} : vector<2048x4096xf32> to vector<8x4096xf32>
    %jit3A_3171 = arith.constant 0xFF800000 : f32
    %broadcast_in_dim3A_3172 = vector.shape_cast %slice3A_3169 : vector<8x1xi1> to vector<8x1xi1>
    %broadcast_in_dim3A_3173 = vector.broadcast %broadcast_in_dim3A_3172 : vector<8x1xi1> to vector<8x4096xi1>
    %broadcast_in_dim3A_3174 = vector.broadcast %jit3A_3171 : f32 to vector<8x4096xf32>
    %select_n3A_3175 = arith.select %broadcast_in_dim3A_3173, %broadcast_in_dim3A_3174, %slice3A_3170 : vector<8x4096xi1>, vector<8x4096xf32>
    %iota3A_3176 = tpu.iota {dimensions = array<i32: 0>} : vector<8x4096xi32>
    %mul3A_3177 = arith.constant 2048 : i32
    %mul3A_3178 = arith.muli %arg1, %mul3A_3177 : i32
    %add3A_3179 = arith.constant 1488 : i32
    %add3A_3180 = arith.addi %mul3A_3178, %add3A_3179 : i32
    %add3A_3181 = vector.broadcast %add3A_3180 : i32 to vector<8x4096xi32>
    %add3A_3182 = arith.addi %iota3A_3176, %add3A_3181 : vector<8x4096xi32>
    %gt3A_3183 = arith.cmpf ogt, %select_n3A_3175, %select_n3A_3167 : vector<8x4096xf32>
    %select_n3A_3184 = arith.select %gt3A_3183, %select_n3A_3175, %select_n3A_3167 : vector<8x4096xi1>, vector<8x4096xf32>
    %select_n3A_3185 = arith.select %gt3A_3183, %add3A_3182, %select_n3A_3168 : vector<8x4096xi1>, vector<8x4096xi32>
    %slice3A_3186 = vector.extract_strided_slice %gt3A_17 {offsets = [1496, 0], sizes = [8, 1], strides = [1, 1]} : vector<2048x1xi1> to vector<8x1xi1>
    %slice3A_3187 = vector.extract_strided_slice %dot_general3A_10 {offsets = [1496, 0], sizes = [8, 4096], strides = [1, 1]} : vector<2048x4096xf32> to vector<8x4096xf32>
    %jit3A_3188 = arith.constant 0xFF800000 : f32
    %broadcast_in_dim3A_3189 = vector.shape_cast %slice3A_3186 : vector<8x1xi1> to vector<8x1xi1>
    %broadcast_in_dim3A_3190 = vector.broadcast %broadcast_in_dim3A_3189 : vector<8x1xi1> to vector<8x4096xi1>
    %broadcast_in_dim3A_3191 = vector.broadcast %jit3A_3188 : f32 to vector<8x4096xf32>
    %select_n3A_3192 = arith.select %broadcast_in_dim3A_3190, %broadcast_in_dim3A_3191, %slice3A_3187 : vector<8x4096xi1>, vector<8x4096xf32>
    %iota3A_3193 = tpu.iota {dimensions = array<i32: 0>} : vector<8x4096xi32>
    %mul3A_3194 = arith.constant 2048 : i32
    %mul3A_3195 = arith.muli %arg1, %mul3A_3194 : i32
    %add3A_3196 = arith.constant 1496 : i32
    %add3A_3197 = arith.addi %mul3A_3195, %add3A_3196 : i32
    %add3A_3198 = vector.broadcast %add3A_3197 : i32 to vector<8x4096xi32>
    %add3A_3199 = arith.addi %iota3A_3193, %add3A_3198 : vector<8x4096xi32>
    %gt3A_3200 = arith.cmpf ogt, %select_n3A_3192, %select_n3A_3184 : vector<8x4096xf32>
    %select_n3A_3201 = arith.select %gt3A_3200, %select_n3A_3192, %select_n3A_3184 : vector<8x4096xi1>, vector<8x4096xf32>
    %select_n3A_3202 = arith.select %gt3A_3200, %add3A_3199, %select_n3A_3185 : vector<8x4096xi1>, vector<8x4096xi32>
    %slice3A_3203 = vector.extract_strided_slice %gt3A_17 {offsets = [1504, 0], sizes = [8, 1], strides = [1, 1]} : vector<2048x1xi1> to vector<8x1xi1>
    %slice3A_3204 = vector.extract_strided_slice %dot_general3A_10 {offsets = [1504, 0], sizes = [8, 4096], strides = [1, 1]} : vector<2048x4096xf32> to vector<8x4096xf32>
    %jit3A_3205 = arith.constant 0xFF800000 : f32
    %broadcast_in_dim3A_3206 = vector.shape_cast %slice3A_3203 : vector<8x1xi1> to vector<8x1xi1>
    %broadcast_in_dim3A_3207 = vector.broadcast %broadcast_in_dim3A_3206 : vector<8x1xi1> to vector<8x4096xi1>
    %broadcast_in_dim3A_3208 = vector.broadcast %jit3A_3205 : f32 to vector<8x4096xf32>
    %select_n3A_3209 = arith.select %broadcast_in_dim3A_3207, %broadcast_in_dim3A_3208, %slice3A_3204 : vector<8x4096xi1>, vector<8x4096xf32>
    %iota3A_3210 = tpu.iota {dimensions = array<i32: 0>} : vector<8x4096xi32>
    %mul3A_3211 = arith.constant 2048 : i32
    %mul3A_3212 = arith.muli %arg1, %mul3A_3211 : i32
    %add3A_3213 = arith.constant 1504 : i32
    %add3A_3214 = arith.addi %mul3A_3212, %add3A_3213 : i32
    %add3A_3215 = vector.broadcast %add3A_3214 : i32 to vector<8x4096xi32>
    %add3A_3216 = arith.addi %iota3A_3210, %add3A_3215 : vector<8x4096xi32>
    %gt3A_3217 = arith.cmpf ogt, %select_n3A_3209, %select_n3A_3201 : vector<8x4096xf32>
    %select_n3A_3218 = arith.select %gt3A_3217, %select_n3A_3209, %select_n3A_3201 : vector<8x4096xi1>, vector<8x4096xf32>
    %select_n3A_3219 = arith.select %gt3A_3217, %add3A_3216, %select_n3A_3202 : vector<8x4096xi1>, vector<8x4096xi32>
    %slice3A_3220 = vector.extract_strided_slice %gt3A_17 {offsets = [1512, 0], sizes = [8, 1], strides = [1, 1]} : vector<2048x1xi1> to vector<8x1xi1>
    %slice3A_3221 = vector.extract_strided_slice %dot_general3A_10 {offsets = [1512, 0], sizes = [8, 4096], strides = [1, 1]} : vector<2048x4096xf32> to vector<8x4096xf32>
    %jit3A_3222 = arith.constant 0xFF800000 : f32
    %broadcast_in_dim3A_3223 = vector.shape_cast %slice3A_3220 : vector<8x1xi1> to vector<8x1xi1>
    %broadcast_in_dim3A_3224 = vector.broadcast %broadcast_in_dim3A_3223 : vector<8x1xi1> to vector<8x4096xi1>
    %broadcast_in_dim3A_3225 = vector.broadcast %jit3A_3222 : f32 to vector<8x4096xf32>
    %select_n3A_3226 = arith.select %broadcast_in_dim3A_3224, %broadcast_in_dim3A_3225, %slice3A_3221 : vector<8x4096xi1>, vector<8x4096xf32>
    %iota3A_3227 = tpu.iota {dimensions = array<i32: 0>} : vector<8x4096xi32>
    %mul3A_3228 = arith.constant 2048 : i32
    %mul3A_3229 = arith.muli %arg1, %mul3A_3228 : i32
    %add3A_3230 = arith.constant 1512 : i32
    %add3A_3231 = arith.addi %mul3A_3229, %add3A_3230 : i32
    %add3A_3232 = vector.broadcast %add3A_3231 : i32 to vector<8x4096xi32>
    %add3A_3233 = arith.addi %iota3A_3227, %add3A_3232 : vector<8x4096xi32>
    %gt3A_3234 = arith.cmpf ogt, %select_n3A_3226, %select_n3A_3218 : vector<8x4096xf32>
    %select_n3A_3235 = arith.select %gt3A_3234, %select_n3A_3226, %select_n3A_3218 : vector<8x4096xi1>, vector<8x4096xf32>
    %select_n3A_3236 = arith.select %gt3A_3234, %add3A_3233, %select_n3A_3219 : vector<8x4096xi1>, vector<8x4096xi32>
    %slice3A_3237 = vector.extract_strided_slice %gt3A_17 {offsets = [1520, 0], sizes = [8, 1], strides = [1, 1]} : vector<2048x1xi1> to vector<8x1xi1>
    %slice3A_3238 = vector.extract_strided_slice %dot_general3A_10 {offsets = [1520, 0], sizes = [8, 4096], strides = [1, 1]} : vector<2048x4096xf32> to vector<8x4096xf32>
    %jit3A_3239 = arith.constant 0xFF800000 : f32
    %broadcast_in_dim3A_3240 = vector.shape_cast %slice3A_3237 : vector<8x1xi1> to vector<8x1xi1>
    %broadcast_in_dim3A_3241 = vector.broadcast %broadcast_in_dim3A_3240 : vector<8x1xi1> to vector<8x4096xi1>
    %broadcast_in_dim3A_3242 = vector.broadcast %jit3A_3239 : f32 to vector<8x4096xf32>
    %select_n3A_3243 = arith.select %broadcast_in_dim3A_3241, %broadcast_in_dim3A_3242, %slice3A_3238 : vector<8x4096xi1>, vector<8x4096xf32>
    %iota3A_3244 = tpu.iota {dimensions = array<i32: 0>} : vector<8x4096xi32>
    %mul3A_3245 = arith.constant 2048 : i32
    %mul3A_3246 = arith.muli %arg1, %mul3A_3245 : i32
    %add3A_3247 = arith.constant 1520 : i32
    %add3A_3248 = arith.addi %mul3A_3246, %add3A_3247 : i32
    %add3A_3249 = vector.broadcast %add3A_3248 : i32 to vector<8x4096xi32>
    %add3A_3250 = arith.addi %iota3A_3244, %add3A_3249 : vector<8x4096xi32>
    %gt3A_3251 = arith.cmpf ogt, %select_n3A_3243, %select_n3A_3235 : vector<8x4096xf32>
    %select_n3A_3252 = arith.select %gt3A_3251, %select_n3A_3243, %select_n3A_3235 : vector<8x4096xi1>, vector<8x4096xf32>
    %select_n3A_3253 = arith.select %gt3A_3251, %add3A_3250, %select_n3A_3236 : vector<8x4096xi1>, vector<8x4096xi32>
    %slice3A_3254 = vector.extract_strided_slice %gt3A_17 {offsets = [1528, 0], sizes = [8, 1], strides = [1, 1]} : vector<2048x1xi1> to vector<8x1xi1>
    %slice3A_3255 = vector.extract_strided_slice %dot_general3A_10 {offsets = [1528, 0], sizes = [8, 4096], strides = [1, 1]} : vector<2048x4096xf32> to vector<8x4096xf32>
    %jit3A_3256 = arith.constant 0xFF800000 : f32
    %broadcast_in_dim3A_3257 = vector.shape_cast %slice3A_3254 : vector<8x1xi1> to vector<8x1xi1>
    %broadcast_in_dim3A_3258 = vector.broadcast %broadcast_in_dim3A_3257 : vector<8x1xi1> to vector<8x4096xi1>
    %broadcast_in_dim3A_3259 = vector.broadcast %jit3A_3256 : f32 to vector<8x4096xf32>
    %select_n3A_3260 = arith.select %broadcast_in_dim3A_3258, %broadcast_in_dim3A_3259, %slice3A_3255 : vector<8x4096xi1>, vector<8x4096xf32>
    %iota3A_3261 = tpu.iota {dimensions = array<i32: 0>} : vector<8x4096xi32>
    %mul3A_3262 = arith.constant 2048 : i32
    %mul3A_3263 = arith.muli %arg1, %mul3A_3262 : i32
    %add3A_3264 = arith.constant 1528 : i32
    %add3A_3265 = arith.addi %mul3A_3263, %add3A_3264 : i32
    %add3A_3266 = vector.broadcast %add3A_3265 : i32 to vector<8x4096xi32>
    %add3A_3267 = arith.addi %iota3A_3261, %add3A_3266 : vector<8x4096xi32>
    %gt3A_3268 = arith.cmpf ogt, %select_n3A_3260, %select_n3A_3252 : vector<8x4096xf32>
    %select_n3A_3269 = arith.select %gt3A_3268, %select_n3A_3260, %select_n3A_3252 : vector<8x4096xi1>, vector<8x4096xf32>
    %select_n3A_3270 = arith.select %gt3A_3268, %add3A_3267, %select_n3A_3253 : vector<8x4096xi1>, vector<8x4096xi32>
    %slice3A_3271 = vector.extract_strided_slice %gt3A_17 {offsets = [1536, 0], sizes = [8, 1], strides = [1, 1]} : vector<2048x1xi1> to vector<8x1xi1>
    %slice3A_3272 = vector.extract_strided_slice %dot_general3A_10 {offsets = [1536, 0], sizes = [8, 4096], strides = [1, 1]} : vector<2048x4096xf32> to vector<8x4096xf32>
    %jit3A_3273 = arith.constant 0xFF800000 : f32
    %broadcast_in_dim3A_3274 = vector.shape_cast %slice3A_3271 : vector<8x1xi1> to vector<8x1xi1>
    %broadcast_in_dim3A_3275 = vector.broadcast %broadcast_in_dim3A_3274 : vector<8x1xi1> to vector<8x4096xi1>
    %broadcast_in_dim3A_3276 = vector.broadcast %jit3A_3273 : f32 to vector<8x4096xf32>
    %select_n3A_3277 = arith.select %broadcast_in_dim3A_3275, %broadcast_in_dim3A_3276, %slice3A_3272 : vector<8x4096xi1>, vector<8x4096xf32>
    %iota3A_3278 = tpu.iota {dimensions = array<i32: 0>} : vector<8x4096xi32>
    %mul3A_3279 = arith.constant 2048 : i32
    %mul3A_3280 = arith.muli %arg1, %mul3A_3279 : i32
    %add3A_3281 = arith.constant 1536 : i32
    %add3A_3282 = arith.addi %mul3A_3280, %add3A_3281 : i32
    %add3A_3283 = vector.broadcast %add3A_3282 : i32 to vector<8x4096xi32>
    %add3A_3284 = arith.addi %iota3A_3278, %add3A_3283 : vector<8x4096xi32>
    %gt3A_3285 = arith.cmpf ogt, %select_n3A_3277, %select_n3A_3269 : vector<8x4096xf32>
    %select_n3A_3286 = arith.select %gt3A_3285, %select_n3A_3277, %select_n3A_3269 : vector<8x4096xi1>, vector<8x4096xf32>
    %select_n3A_3287 = arith.select %gt3A_3285, %add3A_3284, %select_n3A_3270 : vector<8x4096xi1>, vector<8x4096xi32>
    %slice3A_3288 = vector.extract_strided_slice %gt3A_17 {offsets = [1544, 0], sizes = [8, 1], strides = [1, 1]} : vector<2048x1xi1> to vector<8x1xi1>
    %slice3A_3289 = vector.extract_strided_slice %dot_general3A_10 {offsets = [1544, 0], sizes = [8, 4096], strides = [1, 1]} : vector<2048x4096xf32> to vector<8x4096xf32>
    %jit3A_3290 = arith.constant 0xFF800000 : f32
    %broadcast_in_dim3A_3291 = vector.shape_cast %slice3A_3288 : vector<8x1xi1> to vector<8x1xi1>
    %broadcast_in_dim3A_3292 = vector.broadcast %broadcast_in_dim3A_3291 : vector<8x1xi1> to vector<8x4096xi1>
    %broadcast_in_dim3A_3293 = vector.broadcast %jit3A_3290 : f32 to vector<8x4096xf32>
    %select_n3A_3294 = arith.select %broadcast_in_dim3A_3292, %broadcast_in_dim3A_3293, %slice3A_3289 : vector<8x4096xi1>, vector<8x4096xf32>
    %iota3A_3295 = tpu.iota {dimensions = array<i32: 0>} : vector<8x4096xi32>
    %mul3A_3296 = arith.constant 2048 : i32
    %mul3A_3297 = arith.muli %arg1, %mul3A_3296 : i32
    %add3A_3298 = arith.constant 1544 : i32
    %add3A_3299 = arith.addi %mul3A_3297, %add3A_3298 : i32
    %add3A_3300 = vector.broadcast %add3A_3299 : i32 to vector<8x4096xi32>
    %add3A_3301 = arith.addi %iota3A_3295, %add3A_3300 : vector<8x4096xi32>
    %gt3A_3302 = arith.cmpf ogt, %select_n3A_3294, %select_n3A_3286 : vector<8x4096xf32>
    %select_n3A_3303 = arith.select %gt3A_3302, %select_n3A_3294, %select_n3A_3286 : vector<8x4096xi1>, vector<8x4096xf32>
    %select_n3A_3304 = arith.select %gt3A_3302, %add3A_3301, %select_n3A_3287 : vector<8x4096xi1>, vector<8x4096xi32>
    %slice3A_3305 = vector.extract_strided_slice %gt3A_17 {offsets = [1552, 0], sizes = [8, 1], strides = [1, 1]} : vector<2048x1xi1> to vector<8x1xi1>
    %slice3A_3306 = vector.extract_strided_slice %dot_general3A_10 {offsets = [1552, 0], sizes = [8, 4096], strides = [1, 1]} : vector<2048x4096xf32> to vector<8x4096xf32>
    %jit3A_3307 = arith.constant 0xFF800000 : f32
    %broadcast_in_dim3A_3308 = vector.shape_cast %slice3A_3305 : vector<8x1xi1> to vector<8x1xi1>
    %broadcast_in_dim3A_3309 = vector.broadcast %broadcast_in_dim3A_3308 : vector<8x1xi1> to vector<8x4096xi1>
    %broadcast_in_dim3A_3310 = vector.broadcast %jit3A_3307 : f32 to vector<8x4096xf32>
    %select_n3A_3311 = arith.select %broadcast_in_dim3A_3309, %broadcast_in_dim3A_3310, %slice3A_3306 : vector<8x4096xi1>, vector<8x4096xf32>
    %iota3A_3312 = tpu.iota {dimensions = array<i32: 0>} : vector<8x4096xi32>
    %mul3A_3313 = arith.constant 2048 : i32
    %mul3A_3314 = arith.muli %arg1, %mul3A_3313 : i32
    %add3A_3315 = arith.constant 1552 : i32
    %add3A_3316 = arith.addi %mul3A_3314, %add3A_3315 : i32
    %add3A_3317 = vector.broadcast %add3A_3316 : i32 to vector<8x4096xi32>
    %add3A_3318 = arith.addi %iota3A_3312, %add3A_3317 : vector<8x4096xi32>
    %gt3A_3319 = arith.cmpf ogt, %select_n3A_3311, %select_n3A_3303 : vector<8x4096xf32>
    %select_n3A_3320 = arith.select %gt3A_3319, %select_n3A_3311, %select_n3A_3303 : vector<8x4096xi1>, vector<8x4096xf32>
    %select_n3A_3321 = arith.select %gt3A_3319, %add3A_3318, %select_n3A_3304 : vector<8x4096xi1>, vector<8x4096xi32>
    %slice3A_3322 = vector.extract_strided_slice %gt3A_17 {offsets = [1560, 0], sizes = [8, 1], strides = [1, 1]} : vector<2048x1xi1> to vector<8x1xi1>
    %slice3A_3323 = vector.extract_strided_slice %dot_general3A_10 {offsets = [1560, 0], sizes = [8, 4096], strides = [1, 1]} : vector<2048x4096xf32> to vector<8x4096xf32>
    %jit3A_3324 = arith.constant 0xFF800000 : f32
    %broadcast_in_dim3A_3325 = vector.shape_cast %slice3A_3322 : vector<8x1xi1> to vector<8x1xi1>
    %broadcast_in_dim3A_3326 = vector.broadcast %broadcast_in_dim3A_3325 : vector<8x1xi1> to vector<8x4096xi1>
    %broadcast_in_dim3A_3327 = vector.broadcast %jit3A_3324 : f32 to vector<8x4096xf32>
    %select_n3A_3328 = arith.select %broadcast_in_dim3A_3326, %broadcast_in_dim3A_3327, %slice3A_3323 : vector<8x4096xi1>, vector<8x4096xf32>
    %iota3A_3329 = tpu.iota {dimensions = array<i32: 0>} : vector<8x4096xi32>
    %mul3A_3330 = arith.constant 2048 : i32
    %mul3A_3331 = arith.muli %arg1, %mul3A_3330 : i32
    %add3A_3332 = arith.constant 1560 : i32
    %add3A_3333 = arith.addi %mul3A_3331, %add3A_3332 : i32
    %add3A_3334 = vector.broadcast %add3A_3333 : i32 to vector<8x4096xi32>
    %add3A_3335 = arith.addi %iota3A_3329, %add3A_3334 : vector<8x4096xi32>
    %gt3A_3336 = arith.cmpf ogt, %select_n3A_3328, %select_n3A_3320 : vector<8x4096xf32>
    %select_n3A_3337 = arith.select %gt3A_3336, %select_n3A_3328, %select_n3A_3320 : vector<8x4096xi1>, vector<8x4096xf32>
    %select_n3A_3338 = arith.select %gt3A_3336, %add3A_3335, %select_n3A_3321 : vector<8x4096xi1>, vector<8x4096xi32>
    %slice3A_3339 = vector.extract_strided_slice %gt3A_17 {offsets = [1568, 0], sizes = [8, 1], strides = [1, 1]} : vector<2048x1xi1> to vector<8x1xi1>
    %slice3A_3340 = vector.extract_strided_slice %dot_general3A_10 {offsets = [1568, 0], sizes = [8, 4096], strides = [1, 1]} : vector<2048x4096xf32> to vector<8x4096xf32>
    %jit3A_3341 = arith.constant 0xFF800000 : f32
    %broadcast_in_dim3A_3342 = vector.shape_cast %slice3A_3339 : vector<8x1xi1> to vector<8x1xi1>
    %broadcast_in_dim3A_3343 = vector.broadcast %broadcast_in_dim3A_3342 : vector<8x1xi1> to vector<8x4096xi1>
    %broadcast_in_dim3A_3344 = vector.broadcast %jit3A_3341 : f32 to vector<8x4096xf32>
    %select_n3A_3345 = arith.select %broadcast_in_dim3A_3343, %broadcast_in_dim3A_3344, %slice3A_3340 : vector<8x4096xi1>, vector<8x4096xf32>
    %iota3A_3346 = tpu.iota {dimensions = array<i32: 0>} : vector<8x4096xi32>
    %mul3A_3347 = arith.constant 2048 : i32
    %mul3A_3348 = arith.muli %arg1, %mul3A_3347 : i32
    %add3A_3349 = arith.constant 1568 : i32
    %add3A_3350 = arith.addi %mul3A_3348, %add3A_3349 : i32
    %add3A_3351 = vector.broadcast %add3A_3350 : i32 to vector<8x4096xi32>
    %add3A_3352 = arith.addi %iota3A_3346, %add3A_3351 : vector<8x4096xi32>
    %gt3A_3353 = arith.cmpf ogt, %select_n3A_3345, %select_n3A_3337 : vector<8x4096xf32>
    %select_n3A_3354 = arith.select %gt3A_3353, %select_n3A_3345, %select_n3A_3337 : vector<8x4096xi1>, vector<8x4096xf32>
    %select_n3A_3355 = arith.select %gt3A_3353, %add3A_3352, %select_n3A_3338 : vector<8x4096xi1>, vector<8x4096xi32>
    %slice3A_3356 = vector.extract_strided_slice %gt3A_17 {offsets = [1576, 0], sizes = [8, 1], strides = [1, 1]} : vector<2048x1xi1> to vector<8x1xi1>
    %slice3A_3357 = vector.extract_strided_slice %dot_general3A_10 {offsets = [1576, 0], sizes = [8, 4096], strides = [1, 1]} : vector<2048x4096xf32> to vector<8x4096xf32>
    %jit3A_3358 = arith.constant 0xFF800000 : f32
    %broadcast_in_dim3A_3359 = vector.shape_cast %slice3A_3356 : vector<8x1xi1> to vector<8x1xi1>
    %broadcast_in_dim3A_3360 = vector.broadcast %broadcast_in_dim3A_3359 : vector<8x1xi1> to vector<8x4096xi1>
    %broadcast_in_dim3A_3361 = vector.broadcast %jit3A_3358 : f32 to vector<8x4096xf32>
    %select_n3A_3362 = arith.select %broadcast_in_dim3A_3360, %broadcast_in_dim3A_3361, %slice3A_3357 : vector<8x4096xi1>, vector<8x4096xf32>
    %iota3A_3363 = tpu.iota {dimensions = array<i32: 0>} : vector<8x4096xi32>
    %mul3A_3364 = arith.constant 2048 : i32
    %mul3A_3365 = arith.muli %arg1, %mul3A_3364 : i32
    %add3A_3366 = arith.constant 1576 : i32
    %add3A_3367 = arith.addi %mul3A_3365, %add3A_3366 : i32
    %add3A_3368 = vector.broadcast %add3A_3367 : i32 to vector<8x4096xi32>
    %add3A_3369 = arith.addi %iota3A_3363, %add3A_3368 : vector<8x4096xi32>
    %gt3A_3370 = arith.cmpf ogt, %select_n3A_3362, %select_n3A_3354 : vector<8x4096xf32>
    %select_n3A_3371 = arith.select %gt3A_3370, %select_n3A_3362, %select_n3A_3354 : vector<8x4096xi1>, vector<8x4096xf32>
    %select_n3A_3372 = arith.select %gt3A_3370, %add3A_3369, %select_n3A_3355 : vector<8x4096xi1>, vector<8x4096xi32>
    %slice3A_3373 = vector.extract_strided_slice %gt3A_17 {offsets = [1584, 0], sizes = [8, 1], strides = [1, 1]} : vector<2048x1xi1> to vector<8x1xi1>
    %slice3A_3374 = vector.extract_strided_slice %dot_general3A_10 {offsets = [1584, 0], sizes = [8, 4096], strides = [1, 1]} : vector<2048x4096xf32> to vector<8x4096xf32>
    %jit3A_3375 = arith.constant 0xFF800000 : f32
    %broadcast_in_dim3A_3376 = vector.shape_cast %slice3A_3373 : vector<8x1xi1> to vector<8x1xi1>
    %broadcast_in_dim3A_3377 = vector.broadcast %broadcast_in_dim3A_3376 : vector<8x1xi1> to vector<8x4096xi1>
    %broadcast_in_dim3A_3378 = vector.broadcast %jit3A_3375 : f32 to vector<8x4096xf32>
    %select_n3A_3379 = arith.select %broadcast_in_dim3A_3377, %broadcast_in_dim3A_3378, %slice3A_3374 : vector<8x4096xi1>, vector<8x4096xf32>
    %iota3A_3380 = tpu.iota {dimensions = array<i32: 0>} : vector<8x4096xi32>
    %mul3A_3381 = arith.constant 2048 : i32
    %mul3A_3382 = arith.muli %arg1, %mul3A_3381 : i32
    %add3A_3383 = arith.constant 1584 : i32
    %add3A_3384 = arith.addi %mul3A_3382, %add3A_3383 : i32
    %add3A_3385 = vector.broadcast %add3A_3384 : i32 to vector<8x4096xi32>
    %add3A_3386 = arith.addi %iota3A_3380, %add3A_3385 : vector<8x4096xi32>
    %gt3A_3387 = arith.cmpf ogt, %select_n3A_3379, %select_n3A_3371 : vector<8x4096xf32>
    %select_n3A_3388 = arith.select %gt3A_3387, %select_n3A_3379, %select_n3A_3371 : vector<8x4096xi1>, vector<8x4096xf32>
    %select_n3A_3389 = arith.select %gt3A_3387, %add3A_3386, %select_n3A_3372 : vector<8x4096xi1>, vector<8x4096xi32>
    %slice3A_3390 = vector.extract_strided_slice %gt3A_17 {offsets = [1592, 0], sizes = [8, 1], strides = [1, 1]} : vector<2048x1xi1> to vector<8x1xi1>
    %slice3A_3391 = vector.extract_strided_slice %dot_general3A_10 {offsets = [1592, 0], sizes = [8, 4096], strides = [1, 1]} : vector<2048x4096xf32> to vector<8x4096xf32>
    %jit3A_3392 = arith.constant 0xFF800000 : f32
    %broadcast_in_dim3A_3393 = vector.shape_cast %slice3A_3390 : vector<8x1xi1> to vector<8x1xi1>
    %broadcast_in_dim3A_3394 = vector.broadcast %broadcast_in_dim3A_3393 : vector<8x1xi1> to vector<8x4096xi1>
    %broadcast_in_dim3A_3395 = vector.broadcast %jit3A_3392 : f32 to vector<8x4096xf32>
    %select_n3A_3396 = arith.select %broadcast_in_dim3A_3394, %broadcast_in_dim3A_3395, %slice3A_3391 : vector<8x4096xi1>, vector<8x4096xf32>
    %iota3A_3397 = tpu.iota {dimensions = array<i32: 0>} : vector<8x4096xi32>
    %mul3A_3398 = arith.constant 2048 : i32
    %mul3A_3399 = arith.muli %arg1, %mul3A_3398 : i32
    %add3A_3400 = arith.constant 1592 : i32
    %add3A_3401 = arith.addi %mul3A_3399, %add3A_3400 : i32
    %add3A_3402 = vector.broadcast %add3A_3401 : i32 to vector<8x4096xi32>
    %add3A_3403 = arith.addi %iota3A_3397, %add3A_3402 : vector<8x4096xi32>
    %gt3A_3404 = arith.cmpf ogt, %select_n3A_3396, %select_n3A_3388 : vector<8x4096xf32>
    %select_n3A_3405 = arith.select %gt3A_3404, %select_n3A_3396, %select_n3A_3388 : vector<8x4096xi1>, vector<8x4096xf32>
    %select_n3A_3406 = arith.select %gt3A_3404, %add3A_3403, %select_n3A_3389 : vector<8x4096xi1>, vector<8x4096xi32>
    %slice3A_3407 = vector.extract_strided_slice %gt3A_17 {offsets = [1600, 0], sizes = [8, 1], strides = [1, 1]} : vector<2048x1xi1> to vector<8x1xi1>
    %slice3A_3408 = vector.extract_strided_slice %dot_general3A_10 {offsets = [1600, 0], sizes = [8, 4096], strides = [1, 1]} : vector<2048x4096xf32> to vector<8x4096xf32>
    %jit3A_3409 = arith.constant 0xFF800000 : f32
    %broadcast_in_dim3A_3410 = vector.shape_cast %slice3A_3407 : vector<8x1xi1> to vector<8x1xi1>
    %broadcast_in_dim3A_3411 = vector.broadcast %broadcast_in_dim3A_3410 : vector<8x1xi1> to vector<8x4096xi1>
    %broadcast_in_dim3A_3412 = vector.broadcast %jit3A_3409 : f32 to vector<8x4096xf32>
    %select_n3A_3413 = arith.select %broadcast_in_dim3A_3411, %broadcast_in_dim3A_3412, %slice3A_3408 : vector<8x4096xi1>, vector<8x4096xf32>
    %iota3A_3414 = tpu.iota {dimensions = array<i32: 0>} : vector<8x4096xi32>
    %mul3A_3415 = arith.constant 2048 : i32
    %mul3A_3416 = arith.muli %arg1, %mul3A_3415 : i32
    %add3A_3417 = arith.constant 1600 : i32
    %add3A_3418 = arith.addi %mul3A_3416, %add3A_3417 : i32
    %add3A_3419 = vector.broadcast %add3A_3418 : i32 to vector<8x4096xi32>
    %add3A_3420 = arith.addi %iota3A_3414, %add3A_3419 : vector<8x4096xi32>
    %gt3A_3421 = arith.cmpf ogt, %select_n3A_3413, %select_n3A_3405 : vector<8x4096xf32>
    %select_n3A_3422 = arith.select %gt3A_3421, %select_n3A_3413, %select_n3A_3405 : vector<8x4096xi1>, vector<8x4096xf32>
    %select_n3A_3423 = arith.select %gt3A_3421, %add3A_3420, %select_n3A_3406 : vector<8x4096xi1>, vector<8x4096xi32>
    %slice3A_3424 = vector.extract_strided_slice %gt3A_17 {offsets = [1608, 0], sizes = [8, 1], strides = [1, 1]} : vector<2048x1xi1> to vector<8x1xi1>
    %slice3A_3425 = vector.extract_strided_slice %dot_general3A_10 {offsets = [1608, 0], sizes = [8, 4096], strides = [1, 1]} : vector<2048x4096xf32> to vector<8x4096xf32>
    %jit3A_3426 = arith.constant 0xFF800000 : f32
    %broadcast_in_dim3A_3427 = vector.shape_cast %slice3A_3424 : vector<8x1xi1> to vector<8x1xi1>
    %broadcast_in_dim3A_3428 = vector.broadcast %broadcast_in_dim3A_3427 : vector<8x1xi1> to vector<8x4096xi1>
    %broadcast_in_dim3A_3429 = vector.broadcast %jit3A_3426 : f32 to vector<8x4096xf32>
    %select_n3A_3430 = arith.select %broadcast_in_dim3A_3428, %broadcast_in_dim3A_3429, %slice3A_3425 : vector<8x4096xi1>, vector<8x4096xf32>
    %iota3A_3431 = tpu.iota {dimensions = array<i32: 0>} : vector<8x4096xi32>
    %mul3A_3432 = arith.constant 2048 : i32
    %mul3A_3433 = arith.muli %arg1, %mul3A_3432 : i32
    %add3A_3434 = arith.constant 1608 : i32
    %add3A_3435 = arith.addi %mul3A_3433, %add3A_3434 : i32
    %add3A_3436 = vector.broadcast %add3A_3435 : i32 to vector<8x4096xi32>
    %add3A_3437 = arith.addi %iota3A_3431, %add3A_3436 : vector<8x4096xi32>
    %gt3A_3438 = arith.cmpf ogt, %select_n3A_3430, %select_n3A_3422 : vector<8x4096xf32>
    %select_n3A_3439 = arith.select %gt3A_3438, %select_n3A_3430, %select_n3A_3422 : vector<8x4096xi1>, vector<8x4096xf32>
    %select_n3A_3440 = arith.select %gt3A_3438, %add3A_3437, %select_n3A_3423 : vector<8x4096xi1>, vector<8x4096xi32>
    %slice3A_3441 = vector.extract_strided_slice %gt3A_17 {offsets = [1616, 0], sizes = [8, 1], strides = [1, 1]} : vector<2048x1xi1> to vector<8x1xi1>
    %slice3A_3442 = vector.extract_strided_slice %dot_general3A_10 {offsets = [1616, 0], sizes = [8, 4096], strides = [1, 1]} : vector<2048x4096xf32> to vector<8x4096xf32>
    %jit3A_3443 = arith.constant 0xFF800000 : f32
    %broadcast_in_dim3A_3444 = vector.shape_cast %slice3A_3441 : vector<8x1xi1> to vector<8x1xi1>
    %broadcast_in_dim3A_3445 = vector.broadcast %broadcast_in_dim3A_3444 : vector<8x1xi1> to vector<8x4096xi1>
    %broadcast_in_dim3A_3446 = vector.broadcast %jit3A_3443 : f32 to vector<8x4096xf32>
    %select_n3A_3447 = arith.select %broadcast_in_dim3A_3445, %broadcast_in_dim3A_3446, %slice3A_3442 : vector<8x4096xi1>, vector<8x4096xf32>
    %iota3A_3448 = tpu.iota {dimensions = array<i32: 0>} : vector<8x4096xi32>
    %mul3A_3449 = arith.constant 2048 : i32
    %mul3A_3450 = arith.muli %arg1, %mul3A_3449 : i32
    %add3A_3451 = arith.constant 1616 : i32
    %add3A_3452 = arith.addi %mul3A_3450, %add3A_3451 : i32
    %add3A_3453 = vector.broadcast %add3A_3452 : i32 to vector<8x4096xi32>
    %add3A_3454 = arith.addi %iota3A_3448, %add3A_3453 : vector<8x4096xi32>
    %gt3A_3455 = arith.cmpf ogt, %select_n3A_3447, %select_n3A_3439 : vector<8x4096xf32>
    %select_n3A_3456 = arith.select %gt3A_3455, %select_n3A_3447, %select_n3A_3439 : vector<8x4096xi1>, vector<8x4096xf32>
    %select_n3A_3457 = arith.select %gt3A_3455, %add3A_3454, %select_n3A_3440 : vector<8x4096xi1>, vector<8x4096xi32>
    %slice3A_3458 = vector.extract_strided_slice %gt3A_17 {offsets = [1624, 0], sizes = [8, 1], strides = [1, 1]} : vector<2048x1xi1> to vector<8x1xi1>
    %slice3A_3459 = vector.extract_strided_slice %dot_general3A_10 {offsets = [1624, 0], sizes = [8, 4096], strides = [1, 1]} : vector<2048x4096xf32> to vector<8x4096xf32>
    %jit3A_3460 = arith.constant 0xFF800000 : f32
    %broadcast_in_dim3A_3461 = vector.shape_cast %slice3A_3458 : vector<8x1xi1> to vector<8x1xi1>
    %broadcast_in_dim3A_3462 = vector.broadcast %broadcast_in_dim3A_3461 : vector<8x1xi1> to vector<8x4096xi1>
    %broadcast_in_dim3A_3463 = vector.broadcast %jit3A_3460 : f32 to vector<8x4096xf32>
    %select_n3A_3464 = arith.select %broadcast_in_dim3A_3462, %broadcast_in_dim3A_3463, %slice3A_3459 : vector<8x4096xi1>, vector<8x4096xf32>
    %iota3A_3465 = tpu.iota {dimensions = array<i32: 0>} : vector<8x4096xi32>
    %mul3A_3466 = arith.constant 2048 : i32
    %mul3A_3467 = arith.muli %arg1, %mul3A_3466 : i32
    %add3A_3468 = arith.constant 1624 : i32
    %add3A_3469 = arith.addi %mul3A_3467, %add3A_3468 : i32
    %add3A_3470 = vector.broadcast %add3A_3469 : i32 to vector<8x4096xi32>
    %add3A_3471 = arith.addi %iota3A_3465, %add3A_3470 : vector<8x4096xi32>
    %gt3A_3472 = arith.cmpf ogt, %select_n3A_3464, %select_n3A_3456 : vector<8x4096xf32>
    %select_n3A_3473 = arith.select %gt3A_3472, %select_n3A_3464, %select_n3A_3456 : vector<8x4096xi1>, vector<8x4096xf32>
    %select_n3A_3474 = arith.select %gt3A_3472, %add3A_3471, %select_n3A_3457 : vector<8x4096xi1>, vector<8x4096xi32>
    %slice3A_3475 = vector.extract_strided_slice %gt3A_17 {offsets = [1632, 0], sizes = [8, 1], strides = [1, 1]} : vector<2048x1xi1> to vector<8x1xi1>
    %slice3A_3476 = vector.extract_strided_slice %dot_general3A_10 {offsets = [1632, 0], sizes = [8, 4096], strides = [1, 1]} : vector<2048x4096xf32> to vector<8x4096xf32>
    %jit3A_3477 = arith.constant 0xFF800000 : f32
    %broadcast_in_dim3A_3478 = vector.shape_cast %slice3A_3475 : vector<8x1xi1> to vector<8x1xi1>
    %broadcast_in_dim3A_3479 = vector.broadcast %broadcast_in_dim3A_3478 : vector<8x1xi1> to vector<8x4096xi1>
    %broadcast_in_dim3A_3480 = vector.broadcast %jit3A_3477 : f32 to vector<8x4096xf32>
    %select_n3A_3481 = arith.select %broadcast_in_dim3A_3479, %broadcast_in_dim3A_3480, %slice3A_3476 : vector<8x4096xi1>, vector<8x4096xf32>
    %iota3A_3482 = tpu.iota {dimensions = array<i32: 0>} : vector<8x4096xi32>
    %mul3A_3483 = arith.constant 2048 : i32
    %mul3A_3484 = arith.muli %arg1, %mul3A_3483 : i32
    %add3A_3485 = arith.constant 1632 : i32
    %add3A_3486 = arith.addi %mul3A_3484, %add3A_3485 : i32
    %add3A_3487 = vector.broadcast %add3A_3486 : i32 to vector<8x4096xi32>
    %add3A_3488 = arith.addi %iota3A_3482, %add3A_3487 : vector<8x4096xi32>
    %gt3A_3489 = arith.cmpf ogt, %select_n3A_3481, %select_n3A_3473 : vector<8x4096xf32>
    %select_n3A_3490 = arith.select %gt3A_3489, %select_n3A_3481, %select_n3A_3473 : vector<8x4096xi1>, vector<8x4096xf32>
    %select_n3A_3491 = arith.select %gt3A_3489, %add3A_3488, %select_n3A_3474 : vector<8x4096xi1>, vector<8x4096xi32>
    %slice3A_3492 = vector.extract_strided_slice %gt3A_17 {offsets = [1640, 0], sizes = [8, 1], strides = [1, 1]} : vector<2048x1xi1> to vector<8x1xi1>
    %slice3A_3493 = vector.extract_strided_slice %dot_general3A_10 {offsets = [1640, 0], sizes = [8, 4096], strides = [1, 1]} : vector<2048x4096xf32> to vector<8x4096xf32>
    %jit3A_3494 = arith.constant 0xFF800000 : f32
    %broadcast_in_dim3A_3495 = vector.shape_cast %slice3A_3492 : vector<8x1xi1> to vector<8x1xi1>
    %broadcast_in_dim3A_3496 = vector.broadcast %broadcast_in_dim3A_3495 : vector<8x1xi1> to vector<8x4096xi1>
    %broadcast_in_dim3A_3497 = vector.broadcast %jit3A_3494 : f32 to vector<8x4096xf32>
    %select_n3A_3498 = arith.select %broadcast_in_dim3A_3496, %broadcast_in_dim3A_3497, %slice3A_3493 : vector<8x4096xi1>, vector<8x4096xf32>
    %iota3A_3499 = tpu.iota {dimensions = array<i32: 0>} : vector<8x4096xi32>
    %mul3A_3500 = arith.constant 2048 : i32
    %mul3A_3501 = arith.muli %arg1, %mul3A_3500 : i32
    %add3A_3502 = arith.constant 1640 : i32
    %add3A_3503 = arith.addi %mul3A_3501, %add3A_3502 : i32
    %add3A_3504 = vector.broadcast %add3A_3503 : i32 to vector<8x4096xi32>
    %add3A_3505 = arith.addi %iota3A_3499, %add3A_3504 : vector<8x4096xi32>
    %gt3A_3506 = arith.cmpf ogt, %select_n3A_3498, %select_n3A_3490 : vector<8x4096xf32>
    %select_n3A_3507 = arith.select %gt3A_3506, %select_n3A_3498, %select_n3A_3490 : vector<8x4096xi1>, vector<8x4096xf32>
    %select_n3A_3508 = arith.select %gt3A_3506, %add3A_3505, %select_n3A_3491 : vector<8x4096xi1>, vector<8x4096xi32>
    %slice3A_3509 = vector.extract_strided_slice %gt3A_17 {offsets = [1648, 0], sizes = [8, 1], strides = [1, 1]} : vector<2048x1xi1> to vector<8x1xi1>
    %slice3A_3510 = vector.extract_strided_slice %dot_general3A_10 {offsets = [1648, 0], sizes = [8, 4096], strides = [1, 1]} : vector<2048x4096xf32> to vector<8x4096xf32>
    %jit3A_3511 = arith.constant 0xFF800000 : f32
    %broadcast_in_dim3A_3512 = vector.shape_cast %slice3A_3509 : vector<8x1xi1> to vector<8x1xi1>
    %broadcast_in_dim3A_3513 = vector.broadcast %broadcast_in_dim3A_3512 : vector<8x1xi1> to vector<8x4096xi1>
    %broadcast_in_dim3A_3514 = vector.broadcast %jit3A_3511 : f32 to vector<8x4096xf32>
    %select_n3A_3515 = arith.select %broadcast_in_dim3A_3513, %broadcast_in_dim3A_3514, %slice3A_3510 : vector<8x4096xi1>, vector<8x4096xf32>
    %iota3A_3516 = tpu.iota {dimensions = array<i32: 0>} : vector<8x4096xi32>
    %mul3A_3517 = arith.constant 2048 : i32
    %mul3A_3518 = arith.muli %arg1, %mul3A_3517 : i32
    %add3A_3519 = arith.constant 1648 : i32
    %add3A_3520 = arith.addi %mul3A_3518, %add3A_3519 : i32
    %add3A_3521 = vector.broadcast %add3A_3520 : i32 to vector<8x4096xi32>
    %add3A_3522 = arith.addi %iota3A_3516, %add3A_3521 : vector<8x4096xi32>
    %gt3A_3523 = arith.cmpf ogt, %select_n3A_3515, %select_n3A_3507 : vector<8x4096xf32>
    %select_n3A_3524 = arith.select %gt3A_3523, %select_n3A_3515, %select_n3A_3507 : vector<8x4096xi1>, vector<8x4096xf32>
    %select_n3A_3525 = arith.select %gt3A_3523, %add3A_3522, %select_n3A_3508 : vector<8x4096xi1>, vector<8x4096xi32>
    %slice3A_3526 = vector.extract_strided_slice %gt3A_17 {offsets = [1656, 0], sizes = [8, 1], strides = [1, 1]} : vector<2048x1xi1> to vector<8x1xi1>
    %slice3A_3527 = vector.extract_strided_slice %dot_general3A_10 {offsets = [1656, 0], sizes = [8, 4096], strides = [1, 1]} : vector<2048x4096xf32> to vector<8x4096xf32>
    %jit3A_3528 = arith.constant 0xFF800000 : f32
    %broadcast_in_dim3A_3529 = vector.shape_cast %slice3A_3526 : vector<8x1xi1> to vector<8x1xi1>
    %broadcast_in_dim3A_3530 = vector.broadcast %broadcast_in_dim3A_3529 : vector<8x1xi1> to vector<8x4096xi1>
    %broadcast_in_dim3A_3531 = vector.broadcast %jit3A_3528 : f32 to vector<8x4096xf32>
    %select_n3A_3532 = arith.select %broadcast_in_dim3A_3530, %broadcast_in_dim3A_3531, %slice3A_3527 : vector<8x4096xi1>, vector<8x4096xf32>
    %iota3A_3533 = tpu.iota {dimensions = array<i32: 0>} : vector<8x4096xi32>
    %mul3A_3534 = arith.constant 2048 : i32
    %mul3A_3535 = arith.muli %arg1, %mul3A_3534 : i32
    %add3A_3536 = arith.constant 1656 : i32
    %add3A_3537 = arith.addi %mul3A_3535, %add3A_3536 : i32
    %add3A_3538 = vector.broadcast %add3A_3537 : i32 to vector<8x4096xi32>
    %add3A_3539 = arith.addi %iota3A_3533, %add3A_3538 : vector<8x4096xi32>
    %gt3A_3540 = arith.cmpf ogt, %select_n3A_3532, %select_n3A_3524 : vector<8x4096xf32>
    %select_n3A_3541 = arith.select %gt3A_3540, %select_n3A_3532, %select_n3A_3524 : vector<8x4096xi1>, vector<8x4096xf32>
    %select_n3A_3542 = arith.select %gt3A_3540, %add3A_3539, %select_n3A_3525 : vector<8x4096xi1>, vector<8x4096xi32>
    %slice3A_3543 = vector.extract_strided_slice %gt3A_17 {offsets = [1664, 0], sizes = [8, 1], strides = [1, 1]} : vector<2048x1xi1> to vector<8x1xi1>
    %slice3A_3544 = vector.extract_strided_slice %dot_general3A_10 {offsets = [1664, 0], sizes = [8, 4096], strides = [1, 1]} : vector<2048x4096xf32> to vector<8x4096xf32>
    %jit3A_3545 = arith.constant 0xFF800000 : f32
    %broadcast_in_dim3A_3546 = vector.shape_cast %slice3A_3543 : vector<8x1xi1> to vector<8x1xi1>
    %broadcast_in_dim3A_3547 = vector.broadcast %broadcast_in_dim3A_3546 : vector<8x1xi1> to vector<8x4096xi1>
    %broadcast_in_dim3A_3548 = vector.broadcast %jit3A_3545 : f32 to vector<8x4096xf32>
    %select_n3A_3549 = arith.select %broadcast_in_dim3A_3547, %broadcast_in_dim3A_3548, %slice3A_3544 : vector<8x4096xi1>, vector<8x4096xf32>
    %iota3A_3550 = tpu.iota {dimensions = array<i32: 0>} : vector<8x4096xi32>
    %mul3A_3551 = arith.constant 2048 : i32
    %mul3A_3552 = arith.muli %arg1, %mul3A_3551 : i32
    %add3A_3553 = arith.constant 1664 : i32
    %add3A_3554 = arith.addi %mul3A_3552, %add3A_3553 : i32
    %add3A_3555 = vector.broadcast %add3A_3554 : i32 to vector<8x4096xi32>
    %add3A_3556 = arith.addi %iota3A_3550, %add3A_3555 : vector<8x4096xi32>
    %gt3A_3557 = arith.cmpf ogt, %select_n3A_3549, %select_n3A_3541 : vector<8x4096xf32>
    %select_n3A_3558 = arith.select %gt3A_3557, %select_n3A_3549, %select_n3A_3541 : vector<8x4096xi1>, vector<8x4096xf32>
    %select_n3A_3559 = arith.select %gt3A_3557, %add3A_3556, %select_n3A_3542 : vector<8x4096xi1>, vector<8x4096xi32>
    %slice3A_3560 = vector.extract_strided_slice %gt3A_17 {offsets = [1672, 0], sizes = [8, 1], strides = [1, 1]} : vector<2048x1xi1> to vector<8x1xi1>
    %slice3A_3561 = vector.extract_strided_slice %dot_general3A_10 {offsets = [1672, 0], sizes = [8, 4096], strides = [1, 1]} : vector<2048x4096xf32> to vector<8x4096xf32>
    %jit3A_3562 = arith.constant 0xFF800000 : f32
    %broadcast_in_dim3A_3563 = vector.shape_cast %slice3A_3560 : vector<8x1xi1> to vector<8x1xi1>
    %broadcast_in_dim3A_3564 = vector.broadcast %broadcast_in_dim3A_3563 : vector<8x1xi1> to vector<8x4096xi1>
    %broadcast_in_dim3A_3565 = vector.broadcast %jit3A_3562 : f32 to vector<8x4096xf32>
    %select_n3A_3566 = arith.select %broadcast_in_dim3A_3564, %broadcast_in_dim3A_3565, %slice3A_3561 : vector<8x4096xi1>, vector<8x4096xf32>
    %iota3A_3567 = tpu.iota {dimensions = array<i32: 0>} : vector<8x4096xi32>
    %mul3A_3568 = arith.constant 2048 : i32
    %mul3A_3569 = arith.muli %arg1, %mul3A_3568 : i32
    %add3A_3570 = arith.constant 1672 : i32
    %add3A_3571 = arith.addi %mul3A_3569, %add3A_3570 : i32
    %add3A_3572 = vector.broadcast %add3A_3571 : i32 to vector<8x4096xi32>
    %add3A_3573 = arith.addi %iota3A_3567, %add3A_3572 : vector<8x4096xi32>
    %gt3A_3574 = arith.cmpf ogt, %select_n3A_3566, %select_n3A_3558 : vector<8x4096xf32>
    %select_n3A_3575 = arith.select %gt3A_3574, %select_n3A_3566, %select_n3A_3558 : vector<8x4096xi1>, vector<8x4096xf32>
    %select_n3A_3576 = arith.select %gt3A_3574, %add3A_3573, %select_n3A_3559 : vector<8x4096xi1>, vector<8x4096xi32>
    %slice3A_3577 = vector.extract_strided_slice %gt3A_17 {offsets = [1680, 0], sizes = [8, 1], strides = [1, 1]} : vector<2048x1xi1> to vector<8x1xi1>
    %slice3A_3578 = vector.extract_strided_slice %dot_general3A_10 {offsets = [1680, 0], sizes = [8, 4096], strides = [1, 1]} : vector<2048x4096xf32> to vector<8x4096xf32>
    %jit3A_3579 = arith.constant 0xFF800000 : f32
    %broadcast_in_dim3A_3580 = vector.shape_cast %slice3A_3577 : vector<8x1xi1> to vector<8x1xi1>
    %broadcast_in_dim3A_3581 = vector.broadcast %broadcast_in_dim3A_3580 : vector<8x1xi1> to vector<8x4096xi1>
    %broadcast_in_dim3A_3582 = vector.broadcast %jit3A_3579 : f32 to vector<8x4096xf32>
    %select_n3A_3583 = arith.select %broadcast_in_dim3A_3581, %broadcast_in_dim3A_3582, %slice3A_3578 : vector<8x4096xi1>, vector<8x4096xf32>
    %iota3A_3584 = tpu.iota {dimensions = array<i32: 0>} : vector<8x4096xi32>
    %mul3A_3585 = arith.constant 2048 : i32
    %mul3A_3586 = arith.muli %arg1, %mul3A_3585 : i32
    %add3A_3587 = arith.constant 1680 : i32
    %add3A_3588 = arith.addi %mul3A_3586, %add3A_3587 : i32
    %add3A_3589 = vector.broadcast %add3A_3588 : i32 to vector<8x4096xi32>
    %add3A_3590 = arith.addi %iota3A_3584, %add3A_3589 : vector<8x4096xi32>
    %gt3A_3591 = arith.cmpf ogt, %select_n3A_3583, %select_n3A_3575 : vector<8x4096xf32>
    %select_n3A_3592 = arith.select %gt3A_3591, %select_n3A_3583, %select_n3A_3575 : vector<8x4096xi1>, vector<8x4096xf32>
    %select_n3A_3593 = arith.select %gt3A_3591, %add3A_3590, %select_n3A_3576 : vector<8x4096xi1>, vector<8x4096xi32>
    %slice3A_3594 = vector.extract_strided_slice %gt3A_17 {offsets = [1688, 0], sizes = [8, 1], strides = [1, 1]} : vector<2048x1xi1> to vector<8x1xi1>
    %slice3A_3595 = vector.extract_strided_slice %dot_general3A_10 {offsets = [1688, 0], sizes = [8, 4096], strides = [1, 1]} : vector<2048x4096xf32> to vector<8x4096xf32>
    %jit3A_3596 = arith.constant 0xFF800000 : f32
    %broadcast_in_dim3A_3597 = vector.shape_cast %slice3A_3594 : vector<8x1xi1> to vector<8x1xi1>
    %broadcast_in_dim3A_3598 = vector.broadcast %broadcast_in_dim3A_3597 : vector<8x1xi1> to vector<8x4096xi1>
    %broadcast_in_dim3A_3599 = vector.broadcast %jit3A_3596 : f32 to vector<8x4096xf32>
    %select_n3A_3600 = arith.select %broadcast_in_dim3A_3598, %broadcast_in_dim3A_3599, %slice3A_3595 : vector<8x4096xi1>, vector<8x4096xf32>
    %iota3A_3601 = tpu.iota {dimensions = array<i32: 0>} : vector<8x4096xi32>
    %mul3A_3602 = arith.constant 2048 : i32
    %mul3A_3603 = arith.muli %arg1, %mul3A_3602 : i32
    %add3A_3604 = arith.constant 1688 : i32
    %add3A_3605 = arith.addi %mul3A_3603, %add3A_3604 : i32
    %add3A_3606 = vector.broadcast %add3A_3605 : i32 to vector<8x4096xi32>
    %add3A_3607 = arith.addi %iota3A_3601, %add3A_3606 : vector<8x4096xi32>
    %gt3A_3608 = arith.cmpf ogt, %select_n3A_3600, %select_n3A_3592 : vector<8x4096xf32>
    %select_n3A_3609 = arith.select %gt3A_3608, %select_n3A_3600, %select_n3A_3592 : vector<8x4096xi1>, vector<8x4096xf32>
    %select_n3A_3610 = arith.select %gt3A_3608, %add3A_3607, %select_n3A_3593 : vector<8x4096xi1>, vector<8x4096xi32>
    %slice3A_3611 = vector.extract_strided_slice %gt3A_17 {offsets = [1696, 0], sizes = [8, 1], strides = [1, 1]} : vector<2048x1xi1> to vector<8x1xi1>
    %slice3A_3612 = vector.extract_strided_slice %dot_general3A_10 {offsets = [1696, 0], sizes = [8, 4096], strides = [1, 1]} : vector<2048x4096xf32> to vector<8x4096xf32>
    %jit3A_3613 = arith.constant 0xFF800000 : f32
    %broadcast_in_dim3A_3614 = vector.shape_cast %slice3A_3611 : vector<8x1xi1> to vector<8x1xi1>
    %broadcast_in_dim3A_3615 = vector.broadcast %broadcast_in_dim3A_3614 : vector<8x1xi1> to vector<8x4096xi1>
    %broadcast_in_dim3A_3616 = vector.broadcast %jit3A_3613 : f32 to vector<8x4096xf32>
    %select_n3A_3617 = arith.select %broadcast_in_dim3A_3615, %broadcast_in_dim3A_3616, %slice3A_3612 : vector<8x4096xi1>, vector<8x4096xf32>
    %iota3A_3618 = tpu.iota {dimensions = array<i32: 0>} : vector<8x4096xi32>
    %mul3A_3619 = arith.constant 2048 : i32
    %mul3A_3620 = arith.muli %arg1, %mul3A_3619 : i32
    %add3A_3621 = arith.constant 1696 : i32
    %add3A_3622 = arith.addi %mul3A_3620, %add3A_3621 : i32
    %add3A_3623 = vector.broadcast %add3A_3622 : i32 to vector<8x4096xi32>
    %add3A_3624 = arith.addi %iota3A_3618, %add3A_3623 : vector<8x4096xi32>
    %gt3A_3625 = arith.cmpf ogt, %select_n3A_3617, %select_n3A_3609 : vector<8x4096xf32>
    %select_n3A_3626 = arith.select %gt3A_3625, %select_n3A_3617, %select_n3A_3609 : vector<8x4096xi1>, vector<8x4096xf32>
    %select_n3A_3627 = arith.select %gt3A_3625, %add3A_3624, %select_n3A_3610 : vector<8x4096xi1>, vector<8x4096xi32>
    %slice3A_3628 = vector.extract_strided_slice %gt3A_17 {offsets = [1704, 0], sizes = [8, 1], strides = [1, 1]} : vector<2048x1xi1> to vector<8x1xi1>
    %slice3A_3629 = vector.extract_strided_slice %dot_general3A_10 {offsets = [1704, 0], sizes = [8, 4096], strides = [1, 1]} : vector<2048x4096xf32> to vector<8x4096xf32>
    %jit3A_3630 = arith.constant 0xFF800000 : f32
    %broadcast_in_dim3A_3631 = vector.shape_cast %slice3A_3628 : vector<8x1xi1> to vector<8x1xi1>
    %broadcast_in_dim3A_3632 = vector.broadcast %broadcast_in_dim3A_3631 : vector<8x1xi1> to vector<8x4096xi1>
    %broadcast_in_dim3A_3633 = vector.broadcast %jit3A_3630 : f32 to vector<8x4096xf32>
    %select_n3A_3634 = arith.select %broadcast_in_dim3A_3632, %broadcast_in_dim3A_3633, %slice3A_3629 : vector<8x4096xi1>, vector<8x4096xf32>
    %iota3A_3635 = tpu.iota {dimensions = array<i32: 0>} : vector<8x4096xi32>
    %mul3A_3636 = arith.constant 2048 : i32
    %mul3A_3637 = arith.muli %arg1, %mul3A_3636 : i32
    %add3A_3638 = arith.constant 1704 : i32
    %add3A_3639 = arith.addi %mul3A_3637, %add3A_3638 : i32
    %add3A_3640 = vector.broadcast %add3A_3639 : i32 to vector<8x4096xi32>
    %add3A_3641 = arith.addi %iota3A_3635, %add3A_3640 : vector<8x4096xi32>
    %gt3A_3642 = arith.cmpf ogt, %select_n3A_3634, %select_n3A_3626 : vector<8x4096xf32>
    %select_n3A_3643 = arith.select %gt3A_3642, %select_n3A_3634, %select_n3A_3626 : vector<8x4096xi1>, vector<8x4096xf32>
    %select_n3A_3644 = arith.select %gt3A_3642, %add3A_3641, %select_n3A_3627 : vector<8x4096xi1>, vector<8x4096xi32>
    %slice3A_3645 = vector.extract_strided_slice %gt3A_17 {offsets = [1712, 0], sizes = [8, 1], strides = [1, 1]} : vector<2048x1xi1> to vector<8x1xi1>
    %slice3A_3646 = vector.extract_strided_slice %dot_general3A_10 {offsets = [1712, 0], sizes = [8, 4096], strides = [1, 1]} : vector<2048x4096xf32> to vector<8x4096xf32>
    %jit3A_3647 = arith.constant 0xFF800000 : f32
    %broadcast_in_dim3A_3648 = vector.shape_cast %slice3A_3645 : vector<8x1xi1> to vector<8x1xi1>
    %broadcast_in_dim3A_3649 = vector.broadcast %broadcast_in_dim3A_3648 : vector<8x1xi1> to vector<8x4096xi1>
    %broadcast_in_dim3A_3650 = vector.broadcast %jit3A_3647 : f32 to vector<8x4096xf32>
    %select_n3A_3651 = arith.select %broadcast_in_dim3A_3649, %broadcast_in_dim3A_3650, %slice3A_3646 : vector<8x4096xi1>, vector<8x4096xf32>
    %iota3A_3652 = tpu.iota {dimensions = array<i32: 0>} : vector<8x4096xi32>
    %mul3A_3653 = arith.constant 2048 : i32
    %mul3A_3654 = arith.muli %arg1, %mul3A_3653 : i32
    %add3A_3655 = arith.constant 1712 : i32
    %add3A_3656 = arith.addi %mul3A_3654, %add3A_3655 : i32
    %add3A_3657 = vector.broadcast %add3A_3656 : i32 to vector<8x4096xi32>
    %add3A_3658 = arith.addi %iota3A_3652, %add3A_3657 : vector<8x4096xi32>
    %gt3A_3659 = arith.cmpf ogt, %select_n3A_3651, %select_n3A_3643 : vector<8x4096xf32>
    %select_n3A_3660 = arith.select %gt3A_3659, %select_n3A_3651, %select_n3A_3643 : vector<8x4096xi1>, vector<8x4096xf32>
    %select_n3A_3661 = arith.select %gt3A_3659, %add3A_3658, %select_n3A_3644 : vector<8x4096xi1>, vector<8x4096xi32>
    %slice3A_3662 = vector.extract_strided_slice %gt3A_17 {offsets = [1720, 0], sizes = [8, 1], strides = [1, 1]} : vector<2048x1xi1> to vector<8x1xi1>
    %slice3A_3663 = vector.extract_strided_slice %dot_general3A_10 {offsets = [1720, 0], sizes = [8, 4096], strides = [1, 1]} : vector<2048x4096xf32> to vector<8x4096xf32>
    %jit3A_3664 = arith.constant 0xFF800000 : f32
    %broadcast_in_dim3A_3665 = vector.shape_cast %slice3A_3662 : vector<8x1xi1> to vector<8x1xi1>
    %broadcast_in_dim3A_3666 = vector.broadcast %broadcast_in_dim3A_3665 : vector<8x1xi1> to vector<8x4096xi1>
    %broadcast_in_dim3A_3667 = vector.broadcast %jit3A_3664 : f32 to vector<8x4096xf32>
    %select_n3A_3668 = arith.select %broadcast_in_dim3A_3666, %broadcast_in_dim3A_3667, %slice3A_3663 : vector<8x4096xi1>, vector<8x4096xf32>
    %iota3A_3669 = tpu.iota {dimensions = array<i32: 0>} : vector<8x4096xi32>
    %mul3A_3670 = arith.constant 2048 : i32
    %mul3A_3671 = arith.muli %arg1, %mul3A_3670 : i32
    %add3A_3672 = arith.constant 1720 : i32
    %add3A_3673 = arith.addi %mul3A_3671, %add3A_3672 : i32
    %add3A_3674 = vector.broadcast %add3A_3673 : i32 to vector<8x4096xi32>
    %add3A_3675 = arith.addi %iota3A_3669, %add3A_3674 : vector<8x4096xi32>
    %gt3A_3676 = arith.cmpf ogt, %select_n3A_3668, %select_n3A_3660 : vector<8x4096xf32>
    %select_n3A_3677 = arith.select %gt3A_3676, %select_n3A_3668, %select_n3A_3660 : vector<8x4096xi1>, vector<8x4096xf32>
    %select_n3A_3678 = arith.select %gt3A_3676, %add3A_3675, %select_n3A_3661 : vector<8x4096xi1>, vector<8x4096xi32>
    %slice3A_3679 = vector.extract_strided_slice %gt3A_17 {offsets = [1728, 0], sizes = [8, 1], strides = [1, 1]} : vector<2048x1xi1> to vector<8x1xi1>
    %slice3A_3680 = vector.extract_strided_slice %dot_general3A_10 {offsets = [1728, 0], sizes = [8, 4096], strides = [1, 1]} : vector<2048x4096xf32> to vector<8x4096xf32>
    %jit3A_3681 = arith.constant 0xFF800000 : f32
    %broadcast_in_dim3A_3682 = vector.shape_cast %slice3A_3679 : vector<8x1xi1> to vector<8x1xi1>
    %broadcast_in_dim3A_3683 = vector.broadcast %broadcast_in_dim3A_3682 : vector<8x1xi1> to vector<8x4096xi1>
    %broadcast_in_dim3A_3684 = vector.broadcast %jit3A_3681 : f32 to vector<8x4096xf32>
    %select_n3A_3685 = arith.select %broadcast_in_dim3A_3683, %broadcast_in_dim3A_3684, %slice3A_3680 : vector<8x4096xi1>, vector<8x4096xf32>
    %iota3A_3686 = tpu.iota {dimensions = array<i32: 0>} : vector<8x4096xi32>
    %mul3A_3687 = arith.constant 2048 : i32
    %mul3A_3688 = arith.muli %arg1, %mul3A_3687 : i32
    %add3A_3689 = arith.constant 1728 : i32
    %add3A_3690 = arith.addi %mul3A_3688, %add3A_3689 : i32
    %add3A_3691 = vector.broadcast %add3A_3690 : i32 to vector<8x4096xi32>
    %add3A_3692 = arith.addi %iota3A_3686, %add3A_3691 : vector<8x4096xi32>
    %gt3A_3693 = arith.cmpf ogt, %select_n3A_3685, %select_n3A_3677 : vector<8x4096xf32>
    %select_n3A_3694 = arith.select %gt3A_3693, %select_n3A_3685, %select_n3A_3677 : vector<8x4096xi1>, vector<8x4096xf32>
    %select_n3A_3695 = arith.select %gt3A_3693, %add3A_3692, %select_n3A_3678 : vector<8x4096xi1>, vector<8x4096xi32>
    %slice3A_3696 = vector.extract_strided_slice %gt3A_17 {offsets = [1736, 0], sizes = [8, 1], strides = [1, 1]} : vector<2048x1xi1> to vector<8x1xi1>
    %slice3A_3697 = vector.extract_strided_slice %dot_general3A_10 {offsets = [1736, 0], sizes = [8, 4096], strides = [1, 1]} : vector<2048x4096xf32> to vector<8x4096xf32>
    %jit3A_3698 = arith.constant 0xFF800000 : f32
    %broadcast_in_dim3A_3699 = vector.shape_cast %slice3A_3696 : vector<8x1xi1> to vector<8x1xi1>
    %broadcast_in_dim3A_3700 = vector.broadcast %broadcast_in_dim3A_3699 : vector<8x1xi1> to vector<8x4096xi1>
    %broadcast_in_dim3A_3701 = vector.broadcast %jit3A_3698 : f32 to vector<8x4096xf32>
    %select_n3A_3702 = arith.select %broadcast_in_dim3A_3700, %broadcast_in_dim3A_3701, %slice3A_3697 : vector<8x4096xi1>, vector<8x4096xf32>
    %iota3A_3703 = tpu.iota {dimensions = array<i32: 0>} : vector<8x4096xi32>
    %mul3A_3704 = arith.constant 2048 : i32
    %mul3A_3705 = arith.muli %arg1, %mul3A_3704 : i32
    %add3A_3706 = arith.constant 1736 : i32
    %add3A_3707 = arith.addi %mul3A_3705, %add3A_3706 : i32
    %add3A_3708 = vector.broadcast %add3A_3707 : i32 to vector<8x4096xi32>
    %add3A_3709 = arith.addi %iota3A_3703, %add3A_3708 : vector<8x4096xi32>
    %gt3A_3710 = arith.cmpf ogt, %select_n3A_3702, %select_n3A_3694 : vector<8x4096xf32>
    %select_n3A_3711 = arith.select %gt3A_3710, %select_n3A_3702, %select_n3A_3694 : vector<8x4096xi1>, vector<8x4096xf32>
    %select_n3A_3712 = arith.select %gt3A_3710, %add3A_3709, %select_n3A_3695 : vector<8x4096xi1>, vector<8x4096xi32>
    %slice3A_3713 = vector.extract_strided_slice %gt3A_17 {offsets = [1744, 0], sizes = [8, 1], strides = [1, 1]} : vector<2048x1xi1> to vector<8x1xi1>
    %slice3A_3714 = vector.extract_strided_slice %dot_general3A_10 {offsets = [1744, 0], sizes = [8, 4096], strides = [1, 1]} : vector<2048x4096xf32> to vector<8x4096xf32>
    %jit3A_3715 = arith.constant 0xFF800000 : f32
    %broadcast_in_dim3A_3716 = vector.shape_cast %slice3A_3713 : vector<8x1xi1> to vector<8x1xi1>
    %broadcast_in_dim3A_3717 = vector.broadcast %broadcast_in_dim3A_3716 : vector<8x1xi1> to vector<8x4096xi1>
    %broadcast_in_dim3A_3718 = vector.broadcast %jit3A_3715 : f32 to vector<8x4096xf32>
    %select_n3A_3719 = arith.select %broadcast_in_dim3A_3717, %broadcast_in_dim3A_3718, %slice3A_3714 : vector<8x4096xi1>, vector<8x4096xf32>
    %iota3A_3720 = tpu.iota {dimensions = array<i32: 0>} : vector<8x4096xi32>
    %mul3A_3721 = arith.constant 2048 : i32
    %mul3A_3722 = arith.muli %arg1, %mul3A_3721 : i32
    %add3A_3723 = arith.constant 1744 : i32
    %add3A_3724 = arith.addi %mul3A_3722, %add3A_3723 : i32
    %add3A_3725 = vector.broadcast %add3A_3724 : i32 to vector<8x4096xi32>
    %add3A_3726 = arith.addi %iota3A_3720, %add3A_3725 : vector<8x4096xi32>
    %gt3A_3727 = arith.cmpf ogt, %select_n3A_3719, %select_n3A_3711 : vector<8x4096xf32>
    %select_n3A_3728 = arith.select %gt3A_3727, %select_n3A_3719, %select_n3A_3711 : vector<8x4096xi1>, vector<8x4096xf32>
    %select_n3A_3729 = arith.select %gt3A_3727, %add3A_3726, %select_n3A_3712 : vector<8x4096xi1>, vector<8x4096xi32>
    %slice3A_3730 = vector.extract_strided_slice %gt3A_17 {offsets = [1752, 0], sizes = [8, 1], strides = [1, 1]} : vector<2048x1xi1> to vector<8x1xi1>
    %slice3A_3731 = vector.extract_strided_slice %dot_general3A_10 {offsets = [1752, 0], sizes = [8, 4096], strides = [1, 1]} : vector<2048x4096xf32> to vector<8x4096xf32>
    %jit3A_3732 = arith.constant 0xFF800000 : f32
    %broadcast_in_dim3A_3733 = vector.shape_cast %slice3A_3730 : vector<8x1xi1> to vector<8x1xi1>
    %broadcast_in_dim3A_3734 = vector.broadcast %broadcast_in_dim3A_3733 : vector<8x1xi1> to vector<8x4096xi1>
    %broadcast_in_dim3A_3735 = vector.broadcast %jit3A_3732 : f32 to vector<8x4096xf32>
    %select_n3A_3736 = arith.select %broadcast_in_dim3A_3734, %broadcast_in_dim3A_3735, %slice3A_3731 : vector<8x4096xi1>, vector<8x4096xf32>
    %iota3A_3737 = tpu.iota {dimensions = array<i32: 0>} : vector<8x4096xi32>
    %mul3A_3738 = arith.constant 2048 : i32
    %mul3A_3739 = arith.muli %arg1, %mul3A_3738 : i32
    %add3A_3740 = arith.constant 1752 : i32
    %add3A_3741 = arith.addi %mul3A_3739, %add3A_3740 : i32
    %add3A_3742 = vector.broadcast %add3A_3741 : i32 to vector<8x4096xi32>
    %add3A_3743 = arith.addi %iota3A_3737, %add3A_3742 : vector<8x4096xi32>
    %gt3A_3744 = arith.cmpf ogt, %select_n3A_3736, %select_n3A_3728 : vector<8x4096xf32>
    %select_n3A_3745 = arith.select %gt3A_3744, %select_n3A_3736, %select_n3A_3728 : vector<8x4096xi1>, vector<8x4096xf32>
    %select_n3A_3746 = arith.select %gt3A_3744, %add3A_3743, %select_n3A_3729 : vector<8x4096xi1>, vector<8x4096xi32>
    %slice3A_3747 = vector.extract_strided_slice %gt3A_17 {offsets = [1760, 0], sizes = [8, 1], strides = [1, 1]} : vector<2048x1xi1> to vector<8x1xi1>
    %slice3A_3748 = vector.extract_strided_slice %dot_general3A_10 {offsets = [1760, 0], sizes = [8, 4096], strides = [1, 1]} : vector<2048x4096xf32> to vector<8x4096xf32>
    %jit3A_3749 = arith.constant 0xFF800000 : f32
    %broadcast_in_dim3A_3750 = vector.shape_cast %slice3A_3747 : vector<8x1xi1> to vector<8x1xi1>
    %broadcast_in_dim3A_3751 = vector.broadcast %broadcast_in_dim3A_3750 : vector<8x1xi1> to vector<8x4096xi1>
    %broadcast_in_dim3A_3752 = vector.broadcast %jit3A_3749 : f32 to vector<8x4096xf32>
    %select_n3A_3753 = arith.select %broadcast_in_dim3A_3751, %broadcast_in_dim3A_3752, %slice3A_3748 : vector<8x4096xi1>, vector<8x4096xf32>
    %iota3A_3754 = tpu.iota {dimensions = array<i32: 0>} : vector<8x4096xi32>
    %mul3A_3755 = arith.constant 2048 : i32
    %mul3A_3756 = arith.muli %arg1, %mul3A_3755 : i32
    %add3A_3757 = arith.constant 1760 : i32
    %add3A_3758 = arith.addi %mul3A_3756, %add3A_3757 : i32
    %add3A_3759 = vector.broadcast %add3A_3758 : i32 to vector<8x4096xi32>
    %add3A_3760 = arith.addi %iota3A_3754, %add3A_3759 : vector<8x4096xi32>
    %gt3A_3761 = arith.cmpf ogt, %select_n3A_3753, %select_n3A_3745 : vector<8x4096xf32>
    %select_n3A_3762 = arith.select %gt3A_3761, %select_n3A_3753, %select_n3A_3745 : vector<8x4096xi1>, vector<8x4096xf32>
    %select_n3A_3763 = arith.select %gt3A_3761, %add3A_3760, %select_n3A_3746 : vector<8x4096xi1>, vector<8x4096xi32>
    %slice3A_3764 = vector.extract_strided_slice %gt3A_17 {offsets = [1768, 0], sizes = [8, 1], strides = [1, 1]} : vector<2048x1xi1> to vector<8x1xi1>
    %slice3A_3765 = vector.extract_strided_slice %dot_general3A_10 {offsets = [1768, 0], sizes = [8, 4096], strides = [1, 1]} : vector<2048x4096xf32> to vector<8x4096xf32>
    %jit3A_3766 = arith.constant 0xFF800000 : f32
    %broadcast_in_dim3A_3767 = vector.shape_cast %slice3A_3764 : vector<8x1xi1> to vector<8x1xi1>
    %broadcast_in_dim3A_3768 = vector.broadcast %broadcast_in_dim3A_3767 : vector<8x1xi1> to vector<8x4096xi1>
    %broadcast_in_dim3A_3769 = vector.broadcast %jit3A_3766 : f32 to vector<8x4096xf32>
    %select_n3A_3770 = arith.select %broadcast_in_dim3A_3768, %broadcast_in_dim3A_3769, %slice3A_3765 : vector<8x4096xi1>, vector<8x4096xf32>
    %iota3A_3771 = tpu.iota {dimensions = array<i32: 0>} : vector<8x4096xi32>
    %mul3A_3772 = arith.constant 2048 : i32
    %mul3A_3773 = arith.muli %arg1, %mul3A_3772 : i32
    %add3A_3774 = arith.constant 1768 : i32
    %add3A_3775 = arith.addi %mul3A_3773, %add3A_3774 : i32
    %add3A_3776 = vector.broadcast %add3A_3775 : i32 to vector<8x4096xi32>
    %add3A_3777 = arith.addi %iota3A_3771, %add3A_3776 : vector<8x4096xi32>
    %gt3A_3778 = arith.cmpf ogt, %select_n3A_3770, %select_n3A_3762 : vector<8x4096xf32>
    %select_n3A_3779 = arith.select %gt3A_3778, %select_n3A_3770, %select_n3A_3762 : vector<8x4096xi1>, vector<8x4096xf32>
    %select_n3A_3780 = arith.select %gt3A_3778, %add3A_3777, %select_n3A_3763 : vector<8x4096xi1>, vector<8x4096xi32>
    %slice3A_3781 = vector.extract_strided_slice %gt3A_17 {offsets = [1776, 0], sizes = [8, 1], strides = [1, 1]} : vector<2048x1xi1> to vector<8x1xi1>
    %slice3A_3782 = vector.extract_strided_slice %dot_general3A_10 {offsets = [1776, 0], sizes = [8, 4096], strides = [1, 1]} : vector<2048x4096xf32> to vector<8x4096xf32>
    %jit3A_3783 = arith.constant 0xFF800000 : f32
    %broadcast_in_dim3A_3784 = vector.shape_cast %slice3A_3781 : vector<8x1xi1> to vector<8x1xi1>
    %broadcast_in_dim3A_3785 = vector.broadcast %broadcast_in_dim3A_3784 : vector<8x1xi1> to vector<8x4096xi1>
    %broadcast_in_dim3A_3786 = vector.broadcast %jit3A_3783 : f32 to vector<8x4096xf32>
    %select_n3A_3787 = arith.select %broadcast_in_dim3A_3785, %broadcast_in_dim3A_3786, %slice3A_3782 : vector<8x4096xi1>, vector<8x4096xf32>
    %iota3A_3788 = tpu.iota {dimensions = array<i32: 0>} : vector<8x4096xi32>
    %mul3A_3789 = arith.constant 2048 : i32
    %mul3A_3790 = arith.muli %arg1, %mul3A_3789 : i32
    %add3A_3791 = arith.constant 1776 : i32
    %add3A_3792 = arith.addi %mul3A_3790, %add3A_3791 : i32
    %add3A_3793 = vector.broadcast %add3A_3792 : i32 to vector<8x4096xi32>
    %add3A_3794 = arith.addi %iota3A_3788, %add3A_3793 : vector<8x4096xi32>
    %gt3A_3795 = arith.cmpf ogt, %select_n3A_3787, %select_n3A_3779 : vector<8x4096xf32>
    %select_n3A_3796 = arith.select %gt3A_3795, %select_n3A_3787, %select_n3A_3779 : vector<8x4096xi1>, vector<8x4096xf32>
    %select_n3A_3797 = arith.select %gt3A_3795, %add3A_3794, %select_n3A_3780 : vector<8x4096xi1>, vector<8x4096xi32>
    %slice3A_3798 = vector.extract_strided_slice %gt3A_17 {offsets = [1784, 0], sizes = [8, 1], strides = [1, 1]} : vector<2048x1xi1> to vector<8x1xi1>
    %slice3A_3799 = vector.extract_strided_slice %dot_general3A_10 {offsets = [1784, 0], sizes = [8, 4096], strides = [1, 1]} : vector<2048x4096xf32> to vector<8x4096xf32>
    %jit3A_3800 = arith.constant 0xFF800000 : f32
    %broadcast_in_dim3A_3801 = vector.shape_cast %slice3A_3798 : vector<8x1xi1> to vector<8x1xi1>
    %broadcast_in_dim3A_3802 = vector.broadcast %broadcast_in_dim3A_3801 : vector<8x1xi1> to vector<8x4096xi1>
    %broadcast_in_dim3A_3803 = vector.broadcast %jit3A_3800 : f32 to vector<8x4096xf32>
    %select_n3A_3804 = arith.select %broadcast_in_dim3A_3802, %broadcast_in_dim3A_3803, %slice3A_3799 : vector<8x4096xi1>, vector<8x4096xf32>
    %iota3A_3805 = tpu.iota {dimensions = array<i32: 0>} : vector<8x4096xi32>
    %mul3A_3806 = arith.constant 2048 : i32
    %mul3A_3807 = arith.muli %arg1, %mul3A_3806 : i32
    %add3A_3808 = arith.constant 1784 : i32
    %add3A_3809 = arith.addi %mul3A_3807, %add3A_3808 : i32
    %add3A_3810 = vector.broadcast %add3A_3809 : i32 to vector<8x4096xi32>
    %add3A_3811 = arith.addi %iota3A_3805, %add3A_3810 : vector<8x4096xi32>
    %gt3A_3812 = arith.cmpf ogt, %select_n3A_3804, %select_n3A_3796 : vector<8x4096xf32>
    %select_n3A_3813 = arith.select %gt3A_3812, %select_n3A_3804, %select_n3A_3796 : vector<8x4096xi1>, vector<8x4096xf32>
    %select_n3A_3814 = arith.select %gt3A_3812, %add3A_3811, %select_n3A_3797 : vector<8x4096xi1>, vector<8x4096xi32>
    %slice3A_3815 = vector.extract_strided_slice %gt3A_17 {offsets = [1792, 0], sizes = [8, 1], strides = [1, 1]} : vector<2048x1xi1> to vector<8x1xi1>
    %slice3A_3816 = vector.extract_strided_slice %dot_general3A_10 {offsets = [1792, 0], sizes = [8, 4096], strides = [1, 1]} : vector<2048x4096xf32> to vector<8x4096xf32>
    %jit3A_3817 = arith.constant 0xFF800000 : f32
    %broadcast_in_dim3A_3818 = vector.shape_cast %slice3A_3815 : vector<8x1xi1> to vector<8x1xi1>
    %broadcast_in_dim3A_3819 = vector.broadcast %broadcast_in_dim3A_3818 : vector<8x1xi1> to vector<8x4096xi1>
    %broadcast_in_dim3A_3820 = vector.broadcast %jit3A_3817 : f32 to vector<8x4096xf32>
    %select_n3A_3821 = arith.select %broadcast_in_dim3A_3819, %broadcast_in_dim3A_3820, %slice3A_3816 : vector<8x4096xi1>, vector<8x4096xf32>
    %iota3A_3822 = tpu.iota {dimensions = array<i32: 0>} : vector<8x4096xi32>
    %mul3A_3823 = arith.constant 2048 : i32
    %mul3A_3824 = arith.muli %arg1, %mul3A_3823 : i32
    %add3A_3825 = arith.constant 1792 : i32
    %add3A_3826 = arith.addi %mul3A_3824, %add3A_3825 : i32
    %add3A_3827 = vector.broadcast %add3A_3826 : i32 to vector<8x4096xi32>
    %add3A_3828 = arith.addi %iota3A_3822, %add3A_3827 : vector<8x4096xi32>
    %gt3A_3829 = arith.cmpf ogt, %select_n3A_3821, %select_n3A_3813 : vector<8x4096xf32>
    %select_n3A_3830 = arith.select %gt3A_3829, %select_n3A_3821, %select_n3A_3813 : vector<8x4096xi1>, vector<8x4096xf32>
    %select_n3A_3831 = arith.select %gt3A_3829, %add3A_3828, %select_n3A_3814 : vector<8x4096xi1>, vector<8x4096xi32>
    %slice3A_3832 = vector.extract_strided_slice %gt3A_17 {offsets = [1800, 0], sizes = [8, 1], strides = [1, 1]} : vector<2048x1xi1> to vector<8x1xi1>
    %slice3A_3833 = vector.extract_strided_slice %dot_general3A_10 {offsets = [1800, 0], sizes = [8, 4096], strides = [1, 1]} : vector<2048x4096xf32> to vector<8x4096xf32>
    %jit3A_3834 = arith.constant 0xFF800000 : f32
    %broadcast_in_dim3A_3835 = vector.shape_cast %slice3A_3832 : vector<8x1xi1> to vector<8x1xi1>
    %broadcast_in_dim3A_3836 = vector.broadcast %broadcast_in_dim3A_3835 : vector<8x1xi1> to vector<8x4096xi1>
    %broadcast_in_dim3A_3837 = vector.broadcast %jit3A_3834 : f32 to vector<8x4096xf32>
    %select_n3A_3838 = arith.select %broadcast_in_dim3A_3836, %broadcast_in_dim3A_3837, %slice3A_3833 : vector<8x4096xi1>, vector<8x4096xf32>
    %iota3A_3839 = tpu.iota {dimensions = array<i32: 0>} : vector<8x4096xi32>
    %mul3A_3840 = arith.constant 2048 : i32
    %mul3A_3841 = arith.muli %arg1, %mul3A_3840 : i32
    %add3A_3842 = arith.constant 1800 : i32
    %add3A_3843 = arith.addi %mul3A_3841, %add3A_3842 : i32
    %add3A_3844 = vector.broadcast %add3A_3843 : i32 to vector<8x4096xi32>
    %add3A_3845 = arith.addi %iota3A_3839, %add3A_3844 : vector<8x4096xi32>
    %gt3A_3846 = arith.cmpf ogt, %select_n3A_3838, %select_n3A_3830 : vector<8x4096xf32>
    %select_n3A_3847 = arith.select %gt3A_3846, %select_n3A_3838, %select_n3A_3830 : vector<8x4096xi1>, vector<8x4096xf32>
    %select_n3A_3848 = arith.select %gt3A_3846, %add3A_3845, %select_n3A_3831 : vector<8x4096xi1>, vector<8x4096xi32>
    %slice3A_3849 = vector.extract_strided_slice %gt3A_17 {offsets = [1808, 0], sizes = [8, 1], strides = [1, 1]} : vector<2048x1xi1> to vector<8x1xi1>
    %slice3A_3850 = vector.extract_strided_slice %dot_general3A_10 {offsets = [1808, 0], sizes = [8, 4096], strides = [1, 1]} : vector<2048x4096xf32> to vector<8x4096xf32>
    %jit3A_3851 = arith.constant 0xFF800000 : f32
    %broadcast_in_dim3A_3852 = vector.shape_cast %slice3A_3849 : vector<8x1xi1> to vector<8x1xi1>
    %broadcast_in_dim3A_3853 = vector.broadcast %broadcast_in_dim3A_3852 : vector<8x1xi1> to vector<8x4096xi1>
    %broadcast_in_dim3A_3854 = vector.broadcast %jit3A_3851 : f32 to vector<8x4096xf32>
    %select_n3A_3855 = arith.select %broadcast_in_dim3A_3853, %broadcast_in_dim3A_3854, %slice3A_3850 : vector<8x4096xi1>, vector<8x4096xf32>
    %iota3A_3856 = tpu.iota {dimensions = array<i32: 0>} : vector<8x4096xi32>
    %mul3A_3857 = arith.constant 2048 : i32
    %mul3A_3858 = arith.muli %arg1, %mul3A_3857 : i32
    %add3A_3859 = arith.constant 1808 : i32
    %add3A_3860 = arith.addi %mul3A_3858, %add3A_3859 : i32
    %add3A_3861 = vector.broadcast %add3A_3860 : i32 to vector<8x4096xi32>
    %add3A_3862 = arith.addi %iota3A_3856, %add3A_3861 : vector<8x4096xi32>
    %gt3A_3863 = arith.cmpf ogt, %select_n3A_3855, %select_n3A_3847 : vector<8x4096xf32>
    %select_n3A_3864 = arith.select %gt3A_3863, %select_n3A_3855, %select_n3A_3847 : vector<8x4096xi1>, vector<8x4096xf32>
    %select_n3A_3865 = arith.select %gt3A_3863, %add3A_3862, %select_n3A_3848 : vector<8x4096xi1>, vector<8x4096xi32>
    %slice3A_3866 = vector.extract_strided_slice %gt3A_17 {offsets = [1816, 0], sizes = [8, 1], strides = [1, 1]} : vector<2048x1xi1> to vector<8x1xi1>
    %slice3A_3867 = vector.extract_strided_slice %dot_general3A_10 {offsets = [1816, 0], sizes = [8, 4096], strides = [1, 1]} : vector<2048x4096xf32> to vector<8x4096xf32>
    %jit3A_3868 = arith.constant 0xFF800000 : f32
    %broadcast_in_dim3A_3869 = vector.shape_cast %slice3A_3866 : vector<8x1xi1> to vector<8x1xi1>
    %broadcast_in_dim3A_3870 = vector.broadcast %broadcast_in_dim3A_3869 : vector<8x1xi1> to vector<8x4096xi1>
    %broadcast_in_dim3A_3871 = vector.broadcast %jit3A_3868 : f32 to vector<8x4096xf32>
    %select_n3A_3872 = arith.select %broadcast_in_dim3A_3870, %broadcast_in_dim3A_3871, %slice3A_3867 : vector<8x4096xi1>, vector<8x4096xf32>
    %iota3A_3873 = tpu.iota {dimensions = array<i32: 0>} : vector<8x4096xi32>
    %mul3A_3874 = arith.constant 2048 : i32
    %mul3A_3875 = arith.muli %arg1, %mul3A_3874 : i32
    %add3A_3876 = arith.constant 1816 : i32
    %add3A_3877 = arith.addi %mul3A_3875, %add3A_3876 : i32
    %add3A_3878 = vector.broadcast %add3A_3877 : i32 to vector<8x4096xi32>
    %add3A_3879 = arith.addi %iota3A_3873, %add3A_3878 : vector<8x4096xi32>
    %gt3A_3880 = arith.cmpf ogt, %select_n3A_3872, %select_n3A_3864 : vector<8x4096xf32>
    %select_n3A_3881 = arith.select %gt3A_3880, %select_n3A_3872, %select_n3A_3864 : vector<8x4096xi1>, vector<8x4096xf32>
    %select_n3A_3882 = arith.select %gt3A_3880, %add3A_3879, %select_n3A_3865 : vector<8x4096xi1>, vector<8x4096xi32>
    %slice3A_3883 = vector.extract_strided_slice %gt3A_17 {offsets = [1824, 0], sizes = [8, 1], strides = [1, 1]} : vector<2048x1xi1> to vector<8x1xi1>
    %slice3A_3884 = vector.extract_strided_slice %dot_general3A_10 {offsets = [1824, 0], sizes = [8, 4096], strides = [1, 1]} : vector<2048x4096xf32> to vector<8x4096xf32>
    %jit3A_3885 = arith.constant 0xFF800000 : f32
    %broadcast_in_dim3A_3886 = vector.shape_cast %slice3A_3883 : vector<8x1xi1> to vector<8x1xi1>
    %broadcast_in_dim3A_3887 = vector.broadcast %broadcast_in_dim3A_3886 : vector<8x1xi1> to vector<8x4096xi1>
    %broadcast_in_dim3A_3888 = vector.broadcast %jit3A_3885 : f32 to vector<8x4096xf32>
    %select_n3A_3889 = arith.select %broadcast_in_dim3A_3887, %broadcast_in_dim3A_3888, %slice3A_3884 : vector<8x4096xi1>, vector<8x4096xf32>
    %iota3A_3890 = tpu.iota {dimensions = array<i32: 0>} : vector<8x4096xi32>
    %mul3A_3891 = arith.constant 2048 : i32
    %mul3A_3892 = arith.muli %arg1, %mul3A_3891 : i32
    %add3A_3893 = arith.constant 1824 : i32
    %add3A_3894 = arith.addi %mul3A_3892, %add3A_3893 : i32
    %add3A_3895 = vector.broadcast %add3A_3894 : i32 to vector<8x4096xi32>
    %add3A_3896 = arith.addi %iota3A_3890, %add3A_3895 : vector<8x4096xi32>
    %gt3A_3897 = arith.cmpf ogt, %select_n3A_3889, %select_n3A_3881 : vector<8x4096xf32>
    %select_n3A_3898 = arith.select %gt3A_3897, %select_n3A_3889, %select_n3A_3881 : vector<8x4096xi1>, vector<8x4096xf32>
    %select_n3A_3899 = arith.select %gt3A_3897, %add3A_3896, %select_n3A_3882 : vector<8x4096xi1>, vector<8x4096xi32>
    %slice3A_3900 = vector.extract_strided_slice %gt3A_17 {offsets = [1832, 0], sizes = [8, 1], strides = [1, 1]} : vector<2048x1xi1> to vector<8x1xi1>
    %slice3A_3901 = vector.extract_strided_slice %dot_general3A_10 {offsets = [1832, 0], sizes = [8, 4096], strides = [1, 1]} : vector<2048x4096xf32> to vector<8x4096xf32>
    %jit3A_3902 = arith.constant 0xFF800000 : f32
    %broadcast_in_dim3A_3903 = vector.shape_cast %slice3A_3900 : vector<8x1xi1> to vector<8x1xi1>
    %broadcast_in_dim3A_3904 = vector.broadcast %broadcast_in_dim3A_3903 : vector<8x1xi1> to vector<8x4096xi1>
    %broadcast_in_dim3A_3905 = vector.broadcast %jit3A_3902 : f32 to vector<8x4096xf32>
    %select_n3A_3906 = arith.select %broadcast_in_dim3A_3904, %broadcast_in_dim3A_3905, %slice3A_3901 : vector<8x4096xi1>, vector<8x4096xf32>
    %iota3A_3907 = tpu.iota {dimensions = array<i32: 0>} : vector<8x4096xi32>
    %mul3A_3908 = arith.constant 2048 : i32
    %mul3A_3909 = arith.muli %arg1, %mul3A_3908 : i32
    %add3A_3910 = arith.constant 1832 : i32
    %add3A_3911 = arith.addi %mul3A_3909, %add3A_3910 : i32
    %add3A_3912 = vector.broadcast %add3A_3911 : i32 to vector<8x4096xi32>
    %add3A_3913 = arith.addi %iota3A_3907, %add3A_3912 : vector<8x4096xi32>
    %gt3A_3914 = arith.cmpf ogt, %select_n3A_3906, %select_n3A_3898 : vector<8x4096xf32>
    %select_n3A_3915 = arith.select %gt3A_3914, %select_n3A_3906, %select_n3A_3898 : vector<8x4096xi1>, vector<8x4096xf32>
    %select_n3A_3916 = arith.select %gt3A_3914, %add3A_3913, %select_n3A_3899 : vector<8x4096xi1>, vector<8x4096xi32>
    %slice3A_3917 = vector.extract_strided_slice %gt3A_17 {offsets = [1840, 0], sizes = [8, 1], strides = [1, 1]} : vector<2048x1xi1> to vector<8x1xi1>
    %slice3A_3918 = vector.extract_strided_slice %dot_general3A_10 {offsets = [1840, 0], sizes = [8, 4096], strides = [1, 1]} : vector<2048x4096xf32> to vector<8x4096xf32>
    %jit3A_3919 = arith.constant 0xFF800000 : f32
    %broadcast_in_dim3A_3920 = vector.shape_cast %slice3A_3917 : vector<8x1xi1> to vector<8x1xi1>
    %broadcast_in_dim3A_3921 = vector.broadcast %broadcast_in_dim3A_3920 : vector<8x1xi1> to vector<8x4096xi1>
    %broadcast_in_dim3A_3922 = vector.broadcast %jit3A_3919 : f32 to vector<8x4096xf32>
    %select_n3A_3923 = arith.select %broadcast_in_dim3A_3921, %broadcast_in_dim3A_3922, %slice3A_3918 : vector<8x4096xi1>, vector<8x4096xf32>
    %iota3A_3924 = tpu.iota {dimensions = array<i32: 0>} : vector<8x4096xi32>
    %mul3A_3925 = arith.constant 2048 : i32
    %mul3A_3926 = arith.muli %arg1, %mul3A_3925 : i32
    %add3A_3927 = arith.constant 1840 : i32
    %add3A_3928 = arith.addi %mul3A_3926, %add3A_3927 : i32
    %add3A_3929 = vector.broadcast %add3A_3928 : i32 to vector<8x4096xi32>
    %add3A_3930 = arith.addi %iota3A_3924, %add3A_3929 : vector<8x4096xi32>
    %gt3A_3931 = arith.cmpf ogt, %select_n3A_3923, %select_n3A_3915 : vector<8x4096xf32>
    %select_n3A_3932 = arith.select %gt3A_3931, %select_n3A_3923, %select_n3A_3915 : vector<8x4096xi1>, vector<8x4096xf32>
    %select_n3A_3933 = arith.select %gt3A_3931, %add3A_3930, %select_n3A_3916 : vector<8x4096xi1>, vector<8x4096xi32>
    %slice3A_3934 = vector.extract_strided_slice %gt3A_17 {offsets = [1848, 0], sizes = [8, 1], strides = [1, 1]} : vector<2048x1xi1> to vector<8x1xi1>
    %slice3A_3935 = vector.extract_strided_slice %dot_general3A_10 {offsets = [1848, 0], sizes = [8, 4096], strides = [1, 1]} : vector<2048x4096xf32> to vector<8x4096xf32>
    %jit3A_3936 = arith.constant 0xFF800000 : f32
    %broadcast_in_dim3A_3937 = vector.shape_cast %slice3A_3934 : vector<8x1xi1> to vector<8x1xi1>
    %broadcast_in_dim3A_3938 = vector.broadcast %broadcast_in_dim3A_3937 : vector<8x1xi1> to vector<8x4096xi1>
    %broadcast_in_dim3A_3939 = vector.broadcast %jit3A_3936 : f32 to vector<8x4096xf32>
    %select_n3A_3940 = arith.select %broadcast_in_dim3A_3938, %broadcast_in_dim3A_3939, %slice3A_3935 : vector<8x4096xi1>, vector<8x4096xf32>
    %iota3A_3941 = tpu.iota {dimensions = array<i32: 0>} : vector<8x4096xi32>
    %mul3A_3942 = arith.constant 2048 : i32
    %mul3A_3943 = arith.muli %arg1, %mul3A_3942 : i32
    %add3A_3944 = arith.constant 1848 : i32
    %add3A_3945 = arith.addi %mul3A_3943, %add3A_3944 : i32
    %add3A_3946 = vector.broadcast %add3A_3945 : i32 to vector<8x4096xi32>
    %add3A_3947 = arith.addi %iota3A_3941, %add3A_3946 : vector<8x4096xi32>
    %gt3A_3948 = arith.cmpf ogt, %select_n3A_3940, %select_n3A_3932 : vector<8x4096xf32>
    %select_n3A_3949 = arith.select %gt3A_3948, %select_n3A_3940, %select_n3A_3932 : vector<8x4096xi1>, vector<8x4096xf32>
    %select_n3A_3950 = arith.select %gt3A_3948, %add3A_3947, %select_n3A_3933 : vector<8x4096xi1>, vector<8x4096xi32>
    %slice3A_3951 = vector.extract_strided_slice %gt3A_17 {offsets = [1856, 0], sizes = [8, 1], strides = [1, 1]} : vector<2048x1xi1> to vector<8x1xi1>
    %slice3A_3952 = vector.extract_strided_slice %dot_general3A_10 {offsets = [1856, 0], sizes = [8, 4096], strides = [1, 1]} : vector<2048x4096xf32> to vector<8x4096xf32>
    %jit3A_3953 = arith.constant 0xFF800000 : f32
    %broadcast_in_dim3A_3954 = vector.shape_cast %slice3A_3951 : vector<8x1xi1> to vector<8x1xi1>
    %broadcast_in_dim3A_3955 = vector.broadcast %broadcast_in_dim3A_3954 : vector<8x1xi1> to vector<8x4096xi1>
    %broadcast_in_dim3A_3956 = vector.broadcast %jit3A_3953 : f32 to vector<8x4096xf32>
    %select_n3A_3957 = arith.select %broadcast_in_dim3A_3955, %broadcast_in_dim3A_3956, %slice3A_3952 : vector<8x4096xi1>, vector<8x4096xf32>
    %iota3A_3958 = tpu.iota {dimensions = array<i32: 0>} : vector<8x4096xi32>
    %mul3A_3959 = arith.constant 2048 : i32
    %mul3A_3960 = arith.muli %arg1, %mul3A_3959 : i32
    %add3A_3961 = arith.constant 1856 : i32
    %add3A_3962 = arith.addi %mul3A_3960, %add3A_3961 : i32
    %add3A_3963 = vector.broadcast %add3A_3962 : i32 to vector<8x4096xi32>
    %add3A_3964 = arith.addi %iota3A_3958, %add3A_3963 : vector<8x4096xi32>
    %gt3A_3965 = arith.cmpf ogt, %select_n3A_3957, %select_n3A_3949 : vector<8x4096xf32>
    %select_n3A_3966 = arith.select %gt3A_3965, %select_n3A_3957, %select_n3A_3949 : vector<8x4096xi1>, vector<8x4096xf32>
    %select_n3A_3967 = arith.select %gt3A_3965, %add3A_3964, %select_n3A_3950 : vector<8x4096xi1>, vector<8x4096xi32>
    %slice3A_3968 = vector.extract_strided_slice %gt3A_17 {offsets = [1864, 0], sizes = [8, 1], strides = [1, 1]} : vector<2048x1xi1> to vector<8x1xi1>
    %slice3A_3969 = vector.extract_strided_slice %dot_general3A_10 {offsets = [1864, 0], sizes = [8, 4096], strides = [1, 1]} : vector<2048x4096xf32> to vector<8x4096xf32>
    %jit3A_3970 = arith.constant 0xFF800000 : f32
    %broadcast_in_dim3A_3971 = vector.shape_cast %slice3A_3968 : vector<8x1xi1> to vector<8x1xi1>
    %broadcast_in_dim3A_3972 = vector.broadcast %broadcast_in_dim3A_3971 : vector<8x1xi1> to vector<8x4096xi1>
    %broadcast_in_dim3A_3973 = vector.broadcast %jit3A_3970 : f32 to vector<8x4096xf32>
    %select_n3A_3974 = arith.select %broadcast_in_dim3A_3972, %broadcast_in_dim3A_3973, %slice3A_3969 : vector<8x4096xi1>, vector<8x4096xf32>
    %iota3A_3975 = tpu.iota {dimensions = array<i32: 0>} : vector<8x4096xi32>
    %mul3A_3976 = arith.constant 2048 : i32
    %mul3A_3977 = arith.muli %arg1, %mul3A_3976 : i32
    %add3A_3978 = arith.constant 1864 : i32
    %add3A_3979 = arith.addi %mul3A_3977, %add3A_3978 : i32
    %add3A_3980 = vector.broadcast %add3A_3979 : i32 to vector<8x4096xi32>
    %add3A_3981 = arith.addi %iota3A_3975, %add3A_3980 : vector<8x4096xi32>
    %gt3A_3982 = arith.cmpf ogt, %select_n3A_3974, %select_n3A_3966 : vector<8x4096xf32>
    %select_n3A_3983 = arith.select %gt3A_3982, %select_n3A_3974, %select_n3A_3966 : vector<8x4096xi1>, vector<8x4096xf32>
    %select_n3A_3984 = arith.select %gt3A_3982, %add3A_3981, %select_n3A_3967 : vector<8x4096xi1>, vector<8x4096xi32>
    %slice3A_3985 = vector.extract_strided_slice %gt3A_17 {offsets = [1872, 0], sizes = [8, 1], strides = [1, 1]} : vector<2048x1xi1> to vector<8x1xi1>
    %slice3A_3986 = vector.extract_strided_slice %dot_general3A_10 {offsets = [1872, 0], sizes = [8, 4096], strides = [1, 1]} : vector<2048x4096xf32> to vector<8x4096xf32>
    %jit3A_3987 = arith.constant 0xFF800000 : f32
    %broadcast_in_dim3A_3988 = vector.shape_cast %slice3A_3985 : vector<8x1xi1> to vector<8x1xi1>
    %broadcast_in_dim3A_3989 = vector.broadcast %broadcast_in_dim3A_3988 : vector<8x1xi1> to vector<8x4096xi1>
    %broadcast_in_dim3A_3990 = vector.broadcast %jit3A_3987 : f32 to vector<8x4096xf32>
    %select_n3A_3991 = arith.select %broadcast_in_dim3A_3989, %broadcast_in_dim3A_3990, %slice3A_3986 : vector<8x4096xi1>, vector<8x4096xf32>
    %iota3A_3992 = tpu.iota {dimensions = array<i32: 0>} : vector<8x4096xi32>
    %mul3A_3993 = arith.constant 2048 : i32
    %mul3A_3994 = arith.muli %arg1, %mul3A_3993 : i32
    %add3A_3995 = arith.constant 1872 : i32
    %add3A_3996 = arith.addi %mul3A_3994, %add3A_3995 : i32
    %add3A_3997 = vector.broadcast %add3A_3996 : i32 to vector<8x4096xi32>
    %add3A_3998 = arith.addi %iota3A_3992, %add3A_3997 : vector<8x4096xi32>
    %gt3A_3999 = arith.cmpf ogt, %select_n3A_3991, %select_n3A_3983 : vector<8x4096xf32>
    %select_n3A_4000 = arith.select %gt3A_3999, %select_n3A_3991, %select_n3A_3983 : vector<8x4096xi1>, vector<8x4096xf32>
    %select_n3A_4001 = arith.select %gt3A_3999, %add3A_3998, %select_n3A_3984 : vector<8x4096xi1>, vector<8x4096xi32>
    %slice3A_4002 = vector.extract_strided_slice %gt3A_17 {offsets = [1880, 0], sizes = [8, 1], strides = [1, 1]} : vector<2048x1xi1> to vector<8x1xi1>
    %slice3A_4003 = vector.extract_strided_slice %dot_general3A_10 {offsets = [1880, 0], sizes = [8, 4096], strides = [1, 1]} : vector<2048x4096xf32> to vector<8x4096xf32>
    %jit3A_4004 = arith.constant 0xFF800000 : f32
    %broadcast_in_dim3A_4005 = vector.shape_cast %slice3A_4002 : vector<8x1xi1> to vector<8x1xi1>
    %broadcast_in_dim3A_4006 = vector.broadcast %broadcast_in_dim3A_4005 : vector<8x1xi1> to vector<8x4096xi1>
    %broadcast_in_dim3A_4007 = vector.broadcast %jit3A_4004 : f32 to vector<8x4096xf32>
    %select_n3A_4008 = arith.select %broadcast_in_dim3A_4006, %broadcast_in_dim3A_4007, %slice3A_4003 : vector<8x4096xi1>, vector<8x4096xf32>
    %iota3A_4009 = tpu.iota {dimensions = array<i32: 0>} : vector<8x4096xi32>
    %mul3A_4010 = arith.constant 2048 : i32
    %mul3A_4011 = arith.muli %arg1, %mul3A_4010 : i32
    %add3A_4012 = arith.constant 1880 : i32
    %add3A_4013 = arith.addi %mul3A_4011, %add3A_4012 : i32
    %add3A_4014 = vector.broadcast %add3A_4013 : i32 to vector<8x4096xi32>
    %add3A_4015 = arith.addi %iota3A_4009, %add3A_4014 : vector<8x4096xi32>
    %gt3A_4016 = arith.cmpf ogt, %select_n3A_4008, %select_n3A_4000 : vector<8x4096xf32>
    %select_n3A_4017 = arith.select %gt3A_4016, %select_n3A_4008, %select_n3A_4000 : vector<8x4096xi1>, vector<8x4096xf32>
    %select_n3A_4018 = arith.select %gt3A_4016, %add3A_4015, %select_n3A_4001 : vector<8x4096xi1>, vector<8x4096xi32>
    %slice3A_4019 = vector.extract_strided_slice %gt3A_17 {offsets = [1888, 0], sizes = [8, 1], strides = [1, 1]} : vector<2048x1xi1> to vector<8x1xi1>
    %slice3A_4020 = vector.extract_strided_slice %dot_general3A_10 {offsets = [1888, 0], sizes = [8, 4096], strides = [1, 1]} : vector<2048x4096xf32> to vector<8x4096xf32>
    %jit3A_4021 = arith.constant 0xFF800000 : f32
    %broadcast_in_dim3A_4022 = vector.shape_cast %slice3A_4019 : vector<8x1xi1> to vector<8x1xi1>
    %broadcast_in_dim3A_4023 = vector.broadcast %broadcast_in_dim3A_4022 : vector<8x1xi1> to vector<8x4096xi1>
    %broadcast_in_dim3A_4024 = vector.broadcast %jit3A_4021 : f32 to vector<8x4096xf32>
    %select_n3A_4025 = arith.select %broadcast_in_dim3A_4023, %broadcast_in_dim3A_4024, %slice3A_4020 : vector<8x4096xi1>, vector<8x4096xf32>
    %iota3A_4026 = tpu.iota {dimensions = array<i32: 0>} : vector<8x4096xi32>
    %mul3A_4027 = arith.constant 2048 : i32
    %mul3A_4028 = arith.muli %arg1, %mul3A_4027 : i32
    %add3A_4029 = arith.constant 1888 : i32
    %add3A_4030 = arith.addi %mul3A_4028, %add3A_4029 : i32
    %add3A_4031 = vector.broadcast %add3A_4030 : i32 to vector<8x4096xi32>
    %add3A_4032 = arith.addi %iota3A_4026, %add3A_4031 : vector<8x4096xi32>
    %gt3A_4033 = arith.cmpf ogt, %select_n3A_4025, %select_n3A_4017 : vector<8x4096xf32>
    %select_n3A_4034 = arith.select %gt3A_4033, %select_n3A_4025, %select_n3A_4017 : vector<8x4096xi1>, vector<8x4096xf32>
    %select_n3A_4035 = arith.select %gt3A_4033, %add3A_4032, %select_n3A_4018 : vector<8x4096xi1>, vector<8x4096xi32>
    %slice3A_4036 = vector.extract_strided_slice %gt3A_17 {offsets = [1896, 0], sizes = [8, 1], strides = [1, 1]} : vector<2048x1xi1> to vector<8x1xi1>
    %slice3A_4037 = vector.extract_strided_slice %dot_general3A_10 {offsets = [1896, 0], sizes = [8, 4096], strides = [1, 1]} : vector<2048x4096xf32> to vector<8x4096xf32>
    %jit3A_4038 = arith.constant 0xFF800000 : f32
    %broadcast_in_dim3A_4039 = vector.shape_cast %slice3A_4036 : vector<8x1xi1> to vector<8x1xi1>
    %broadcast_in_dim3A_4040 = vector.broadcast %broadcast_in_dim3A_4039 : vector<8x1xi1> to vector<8x4096xi1>
    %broadcast_in_dim3A_4041 = vector.broadcast %jit3A_4038 : f32 to vector<8x4096xf32>
    %select_n3A_4042 = arith.select %broadcast_in_dim3A_4040, %broadcast_in_dim3A_4041, %slice3A_4037 : vector<8x4096xi1>, vector<8x4096xf32>
    %iota3A_4043 = tpu.iota {dimensions = array<i32: 0>} : vector<8x4096xi32>
    %mul3A_4044 = arith.constant 2048 : i32
    %mul3A_4045 = arith.muli %arg1, %mul3A_4044 : i32
    %add3A_4046 = arith.constant 1896 : i32
    %add3A_4047 = arith.addi %mul3A_4045, %add3A_4046 : i32
    %add3A_4048 = vector.broadcast %add3A_4047 : i32 to vector<8x4096xi32>
    %add3A_4049 = arith.addi %iota3A_4043, %add3A_4048 : vector<8x4096xi32>
    %gt3A_4050 = arith.cmpf ogt, %select_n3A_4042, %select_n3A_4034 : vector<8x4096xf32>
    %select_n3A_4051 = arith.select %gt3A_4050, %select_n3A_4042, %select_n3A_4034 : vector<8x4096xi1>, vector<8x4096xf32>
    %select_n3A_4052 = arith.select %gt3A_4050, %add3A_4049, %select_n3A_4035 : vector<8x4096xi1>, vector<8x4096xi32>
    %slice3A_4053 = vector.extract_strided_slice %gt3A_17 {offsets = [1904, 0], sizes = [8, 1], strides = [1, 1]} : vector<2048x1xi1> to vector<8x1xi1>
    %slice3A_4054 = vector.extract_strided_slice %dot_general3A_10 {offsets = [1904, 0], sizes = [8, 4096], strides = [1, 1]} : vector<2048x4096xf32> to vector<8x4096xf32>
    %jit3A_4055 = arith.constant 0xFF800000 : f32
    %broadcast_in_dim3A_4056 = vector.shape_cast %slice3A_4053 : vector<8x1xi1> to vector<8x1xi1>
    %broadcast_in_dim3A_4057 = vector.broadcast %broadcast_in_dim3A_4056 : vector<8x1xi1> to vector<8x4096xi1>
    %broadcast_in_dim3A_4058 = vector.broadcast %jit3A_4055 : f32 to vector<8x4096xf32>
    %select_n3A_4059 = arith.select %broadcast_in_dim3A_4057, %broadcast_in_dim3A_4058, %slice3A_4054 : vector<8x4096xi1>, vector<8x4096xf32>
    %iota3A_4060 = tpu.iota {dimensions = array<i32: 0>} : vector<8x4096xi32>
    %mul3A_4061 = arith.constant 2048 : i32
    %mul3A_4062 = arith.muli %arg1, %mul3A_4061 : i32
    %add3A_4063 = arith.constant 1904 : i32
    %add3A_4064 = arith.addi %mul3A_4062, %add3A_4063 : i32
    %add3A_4065 = vector.broadcast %add3A_4064 : i32 to vector<8x4096xi32>
    %add3A_4066 = arith.addi %iota3A_4060, %add3A_4065 : vector<8x4096xi32>
    %gt3A_4067 = arith.cmpf ogt, %select_n3A_4059, %select_n3A_4051 : vector<8x4096xf32>
    %select_n3A_4068 = arith.select %gt3A_4067, %select_n3A_4059, %select_n3A_4051 : vector<8x4096xi1>, vector<8x4096xf32>
    %select_n3A_4069 = arith.select %gt3A_4067, %add3A_4066, %select_n3A_4052 : vector<8x4096xi1>, vector<8x4096xi32>
    %slice3A_4070 = vector.extract_strided_slice %gt3A_17 {offsets = [1912, 0], sizes = [8, 1], strides = [1, 1]} : vector<2048x1xi1> to vector<8x1xi1>
    %slice3A_4071 = vector.extract_strided_slice %dot_general3A_10 {offsets = [1912, 0], sizes = [8, 4096], strides = [1, 1]} : vector<2048x4096xf32> to vector<8x4096xf32>
    %jit3A_4072 = arith.constant 0xFF800000 : f32
    %broadcast_in_dim3A_4073 = vector.shape_cast %slice3A_4070 : vector<8x1xi1> to vector<8x1xi1>
    %broadcast_in_dim3A_4074 = vector.broadcast %broadcast_in_dim3A_4073 : vector<8x1xi1> to vector<8x4096xi1>
    %broadcast_in_dim3A_4075 = vector.broadcast %jit3A_4072 : f32 to vector<8x4096xf32>
    %select_n3A_4076 = arith.select %broadcast_in_dim3A_4074, %broadcast_in_dim3A_4075, %slice3A_4071 : vector<8x4096xi1>, vector<8x4096xf32>
    %iota3A_4077 = tpu.iota {dimensions = array<i32: 0>} : vector<8x4096xi32>
    %mul3A_4078 = arith.constant 2048 : i32
    %mul3A_4079 = arith.muli %arg1, %mul3A_4078 : i32
    %add3A_4080 = arith.constant 1912 : i32
    %add3A_4081 = arith.addi %mul3A_4079, %add3A_4080 : i32
    %add3A_4082 = vector.broadcast %add3A_4081 : i32 to vector<8x4096xi32>
    %add3A_4083 = arith.addi %iota3A_4077, %add3A_4082 : vector<8x4096xi32>
    %gt3A_4084 = arith.cmpf ogt, %select_n3A_4076, %select_n3A_4068 : vector<8x4096xf32>
    %select_n3A_4085 = arith.select %gt3A_4084, %select_n3A_4076, %select_n3A_4068 : vector<8x4096xi1>, vector<8x4096xf32>
    %select_n3A_4086 = arith.select %gt3A_4084, %add3A_4083, %select_n3A_4069 : vector<8x4096xi1>, vector<8x4096xi32>
    %slice3A_4087 = vector.extract_strided_slice %gt3A_17 {offsets = [1920, 0], sizes = [8, 1], strides = [1, 1]} : vector<2048x1xi1> to vector<8x1xi1>
    %slice3A_4088 = vector.extract_strided_slice %dot_general3A_10 {offsets = [1920, 0], sizes = [8, 4096], strides = [1, 1]} : vector<2048x4096xf32> to vector<8x4096xf32>
    %jit3A_4089 = arith.constant 0xFF800000 : f32
    %broadcast_in_dim3A_4090 = vector.shape_cast %slice3A_4087 : vector<8x1xi1> to vector<8x1xi1>
    %broadcast_in_dim3A_4091 = vector.broadcast %broadcast_in_dim3A_4090 : vector<8x1xi1> to vector<8x4096xi1>
    %broadcast_in_dim3A_4092 = vector.broadcast %jit3A_4089 : f32 to vector<8x4096xf32>
    %select_n3A_4093 = arith.select %broadcast_in_dim3A_4091, %broadcast_in_dim3A_4092, %slice3A_4088 : vector<8x4096xi1>, vector<8x4096xf32>
    %iota3A_4094 = tpu.iota {dimensions = array<i32: 0>} : vector<8x4096xi32>
    %mul3A_4095 = arith.constant 2048 : i32
    %mul3A_4096 = arith.muli %arg1, %mul3A_4095 : i32
    %add3A_4097 = arith.constant 1920 : i32
    %add3A_4098 = arith.addi %mul3A_4096, %add3A_4097 : i32
    %add3A_4099 = vector.broadcast %add3A_4098 : i32 to vector<8x4096xi32>
    %add3A_4100 = arith.addi %iota3A_4094, %add3A_4099 : vector<8x4096xi32>
    %gt3A_4101 = arith.cmpf ogt, %select_n3A_4093, %select_n3A_4085 : vector<8x4096xf32>
    %select_n3A_4102 = arith.select %gt3A_4101, %select_n3A_4093, %select_n3A_4085 : vector<8x4096xi1>, vector<8x4096xf32>
    %select_n3A_4103 = arith.select %gt3A_4101, %add3A_4100, %select_n3A_4086 : vector<8x4096xi1>, vector<8x4096xi32>
    %slice3A_4104 = vector.extract_strided_slice %gt3A_17 {offsets = [1928, 0], sizes = [8, 1], strides = [1, 1]} : vector<2048x1xi1> to vector<8x1xi1>
    %slice3A_4105 = vector.extract_strided_slice %dot_general3A_10 {offsets = [1928, 0], sizes = [8, 4096], strides = [1, 1]} : vector<2048x4096xf32> to vector<8x4096xf32>
    %jit3A_4106 = arith.constant 0xFF800000 : f32
    %broadcast_in_dim3A_4107 = vector.shape_cast %slice3A_4104 : vector<8x1xi1> to vector<8x1xi1>
    %broadcast_in_dim3A_4108 = vector.broadcast %broadcast_in_dim3A_4107 : vector<8x1xi1> to vector<8x4096xi1>
    %broadcast_in_dim3A_4109 = vector.broadcast %jit3A_4106 : f32 to vector<8x4096xf32>
    %select_n3A_4110 = arith.select %broadcast_in_dim3A_4108, %broadcast_in_dim3A_4109, %slice3A_4105 : vector<8x4096xi1>, vector<8x4096xf32>
    %iota3A_4111 = tpu.iota {dimensions = array<i32: 0>} : vector<8x4096xi32>
    %mul3A_4112 = arith.constant 2048 : i32
    %mul3A_4113 = arith.muli %arg1, %mul3A_4112 : i32
    %add3A_4114 = arith.constant 1928 : i32
    %add3A_4115 = arith.addi %mul3A_4113, %add3A_4114 : i32
    %add3A_4116 = vector.broadcast %add3A_4115 : i32 to vector<8x4096xi32>
    %add3A_4117 = arith.addi %iota3A_4111, %add3A_4116 : vector<8x4096xi32>
    %gt3A_4118 = arith.cmpf ogt, %select_n3A_4110, %select_n3A_4102 : vector<8x4096xf32>
    %select_n3A_4119 = arith.select %gt3A_4118, %select_n3A_4110, %select_n3A_4102 : vector<8x4096xi1>, vector<8x4096xf32>
    %select_n3A_4120 = arith.select %gt3A_4118, %add3A_4117, %select_n3A_4103 : vector<8x4096xi1>, vector<8x4096xi32>
    %slice3A_4121 = vector.extract_strided_slice %gt3A_17 {offsets = [1936, 0], sizes = [8, 1], strides = [1, 1]} : vector<2048x1xi1> to vector<8x1xi1>
    %slice3A_4122 = vector.extract_strided_slice %dot_general3A_10 {offsets = [1936, 0], sizes = [8, 4096], strides = [1, 1]} : vector<2048x4096xf32> to vector<8x4096xf32>
    %jit3A_4123 = arith.constant 0xFF800000 : f32
    %broadcast_in_dim3A_4124 = vector.shape_cast %slice3A_4121 : vector<8x1xi1> to vector<8x1xi1>
    %broadcast_in_dim3A_4125 = vector.broadcast %broadcast_in_dim3A_4124 : vector<8x1xi1> to vector<8x4096xi1>
    %broadcast_in_dim3A_4126 = vector.broadcast %jit3A_4123 : f32 to vector<8x4096xf32>
    %select_n3A_4127 = arith.select %broadcast_in_dim3A_4125, %broadcast_in_dim3A_4126, %slice3A_4122 : vector<8x4096xi1>, vector<8x4096xf32>
    %iota3A_4128 = tpu.iota {dimensions = array<i32: 0>} : vector<8x4096xi32>
    %mul3A_4129 = arith.constant 2048 : i32
    %mul3A_4130 = arith.muli %arg1, %mul3A_4129 : i32
    %add3A_4131 = arith.constant 1936 : i32
    %add3A_4132 = arith.addi %mul3A_4130, %add3A_4131 : i32
    %add3A_4133 = vector.broadcast %add3A_4132 : i32 to vector<8x4096xi32>
    %add3A_4134 = arith.addi %iota3A_4128, %add3A_4133 : vector<8x4096xi32>
    %gt3A_4135 = arith.cmpf ogt, %select_n3A_4127, %select_n3A_4119 : vector<8x4096xf32>
    %select_n3A_4136 = arith.select %gt3A_4135, %select_n3A_4127, %select_n3A_4119 : vector<8x4096xi1>, vector<8x4096xf32>
    %select_n3A_4137 = arith.select %gt3A_4135, %add3A_4134, %select_n3A_4120 : vector<8x4096xi1>, vector<8x4096xi32>
    %slice3A_4138 = vector.extract_strided_slice %gt3A_17 {offsets = [1944, 0], sizes = [8, 1], strides = [1, 1]} : vector<2048x1xi1> to vector<8x1xi1>
    %slice3A_4139 = vector.extract_strided_slice %dot_general3A_10 {offsets = [1944, 0], sizes = [8, 4096], strides = [1, 1]} : vector<2048x4096xf32> to vector<8x4096xf32>
    %jit3A_4140 = arith.constant 0xFF800000 : f32
    %broadcast_in_dim3A_4141 = vector.shape_cast %slice3A_4138 : vector<8x1xi1> to vector<8x1xi1>
    %broadcast_in_dim3A_4142 = vector.broadcast %broadcast_in_dim3A_4141 : vector<8x1xi1> to vector<8x4096xi1>
    %broadcast_in_dim3A_4143 = vector.broadcast %jit3A_4140 : f32 to vector<8x4096xf32>
    %select_n3A_4144 = arith.select %broadcast_in_dim3A_4142, %broadcast_in_dim3A_4143, %slice3A_4139 : vector<8x4096xi1>, vector<8x4096xf32>
    %iota3A_4145 = tpu.iota {dimensions = array<i32: 0>} : vector<8x4096xi32>
    %mul3A_4146 = arith.constant 2048 : i32
    %mul3A_4147 = arith.muli %arg1, %mul3A_4146 : i32
    %add3A_4148 = arith.constant 1944 : i32
    %add3A_4149 = arith.addi %mul3A_4147, %add3A_4148 : i32
    %add3A_4150 = vector.broadcast %add3A_4149 : i32 to vector<8x4096xi32>
    %add3A_4151 = arith.addi %iota3A_4145, %add3A_4150 : vector<8x4096xi32>
    %gt3A_4152 = arith.cmpf ogt, %select_n3A_4144, %select_n3A_4136 : vector<8x4096xf32>
    %select_n3A_4153 = arith.select %gt3A_4152, %select_n3A_4144, %select_n3A_4136 : vector<8x4096xi1>, vector<8x4096xf32>
    %select_n3A_4154 = arith.select %gt3A_4152, %add3A_4151, %select_n3A_4137 : vector<8x4096xi1>, vector<8x4096xi32>
    %slice3A_4155 = vector.extract_strided_slice %gt3A_17 {offsets = [1952, 0], sizes = [8, 1], strides = [1, 1]} : vector<2048x1xi1> to vector<8x1xi1>
    %slice3A_4156 = vector.extract_strided_slice %dot_general3A_10 {offsets = [1952, 0], sizes = [8, 4096], strides = [1, 1]} : vector<2048x4096xf32> to vector<8x4096xf32>
    %jit3A_4157 = arith.constant 0xFF800000 : f32
    %broadcast_in_dim3A_4158 = vector.shape_cast %slice3A_4155 : vector<8x1xi1> to vector<8x1xi1>
    %broadcast_in_dim3A_4159 = vector.broadcast %broadcast_in_dim3A_4158 : vector<8x1xi1> to vector<8x4096xi1>
    %broadcast_in_dim3A_4160 = vector.broadcast %jit3A_4157 : f32 to vector<8x4096xf32>
    %select_n3A_4161 = arith.select %broadcast_in_dim3A_4159, %broadcast_in_dim3A_4160, %slice3A_4156 : vector<8x4096xi1>, vector<8x4096xf32>
    %iota3A_4162 = tpu.iota {dimensions = array<i32: 0>} : vector<8x4096xi32>
    %mul3A_4163 = arith.constant 2048 : i32
    %mul3A_4164 = arith.muli %arg1, %mul3A_4163 : i32
    %add3A_4165 = arith.constant 1952 : i32
    %add3A_4166 = arith.addi %mul3A_4164, %add3A_4165 : i32
    %add3A_4167 = vector.broadcast %add3A_4166 : i32 to vector<8x4096xi32>
    %add3A_4168 = arith.addi %iota3A_4162, %add3A_4167 : vector<8x4096xi32>
    %gt3A_4169 = arith.cmpf ogt, %select_n3A_4161, %select_n3A_4153 : vector<8x4096xf32>
    %select_n3A_4170 = arith.select %gt3A_4169, %select_n3A_4161, %select_n3A_4153 : vector<8x4096xi1>, vector<8x4096xf32>
    %select_n3A_4171 = arith.select %gt3A_4169, %add3A_4168, %select_n3A_4154 : vector<8x4096xi1>, vector<8x4096xi32>
    %slice3A_4172 = vector.extract_strided_slice %gt3A_17 {offsets = [1960, 0], sizes = [8, 1], strides = [1, 1]} : vector<2048x1xi1> to vector<8x1xi1>
    %slice3A_4173 = vector.extract_strided_slice %dot_general3A_10 {offsets = [1960, 0], sizes = [8, 4096], strides = [1, 1]} : vector<2048x4096xf32> to vector<8x4096xf32>
    %jit3A_4174 = arith.constant 0xFF800000 : f32
    %broadcast_in_dim3A_4175 = vector.shape_cast %slice3A_4172 : vector<8x1xi1> to vector<8x1xi1>
    %broadcast_in_dim3A_4176 = vector.broadcast %broadcast_in_dim3A_4175 : vector<8x1xi1> to vector<8x4096xi1>
    %broadcast_in_dim3A_4177 = vector.broadcast %jit3A_4174 : f32 to vector<8x4096xf32>
    %select_n3A_4178 = arith.select %broadcast_in_dim3A_4176, %broadcast_in_dim3A_4177, %slice3A_4173 : vector<8x4096xi1>, vector<8x4096xf32>
    %iota3A_4179 = tpu.iota {dimensions = array<i32: 0>} : vector<8x4096xi32>
    %mul3A_4180 = arith.constant 2048 : i32
    %mul3A_4181 = arith.muli %arg1, %mul3A_4180 : i32
    %add3A_4182 = arith.constant 1960 : i32
    %add3A_4183 = arith.addi %mul3A_4181, %add3A_4182 : i32
    %add3A_4184 = vector.broadcast %add3A_4183 : i32 to vector<8x4096xi32>
    %add3A_4185 = arith.addi %iota3A_4179, %add3A_4184 : vector<8x4096xi32>
    %gt3A_4186 = arith.cmpf ogt, %select_n3A_4178, %select_n3A_4170 : vector<8x4096xf32>
    %select_n3A_4187 = arith.select %gt3A_4186, %select_n3A_4178, %select_n3A_4170 : vector<8x4096xi1>, vector<8x4096xf32>
    %select_n3A_4188 = arith.select %gt3A_4186, %add3A_4185, %select_n3A_4171 : vector<8x4096xi1>, vector<8x4096xi32>
    %slice3A_4189 = vector.extract_strided_slice %gt3A_17 {offsets = [1968, 0], sizes = [8, 1], strides = [1, 1]} : vector<2048x1xi1> to vector<8x1xi1>
    %slice3A_4190 = vector.extract_strided_slice %dot_general3A_10 {offsets = [1968, 0], sizes = [8, 4096], strides = [1, 1]} : vector<2048x4096xf32> to vector<8x4096xf32>
    %jit3A_4191 = arith.constant 0xFF800000 : f32
    %broadcast_in_dim3A_4192 = vector.shape_cast %slice3A_4189 : vector<8x1xi1> to vector<8x1xi1>
    %broadcast_in_dim3A_4193 = vector.broadcast %broadcast_in_dim3A_4192 : vector<8x1xi1> to vector<8x4096xi1>
    %broadcast_in_dim3A_4194 = vector.broadcast %jit3A_4191 : f32 to vector<8x4096xf32>
    %select_n3A_4195 = arith.select %broadcast_in_dim3A_4193, %broadcast_in_dim3A_4194, %slice3A_4190 : vector<8x4096xi1>, vector<8x4096xf32>
    %iota3A_4196 = tpu.iota {dimensions = array<i32: 0>} : vector<8x4096xi32>
    %mul3A_4197 = arith.constant 2048 : i32
    %mul3A_4198 = arith.muli %arg1, %mul3A_4197 : i32
    %add3A_4199 = arith.constant 1968 : i32
    %add3A_4200 = arith.addi %mul3A_4198, %add3A_4199 : i32
    %add3A_4201 = vector.broadcast %add3A_4200 : i32 to vector<8x4096xi32>
    %add3A_4202 = arith.addi %iota3A_4196, %add3A_4201 : vector<8x4096xi32>
    %gt3A_4203 = arith.cmpf ogt, %select_n3A_4195, %select_n3A_4187 : vector<8x4096xf32>
    %select_n3A_4204 = arith.select %gt3A_4203, %select_n3A_4195, %select_n3A_4187 : vector<8x4096xi1>, vector<8x4096xf32>
    %select_n3A_4205 = arith.select %gt3A_4203, %add3A_4202, %select_n3A_4188 : vector<8x4096xi1>, vector<8x4096xi32>
    %slice3A_4206 = vector.extract_strided_slice %gt3A_17 {offsets = [1976, 0], sizes = [8, 1], strides = [1, 1]} : vector<2048x1xi1> to vector<8x1xi1>
    %slice3A_4207 = vector.extract_strided_slice %dot_general3A_10 {offsets = [1976, 0], sizes = [8, 4096], strides = [1, 1]} : vector<2048x4096xf32> to vector<8x4096xf32>
    %jit3A_4208 = arith.constant 0xFF800000 : f32
    %broadcast_in_dim3A_4209 = vector.shape_cast %slice3A_4206 : vector<8x1xi1> to vector<8x1xi1>
    %broadcast_in_dim3A_4210 = vector.broadcast %broadcast_in_dim3A_4209 : vector<8x1xi1> to vector<8x4096xi1>
    %broadcast_in_dim3A_4211 = vector.broadcast %jit3A_4208 : f32 to vector<8x4096xf32>
    %select_n3A_4212 = arith.select %broadcast_in_dim3A_4210, %broadcast_in_dim3A_4211, %slice3A_4207 : vector<8x4096xi1>, vector<8x4096xf32>
    %iota3A_4213 = tpu.iota {dimensions = array<i32: 0>} : vector<8x4096xi32>
    %mul3A_4214 = arith.constant 2048 : i32
    %mul3A_4215 = arith.muli %arg1, %mul3A_4214 : i32
    %add3A_4216 = arith.constant 1976 : i32
    %add3A_4217 = arith.addi %mul3A_4215, %add3A_4216 : i32
    %add3A_4218 = vector.broadcast %add3A_4217 : i32 to vector<8x4096xi32>
    %add3A_4219 = arith.addi %iota3A_4213, %add3A_4218 : vector<8x4096xi32>
    %gt3A_4220 = arith.cmpf ogt, %select_n3A_4212, %select_n3A_4204 : vector<8x4096xf32>
    %select_n3A_4221 = arith.select %gt3A_4220, %select_n3A_4212, %select_n3A_4204 : vector<8x4096xi1>, vector<8x4096xf32>
    %select_n3A_4222 = arith.select %gt3A_4220, %add3A_4219, %select_n3A_4205 : vector<8x4096xi1>, vector<8x4096xi32>
    %slice3A_4223 = vector.extract_strided_slice %gt3A_17 {offsets = [1984, 0], sizes = [8, 1], strides = [1, 1]} : vector<2048x1xi1> to vector<8x1xi1>
    %slice3A_4224 = vector.extract_strided_slice %dot_general3A_10 {offsets = [1984, 0], sizes = [8, 4096], strides = [1, 1]} : vector<2048x4096xf32> to vector<8x4096xf32>
    %jit3A_4225 = arith.constant 0xFF800000 : f32
    %broadcast_in_dim3A_4226 = vector.shape_cast %slice3A_4223 : vector<8x1xi1> to vector<8x1xi1>
    %broadcast_in_dim3A_4227 = vector.broadcast %broadcast_in_dim3A_4226 : vector<8x1xi1> to vector<8x4096xi1>
    %broadcast_in_dim3A_4228 = vector.broadcast %jit3A_4225 : f32 to vector<8x4096xf32>
    %select_n3A_4229 = arith.select %broadcast_in_dim3A_4227, %broadcast_in_dim3A_4228, %slice3A_4224 : vector<8x4096xi1>, vector<8x4096xf32>
    %iota3A_4230 = tpu.iota {dimensions = array<i32: 0>} : vector<8x4096xi32>
    %mul3A_4231 = arith.constant 2048 : i32
    %mul3A_4232 = arith.muli %arg1, %mul3A_4231 : i32
    %add3A_4233 = arith.constant 1984 : i32
    %add3A_4234 = arith.addi %mul3A_4232, %add3A_4233 : i32
    %add3A_4235 = vector.broadcast %add3A_4234 : i32 to vector<8x4096xi32>
    %add3A_4236 = arith.addi %iota3A_4230, %add3A_4235 : vector<8x4096xi32>
    %gt3A_4237 = arith.cmpf ogt, %select_n3A_4229, %select_n3A_4221 : vector<8x4096xf32>
    %select_n3A_4238 = arith.select %gt3A_4237, %select_n3A_4229, %select_n3A_4221 : vector<8x4096xi1>, vector<8x4096xf32>
    %select_n3A_4239 = arith.select %gt3A_4237, %add3A_4236, %select_n3A_4222 : vector<8x4096xi1>, vector<8x4096xi32>
    %slice3A_4240 = vector.extract_strided_slice %gt3A_17 {offsets = [1992, 0], sizes = [8, 1], strides = [1, 1]} : vector<2048x1xi1> to vector<8x1xi1>
    %slice3A_4241 = vector.extract_strided_slice %dot_general3A_10 {offsets = [1992, 0], sizes = [8, 4096], strides = [1, 1]} : vector<2048x4096xf32> to vector<8x4096xf32>
    %jit3A_4242 = arith.constant 0xFF800000 : f32
    %broadcast_in_dim3A_4243 = vector.shape_cast %slice3A_4240 : vector<8x1xi1> to vector<8x1xi1>
    %broadcast_in_dim3A_4244 = vector.broadcast %broadcast_in_dim3A_4243 : vector<8x1xi1> to vector<8x4096xi1>
    %broadcast_in_dim3A_4245 = vector.broadcast %jit3A_4242 : f32 to vector<8x4096xf32>
    %select_n3A_4246 = arith.select %broadcast_in_dim3A_4244, %broadcast_in_dim3A_4245, %slice3A_4241 : vector<8x4096xi1>, vector<8x4096xf32>
    %iota3A_4247 = tpu.iota {dimensions = array<i32: 0>} : vector<8x4096xi32>
    %mul3A_4248 = arith.constant 2048 : i32
    %mul3A_4249 = arith.muli %arg1, %mul3A_4248 : i32
    %add3A_4250 = arith.constant 1992 : i32
    %add3A_4251 = arith.addi %mul3A_4249, %add3A_4250 : i32
    %add3A_4252 = vector.broadcast %add3A_4251 : i32 to vector<8x4096xi32>
    %add3A_4253 = arith.addi %iota3A_4247, %add3A_4252 : vector<8x4096xi32>
    %gt3A_4254 = arith.cmpf ogt, %select_n3A_4246, %select_n3A_4238 : vector<8x4096xf32>
    %select_n3A_4255 = arith.select %gt3A_4254, %select_n3A_4246, %select_n3A_4238 : vector<8x4096xi1>, vector<8x4096xf32>
    %select_n3A_4256 = arith.select %gt3A_4254, %add3A_4253, %select_n3A_4239 : vector<8x4096xi1>, vector<8x4096xi32>
    %slice3A_4257 = vector.extract_strided_slice %gt3A_17 {offsets = [2000, 0], sizes = [8, 1], strides = [1, 1]} : vector<2048x1xi1> to vector<8x1xi1>
    %slice3A_4258 = vector.extract_strided_slice %dot_general3A_10 {offsets = [2000, 0], sizes = [8, 4096], strides = [1, 1]} : vector<2048x4096xf32> to vector<8x4096xf32>
    %jit3A_4259 = arith.constant 0xFF800000 : f32
    %broadcast_in_dim3A_4260 = vector.shape_cast %slice3A_4257 : vector<8x1xi1> to vector<8x1xi1>
    %broadcast_in_dim3A_4261 = vector.broadcast %broadcast_in_dim3A_4260 : vector<8x1xi1> to vector<8x4096xi1>
    %broadcast_in_dim3A_4262 = vector.broadcast %jit3A_4259 : f32 to vector<8x4096xf32>
    %select_n3A_4263 = arith.select %broadcast_in_dim3A_4261, %broadcast_in_dim3A_4262, %slice3A_4258 : vector<8x4096xi1>, vector<8x4096xf32>
    %iota3A_4264 = tpu.iota {dimensions = array<i32: 0>} : vector<8x4096xi32>
    %mul3A_4265 = arith.constant 2048 : i32
    %mul3A_4266 = arith.muli %arg1, %mul3A_4265 : i32
    %add3A_4267 = arith.constant 2000 : i32
    %add3A_4268 = arith.addi %mul3A_4266, %add3A_4267 : i32
    %add3A_4269 = vector.broadcast %add3A_4268 : i32 to vector<8x4096xi32>
    %add3A_4270 = arith.addi %iota3A_4264, %add3A_4269 : vector<8x4096xi32>
    %gt3A_4271 = arith.cmpf ogt, %select_n3A_4263, %select_n3A_4255 : vector<8x4096xf32>
    %select_n3A_4272 = arith.select %gt3A_4271, %select_n3A_4263, %select_n3A_4255 : vector<8x4096xi1>, vector<8x4096xf32>
    %select_n3A_4273 = arith.select %gt3A_4271, %add3A_4270, %select_n3A_4256 : vector<8x4096xi1>, vector<8x4096xi32>
    %slice3A_4274 = vector.extract_strided_slice %gt3A_17 {offsets = [2008, 0], sizes = [8, 1], strides = [1, 1]} : vector<2048x1xi1> to vector<8x1xi1>
    %slice3A_4275 = vector.extract_strided_slice %dot_general3A_10 {offsets = [2008, 0], sizes = [8, 4096], strides = [1, 1]} : vector<2048x4096xf32> to vector<8x4096xf32>
    %jit3A_4276 = arith.constant 0xFF800000 : f32
    %broadcast_in_dim3A_4277 = vector.shape_cast %slice3A_4274 : vector<8x1xi1> to vector<8x1xi1>
    %broadcast_in_dim3A_4278 = vector.broadcast %broadcast_in_dim3A_4277 : vector<8x1xi1> to vector<8x4096xi1>
    %broadcast_in_dim3A_4279 = vector.broadcast %jit3A_4276 : f32 to vector<8x4096xf32>
    %select_n3A_4280 = arith.select %broadcast_in_dim3A_4278, %broadcast_in_dim3A_4279, %slice3A_4275 : vector<8x4096xi1>, vector<8x4096xf32>
    %iota3A_4281 = tpu.iota {dimensions = array<i32: 0>} : vector<8x4096xi32>
    %mul3A_4282 = arith.constant 2048 : i32
    %mul3A_4283 = arith.muli %arg1, %mul3A_4282 : i32
    %add3A_4284 = arith.constant 2008 : i32
    %add3A_4285 = arith.addi %mul3A_4283, %add3A_4284 : i32
    %add3A_4286 = vector.broadcast %add3A_4285 : i32 to vector<8x4096xi32>
    %add3A_4287 = arith.addi %iota3A_4281, %add3A_4286 : vector<8x4096xi32>
    %gt3A_4288 = arith.cmpf ogt, %select_n3A_4280, %select_n3A_4272 : vector<8x4096xf32>
    %select_n3A_4289 = arith.select %gt3A_4288, %select_n3A_4280, %select_n3A_4272 : vector<8x4096xi1>, vector<8x4096xf32>
    %select_n3A_4290 = arith.select %gt3A_4288, %add3A_4287, %select_n3A_4273 : vector<8x4096xi1>, vector<8x4096xi32>
    %slice3A_4291 = vector.extract_strided_slice %gt3A_17 {offsets = [2016, 0], sizes = [8, 1], strides = [1, 1]} : vector<2048x1xi1> to vector<8x1xi1>
    %slice3A_4292 = vector.extract_strided_slice %dot_general3A_10 {offsets = [2016, 0], sizes = [8, 4096], strides = [1, 1]} : vector<2048x4096xf32> to vector<8x4096xf32>
    %jit3A_4293 = arith.constant 0xFF800000 : f32
    %broadcast_in_dim3A_4294 = vector.shape_cast %slice3A_4291 : vector<8x1xi1> to vector<8x1xi1>
    %broadcast_in_dim3A_4295 = vector.broadcast %broadcast_in_dim3A_4294 : vector<8x1xi1> to vector<8x4096xi1>
    %broadcast_in_dim3A_4296 = vector.broadcast %jit3A_4293 : f32 to vector<8x4096xf32>
    %select_n3A_4297 = arith.select %broadcast_in_dim3A_4295, %broadcast_in_dim3A_4296, %slice3A_4292 : vector<8x4096xi1>, vector<8x4096xf32>
    %iota3A_4298 = tpu.iota {dimensions = array<i32: 0>} : vector<8x4096xi32>
    %mul3A_4299 = arith.constant 2048 : i32
    %mul3A_4300 = arith.muli %arg1, %mul3A_4299 : i32
    %add3A_4301 = arith.constant 2016 : i32
    %add3A_4302 = arith.addi %mul3A_4300, %add3A_4301 : i32
    %add3A_4303 = vector.broadcast %add3A_4302 : i32 to vector<8x4096xi32>
    %add3A_4304 = arith.addi %iota3A_4298, %add3A_4303 : vector<8x4096xi32>
    %gt3A_4305 = arith.cmpf ogt, %select_n3A_4297, %select_n3A_4289 : vector<8x4096xf32>
    %select_n3A_4306 = arith.select %gt3A_4305, %select_n3A_4297, %select_n3A_4289 : vector<8x4096xi1>, vector<8x4096xf32>
    %select_n3A_4307 = arith.select %gt3A_4305, %add3A_4304, %select_n3A_4290 : vector<8x4096xi1>, vector<8x4096xi32>
    %slice3A_4308 = vector.extract_strided_slice %gt3A_17 {offsets = [2024, 0], sizes = [8, 1], strides = [1, 1]} : vector<2048x1xi1> to vector<8x1xi1>
    %slice3A_4309 = vector.extract_strided_slice %dot_general3A_10 {offsets = [2024, 0], sizes = [8, 4096], strides = [1, 1]} : vector<2048x4096xf32> to vector<8x4096xf32>
    %jit3A_4310 = arith.constant 0xFF800000 : f32
    %broadcast_in_dim3A_4311 = vector.shape_cast %slice3A_4308 : vector<8x1xi1> to vector<8x1xi1>
    %broadcast_in_dim3A_4312 = vector.broadcast %broadcast_in_dim3A_4311 : vector<8x1xi1> to vector<8x4096xi1>
    %broadcast_in_dim3A_4313 = vector.broadcast %jit3A_4310 : f32 to vector<8x4096xf32>
    %select_n3A_4314 = arith.select %broadcast_in_dim3A_4312, %broadcast_in_dim3A_4313, %slice3A_4309 : vector<8x4096xi1>, vector<8x4096xf32>
    %iota3A_4315 = tpu.iota {dimensions = array<i32: 0>} : vector<8x4096xi32>
    %mul3A_4316 = arith.constant 2048 : i32
    %mul3A_4317 = arith.muli %arg1, %mul3A_4316 : i32
    %add3A_4318 = arith.constant 2024 : i32
    %add3A_4319 = arith.addi %mul3A_4317, %add3A_4318 : i32
    %add3A_4320 = vector.broadcast %add3A_4319 : i32 to vector<8x4096xi32>
    %add3A_4321 = arith.addi %iota3A_4315, %add3A_4320 : vector<8x4096xi32>
    %gt3A_4322 = arith.cmpf ogt, %select_n3A_4314, %select_n3A_4306 : vector<8x4096xf32>
    %select_n3A_4323 = arith.select %gt3A_4322, %select_n3A_4314, %select_n3A_4306 : vector<8x4096xi1>, vector<8x4096xf32>
    %select_n3A_4324 = arith.select %gt3A_4322, %add3A_4321, %select_n3A_4307 : vector<8x4096xi1>, vector<8x4096xi32>
    %slice3A_4325 = vector.extract_strided_slice %gt3A_17 {offsets = [2032, 0], sizes = [8, 1], strides = [1, 1]} : vector<2048x1xi1> to vector<8x1xi1>
    %slice3A_4326 = vector.extract_strided_slice %dot_general3A_10 {offsets = [2032, 0], sizes = [8, 4096], strides = [1, 1]} : vector<2048x4096xf32> to vector<8x4096xf32>
    %jit3A_4327 = arith.constant 0xFF800000 : f32
    %broadcast_in_dim3A_4328 = vector.shape_cast %slice3A_4325 : vector<8x1xi1> to vector<8x1xi1>
    %broadcast_in_dim3A_4329 = vector.broadcast %broadcast_in_dim3A_4328 : vector<8x1xi1> to vector<8x4096xi1>
    %broadcast_in_dim3A_4330 = vector.broadcast %jit3A_4327 : f32 to vector<8x4096xf32>
    %select_n3A_4331 = arith.select %broadcast_in_dim3A_4329, %broadcast_in_dim3A_4330, %slice3A_4326 : vector<8x4096xi1>, vector<8x4096xf32>
    %iota3A_4332 = tpu.iota {dimensions = array<i32: 0>} : vector<8x4096xi32>
    %mul3A_4333 = arith.constant 2048 : i32
    %mul3A_4334 = arith.muli %arg1, %mul3A_4333 : i32
    %add3A_4335 = arith.constant 2032 : i32
    %add3A_4336 = arith.addi %mul3A_4334, %add3A_4335 : i32
    %add3A_4337 = vector.broadcast %add3A_4336 : i32 to vector<8x4096xi32>
    %add3A_4338 = arith.addi %iota3A_4332, %add3A_4337 : vector<8x4096xi32>
    %gt3A_4339 = arith.cmpf ogt, %select_n3A_4331, %select_n3A_4323 : vector<8x4096xf32>
    %select_n3A_4340 = arith.select %gt3A_4339, %select_n3A_4331, %select_n3A_4323 : vector<8x4096xi1>, vector<8x4096xf32>
    %select_n3A_4341 = arith.select %gt3A_4339, %add3A_4338, %select_n3A_4324 : vector<8x4096xi1>, vector<8x4096xi32>
    %slice3A_4342 = vector.extract_strided_slice %gt3A_17 {offsets = [2040, 0], sizes = [8, 1], strides = [1, 1]} : vector<2048x1xi1> to vector<8x1xi1>
    %slice3A_4343 = vector.extract_strided_slice %dot_general3A_10 {offsets = [2040, 0], sizes = [8, 4096], strides = [1, 1]} : vector<2048x4096xf32> to vector<8x4096xf32>
    %jit3A_4344 = arith.constant 0xFF800000 : f32
    %broadcast_in_dim3A_4345 = vector.shape_cast %slice3A_4342 : vector<8x1xi1> to vector<8x1xi1>
    %broadcast_in_dim3A_4346 = vector.broadcast %broadcast_in_dim3A_4345 : vector<8x1xi1> to vector<8x4096xi1>
    %broadcast_in_dim3A_4347 = vector.broadcast %jit3A_4344 : f32 to vector<8x4096xf32>
    %select_n3A_4348 = arith.select %broadcast_in_dim3A_4346, %broadcast_in_dim3A_4347, %slice3A_4343 : vector<8x4096xi1>, vector<8x4096xf32>
    %iota3A_4349 = tpu.iota {dimensions = array<i32: 0>} : vector<8x4096xi32>
    %mul3A_4350 = arith.constant 2048 : i32
    %mul3A_4351 = arith.muli %arg1, %mul3A_4350 : i32
    %add3A_4352 = arith.constant 2040 : i32
    %add3A_4353 = arith.addi %mul3A_4351, %add3A_4352 : i32
    %add3A_4354 = vector.broadcast %add3A_4353 : i32 to vector<8x4096xi32>
    %add3A_4355 = arith.addi %iota3A_4349, %add3A_4354 : vector<8x4096xi32>
    %gt3A_4356 = arith.cmpf ogt, %select_n3A_4348, %select_n3A_4340 : vector<8x4096xf32>
    %select_n3A_4357 = arith.select %gt3A_4356, %select_n3A_4348, %select_n3A_4340 : vector<8x4096xi1>, vector<8x4096xf32>
    %select_n3A_4358 = arith.select %gt3A_4356, %add3A_4355, %select_n3A_4341 : vector<8x4096xi1>, vector<8x4096xi32>
    %reduce_max3A = arith.constant dense<0xFF800000> : vector<4096xf32>
    %reduce_max3A_4359 = vector.multi_reduction <maximumf>, %select_n3A_4357, %reduce_max3A [0] : vector<8x4096xf32> to vector<4096xf32>
    %broadcast_in_dim3A_4360 = vector.shape_cast %reduce_max3A_4359 : vector<4096xf32> to vector<1x4096xf32>
    %eq3A_4361 = vector.broadcast %broadcast_in_dim3A_4360 : vector<1x4096xf32> to vector<8x4096xf32>
    %eq3A_4362 = arith.cmpf oeq, %select_n3A_4357, %eq3A_4361 : vector<8x4096xf32>
    %jit3A_4363 = arith.constant 1073741824 : i32
    %broadcast_in_dim3A_4364 = vector.broadcast %jit3A_4363 : i32 to vector<8x4096xi32>
    %select_n3A_4365 = arith.select %eq3A_4362, %select_n3A_4358, %broadcast_in_dim3A_4364 : vector<8x4096xi1>, vector<8x4096xi32>
    %reduce_min3A = arith.constant dense<2147483647> : vector<4096xi32>
    %reduce_min3A_4366 = vector.multi_reduction <minsi>, %select_n3A_4365, %reduce_min3A [0] : vector<8x4096xi32> to vector<4096xi32>
    %broadcast_in_dim3A_4367 = vector.shape_cast %reduce_min3A_4366 : vector<4096xi32> to vector<1x4096xi32>
    %eq3A_4368 = arith.constant 0 : i32
    %eq3A_4369 = arith.cmpi eq, %arg1, %eq3A_4368 : i32
    %convert_element_type3A_4370 = arith.extui %eq3A_4369 : i1 to i32
    %cond3A_4371 = arith.constant 0 : i32
    %cond3A_4372 = arith.cmpi ne, %convert_element_type3A_4370, %cond3A_4371 : i32
    scf.if %cond3A_4372 {
      %swap3A = arith.constant 0 : index
      %swap3A_4383 = arith.index_cast %mul3A_0 : i32 to index
      %swap3A_4384 = vector.load %arg9[%swap3A, %swap3A_4383] : memref<1x4096xf32, #tpu.memory_space<vmem>>, vector<1x4096xf32>
      tpu.vector_store %arg9[%swap3A, %swap3A_4383], %broadcast_in_dim3A_4360 {strides = array<i32>} : memref<1x4096xf32, #tpu.memory_space<vmem>>, vector<1x4096xf32>,
      %swap3A_4385 = arith.constant 0 : index
      %swap3A_4386 = arith.index_cast %mul3A_0 : i32 to index
      %swap3A_4387 = vector.load %arg10[%swap3A_4385, %swap3A_4386] : memref<1x4096xi32, #tpu.memory_space<vmem>>, vector<1x4096xi32>
      tpu.vector_store %arg10[%swap3A_4385, %swap3A_4386], %broadcast_in_dim3A_4367 {strides = array<i32>} : memref<1x4096xi32, #tpu.memory_space<vmem>>, vector<1x4096xi32>,
    } else {
    }
    %gt3A_4373 = arith.constant 0 : i32
    %gt3A_4374 = arith.cmpi sgt, %arg1, %gt3A_4373 : i32
    %convert_element_type3A_4375 = arith.extui %gt3A_4374 : i1 to i32
    %cond3A_4376 = arith.constant 0 : i32
    %cond3A_4377 = arith.cmpi ne, %convert_element_type3A_4375, %cond3A_4376 : i32
    scf.if %cond3A_4377 {
      %get3A_4383 = arith.constant 0 : index
      %get3A_4384 = arith.index_cast %mul3A_0 : i32 to index
      %get3A_4385 = vector.load %arg9[%get3A_4383, %get3A_4384] : memref<1x4096xf32, #tpu.memory_space<vmem>>, vector<1x4096xf32>
      %get3A_4386 = arith.constant 0 : index
      %get3A_4387 = arith.index_cast %mul3A_0 : i32 to index
      %get3A_4388 = vector.load %arg10[%get3A_4386, %get3A_4387] : memref<1x4096xi32, #tpu.memory_space<vmem>>, vector<1x4096xi32>
      %gt3A_4389 = arith.cmpf ogt, %broadcast_in_dim3A_4360, %get3A_4385 : vector<1x4096xf32>
      %select_n3A_4390 = arith.select %gt3A_4389, %broadcast_in_dim3A_4360, %get3A_4385 : vector<1x4096xi1>, vector<1x4096xf32>
      %swap3A = arith.constant 0 : index
      %swap3A_4391 = arith.index_cast %mul3A_0 : i32 to index
      %swap3A_4392 = vector.load %arg9[%swap3A, %swap3A_4391] : memref<1x4096xf32, #tpu.memory_space<vmem>>, vector<1x4096xf32>
      tpu.vector_store %arg9[%swap3A, %swap3A_4391], %select_n3A_4390 {strides = array<i32>} : memref<1x4096xf32, #tpu.memory_space<vmem>>, vector<1x4096xf32>,
      %select_n3A_4393 = arith.select %gt3A_4389, %broadcast_in_dim3A_4367, %get3A_4388 : vector<1x4096xi1>, vector<1x4096xi32>
      %swap3A_4394 = arith.constant 0 : index
      %swap3A_4395 = arith.index_cast %mul3A_0 : i32 to index
      %swap3A_4396 = vector.load %arg10[%swap3A_4394, %swap3A_4395] : memref<1x4096xi32, #tpu.memory_space<vmem>>, vector<1x4096xi32>
      tpu.vector_store %arg10[%swap3A_4394, %swap3A_4395], %select_n3A_4393 {strides = array<i32>} : memref<1x4096xi32, #tpu.memory_space<vmem>>, vector<1x4096xi32>,
    } else {
    }
    %eq3A_4378 = arith.constant 1 : i32
    %eq3A_4379 = arith.cmpi eq, %arg1, %eq3A_4378 : i32
    %convert_element_type3A_4380 = arith.extui %eq3A_4379 : i1 to i32
    %cond3A_4381 = arith.constant 0 : i32
    %cond3A_4382 = arith.cmpi ne, %convert_element_type3A_4380, %cond3A_4381 : i32
    scf.if %cond3A_4382 {
      %get3A_4383 = arith.constant 0 : index
      %get3A_4384 = arith.index_cast %mul3A_0 : i32 to index
      %get3A_4385 = vector.load %arg6[%get3A_4383, %get3A_4384] : memref<1x4096xi32, #tpu.memory_space<vmem>>, vector<1x4096xi32>
      %iota3A_4386 = tpu.iota {dimensions = array<i32: 1>} : vector<1x4096xi32>
      %mul3A_4387 = arith.constant 4096 : i32
      %mul3A_4388 = arith.muli %arg2, %mul3A_4387 : i32
      %add3A_4389 = vector.broadcast %mul3A_4388 : i32 to vector<1x4096xi32>
      %add3A_4390 = arith.addi %iota3A_4386, %add3A_4389 : vector<1x4096xi32>
      %gt3A_4391 = arith.constant 0 : i32
      %gt3A_4392 = vector.broadcast %gt3A_4391 : i32 to vector<1x4096xi32>
      %gt3A_4393 = arith.cmpi sgt, %get3A_4385, %gt3A_4392 : vector<1x4096xi32>
      %get3A_4394 = arith.constant 0 : index
      %get3A_4395 = arith.index_cast %mul3A_0 : i32 to index
      %get3A_4396 = vector.load %arg10[%get3A_4394, %get3A_4395] : memref<1x4096xi32, #tpu.memory_space<vmem>>, vector<1x4096xi32>
      %select_n3A_4397 = arith.select %gt3A_4393, %get3A_4396, %add3A_4390 : vector<1x4096xi1>, vector<1x4096xi32>
      %mul3A_4398 = arith.constant 4096 : i32
      %mul3A_4399 = arith.muli %arg0, %mul3A_4398 : i32
      %add3A_4400 = vector.broadcast %mul3A_4399 : i32 to vector<1x4096xi32>
      %add3A_4401 = arith.addi %select_n3A_4397, %add3A_4400 : vector<1x4096xi32>
      %swap3A = arith.constant 0 : index
      %swap3A_4402 = arith.constant 0 : index
      %swap3A_4403 = arith.index_cast %mul3A_0 : i32 to index
      %swap3A_4404 = vector.load %arg7[%swap3A, %swap3A_4402, %swap3A_4403] : memref<1x1x4096xi32, #tpu.memory_space<vmem>>, vector<1x1x4096xi32>
      %swap3A_4405 = vector.shape_cast %swap3A_4404 : vector<1x1x4096xi32> to vector<1x4096xi32>
      %swap3A_4406 = vector.shape_cast %add3A_4401 : vector<1x4096xi32> to vector<1x1x4096xi32>
      tpu.vector_store %arg7[%swap3A, %swap3A_4402, %swap3A_4403], %swap3A_4406 {strides = array<i32>} : memref<1x1x4096xi32, #tpu.memory_space<vmem>>, vector<1x1x4096xi32>,
    } else {
    }
    return
  }
  func.func @transform_0(%arg0: i32, %arg1: i32, %arg2: i32) -> (i32, i32, i32) {
    %c0_i32 = arith.constant 0 : i32
    %c0_i32_0 = arith.constant 0 : i32
    %c0_i32_1 = arith.constant 0 : i32
    return %arg0, %c0_i32, %c0_i32_0 : i32, i32, i32
  }
  func.func @transform_1(%arg0: i32, %arg1: i32, %arg2: i32) -> (i32, i32, i32) {
    %c0_i32 = arith.constant 0 : i32
    %c0_i32_0 = arith.constant 0 : i32
    %c0_i32_1 = arith.constant 0 : i32
    return %arg0, %c0_i32, %c0_i32_0 : i32, i32, i32
  }
  func.func @transform_2(%arg0: i32, %arg1: i32, %arg2: i32) -> (i32, i32) {
    %c0_i32 = arith.constant 0 : i32
    %c0_i32_0 = arith.constant 0 : i32
    %c0_i32_1 = arith.constant 0 : i32
    return %c0_i32, %c0_i32_0 : i32, i32
  }
  func.func @transform_3(%arg0: i32, %arg1: i32, %arg2: i32) -> (i32, i32) {
    %c0_i32 = arith.constant 0 : i32
    %c0_i32_0 = arith.constant 0 : i32
    %c0_i32_1 = arith.constant 0 : i32
    return %c0_i32, %c0_i32_0 : i32, i32
  }
  func.func @transform_4(%arg0: i32, %arg1: i32, %arg2: i32) -> (i32, i32, i32) {
    %c0_i32 = arith.constant 0 : i32
    %c0_i32_0 = arith.constant 0 : i32
    %c0_i32_1 = arith.constant 0 : i32
    return %arg0, %c0_i32, %c0_i32_0 : i32, i32, i32
  }
}

</mosaic_0001>

<sc_bundles>
// kernel: kernel.4.cloned.1.call-start
scs
__scs_entry_jumppad:
0x0: {  	(pc) =	sbr.rel $0x88, $3  }
0x1: {  	(tag) =	ssettag $0x0;
	lr =	simm.s32 $0x1  }
0x2: {  	[smem:$0x3F9E] =	sst lr;
	_ =	strace $0xD0000000  }
0x3: {  	_ = 	snop  }
0x4: {  	_ = 	snop  }
0x5: {  	_ = 	snop  }
0x6: {  	_ = 	snop  }
0x7: {  	_ = 	snop  }
__scs_overlays_trampoline_lowered:
0x8: {  	[smem:$0x3FAD] =	sst s0  }
0x9: {  	[smem:$0x3FAE] =	sst s1  }
0xa: {  	[smem:$0x3FAF] =	sst s2  }
0xb: {  	[smem:$0x3FB0] =	sst s3  }
0xc: {  	[smem:$0x3FB1] =	sst s4  }
0xd: {  	[smem:$0x3FB2] =	sst s5  }
0xe: {  	[smem:$0x3FB3] =	sst s6  }
0xf: {  	[smem:$0x3FB4] =	sst s7  }
0x10: {  	[smem:$0x3FB5] =	sst s8  }
0x11: {  	[smem:$0x3FB6] =	sst s9;
	s0 =	simm.s32 @!p0 $0x0  }
0x12: {  	s1 =	sld [smem:$0x3F9C];
	s0 =	simm.s32 @p0 $0x1  }
0x13: {  	[smem:$0x3FB7] =	sst s0;
	s0 =	simm.s32 @!p1 $0x0  }
0x14: {  	s2 =	sld [smem:$0x3F9B];
	s0 =	simm.s32 @p1 $0x1  }
0x15: {  	[smem:$0x3FB8] =	sst s0;
	s0 =	simm.s32 @!p2 $0x0  }
0x16: {  	s3 =	sld [smem:$0x3FDB];
	s0 =	simm.s32 @p2 $0x1  }
0x17: {  	s4 =	simm.s32 $0x1BF5;
	[smem:$0x3FBA] =	sst s0  }
0x18: {  	s0 =	sld [smem:$0x3F9D];
	_ =	swait.ge [sflag:s4], $0x0  }
0x19: {  	s7 =	sld [smem:$0x3F9E]  }
0x1a: {  	s8 =	sadd.s32 $0xFFFFE003, lr  }
0x1b: {  	s9 =	sadd.s32 $0xFFFFFEF7, lr;
	s5 =	simm.s32 $0xFFFFFFFF;
	p2 =	slt.u32 s8, $0xFFFFF086  }
0x1c: {  	p1 =	slt.u32 s9, $0xF7A;
	s5 =	simm.s32 @!p2 $0x0  }
0x1d: {  	s5 =	simm.s32 @p1 $0x1;
	p0 =	seq.s32 s7, s2  }
0x1e: {  	s7 =	smul.u32 @!p0 $0xF7A, s2;
	p2 =	seq.s32 @!p0 s5, $0x0  }
0x1f: {  	s9 =	smul.u32 $0xF7A, s1;
	s8 =	simm.s32 @!p0 $0x1BF5;
	p2 =	por !p2, p0  }
0x20: {  	[sflag:s8] =	ssyncset.s32 @!p0 $0xFFFFF086;
	s6 =	sadd.s32 @!p0 s3, s7;
	s7 =	simm.s32 @!p0 $0x108  }
0x21: {  	s3 =	sadd.s32 s3, s9;
	s6 =	sadd.s32 @!p0 $0x88, s6;
	s7 =	simm.s32 @p2 $0x1082  }
0x22: {  	[simem:s7], [sflag:s8] =	dma.local @!p0 [hbm:s6], $0xF7A  }
0x23: {  	s9 =	sor.u32 $0xD0000000, s2;
	s6 =	simm.s32 $0x108;
	_ =	swait.ge @!p0 [sflag:s8], $0x0  }
0x24: {  	s3 =	sadd.s32 $0x88, s3;
	s6 =	simm.s32 @!p1 $0x1082;
	[sflag:s4] =	ssyncset.s32 $0xFFFFF086  }
0x25: {  	[simem:s6], [sflag:s4] =	dma.local [hbm:s3], $0xF7A  }
0x26: {  	[smem:$0x3F9E] =	sst s1;
	(tag) =	ssettag s2;
	_ =	strace s9  }
0x27: {  	s1 =	sld [smem:$0x3FAE]  }
0x28: {  	s2 =	sld [smem:$0x3FAF]  }
0x29: {  	s4 =	sld [smem:$0x3FB1]  }
0x2a: {  	p0 =	seq.s32 s5, $0x0;
	s5 =	sld [smem:$0x3FB2]  }
0x2b: {  	s6 =	sld [smem:$0x3FB3]  }
0x2c: {  	s7 =	sld [smem:$0x3FB4]  }
0x2d: {  	s3 =	simm.s32 $0x108;
	s8 =	sld [smem:$0x3FB5]  }
0x2e: {  	s3 =	simm.s32 @!p0 $0x1082;
	s9 =	sld [smem:$0x3FB6]  }
0x2f: {  	lr =	sadd.s32 s0, s3;
	s0 =	sld [smem:$0x3FAD]  }
0x30: {  	s3 =	sld [smem:$0x3FB0]  }
0x31: {  	[smem:$0x3FB9] =	sst s10  }
0x32: {  	s10 =	sld [smem:$0x3FB7];
	_ =	sdelay $0x3  }
0x33: {  	p0 =	seq.s32 s10, $0x1;
	s10 =	sld [smem:$0x3FB9];
	_ =	sdelay $0x3  }
0x34: {  	[smem:$0x3FB9] =	sst s10  }
0x35: {  	s10 =	sld [smem:$0x3FB8];
	_ =	sdelay $0x3  }
0x36: {  	p1 =	seq.s32 s10, $0x1;
	s10 =	sld [smem:$0x3FB9];
	_ =	sdelay $0x3  }
0x37: {  	[smem:$0x3FB9] =	sst s10  }
0x38: {  	s10 =	sld [smem:$0x3FBA]  }
0x39: {  	_ = 	snop;
	(pc) =	sbr.ind lr, $3  }
0x3a: {  	_ = 	snop  }
0x3b: {  	_ = 	snop  }
0x3c: {  	p2 =	seq.s32 s10, $0x1;
	s10 =	sld [smem:$0x3FB9]  }
0x3d: {  	_ =	shalt  }
0x3e: {  	_ =	shalt  }
0x3f: {  	_ =	shalt  }
0x40: {  	_ =	shalt  }
0x41: {  	_ =	shalt  }
0x42: {  	_ =	shalt  }
0x43: {  	_ =	shalt  }
0x44: {  	_ =	shalt  }
0x45: {  	_ =	shalt  }
0x46: {  	_ =	shalt  }
0x47: {  	_ =	shalt  }
0x48: {  	_ =	shalt  }
0x49: {  	_ =	shalt  }
0x4a: {  	_ =	shalt  }
0x4b: {  	_ =	shalt  }
0x4c: {  	_ =	shalt  }
0x4d: {  	_ =	shalt  }
0x4e: {  	_ =	shalt  }
0x4f: {  	_ =	shalt  }
0x50: {  	_ =	shalt  }
0x51: {  	_ =	shalt  }
0x52: {  	_ =	shalt  }
0x53: {  	_ =	shalt  }
0x54: {  	_ =	shalt  }
0x55: {  	_ =	shalt  }
0x56: {  	_ =	shalt  }
0x57: {  	_ =	shalt  }
0x58: {  	_ =	shalt  }
0x59: {  	_ =	shalt  }
0x5a: {  	_ =	shalt  }
0x5b: {  	_ =	shalt  }
0x5c: {  	_ =	shalt  }
0x5d: {  	_ =	shalt  }
0x5e: {  	_ =	shalt  }
0x5f: {  	_ =	shalt  }
0x60: {  	_ =	shalt  }
0x61: {  	_ =	shalt  }
0x62: {  	_ =	shalt  }
0x63: {  	_ =	shalt  }
0x64: {  	_ =	shalt  }
0x65: {  	_ =	shalt  }
0x66: {  	_ =	shalt  }
0x67: {  	_ =	shalt  }
0x68: {  	_ =	shalt  }
0x69: {  	_ =	shalt  }
0x6a: {  	_ =	shalt  }
0x6b: {  	_ =	shalt  }
0x6c: {  	_ =	shalt  }
0x6d: {  	_ =	shalt  }
0x6e: {  	_ =	shalt  }
0x6f: {  	_ =	shalt  }
0x70: {  	_ =	shalt  }
0x71: {  	_ =	shalt  }
0x72: {  	_ =	shalt  }
0x73: {  	_ =	shalt  }
0x74: {  	_ =	shalt  }
0x75: {  	_ =	shalt  }
0x76: {  	_ =	shalt  }
0x77: {  	_ =	shalt  }
0x78: {  	_ =	shalt  }
0x79: {  	_ =	shalt  }
0x7a: {  	_ =	shalt  }
0x7b: {  	_ =	shalt  }
0x7c: {  	_ =	shalt  }
0x7d: {  	_ =	shalt  }
0x7e: {  	_ =	shalt  }
0x7f: {  	_ =	shalt  }
0x80: {  	_ =	shalt  }
0x81: {  	_ =	shalt  }
0x82: {  	_ =	shalt  }
0x83: {  	_ =	shalt  }
0x84: {  	_ =	shalt  }
0x85: {  	_ =	shalt  }
0x86: {  	_ =	shalt  }
0x87: {  	_ =	shalt  }
.Lfunc_end0:
.L_simem_size_0:
called_computation_lowered:
.L_overlay_start_0:
0x88: {  	s2 =	sld [smem:$0x3FD9]  }
0x89: {  	s3 =	sld [smem:$0x3FFE];
	_ =	sdelay $0x1  }
0x8a: {  	s1 =	srdreg.scid  }
0x8b: {  	s0 =	sand.u32 $0x1, s1  }
0x8c: {  	s17 =	sshll.u32 s0, $0xA;
	s2 =	sadd.s32 s3, s2  }
0x8d: {  	s2 =	sadd.s32 s2, s17  }
0x8e: {  	[smem:$0x3FC5] =	sst s2  }
0x8f: {  	_ = 	snop  }
0x90: {  	s2 =	sld [smem:$0x3FC9]  }
0x91: {  	s18 =	sld [smem:$0x3FD0];
	(tm) =	ssettm $0x1  }
0x92: {  	s4 =	sld [smem:$0x3FFB];
	_ =	sdelay $0x3  }
0x93: {  	_ =	strace s4  }
0x94: {  	s4 =	sld [smem:$0x3FFC];
	_ =	sdelay $0x3  }
0x95: {  	_ =	strace s4  }
0x96: {  	s4 =	sld [smem:$0x3FFD];
	_ =	sdelay $0x3  }
0x97: {  	_ =	strace s4  }
0x98: {  	_ =	strace $0x8FFFFFFF  }
0x99: {  	s19 =	sld [smem:$0x3FDB];
	_ =	sdelay $0x1  }
0x9a: {  	s5 =	simm.s32 $_scs_section_size  }
0x9b: {  	s6 =	simm.s32 $_size__tile_overlayer_lowered;
	s7 =	simm.s32 $_tile_overlayer_lowered  }
0x9c: {  	s22 =	simm.s32 $0x1BFF;
	s21 =	sshll.u32 s7, $0x1;
	s4 =	sadd.s32 s5, s19  }
0x9d: {  	s8 =	simm.s32 $0x0;
	s20 =	sshll.u32 s6, $0x1;
	s6 =	sadd.s32 s21, s4  }
0x9e: {  	[timem:s8], [sflag:s22] =	dma.local [hbm:s6], s20  }
0x9f: {  	_ =	swait.ge [sflag:s22], s20  }
0xa0: {  	s5 =	ssub.s32 $0x0, s20;
	[sflag:s22] =	ssyncset.done $0x0  }
0xa1: {  	[sflag:s22] =	ssyncadd.s32 s5;
	_ =	sdelay $0x1  }
0xa2: {  	s23 =	simm.s32 $0x1B8B  }
0xa3: {  	_ =	swait.ge [sflag:s23], $0x1  }
0xa4: {  	[sflag:s23] =	ssyncset.done $0x0  }
0xa5: {  	s25 =	simm.s32 $0x1B8E;
	s24 =	sld [smem:$0x3FFE];
	[sflag:s23] =	ssyncadd.s32 $0xFFFFFFFF  }
0xa6: {  	s26 =	simm.s32 $execute0_lowered;
	[smem:$0x3FD2] =	sst s25  }
0xa7: {  	s6 =	sshll.u32 s26, $0x1;
	_ =	strace $0x80000046;
	[dreg:$0x1] =	wrdreg $0xFFFFFFFF  }
0xa8: {  	s28 =	simm.s32 $_size_execute0_lowered;
	s4 =	sadd.s32 s4, s6;
	[dreg:$0x0] =	wrdreg $0x0  }
0xa9: {  	s6 =	sshll.u32 s28, $0x1;
	[dreg:$0x2] =	wrdreg s4  }
0xaa: {  	[dreg:$0x3] =	wrdreg s6  }
0xab: {  	[dreg:$0x4] =	wrdreg $0xC0  }
0xac: {  	_ =	task [dreg:s8], $0x5FFFF  }
0xad: {  	[dreg:$0x1] =	wrdreg $0xFFFFFFFF  }
0xae: {  	[dreg:$0x0] =	wrdreg $0x60  }
0xaf: {  	[dreg:$0x2] =	wrdreg s2  }
0xb0: {  	[dreg:$0x3] =	wrdreg s24  }
0xb1: {  	[dreg:$0x4] =	wrdreg s18  }
0xb2: {  	[dreg:$0x5] =	wrdreg $0x9  }
0xb3: {  	_ =	task.clear_ibuf [dreg:s8], $0x6FFFF;
	_ =	strace $0x90000046  }
0xb4: {  	s29 =	simm.s32 $0x9;
	_ =	strace $0x80000048  }
0xb5: {  	_ =	swait.ge [sflag:s29], $0x1  }
0xb6: {  	[sflag:s29] =	ssyncadd.s32 $0xFFFFFFFF  }
0xb7: {  	_ =	strace $0x90000048  }
0xb8: {  	_ =	sfence  }
0xb9: {  	s30 =	sld [smem:$0x0];
	_ =	sdelay $0x2  }
0xba: {  	s31 =	sshll.u32 s1, $0xD;
	s1 =	sshrl.u32 s1, $0x2  }
0xbb: {  	s3 =	sand.u32 $0x4000, s31;
	s1 =	sadd.s32 s1, s30  }
0xbc: {  	s0 =	sor.u32 s3, s0;
	s1 =	sshll.u32 s1, $0x11  }
0xbd: {  	s0 =	sor.u32 s1, s0  }
0xbe: {  	s0 =	sadd.s32 $0x8F2B, s0  }
0xbf: {  	[sflag:s0] =	ssyncadd.remote.s32 $0x1  }
0xc0: {  	_ =	sfence.sel $0xFFFF  }
0xc1: {  	[dreg:$0x0] =	wrdreg $0xFFFFFFFF;
	(pc) =	sbr.abs _section_cstart, $3  }
0xc2: {  	[dreg:$0x1] =	wrdreg $0xFFFFFFFF  }
0xc3: {  	_ =	task.clear_ibuf [dreg:s8], $0x2FFFF;
	_ =	strace $0x9FFFFFFF  }
0xc4: {  	(tm) =	ssettm $0x7FFFFFFF  }
0xc5: {  	_ =	shalt  }
tec
execute0_lowered:
.L_overlay_start_1:
0x0: {  	(tag) =	ssettag $0x1  }
0x1: {  	s1 =	rddreg [dreg:$0x0]  }
0x2: {  	s0 =	rddreg [dreg:$0x1]  }
0x3: {  	s2 =	rddreg [dreg:$0x2]  }
0x4: {  	s3 =	srdreg.scid;
	s5 =	stileid.u32  }
0x5: {  	s14 =	simm.s32 $0x1;
	s16 =	simm.s32 $0x1200;
	s17 =	simm.s32 $0x1A00  }
0x6: {  	s18 =	simm.s32 $0x2200;
	s19 =	simm.s32 $0x2A00;
	s21 =	simm.s32 $0x3A00  }
0x7: {  	s28 =	simm.s32 $0x6A00;
	s29 =	simm.s32 $0x7200;
	s30 =	simm.s32 $0x7A00  }
0x8: {  	s31 =	simm.s32 $0x8200;
	s8 =	simm.s32 $0x9A00;
	s9 =	simm.s32 $0xA200  }
0x9: {  	s10 =	simm.s32 $0xAA00;
	s11 =	simm.s32 $0xB200;
	s12 =	simm.s32 $0xBA00  }
0xa: {  	s13 =	simm.s32 $0xC200;
	s7 =	simm.s32 $0xCA00;
	s4 =	sand.u32 $0x1, s3  }
0xb: {  	s3 =	simm.s32 $0x0;
	s5 =	sshll.u32 s5, $0xA;
	s6 =	sshll.u32 s4, $0x9  }
0xc: {  	[smem:$0x7FF] =	sst s3;
	s22 =	ssub.s32 $0x2, s4;
	s5 =	sor.u32 s6, s5  }
0xd: {  	_ =	strace $0x80000047;
	s24 =	sshrl.u32 s22, $0x1;
	s6 =	sshrl.u32 s5, $0x3  }
0xe: {  	s23 =	sshll.u32 s5, $0x5;
	s25 =	ssub.s32 s22, s24;
	s22 =	simm.s32 $0x4200  }
0xf: {  	s24 =	simm.s32 $0x5200;
	s0 =	sadd.s32 s6, s0;
	s4 =	sadd.s32 s2, s23  }
0x10: {  	s5 =	smax.u32 s25, $0x1;
	s6 =	simm.s32 $0x2;
	s23 =	simm.s32 $0x4A00  }
0x11: {  	v2 =	vlaneseq.u32;
	s25 =	simm.s32 $0x5A00;
	s0 =	sadd.s32 $0x600, s0;
	[dreg:$0x6] =	wrdreg s4  }
0x12: {  	vm0 =	vmmov $0xffff;
	v1 =	vshrl.u32 v2, $0x3;
	s2 =	simm.s32 $0x9200;
	s26 =	sadd.s32 $0x2000, s4;
	[dreg:$0x4] =	wrdreg s0  }
0x13: {  	v0 =	vand.u32 $0x7, v2;
	v2 =	vor.u32 $0x8, v2;
	v1 =	vmul.u32 $0x8, v1;
	s4 =	simm.s32 $0x3200;
	[dreg:$0x5] =	wrdreg s26;
	s26 =	simm.s32 $0x6200  }
.LBB2_1:
0x14: {  	s15 =	rddreg [dreg:$0x4]  }
0x15: {  	[tilespmem:s3], [sflag:$0x2] =	stream.linear.gather [hbm4b:s15+s3], $0x200, $0x38;
	[tilespmem:$0x10200] =	vst v63  }
0x16: {  	_ =	swait.ge [sflag:s6], $0x200  }
0x17: {  	[sflag:s6] =	ssyncset.done $0x0  }
0x18: {  	[sflag:s6] =	ssyncadd.s32 $0xFFFFFE00  }
0x19: {  	v3 =	vld [tilespmem:$0x0];
	_ =	sdelay $0x4  }
0x1a: {  	v4 =	vshll.u32 v3, $0x1  }
0x1b: {  	v3 =	vand.u32 $0x7, v3;
	v4 =	vand.u32 $0xFFFFFFF0, v4  }
0x1c: {  	v3 =	vor.u32 v3, v4  }
0x1d: {  	v4 =	vperm.xlane v3, v0;
	_ =	sdelay $0x1  }
0x1e: {  	v3 =	vperm.xlane v3, v2;
	v4 =	vadd.s32 v1, v4;
	_ =	sdelay $0x1  }
0x1f: {  	v3 =	vadd.s32 v1, v3;
	_ =	sdelay $0x1  }
0x20: {  	s0 =	simm.s32 $0x200  }
0x21: {  	[tilespmem:s0], [sflag:$0x1] =	stream.indirect_vreg.gather [hbm4b:s1+s3], $0x80, v4, vm0, $0xb8;
	[tilespmem:$0x10200] =	vst v63  }
0x22: {  	s15 =	simm.s32 $0xA00  }
0x23: {  	[tilespmem:s15], [sflag:$0x1] =	stream.indirect_vreg.gather [hbm4b:s1+s3], $0x80, v3, vm0, $0xb8;
	[tilespmem:$0x10200] =	vst v63  }
0x24: {  	v3 =	vld [tilespmem:$0x10];
	_ =	sdelay $0x4  }
0x25: {  	v33 =	vshll.u32 v3, $0x1  }
0x26: {  	v3 =	vand.u32 $0x7, v3;
	v4 =	vand.u32 $0xFFFFFFF0, v33  }
0x27: {  	v3 =	vor.u32 v3, v4  }
0x28: {  	v4 =	vperm.xlane v3, v0;
	_ =	sdelay $0x1  }
0x29: {  	v3 =	vperm.xlane v3, v2;
	v4 =	vadd.s32 v1, v4;
	_ =	sdelay $0x1  }
0x2a: {  	v3 =	vadd.s32 v1, v3;
	_ =	sdelay $0x2  }
0x2b: {  	[tilespmem:s16], [sflag:$0x1] =	stream.indirect_vreg.gather [hbm4b:s1+s3], $0x80, v4, vm0, $0xb8;
	[tilespmem:$0x10200] =	vst v63  }
0x2c: {  	_ = 	snop  }
0x2d: {  	[tilespmem:s17], [sflag:$0x1] =	stream.indirect_vreg.gather [hbm4b:s1+s3], $0x80, v3, vm0, $0xb8;
	[tilespmem:$0x10200] =	vst v63  }
0x2e: {  	v3 =	vld [tilespmem:$0x20];
	_ =	sdelay $0x4  }
0x2f: {  	v34 =	vshll.u32 v3, $0x1  }
0x30: {  	v3 =	vand.u32 $0x7, v3;
	v4 =	vand.u32 $0xFFFFFFF0, v34  }
0x31: {  	v3 =	vor.u32 v3, v4  }
0x32: {  	v4 =	vperm.xlane v3, v0;
	_ =	sdelay $0x1  }
0x33: {  	v3 =	vperm.xlane v3, v2;
	v4 =	vadd.s32 v1, v4;
	_ =	sdelay $0x1  }
0x34: {  	v3 =	vadd.s32 v1, v3;
	_ =	sdelay $0x2  }
0x35: {  	[tilespmem:s18], [sflag:$0x1] =	stream.indirect_vreg.gather [hbm4b:s1+s3], $0x80, v4, vm0, $0xb8;
	[tilespmem:$0x10200] =	vst v63  }
0x36: {  	_ = 	snop  }
0x37: {  	[tilespmem:s19], [sflag:$0x1] =	stream.indirect_vreg.gather [hbm4b:s1+s3], $0x80, v3, vm0, $0xb8;
	[tilespmem:$0x10200] =	vst v63  }
0x38: {  	v3 =	vld [tilespmem:$0x30];
	_ =	sdelay $0x4  }
0x39: {  	v35 =	vshll.u32 v3, $0x1  }
0x3a: {  	v3 =	vand.u32 $0x7, v3;
	v4 =	vand.u32 $0xFFFFFFF0, v35  }
0x3b: {  	v3 =	vor.u32 v3, v4  }
0x3c: {  	v4 =	vperm.xlane v3, v0;
	_ =	sdelay $0x1  }
0x3d: {  	v3 =	vperm.xlane v3, v2;
	v4 =	vadd.s32 v1, v4;
	_ =	sdelay $0x1  }
0x3e: {  	v3 =	vadd.s32 v1, v3;
	_ =	sdelay $0x2  }
0x3f: {  	[tilespmem:s4], [sflag:$0x1] =	stream.indirect_vreg.gather [hbm4b:s1+s3], $0x80, v4, vm0, $0xb8;
	[tilespmem:$0x10200] =	vst v63  }
0x40: {  	_ = 	snop  }
0x41: {  	[tilespmem:s21], [sflag:$0x1] =	stream.indirect_vreg.gather [hbm4b:s1+s3], $0x80, v3, vm0, $0xb8;
	[tilespmem:$0x10200] =	vst v63  }
0x42: {  	v3 =	vld [tilespmem:$0x40];
	_ =	sdelay $0x4  }
0x43: {  	v36 =	vshll.u32 v3, $0x1  }
0x44: {  	v3 =	vand.u32 $0x7, v3;
	v4 =	vand.u32 $0xFFFFFFF0, v36  }
0x45: {  	v3 =	vor.u32 v3, v4  }
0x46: {  	v4 =	vperm.xlane v3, v0;
	_ =	sdelay $0x1  }
0x47: {  	v3 =	vperm.xlane v3, v2;
	v4 =	vadd.s32 v1, v4;
	_ =	sdelay $0x1  }
0x48: {  	v3 =	vadd.s32 v1, v3;
	_ =	sdelay $0x2  }
0x49: {  	[tilespmem:s22], [sflag:$0x1] =	stream.indirect_vreg.gather [hbm4b:s1+s3], $0x80, v4, vm0, $0xb8;
	[tilespmem:$0x10200] =	vst v63  }
0x4a: {  	_ = 	snop  }
0x4b: {  	[tilespmem:s23], [sflag:$0x1] =	stream.indirect_vreg.gather [hbm4b:s1+s3], $0x80, v3, vm0, $0xb8;
	[tilespmem:$0x10200] =	vst v63  }
0x4c: {  	v3 =	vld [tilespmem:$0x50];
	_ =	sdelay $0x4  }
0x4d: {  	v37 =	vshll.u32 v3, $0x1  }
0x4e: {  	v3 =	vand.u32 $0x7, v3;
	v4 =	vand.u32 $0xFFFFFFF0, v37  }
0x4f: {  	v3 =	vor.u32 v3, v4  }
0x50: {  	v4 =	vperm.xlane v3, v0;
	_ =	sdelay $0x1  }
0x51: {  	v3 =	vperm.xlane v3, v2;
	v4 =	vadd.s32 v1, v4;
	_ =	sdelay $0x1  }
0x52: {  	v3 =	vadd.s32 v1, v3;
	_ =	sdelay $0x2  }
0x53: {  	[tilespmem:s24], [sflag:$0x1] =	stream.indirect_vreg.gather [hbm4b:s1+s3], $0x80, v4, vm0, $0xb8;
	[tilespmem:$0x10200] =	vst v63  }
0x54: {  	_ = 	snop  }
0x55: {  	[tilespmem:s25], [sflag:$0x1] =	stream.indirect_vreg.gather [hbm4b:s1+s3], $0x80, v3, vm0, $0xb8;
	[tilespmem:$0x10200] =	vst v63  }
0x56: {  	v3 =	vld [tilespmem:$0x60];
	_ =	sdelay $0x4  }
0x57: {  	v38 =	vshll.u32 v3, $0x1  }
0x58: {  	v3 =	vand.u32 $0x7, v3;
	v4 =	vand.u32 $0xFFFFFFF0, v38  }
0x59: {  	v3 =	vor.u32 v3, v4  }
0x5a: {  	v4 =	vperm.xlane v3, v0;
	_ =	sdelay $0x1  }
0x5b: {  	v3 =	vperm.xlane v3, v2;
	v4 =	vadd.s32 v1, v4;
	_ =	sdelay $0x1  }
0x5c: {  	v3 =	vadd.s32 v1, v3;
	_ =	sdelay $0x2  }
0x5d: {  	[tilespmem:s26], [sflag:$0x1] =	stream.indirect_vreg.gather [hbm4b:s1+s3], $0x80, v4, vm0, $0xb8;
	[tilespmem:$0x10200] =	vst v63  }
0x5e: {  	_ = 	snop  }
0x5f: {  	[tilespmem:s28], [sflag:$0x1] =	stream.indirect_vreg.gather [hbm4b:s1+s3], $0x80, v3, vm0, $0xb8;
	[tilespmem:$0x10200] =	vst v63  }
0x60: {  	v3 =	vld [tilespmem:$0x70];
	_ =	sdelay $0x4  }
0x61: {  	v39 =	vshll.u32 v3, $0x1  }
0x62: {  	v3 =	vand.u32 $0x7, v3;
	v4 =	vand.u32 $0xFFFFFFF0, v39  }
0x63: {  	v3 =	vor.u32 v3, v4  }
0x64: {  	v4 =	vperm.xlane v3, v0;
	_ =	sdelay $0x1  }
0x65: {  	v3 =	vperm.xlane v3, v2;
	v4 =	vadd.s32 v1, v4;
	_ =	sdelay $0x1  }
0x66: {  	v3 =	vadd.s32 v1, v3;
	_ =	sdelay $0x2  }
0x67: {  	[tilespmem:s29], [sflag:$0x1] =	stream.indirect_vreg.gather [hbm4b:s1+s3], $0x80, v4, vm0, $0xb8;
	[tilespmem:$0x10200] =	vst v63  }
0x68: {  	_ = 	snop  }
0x69: {  	[tilespmem:s30], [sflag:$0x1] =	stream.indirect_vreg.gather [hbm4b:s1+s3], $0x80, v3, vm0, $0xb8;
	[tilespmem:$0x10200] =	vst v63  }
0x6a: {  	v3 =	vld [tilespmem:$0x80];
	_ =	sdelay $0x4  }
0x6b: {  	v40 =	vshll.u32 v3, $0x1  }
0x6c: {  	v3 =	vand.u32 $0x7, v3;
	v4 =	vand.u32 $0xFFFFFFF0, v40  }
0x6d: {  	v3 =	vor.u32 v3, v4  }
0x6e: {  	v4 =	vperm.xlane v3, v0;
	_ =	sdelay $0x1  }
0x6f: {  	v3 =	vperm.xlane v3, v2;
	v4 =	vadd.s32 v1, v4;
	_ =	sdelay $0x1  }
0x70: {  	v3 =	vadd.s32 v1, v3;
	_ =	sdelay $0x2  }
0x71: {  	[tilespmem:s31], [sflag:$0x1] =	stream.indirect_vreg.gather [hbm4b:s1+s3], $0x80, v4, vm0, $0xb8;
	[tilespmem:$0x10200] =	vst v63  }
0x72: {  	s20 =	simm.s32 $0x8A00  }
0x73: {  	[tilespmem:s20], [sflag:$0x1] =	stream.indirect_vreg.gather [hbm4b:s1+s3], $0x80, v3, vm0, $0xb8;
	[tilespmem:$0x10200] =	vst v63  }
0x74: {  	v3 =	vld [tilespmem:$0x90];
	_ =	sdelay $0x4  }
0x75: {  	v41 =	vshll.u32 v3, $0x1  }
0x76: {  	v3 =	vand.u32 $0x7, v3;
	v4 =	vand.u32 $0xFFFFFFF0, v41  }
0x77: {  	v3 =	vor.u32 v3, v4  }
0x78: {  	v4 =	vperm.xlane v3, v0;
	_ =	sdelay $0x1  }
0x79: {  	v3 =	vperm.xlane v3, v2;
	v4 =	vadd.s32 v1, v4;
	_ =	sdelay $0x1  }
0x7a: {  	v3 =	vadd.s32 v1, v3;
	_ =	sdelay $0x2  }
0x7b: {  	[tilespmem:s2], [sflag:$0x1] =	stream.indirect_vreg.gather [hbm4b:s1+s3], $0x80, v4, vm0, $0xb8;
	[tilespmem:$0x10200] =	vst v63  }
0x7c: {  	_ = 	snop  }
0x7d: {  	[tilespmem:s8], [sflag:$0x1] =	stream.indirect_vreg.gather [hbm4b:s1+s3], $0x80, v3, vm0, $0xb8;
	[tilespmem:$0x10200] =	vst v63  }
0x7e: {  	v3 =	vld [tilespmem:$0xA0];
	_ =	sdelay $0x4  }
0x7f: {  	v42 =	vshll.u32 v3, $0x1  }
0x80: {  	v3 =	vand.u32 $0x7, v3;
	v4 =	vand.u32 $0xFFFFFFF0, v42  }
0x81: {  	v3 =	vor.u32 v3, v4  }
0x82: {  	v4 =	vperm.xlane v3, v0;
	_ =	sdelay $0x1  }
0x83: {  	v3 =	vperm.xlane v3, v2;
	v4 =	vadd.s32 v1, v4;
	_ =	sdelay $0x1  }
0x84: {  	v3 =	vadd.s32 v1, v3;
	_ =	sdelay $0x2  }
0x85: {  	[tilespmem:s9], [sflag:$0x1] =	stream.indirect_vreg.gather [hbm4b:s1+s3], $0x80, v4, vm0, $0xb8;
	[tilespmem:$0x10200] =	vst v63  }
0x86: {  	_ = 	snop  }
0x87: {  	[tilespmem:s10], [sflag:$0x1] =	stream.indirect_vreg.gather [hbm4b:s1+s3], $0x80, v3, vm0, $0xb8;
	[tilespmem:$0x10200] =	vst v63  }
0x88: {  	v3 =	vld [tilespmem:$0xB0];
	_ =	sdelay $0x4  }
0x89: {  	v43 =	vshll.u32 v3, $0x1  }
0x8a: {  	v3 =	vand.u32 $0x7, v3;
	v4 =	vand.u32 $0xFFFFFFF0, v43  }
0x8b: {  	v3 =	vor.u32 v3, v4  }
0x8c: {  	v4 =	vperm.xlane v3, v0;
	_ =	sdelay $0x1  }
0x8d: {  	v3 =	vperm.xlane v3, v2;
	v4 =	vadd.s32 v1, v4;
	_ =	sdelay $0x1  }
0x8e: {  	v3 =	vadd.s32 v1, v3;
	_ =	sdelay $0x2  }
0x8f: {  	[tilespmem:s11], [sflag:$0x1] =	stream.indirect_vreg.gather [hbm4b:s1+s3], $0x80, v4, vm0, $0xb8;
	[tilespmem:$0x10200] =	vst v63  }
0x90: {  	_ = 	snop  }
0x91: {  	[tilespmem:s12], [sflag:$0x1] =	stream.indirect_vreg.gather [hbm4b:s1+s3], $0x80, v3, vm0, $0xb8;
	[tilespmem:$0x10200] =	vst v63  }
0x92: {  	v3 =	vld [tilespmem:$0xC0];
	_ =	sdelay $0x4  }
0x93: {  	v44 =	vshll.u32 v3, $0x1  }
0x94: {  	v3 =	vand.u32 $0x7, v3;
	v4 =	vand.u32 $0xFFFFFFF0, v44  }
0x95: {  	v3 =	vor.u32 v3, v4  }
0x96: {  	v4 =	vperm.xlane v3, v0;
	_ =	sdelay $0x1  }
0x97: {  	v3 =	vperm.xlane v3, v2;
	v4 =	vadd.s32 v1, v4;
	_ =	sdelay $0x1  }
0x98: {  	v3 =	vadd.s32 v1, v3;
	_ =	sdelay $0x2  }
0x99: {  	[tilespmem:s13], [sflag:$0x1] =	stream.indirect_vreg.gather [hbm4b:s1+s3], $0x80, v4, vm0, $0xb8;
	[tilespmem:$0x10200] =	vst v63  }
0x9a: {  	_ = 	snop  }
0x9b: {  	[tilespmem:s7], [sflag:$0x1] =	stream.indirect_vreg.gather [hbm4b:s1+s3], $0x80, v3, vm0, $0xb8;
	[tilespmem:$0x10200] =	vst v63  }
0x9c: {  	v3 =	vld [tilespmem:$0xD0];
	_ =	sdelay $0x4  }
0x9d: {  	v45 =	vshll.u32 v3, $0x1  }
0x9e: {  	v3 =	vand.u32 $0x7, v3;
	v4 =	vand.u32 $0xFFFFFFF0, v45  }
0x9f: {  	v3 =	vor.u32 v3, v4  }
0xa0: {  	v4 =	vperm.xlane v3, v0;
	_ =	sdelay $0x1  }
0xa1: {  	v3 =	vperm.xlane v3, v2;
	v4 =	vadd.s32 v1, v4;
	_ =	sdelay $0x1  }
0xa2: {  	v3 =	vadd.s32 v1, v3;
	_ =	sdelay $0x1  }
0xa3: {  	s20 =	simm.s32 $0xD200  }
0xa4: {  	[tilespmem:s20], [sflag:$0x1] =	stream.indirect_vreg.gather [hbm4b:s1+s3], $0x80, v4, vm0, $0xb8;
	[tilespmem:$0x10200] =	vst v63  }
0xa5: {  	s20 =	simm.s32 $0xDA00  }
0xa6: {  	[tilespmem:s20], [sflag:$0x1] =	stream.indirect_vreg.gather [hbm4b:s1+s3], $0x80, v3, vm0, $0xb8;
	[tilespmem:$0x10200] =	vst v63  }
0xa7: {  	v3 =	vld [tilespmem:$0xE0];
	_ =	sdelay $0x4  }
0xa8: {  	v46 =	vshll.u32 v3, $0x1  }
0xa9: {  	v3 =	vand.u32 $0x7, v3;
	v4 =	vand.u32 $0xFFFFFFF0, v46  }
0xaa: {  	v3 =	vor.u32 v3, v4  }
0xab: {  	v4 =	vperm.xlane v3, v0;
	_ =	sdelay $0x1  }
0xac: {  	v3 =	vperm.xlane v3, v2;
	v4 =	vadd.s32 v1, v4;
	_ =	sdelay $0x1  }
0xad: {  	v3 =	vadd.s32 v1, v3;
	_ =	sdelay $0x1  }
0xae: {  	s20 =	simm.s32 $0xE200  }
0xaf: {  	[tilespmem:s20], [sflag:$0x1] =	stream.indirect_vreg.gather [hbm4b:s1+s3], $0x80, v4, vm0, $0xb8;
	[tilespmem:$0x10200] =	vst v63  }
0xb0: {  	s20 =	simm.s32 $0xEA00  }
0xb1: {  	[tilespmem:s20], [sflag:$0x1] =	stream.indirect_vreg.gather [hbm4b:s1+s3], $0x80, v3, vm0, $0xb8;
	[tilespmem:$0x10200] =	vst v63  }
0xb2: {  	v3 =	vld [tilespmem:$0xF0];
	_ =	sdelay $0x4  }
0xb3: {  	v47 =	vshll.u32 v3, $0x1  }
0xb4: {  	v3 =	vand.u32 $0x7, v3;
	v4 =	vand.u32 $0xFFFFFFF0, v47  }
0xb5: {  	v3 =	vor.u32 v3, v4  }
0xb6: {  	v4 =	vperm.xlane v3, v0;
	_ =	sdelay $0x1  }
0xb7: {  	v3 =	vperm.xlane v3, v2;
	v4 =	vadd.s32 v1, v4;
	_ =	sdelay $0x1  }
0xb8: {  	v3 =	vadd.s32 v1, v3;
	_ =	sdelay $0x1  }
0xb9: {  	s20 =	simm.s32 $0xF200  }
0xba: {  	[tilespmem:s20], [sflag:$0x1] =	stream.indirect_vreg.gather [hbm4b:s1+s3], $0x80, v4, vm0, $0xb8;
	[tilespmem:$0x10200] =	vst v63  }
0xbb: {  	s20 =	simm.s32 $0xFA00  }
0xbc: {  	[tilespmem:s20], [sflag:$0x1] =	stream.indirect_vreg.gather [hbm4b:s1+s3], $0x80, v3, vm0, $0xb8;
	[tilespmem:$0x10200] =	vst v63  }
0xbd: {  	_ =	swait.ge [sflag:s14], $0x10000  }
0xbe: {  	[sflag:s14] =	ssyncset.done $0x0  }
0xbf: {  	s0 =	simm.s32 $0x200;
	s20 =	rddreg [dreg:$0x6];
	[sflag:s14] =	ssyncadd.s32 $0xFFFF0000  }
0xc0: {  	[hbm4b:s20+s3] =	stream.linear.scatter [tilespmem:s0], [sflag:$0x2], $0x10000, $0x38;
	[tilespmem:$0x10200] =	vst v63  }
0xc1: {  	_ =	swait.ge [sflag:s6], $0x10000  }
0xc2: {  	[sflag:s6] =	ssyncset.done $0x0  }
0xc3: {  	[sflag:s6] =	ssyncadd.s32 $0xFFFF0000  }
0xc4: {  	v3 =	vld [tilespmem:$0x100];
	_ =	sdelay $0x4  }
0xc5: {  	v48 =	vshll.u32 v3, $0x1  }
0xc6: {  	v3 =	vand.u32 $0x7, v3;
	v4 =	vand.u32 $0xFFFFFFF0, v48  }
0xc7: {  	v3 =	vor.u32 v3, v4  }
0xc8: {  	v4 =	vperm.xlane v3, v0;
	_ =	sdelay $0x1  }
0xc9: {  	v3 =	vperm.xlane v3, v2;
	v4 =	vadd.s32 v1, v4;
	_ =	sdelay $0x1  }
0xca: {  	v3 =	vadd.s32 v1, v3;
	_ =	sdelay $0x2  }
0xcb: {  	[tilespmem:s0], [sflag:$0x1] =	stream.indirect_vreg.gather [hbm4b:s1+s3], $0x80, v4, vm0, $0xb8;
	[tilespmem:$0x10200] =	vst v63  }
0xcc: {  	_ = 	snop  }
0xcd: {  	[tilespmem:s15], [sflag:$0x1] =	stream.indirect_vreg.gather [hbm4b:s1+s3], $0x80, v3, vm0, $0xb8;
	[tilespmem:$0x10200] =	vst v63  }
0xce: {  	v3 =	vld [tilespmem:$0x110];
	_ =	sdelay $0x4  }
0xcf: {  	v49 =	vshll.u32 v3, $0x1  }
0xd0: {  	v3 =	vand.u32 $0x7, v3;
	v4 =	vand.u32 $0xFFFFFFF0, v49  }
0xd1: {  	v3 =	vor.u32 v3, v4  }
0xd2: {  	v4 =	vperm.xlane v3, v0;
	_ =	sdelay $0x1  }
0xd3: {  	v3 =	vperm.xlane v3, v2;
	v4 =	vadd.s32 v1, v4;
	_ =	sdelay $0x1  }
0xd4: {  	v3 =	vadd.s32 v1, v3;
	_ =	sdelay $0x2  }
0xd5: {  	[tilespmem:s16], [sflag:$0x1] =	stream.indirect_vreg.gather [hbm4b:s1+s3], $0x80, v4, vm0, $0xb8;
	[tilespmem:$0x10200] =	vst v63  }
0xd6: {  	_ = 	snop  }
0xd7: {  	[tilespmem:s17], [sflag:$0x1] =	stream.indirect_vreg.gather [hbm4b:s1+s3], $0x80, v3, vm0, $0xb8;
	[tilespmem:$0x10200] =	vst v63  }
0xd8: {  	v3 =	vld [tilespmem:$0x120];
	_ =	sdelay $0x4  }
0xd9: {  	v50 =	vshll.u32 v3, $0x1  }
0xda: {  	v3 =	vand.u32 $0x7, v3;
	v4 =	vand.u32 $0xFFFFFFF0, v50  }
0xdb: {  	v3 =	vor.u32 v3, v4  }
0xdc: {  	v4 =	vperm.xlane v3, v0;
	_ =	sdelay $0x1  }
0xdd: {  	v3 =	vperm.xlane v3, v2;
	v4 =	vadd.s32 v1, v4;
	_ =	sdelay $0x1  }
0xde: {  	v3 =	vadd.s32 v1, v3;
	_ =	sdelay $0x2  }
0xdf: {  	[tilespmem:s18], [sflag:$0x1] =	stream.indirect_vreg.gather [hbm4b:s1+s3], $0x80, v4, vm0, $0xb8;
	[tilespmem:$0x10200] =	vst v63  }
0xe0: {  	_ = 	snop  }
0xe1: {  	[tilespmem:s19], [sflag:$0x1] =	stream.indirect_vreg.gather [hbm4b:s1+s3], $0x80, v3, vm0, $0xb8;
	[tilespmem:$0x10200] =	vst v63  }
0xe2: {  	v3 =	vld [tilespmem:$0x130];
	_ =	sdelay $0x4  }
0xe3: {  	v51 =	vshll.u32 v3, $0x1  }
0xe4: {  	v3 =	vand.u32 $0x7, v3;
	v4 =	vand.u32 $0xFFFFFFF0, v51  }
0xe5: {  	v3 =	vor.u32 v3, v4  }
0xe6: {  	v4 =	vperm.xlane v3, v0;
	_ =	sdelay $0x1  }
0xe7: {  	v3 =	vperm.xlane v3, v2;
	v4 =	vadd.s32 v1, v4;
	_ =	sdelay $0x1  }
0xe8: {  	v3 =	vadd.s32 v1, v3;
	_ =	sdelay $0x2  }
0xe9: {  	[tilespmem:s4], [sflag:$0x1] =	stream.indirect_vreg.gather [hbm4b:s1+s3], $0x80, v4, vm0, $0xb8;
	[tilespmem:$0x10200] =	vst v63  }
0xea: {  	_ = 	snop  }
0xeb: {  	[tilespmem:s21], [sflag:$0x1] =	stream.indirect_vreg.gather [hbm4b:s1+s3], $0x80, v3, vm0, $0xb8;
	[tilespmem:$0x10200] =	vst v63  }
0xec: {  	v3 =	vld [tilespmem:$0x140];
	_ =	sdelay $0x4  }
0xed: {  	v52 =	vshll.u32 v3, $0x1  }
0xee: {  	v3 =	vand.u32 $0x7, v3;
	v4 =	vand.u32 $0xFFFFFFF0, v52  }
0xef: {  	v3 =	vor.u32 v3, v4  }
0xf0: {  	v4 =	vperm.xlane v3, v0;
	_ =	sdelay $0x1  }
0xf1: {  	v3 =	vperm.xlane v3, v2;
	v4 =	vadd.s32 v1, v4;
	_ =	sdelay $0x1  }
0xf2: {  	v3 =	vadd.s32 v1, v3;
	_ =	sdelay $0x2  }
0xf3: {  	[tilespmem:s22], [sflag:$0x1] =	stream.indirect_vreg.gather [hbm4b:s1+s3], $0x80, v4, vm0, $0xb8;
	[tilespmem:$0x10200] =	vst v63  }
0xf4: {  	_ = 	snop  }
0xf5: {  	[tilespmem:s23], [sflag:$0x1] =	stream.indirect_vreg.gather [hbm4b:s1+s3], $0x80, v3, vm0, $0xb8;
	[tilespmem:$0x10200] =	vst v63  }
0xf6: {  	v3 =	vld [tilespmem:$0x150];
	_ =	sdelay $0x4  }
0xf7: {  	v53 =	vshll.u32 v3, $0x1  }
0xf8: {  	v3 =	vand.u32 $0x7, v3;
	v4 =	vand.u32 $0xFFFFFFF0, v53  }
0xf9: {  	v3 =	vor.u32 v3, v4  }
0xfa: {  	v4 =	vperm.xlane v3, v0;
	_ =	sdelay $0x1  }
0xfb: {  	v3 =	vperm.xlane v3, v2;
	v4 =	vadd.s32 v1, v4;
	_ =	sdelay $0x1  }
0xfc: {  	v3 =	vadd.s32 v1, v3;
	_ =	sdelay $0x2  }
0xfd: {  	[tilespmem:s24], [sflag:$0x1] =	stream.indirect_vreg.gather [hbm4b:s1+s3], $0x80, v4, vm0, $0xb8;
	[tilespmem:$0x10200] =	vst v63  }
0xfe: {  	_ = 	snop  }
0xff: {  	[tilespmem:s25], [sflag:$0x1] =	stream.indirect_vreg.gather [hbm4b:s1+s3], $0x80, v3, vm0, $0xb8;
	[tilespmem:$0x10200] =	vst v63  }
0x100: {  	v3 =	vld [tilespmem:$0x160];
	_ =	sdelay $0x4  }
0x101: {  	v54 =	vshll.u32 v3, $0x1  }
0x102: {  	v3 =	vand.u32 $0x7, v3;
	v4 =	vand.u32 $0xFFFFFFF0, v54  }
0x103: {  	v3 =	vor.u32 v3, v4  }
0x104: {  	v4 =	vperm.xlane v3, v0;
	_ =	sdelay $0x1  }
0x105: {  	v3 =	vperm.xlane v3, v2;
	v4 =	vadd.s32 v1, v4;
	_ =	sdelay $0x1  }
0x106: {  	v3 =	vadd.s32 v1, v3;
	_ =	sdelay $0x2  }
0x107: {  	[tilespmem:s26], [sflag:$0x1] =	stream.indirect_vreg.gather [hbm4b:s1+s3], $0x80, v4, vm0, $0xb8;
	[tilespmem:$0x10200] =	vst v63  }
0x108: {  	_ = 	snop  }
0x109: {  	[tilespmem:s28], [sflag:$0x1] =	stream.indirect_vreg.gather [hbm4b:s1+s3], $0x80, v3, vm0, $0xb8;
	[tilespmem:$0x10200] =	vst v63  }
0x10a: {  	v3 =	vld [tilespmem:$0x170];
	_ =	sdelay $0x4  }
0x10b: {  	v55 =	vshll.u32 v3, $0x1  }
0x10c: {  	v3 =	vand.u32 $0x7, v3;
	v4 =	vand.u32 $0xFFFFFFF0, v55  }
0x10d: {  	v3 =	vor.u32 v3, v4  }
0x10e: {  	v4 =	vperm.xlane v3, v0;
	_ =	sdelay $0x1  }
0x10f: {  	v3 =	vperm.xlane v3, v2;
	v4 =	vadd.s32 v1, v4;
	_ =	sdelay $0x1  }
0x110: {  	v3 =	vadd.s32 v1, v3;
	_ =	sdelay $0x2  }
0x111: {  	[tilespmem:s29], [sflag:$0x1] =	stream.indirect_vreg.gather [hbm4b:s1+s3], $0x80, v4, vm0, $0xb8;
	[tilespmem:$0x10200] =	vst v63  }
0x112: {  	_ = 	snop  }
0x113: {  	[tilespmem:s30], [sflag:$0x1] =	stream.indirect_vreg.gather [hbm4b:s1+s3], $0x80, v3, vm0, $0xb8;
	[tilespmem:$0x10200] =	vst v63  }
0x114: {  	v3 =	vld [tilespmem:$0x180];
	_ =	sdelay $0x4  }
0x115: {  	v56 =	vshll.u32 v3, $0x1  }
0x116: {  	v3 =	vand.u32 $0x7, v3;
	v4 =	vand.u32 $0xFFFFFFF0, v56  }
0x117: {  	v3 =	vor.u32 v3, v4  }
0x118: {  	v4 =	vperm.xlane v3, v0;
	_ =	sdelay $0x1  }
0x119: {  	v3 =	vperm.xlane v3, v2;
	v4 =	vadd.s32 v1, v4;
	_ =	sdelay $0x1  }
0x11a: {  	v3 =	vadd.s32 v1, v3;
	_ =	sdelay $0x2  }
0x11b: {  	[tilespmem:s31], [sflag:$0x1] =	stream.indirect_vreg.gather [hbm4b:s1+s3], $0x80, v4, vm0, $0xb8;
	[tilespmem:$0x10200] =	vst v63  }
0x11c: {  	s15 =	simm.s32 $0x8A00  }
0x11d: {  	[tilespmem:s15], [sflag:$0x1] =	stream.indirect_vreg.gather [hbm4b:s1+s3], $0x80, v3, vm0, $0xb8;
	[tilespmem:$0x10200] =	vst v63  }
0x11e: {  	v3 =	vld [tilespmem:$0x190];
	_ =	sdelay $0x4  }
0x11f: {  	v57 =	vshll.u32 v3, $0x1  }
0x120: {  	v3 =	vand.u32 $0x7, v3;
	v4 =	vand.u32 $0xFFFFFFF0, v57  }
0x121: {  	v3 =	vor.u32 v3, v4  }
0x122: {  	v4 =	vperm.xlane v3, v0;
	_ =	sdelay $0x1  }
0x123: {  	v3 =	vperm.xlane v3, v2;
	v4 =	vadd.s32 v1, v4;
	_ =	sdelay $0x1  }
0x124: {  	v3 =	vadd.s32 v1, v3;
	_ =	sdelay $0x2  }
0x125: {  	[tilespmem:s2], [sflag:$0x1] =	stream.indirect_vreg.gather [hbm4b:s1+s3], $0x80, v4, vm0, $0xb8;
	[tilespmem:$0x10200] =	vst v63  }
0x126: {  	_ = 	snop  }
0x127: {  	[tilespmem:s8], [sflag:$0x1] =	stream.indirect_vreg.gather [hbm4b:s1+s3], $0x80, v3, vm0, $0xb8;
	[tilespmem:$0x10200] =	vst v63  }
0x128: {  	v3 =	vld [tilespmem:$0x1A0];
	_ =	sdelay $0x4  }
0x129: {  	v58 =	vshll.u32 v3, $0x1  }
0x12a: {  	v3 =	vand.u32 $0x7, v3;
	v4 =	vand.u32 $0xFFFFFFF0, v58  }
0x12b: {  	v3 =	vor.u32 v3, v4  }
0x12c: {  	v4 =	vperm.xlane v3, v0;
	_ =	sdelay $0x1  }
0x12d: {  	v3 =	vperm.xlane v3, v2;
	v4 =	vadd.s32 v1, v4;
	_ =	sdelay $0x1  }
0x12e: {  	v3 =	vadd.s32 v1, v3;
	_ =	sdelay $0x2  }
0x12f: {  	[tilespmem:s9], [sflag:$0x1] =	stream.indirect_vreg.gather [hbm4b:s1+s3], $0x80, v4, vm0, $0xb8;
	[tilespmem:$0x10200] =	vst v63  }
0x130: {  	_ = 	snop  }
0x131: {  	[tilespmem:s10], [sflag:$0x1] =	stream.indirect_vreg.gather [hbm4b:s1+s3], $0x80, v3, vm0, $0xb8;
	[tilespmem:$0x10200] =	vst v63  }
0x132: {  	v3 =	vld [tilespmem:$0x1B0];
	_ =	sdelay $0x4  }
0x133: {  	v59 =	vshll.u32 v3, $0x1  }
0x134: {  	v3 =	vand.u32 $0x7, v3;
	v4 =	vand.u32 $0xFFFFFFF0, v59  }
0x135: {  	v3 =	vor.u32 v3, v4  }
0x136: {  	v4 =	vperm.xlane v3, v0;
	_ =	sdelay $0x1  }
0x137: {  	v3 =	vperm.xlane v3, v2;
	v4 =	vadd.s32 v1, v4;
	_ =	sdelay $0x1  }
0x138: {  	v3 =	vadd.s32 v1, v3;
	_ =	sdelay $0x2  }
0x139: {  	[tilespmem:s11], [sflag:$0x1] =	stream.indirect_vreg.gather [hbm4b:s1+s3], $0x80, v4, vm0, $0xb8;
	[tilespmem:$0x10200] =	vst v63  }
0x13a: {  	_ = 	snop  }
0x13b: {  	[tilespmem:s12], [sflag:$0x1] =	stream.indirect_vreg.gather [hbm4b:s1+s3], $0x80, v3, vm0, $0xb8;
	[tilespmem:$0x10200] =	vst v63  }
0x13c: {  	v3 =	vld [tilespmem:$0x1C0];
	_ =	sdelay $0x4  }
0x13d: {  	v60 =	vshll.u32 v3, $0x1  }
0x13e: {  	v3 =	vand.u32 $0x7, v3;
	v4 =	vand.u32 $0xFFFFFFF0, v60  }
0x13f: {  	v3 =	vor.u32 v3, v4  }
0x140: {  	v4 =	vperm.xlane v3, v0;
	_ =	sdelay $0x1  }
0x141: {  	v3 =	vperm.xlane v3, v2;
	v4 =	vadd.s32 v1, v4;
	_ =	sdelay $0x1  }
0x142: {  	v3 =	vadd.s32 v1, v3;
	_ =	sdelay $0x2  }
0x143: {  	[tilespmem:s13], [sflag:$0x1] =	stream.indirect_vreg.gather [hbm4b:s1+s3], $0x80, v4, vm0, $0xb8;
	[tilespmem:$0x10200] =	vst v63  }
0x144: {  	_ = 	snop  }
0x145: {  	[tilespmem:s7], [sflag:$0x1] =	stream.indirect_vreg.gather [hbm4b:s1+s3], $0x80, v3, vm0, $0xb8;
	[tilespmem:$0x10200] =	vst v63  }
0x146: {  	v3 =	vld [tilespmem:$0x1D0];
	_ =	sdelay $0x4  }
0x147: {  	v61 =	vshll.u32 v3, $0x1  }
0x148: {  	v3 =	vand.u32 $0x7, v3;
	v4 =	vand.u32 $0xFFFFFFF0, v61  }
0x149: {  	v3 =	vor.u32 v3, v4  }
0x14a: {  	v4 =	vperm.xlane v3, v0;
	_ =	sdelay $0x1  }
0x14b: {  	v3 =	vperm.xlane v3, v2;
	v4 =	vadd.s32 v1, v4;
	_ =	sdelay $0x1  }
0x14c: {  	v3 =	vadd.s32 v1, v3;
	_ =	sdelay $0x1  }
0x14d: {  	s15 =	simm.s32 $0xD200  }
0x14e: {  	[tilespmem:s15], [sflag:$0x1] =	stream.indirect_vreg.gather [hbm4b:s1+s3], $0x80, v4, vm0, $0xb8;
	[tilespmem:$0x10200] =	vst v63  }
0x14f: {  	s15 =	simm.s32 $0xDA00  }
0x150: {  	[tilespmem:s15], [sflag:$0x1] =	stream.indirect_vreg.gather [hbm4b:s1+s3], $0x80, v3, vm0, $0xb8;
	[tilespmem:$0x10200] =	vst v63  }
0x151: {  	v3 =	vld [tilespmem:$0x1E0];
	_ =	sdelay $0x4  }
0x152: {  	v62 =	vshll.u32 v3, $0x1  }
0x153: {  	v3 =	vand.u32 $0x7, v3;
	v4 =	vand.u32 $0xFFFFFFF0, v62  }
0x154: {  	v3 =	vor.u32 v3, v4  }
0x155: {  	v4 =	vperm.xlane v3, v0;
	_ =	sdelay $0x1  }
0x156: {  	v3 =	vperm.xlane v3, v2;
	v4 =	vadd.s32 v1, v4;
	_ =	sdelay $0x1  }
0x157: {  	v3 =	vadd.s32 v1, v3;
	_ =	sdelay $0x1  }
0x158: {  	s15 =	simm.s32 $0xE200  }
0x159: {  	[tilespmem:s15], [sflag:$0x1] =	stream.indirect_vreg.gather [hbm4b:s1+s3], $0x80, v4, vm0, $0xb8;
	[tilespmem:$0x10200] =	vst v63  }
0x15a: {  	s15 =	simm.s32 $0xEA00  }
0x15b: {  	[tilespmem:s15], [sflag:$0x1] =	stream.indirect_vreg.gather [hbm4b:s1+s3], $0x80, v3, vm0, $0xb8;
	[tilespmem:$0x10200] =	vst v63  }
0x15c: {  	v3 =	vld [tilespmem:$0x1F0];
	_ =	sdelay $0x4  }
0x15d: {  	v63 =	vshll.u32 v3, $0x1  }
0x15e: {  	v3 =	vand.u32 $0x7, v3;
	v4 =	vand.u32 $0xFFFFFFF0, v63  }
0x15f: {  	v3 =	vor.u32 v3, v4  }
0x160: {  	v4 =	vperm.xlane v3, v0;
	_ =	sdelay $0x1  }
0x161: {  	v3 =	vperm.xlane v3, v2;
	v4 =	vadd.s32 v1, v4;
	_ =	sdelay $0x1  }
0x162: {  	v3 =	vadd.s32 v1, v3;
	_ =	sdelay $0x1  }
0x163: {  	s15 =	simm.s32 $0xF200  }
0x164: {  	[tilespmem:s15], [sflag:$0x1] =	stream.indirect_vreg.gather [hbm4b:s1+s3], $0x80, v4, vm0, $0xb8;
	[tilespmem:$0x10200] =	vst v63  }
0x165: {  	s15 =	simm.s32 $0xFA00  }
0x166: {  	[tilespmem:s15], [sflag:$0x1] =	stream.indirect_vreg.gather [hbm4b:s1+s3], $0x80, v3, vm0, $0xb8;
	[tilespmem:$0x10200] =	vst v63  }
0x167: {  	_ =	swait.ge [sflag:s14], $0x10000  }
0x168: {  	p0 =	sne.s32 s5, $0x1;
	s20 =	simm.s32 $0x200;
	[sflag:s14] =	ssyncset.done $0x0  }
.Ltmp0:
0x169: {  	s0 =	rddreg [dreg:$0x5];
	[sflag:s14] =	ssyncadd.s32 $0xFFFF0000;
	(pc) =	sbr.rel @p0 .LBB2_1-.Ltmp0, $4  }
0x16a: {  	[hbm4b:s0+s3] =	stream.linear.scatter [tilespmem:s20], [sflag:$0x2], $0x10000, $0x38;
	[tilespmem:$0x10200] =	vst v63  }
0x16b: {  	_ =	swait.ge [sflag:s6], $0x10000  }
0x16c: {  	[sflag:s6] =	ssyncset.done $0x0  }
0x16d: {  	s5 =	sadd.s32 $0xFFFFFFFF, s5;
	[sflag:s6] =	ssyncadd.s32 $0xFFFF0000  }
0x16e: {  	_ =	sfence.sel $0x180000  }
0x16f: {  	[bflag:$0x0] =	sbarrier.arrive $0xFFFF  }
0x170: {  	_ =	strace $0x90000047  }
0x171: {  	s0 =	stileid.u32;
	[bflag:$0x2] =	sbarrier.arrive $0xFFFF  }
0x172: {  	p0 =	sne.s32 s0, $0x0;
	s0 =	rddreg [dreg:$0x3]  }
0x173: {  	s0 =	sadd.s32 @!p0 $0x100000, s0  }
0x174: {  	[sflag:s0] =	ssyncadd.tile.s32 @!p0 $0x1;
	_ =	shalt  }
.Lfunc_end2:
_tile_overlayer_lowered:
.L_overlay_start_2:
0x175: {  	(tag) =	ssettag $0x2  }
0x176: {  	s0 =	rddreg [dreg:$0x0];
	s2 =	stileid.u32  }
0x177: {  	s1 =	rddreg [dreg:$0x1];
	p0 =	sne.s32 s2, $0x0  }
0x178: {  	s3 =	rddreg [dreg:$0x2];
	[bflag:$0x3] =	sbarrier.arrive $0xFFFF;
	s2 =	simm.s32 @!p0 $0x1C02  }
0x179: {  	[timem:s3], [sflag:s2] =	dma.local @!p0 [hbm:s0], s1  }
0x17a: {  	s0 =	simm.s32 @!p0 $0x2  }
0x17b: {  	_ =	swait.ge @!p0 [sflag:s0], s1  }
0x17c: {  	s1 =	ssub.s32 @!p0 $0x0, s1;
	[sflag:s0] =	ssyncset.done @!p0 $0x0  }
0x17d: {  	[sflag:s0] =	ssyncadd.s32 @!p0 s1  }
0x17e: {  	[bflag:$0x3] =	sbarrier.arrive $0xFFFF  }
0x17f: {  	_ =	shalt  }

</sc_bundles>
